<compile_context>
chip_gen: v7x
topology: tpu7x:2x2x1
jax: 0.10.2.dev20260603
libtpu: 0.0.44.dev20260713+nightly
codegen_flags: <defaults>
</compile_context>

<pallas_src>
import functools

import jax
import jax.numpy as jnp
from jax import lax
from jax.experimental import pallas as pl
from jax.experimental.pallas import tpu as pltpu
from jax.experimental.pallas import tpu_sc as plsc

_N = 10000
_E = 320000
_IN_C = 128
_HID_C = 128
_OUT_C = 64
_K_HOPS = 5
_ALPHA = 0.1

_NP = 10240
_TILES = 32
_CH = 128
_ET = _E + _N
_NB = 4
_J = 84
_SEG = 28
_EPAD = _TILES * _J * _CH
_SLICE = _NP // 16

_mesh = plsc.VectorSubcoreMesh(core_axis_name="c", subcore_axis_name="s")
_sc_params = pltpu.CompilerParams(use_tc_tiling_on_sc=False)


@functools.partial(
    pl.kernel,
    out_type=jax.ShapeDtypeStruct((2, _NP, 16), jnp.float32),
    mesh=_mesh,
    scratch_types=[
        pltpu.VMEM_SHARED((_NP, 16), jnp.float32),
        pltpu.VMEM((_J, _CH), jnp.int32),
        pltpu.VMEM((_CH, 16), jnp.float32),
    ],
    compiler_params=_sc_params,
)
def _deg_kernel(col_hbm, zer_hbm, ones_hbm, part_hbm, acc, col_v, ones_v):
    c = lax.axis_index("c")
    s = lax.axis_index("s")
    w = c * 16 + s
    pltpu.sync_copy(zer_hbm.at[0, pl.ds(s * _SLICE, _SLICE)],
                    acc.at[pl.ds(s * _SLICE, _SLICE)])
    pltpu.sync_copy(col_hbm.at[w], col_v)
    pltpu.sync_copy(ones_hbm, ones_v)
    plsc.subcore_barrier()

    @pl.loop(0, _J)
    def _(j):
        pltpu.sync_copy(ones_v, acc.at[col_v.at[j]], add=True)

    plsc.subcore_barrier()
    pltpu.sync_copy(acc.at[pl.ds(s * _SLICE, _SLICE)],
                    part_hbm.at[c, pl.ds(s * _SLICE, _SLICE)])


@functools.partial(
    pl.kernel,
    out_type=jax.ShapeDtypeStruct((2, _NP, _OUT_C), jnp.float32),
    mesh=_mesh,
    scratch_types=[
        pltpu.VMEM_SHARED((_NP, _OUT_C), jnp.float32),
        pltpu.VMEM_SHARED((_NP, _OUT_C), jnp.float32),
        pltpu.VMEM((_SEG, _CH), jnp.int32),
        pltpu.VMEM((_SEG, _CH), jnp.int32),
    ]
    + [pltpu.VMEM((_CH, _OUT_C), jnp.float32)] * _NB
    + [pltpu.SemaphoreType.DMA] * (3 * _NB),
    compiler_params=_sc_params,
)
def _hop_kernel(u_hbm, row_hbm, col_hbm, zer_hbm, part_hbm,
                acc, u_sp, row_v, col_v, *bufs_and_sems):
    bufs = bufs_and_sems[:_NB]
    gsem = bufs_and_sems[_NB:2 * _NB]
    ssem = bufs_and_sems[2 * _NB:3 * _NB]
    c = lax.axis_index("c")
    s = lax.axis_index("s")
    w = c * 16 + s
    pltpu.sync_copy(zer_hbm.at[pl.ds(s * _SLICE, _SLICE)],
                    acc.at[pl.ds(s * _SLICE, _SLICE)])
    pltpu.sync_copy(u_hbm.at[pl.ds(s * _SLICE, _SLICE)],
                    u_sp.at[pl.ds(s * _SLICE, _SLICE)])
    plsc.subcore_barrier()

    @pl.loop(0, _J // _SEG)
    def _(g):
        pltpu.sync_copy(row_hbm.at[w, pl.ds(g * _SEG, _SEG)], row_v)
        pltpu.sync_copy(col_hbm.at[w, pl.ds(g * _SEG, _SEG)], col_v)

        @pl.loop(0, _SEG, step=_NB)
        def _(j):
            cps = [pltpu.async_copy(u_sp.at[row_v.at[j + b]],
                                    bufs[b], gsem[b])
                   for b in range(_NB)]
            scs = []
            for b in range(_NB):
                cps[b].wait()
                scs.append(pltpu.async_copy(bufs[b], acc.at[col_v.at[j + b]],
                                            ssem[b], add=True))
            for sc in scs:
                sc.wait()

    plsc.subcore_barrier()
    pltpu.sync_copy(acc.at[pl.ds(s * _SLICE, _SLICE)],
                    part_hbm.at[c, pl.ds(s * _SLICE, _SLICE)])


def _mlp_body(x_ref, w1_ref, b1_ref, w2_ref, b2_ref, h_ref):
    h1 = jnp.maximum(x_ref[...] @ w1_ref[...] + b1_ref[...], 0.0)
    h_ref[...] = h1 @ w2_ref[...] + b2_ref[...]


def _mlp(xp, W1, b1, W2, b2):
    B = 1024
    g = _NP // B
    fullspec = lambda shape: pl.BlockSpec(shape, lambda i: (0, 0))
    rowspec = lambda shape: pl.BlockSpec(shape, lambda i: (i, 0))
    return pl.pallas_call(
        _mlp_body,
        grid=(g,),
        in_specs=[rowspec((B, _IN_C)), fullspec((_IN_C, _HID_C)),
                  fullspec((1, _HID_C)), fullspec((_HID_C, _OUT_C)),
                  fullspec((1, _OUT_C))],
        out_specs=rowspec((B, _OUT_C)),
        out_shape=jax.ShapeDtypeStruct((_NP, _OUT_C), jnp.float32),
    )(xp, W1, b1, W2, b2)


def _scale_body(h_ref, d0_ref, d1_ref, u0_ref, dis_ref):
    h = h_ref[...]
    deg = d0_ref[:, 0:1] + d1_ref[:, 0:1]
    dis = jnp.where(deg > 0.0, lax.rsqrt(deg), 0.0)
    u0_ref[...] = dis * h
    dis_ref[...] = jnp.broadcast_to(dis, h.shape)


def _scale(h, d0, d1):
    B = 1024
    g = _NP // B
    rowspec = lambda shape: pl.BlockSpec(shape, lambda i: (i, 0))
    return pl.pallas_call(
        _scale_body,
        grid=(g,),
        in_specs=[rowspec((B, _OUT_C)), rowspec((B, 16)), rowspec((B, 16))],
        out_specs=[rowspec((B, _OUT_C))] * 2,
        out_shape=[jax.ShapeDtypeStruct((_NP, _OUT_C), jnp.float32)] * 2,
    )(h, d0, d1)


def _comb_body(p0_ref, p1_ref, dis_ref, u0_ref, out_ref):
    dis = dis_ref[...]
    agg = p0_ref[...] + p1_ref[...]
    out_ref[...] = (1.0 - _ALPHA) * dis * dis * agg + _ALPHA * u0_ref[...]


def _comb(p0, p1, dis, u0):
    B = 1024
    g = _NP // B
    spec = pl.BlockSpec((B, _OUT_C), lambda i: (i, 0))
    return pl.pallas_call(
        _comb_body,
        grid=(g,),
        in_specs=[spec] * 4,
        out_specs=spec,
        out_shape=jax.ShapeDtypeStruct((_NP, _OUT_C), jnp.float32),
    )(p0, p1, dis, u0)


def _fin_body(p0_ref, p1_ref, dis_ref, h_ref, out_ref):
    t = ((1.0 - _ALPHA) * dis_ref[...] * (p0_ref[...] + p1_ref[...])
         + _ALPHA * h_ref[...])
    m = jnp.max(t, axis=1, keepdims=True)
    e = jnp.exp(t - m)
    out_ref[...] = (t - m) - jnp.log(jnp.sum(e, axis=1, keepdims=True))


def _fin(p0, p1, dis, h):
    B = 1000
    g = _N // B
    spec = pl.BlockSpec((B, _OUT_C), lambda i: (i, 0))
    return pl.pallas_call(
        _fin_body,
        grid=(g,),
        in_specs=[spec] * 4,
        out_specs=spec,
        out_shape=jax.ShapeDtypeStruct((_N, _OUT_C), jnp.float32),
    )(p0, p1, dis, h)


def kernel(x, edge_index, W1, b1, W2, b2):
    row = edge_index[0].astype(jnp.int32)
    col = edge_index[1].astype(jnp.int32)
    loop = jnp.arange(_N, dtype=jnp.int32)
    pad = _EPAD - _ET
    row = jnp.concatenate([row, loop, jnp.zeros((pad,), jnp.int32)])
    col = jnp.concatenate(
        [col, loop, _N + (jnp.arange(pad, dtype=jnp.int32) % (_NP - _N))])
    rowt = row.reshape(_J, _TILES, _CH).transpose(1, 0, 2)
    colt = col.reshape(_J, _TILES, _CH).transpose(1, 0, 2)

    zer = jnp.zeros((_NP, _OUT_C), jnp.float32)
    zer16 = jnp.zeros((1, _NP, 16), jnp.float32)
    ones16 = jnp.ones((_CH, 16), jnp.float32)

    dpart = _deg_kernel(colt, zer16, ones16)
    xp = jnp.concatenate([x, jnp.zeros((_NP - _N, _IN_C), jnp.float32)])
    h = _mlp(xp, W1, b1.reshape(1, -1), W2, b2.reshape(1, -1))
    u0, dis = _scale(h, dpart[0], dpart[1])

    u = u0
    for _ in range(_K_HOPS - 1):
        p = _hop_kernel(u, rowt, colt, zer)
        u = _comb(p[0], p[1], dis, u0)
    p = _hop_kernel(u, rowt, colt, zer)
    return _fin(p[0][:_N], p[1][:_N], dis[:_N], h[:_N])

# --- scband reference (transcript-rebuilt; emitter-appended) ---
"""Pipeline reference for scband-gapp-85907935855386 (READ-ONLY COPY).

The authoritative reference and input builder live on the scoring server;
editing this copy changes nothing except your own understanding.
"""

import jax, jax.numpy as jnp
import numpy as np

N = 10000
E = 320000
IN_C = 128
HID_C = 128
OUT_C = 64
K_HOPS = 5
ALPHA = 0.1


def setup_inputs(seed: int = 0) -> dict:
    key = jax.random.key(seed)
    k1, k2, k3, k4, k5, k6 = jax.random.split(key, 6)
    x = jax.random.normal(k1, (N, IN_C), dtype=jnp.float32)
    edge_index = jax.random.randint(k2, (2, E), 0, N, dtype=jnp.int64)
    W1 = jax.random.normal(k3, (IN_C, HID_C), dtype=jnp.float32) * (1.0 / np.sqrt(IN_C))
    b1 = jnp.zeros((HID_C,), dtype=jnp.float32)
    W2 = jax.random.normal(k4, (HID_C, OUT_C), dtype=jnp.float32) * (1.0 / np.sqrt(HID_C))
    b2 = jnp.zeros((OUT_C,), dtype=jnp.float32)
    return {"x": x, "edge_index": edge_index, "W1": W1, "b1": b1, "W2": W2, "b2": b2}


def reference(x, edge_index, W1, b1, W2, b2):
    # dropout inactive (eval mode)
    h = jax.nn.relu(x @ W1 + b1)
    h = h @ W2 + b2

    # gcn_norm: add self-loops, symmetric normalization D^{-1/2} A D^{-1/2}
    row = edge_index[0]
    col = edge_index[1]
    loop = jnp.arange(N, dtype=edge_index.dtype)
    row = jnp.concatenate([row, loop])
    col = jnp.concatenate([col, loop])
    w = jnp.ones((E + N,), dtype=jnp.float32)
    deg = jax.ops.segment_sum(w, col, num_segments=N)
    deg_inv_sqrt = jnp.where(deg > 0, deg ** -0.5, 0.0)
    norm = deg_inv_sqrt[row] * w * deg_inv_sqrt[col]

    # APPNP propagation: K=5, alpha=0.1
    out = h
    for _ in range(K_HOPS):
        msg = out[row] * norm[:, None]
        agg = jax.ops.segment_sum(msg, col, num_segments=N)
        out = (1.0 - ALPHA) * agg + ALPHA * h

    return jax.nn.log_softmax(out, axis=1)

if __name__ == "__main__":
    import jax
    _d = setup_inputs()
    print(jax.jit(kernel)(*tuple(_d.values())))

</pallas_src>

<mosaic_0001>
#map = affine_map<(d0, d1) -> (0, 0)>
#map1 = affine_map<(d0, d1) -> (0, 0, 0)>
module attributes {stable_mosaic.version = 14 : i64} {
  func.func @_hop_kernel(%arg0: i32, %arg1: i32, %arg2: memref<10240x64xf32, #tpu.memory_space<hbm>>, %arg3: memref<32x84x128xi32, #tpu.memory_space<hbm>>, %arg4: memref<32x84x128xi32, #tpu.memory_space<hbm>>, %arg5: memref<10240x64xf32, #tpu.memory_space<hbm>>, %arg6: memref<2x10240x64xf32, #tpu.memory_space<hbm>>, %arg7: memref<10240x64xf32, #tpu.memory_space<vmem_shared>>, %arg8: memref<10240x64xf32, #tpu.memory_space<vmem_shared>>, %arg9: memref<28x128xi32, #tpu.memory_space<vmem>>, %arg10: memref<28x128xi32, #tpu.memory_space<vmem>>, %arg11: memref<128x64xf32, #tpu.memory_space<vmem>>, %arg12: memref<128x64xf32, #tpu.memory_space<vmem>>, %arg13: memref<128x64xf32, #tpu.memory_space<vmem>>, %arg14: memref<128x64xf32, #tpu.memory_space<vmem>>, %arg15: memref<!tpu.dma_semaphore, #tpu.memory_space<semaphore_mem>>, %arg16: memref<!tpu.dma_semaphore, #tpu.memory_space<semaphore_mem>>, %arg17: memref<!tpu.dma_semaphore, #tpu.memory_space<semaphore_mem>>, %arg18: memref<!tpu.dma_semaphore, #tpu.memory_space<semaphore_mem>>, %arg19: memref<!tpu.dma_semaphore, #tpu.memory_space<semaphore_mem>>, %arg20: memref<!tpu.dma_semaphore, #tpu.memory_space<semaphore_mem>>, %arg21: memref<!tpu.dma_semaphore, #tpu.memory_space<semaphore_mem>>, %arg22: memref<!tpu.dma_semaphore, #tpu.memory_space<semaphore_mem>>, %arg23: memref<!tpu.dma_semaphore, #tpu.memory_space<semaphore_mem>>, %arg24: memref<!tpu.dma_semaphore, #tpu.memory_space<semaphore_mem>>, %arg25: memref<!tpu.dma_semaphore, #tpu.memory_space<semaphore_mem>>, %arg26: memref<!tpu.dma_semaphore, #tpu.memory_space<semaphore_mem>>) attributes {dimension_semantics = [#tpu.dimension_semantics<core_parallel>, #tpu.dimension_semantics<subcore_parallel>], iteration_bounds = array<i64: 2, 16>, scalar_prefetch = 0 : i64, scratch_operands = 20 : i64, tpu.core_type = #tpu.core_type<sc_vector_subcore>, window_params = [{transform_indices = #map}, {transform_indices = #map1}, {transform_indices = #map1}, {transform_indices = #map}, {transform_indices = #map1}]} {
    %mul3A = arith.constant 16 : i32
    %mul3A_0 = arith.muli %arg0, %mul3A : i32
    %add3A = arith.addi %mul3A_0, %arg1 : i32
    %mul3A_1 = arith.constant 640 : i32
    %mul3A_2 = arith.muli %arg1, %mul3A_1 : i32
    %mul3A_3 = arith.constant 640 : i32
    %mul3A_4 = arith.muli %arg1, %mul3A_3 : i32
    "tpu.region"() ({
      %run_scoped3A = tpu.sem_alloc : memref<!tpu.dma_semaphore, #tpu.memory_space<semaphore_mem>>
      %dma_start3A = arith.constant 0 : i32
      %dma_start3A_18 = tpu.memref_slice %arg7[%mul3A_4, %dma_start3A] : memref<10240x64xf32, #tpu.memory_space<vmem_shared>> -> memref<640x64xf32, #tpu.memory_space<vmem_shared>>
      %dma_start3A_19 = arith.constant 0 : i32
      %dma_start3A_20 = tpu.memref_slice %arg5[%mul3A_2, %dma_start3A_19] : memref<10240x64xf32, #tpu.memory_space<hbm>> -> memref<640x64xf32, #tpu.memory_space<hbm>>
      tpu.enqueue_dma source(%dma_start3A_20 : memref<640x64xf32, #tpu.memory_space<hbm>>) target(%dma_start3A_18 : memref<640x64xf32, #tpu.memory_space<vmem_shared>>) target_semaphore(%run_scoped3A : memref<!tpu.dma_semaphore, #tpu.memory_space<semaphore_mem>>)
      %dma_wait3A = arith.constant 0 : i32
      %dma_wait3A_21 = tpu.memref_slice %arg7[%mul3A_4, %dma_wait3A] : memref<10240x64xf32, #tpu.memory_space<vmem_shared>> -> memref<640x64xf32, #tpu.memory_space<vmem_shared>>
      %dma_wait3A_22 = arith.constant 0 : i32
      %dma_wait3A_23 = tpu.memref_slice %arg5[%mul3A_2, %dma_wait3A_22] : memref<10240x64xf32, #tpu.memory_space<hbm>> -> memref<640x64xf32, #tpu.memory_space<hbm>>
      tpu.wait_dma2 semaphore(%run_scoped3A : memref<!tpu.dma_semaphore, #tpu.memory_space<semaphore_mem>>) src(%dma_wait3A_23 : memref<640x64xf32, #tpu.memory_space<hbm>>) dst(%dma_wait3A_21 : memref<640x64xf32, #tpu.memory_space<vmem_shared>>)
      tpu.yield
    }) : () -> ()
    %mul3A_5 = arith.constant 640 : i32
    %mul3A_6 = arith.muli %arg1, %mul3A_5 : i32
    %mul3A_7 = arith.constant 640 : i32
    %mul3A_8 = arith.muli %arg1, %mul3A_7 : i32
    "tpu.region"() ({
      %run_scoped3A = tpu.sem_alloc : memref<!tpu.dma_semaphore, #tpu.memory_space<semaphore_mem>>
      %dma_start3A = arith.constant 0 : i32
      %dma_start3A_18 = tpu.memref_slice %arg8[%mul3A_8, %dma_start3A] : memref<10240x64xf32, #tpu.memory_space<vmem_shared>> -> memref<640x64xf32, #tpu.memory_space<vmem_shared>>
      %dma_start3A_19 = arith.constant 0 : i32
      %dma_start3A_20 = tpu.memref_slice %arg2[%mul3A_6, %dma_start3A_19] : memref<10240x64xf32, #tpu.memory_space<hbm>> -> memref<640x64xf32, #tpu.memory_space<hbm>>
      tpu.enqueue_dma source(%dma_start3A_20 : memref<640x64xf32, #tpu.memory_space<hbm>>) target(%dma_start3A_18 : memref<640x64xf32, #tpu.memory_space<vmem_shared>>) target_semaphore(%run_scoped3A : memref<!tpu.dma_semaphore, #tpu.memory_space<semaphore_mem>>)
      %dma_wait3A = arith.constant 0 : i32
      %dma_wait3A_21 = tpu.memref_slice %arg8[%mul3A_8, %dma_wait3A] : memref<10240x64xf32, #tpu.memory_space<vmem_shared>> -> memref<640x64xf32, #tpu.memory_space<vmem_shared>>
      %dma_wait3A_22 = arith.constant 0 : i32
      %dma_wait3A_23 = tpu.memref_slice %arg2[%mul3A_6, %dma_wait3A_22] : memref<10240x64xf32, #tpu.memory_space<hbm>> -> memref<640x64xf32, #tpu.memory_space<hbm>>
      tpu.wait_dma2 semaphore(%run_scoped3A : memref<!tpu.dma_semaphore, #tpu.memory_space<semaphore_mem>>) src(%dma_wait3A_23 : memref<640x64xf32, #tpu.memory_space<hbm>>) dst(%dma_wait3A_21 : memref<640x64xf32, #tpu.memory_space<vmem_shared>>)
      tpu.yield
    }) : () -> ()
    %barrier3A = arith.constant 0 : index
    tpu.barrier barrier_id(%barrier3A)
    %scan3A = arith.constant 0 : i32
    %scan3A_9 = arith.constant 3 : i32
    %scan3A_10 = arith.addi %scan3A, %scan3A_9 : i32
    %scan3A_11 = arith.constant 1 : i32
    scf.for %scan3A_18 = %scan3A to %scan3A_10 step %scan3A_11  : i32 {
      %mul3A_19 = arith.constant 1 : i32
      %mul3A_20 = arith.muli %scan3A_18, %mul3A_19 : i32
      %add3A_21 = arith.constant 0 : i32
      %add3A_22 = arith.addi %add3A_21, %mul3A_20 : i32
      %mul3A_23 = arith.constant 28 : i32
      %mul3A_24 = arith.muli %add3A_22, %mul3A_23 : i32
      "tpu.region"() ({
        %run_scoped3A = tpu.sem_alloc : memref<!tpu.dma_semaphore, #tpu.memory_space<semaphore_mem>>
        %dma_start3A = arith.constant 0 : i32
        %dma_start3A_32 = tpu.memref_slice %arg3[%add3A, %mul3A_24, %dma_start3A] : memref<32x84x128xi32, #tpu.memory_space<hbm>> -> memref<1x28x128xi32, #tpu.memory_space<hbm>>
        %dma_start3A_33 = tpu.memref_squeeze %dma_start3A_32 : memref<1x28x128xi32, #tpu.memory_space<hbm>> -> memref<28x128xi32, #tpu.memory_space<hbm>>
        %dma_start3A_34 = arith.constant 0 : i32
        %dma_start3A_35 = tpu.memref_slice %arg3[%add3A, %mul3A_24, %dma_start3A_34] : memref<32x84x128xi32, #tpu.memory_space<hbm>> -> memref<1x28x128xi32, #tpu.memory_space<hbm>>
        %dma_start3A_36 = tpu.memref_squeeze %dma_start3A_35 : memref<1x28x128xi32, #tpu.memory_space<hbm>> -> memref<28x128xi32, #tpu.memory_space<hbm>>
        tpu.enqueue_dma source(%dma_start3A_36 : memref<28x128xi32, #tpu.memory_space<hbm>>) target(%arg9 : memref<28x128xi32, #tpu.memory_space<vmem>>) target_semaphore(%run_scoped3A : memref<!tpu.dma_semaphore, #tpu.memory_space<semaphore_mem>>)
        %dma_wait3A = arith.constant 0 : i32
        %dma_wait3A_37 = tpu.memref_slice %arg3[%add3A, %mul3A_24, %dma_wait3A] : memref<32x84x128xi32, #tpu.memory_space<hbm>> -> memref<1x28x128xi32, #tpu.memory_space<hbm>>
        %dma_wait3A_38 = tpu.memref_squeeze %dma_wait3A_37 : memref<1x28x128xi32, #tpu.memory_space<hbm>> -> memref<28x128xi32, #tpu.memory_space<hbm>>
        %dma_wait3A_39 = arith.constant 0 : i32
        %dma_wait3A_40 = tpu.memref_slice %arg3[%add3A, %mul3A_24, %dma_wait3A_39] : memref<32x84x128xi32, #tpu.memory_space<hbm>> -> memref<1x28x128xi32, #tpu.memory_space<hbm>>
        %dma_wait3A_41 = tpu.memref_squeeze %dma_wait3A_40 : memref<1x28x128xi32, #tpu.memory_space<hbm>> -> memref<28x128xi32, #tpu.memory_space<hbm>>
        tpu.wait_dma2 semaphore(%run_scoped3A : memref<!tpu.dma_semaphore, #tpu.memory_space<semaphore_mem>>) src(%dma_wait3A_41 : memref<28x128xi32, #tpu.memory_space<hbm>>) dst(%arg9 : memref<28x128xi32, #tpu.memory_space<vmem>>)
        tpu.yield
      }) : () -> ()
      %mul3A_25 = arith.constant 28 : i32
      %mul3A_26 = arith.muli %add3A_22, %mul3A_25 : i32
      "tpu.region"() ({
        %run_scoped3A = tpu.sem_alloc : memref<!tpu.dma_semaphore, #tpu.memory_space<semaphore_mem>>
        %dma_start3A = arith.constant 0 : i32
        %dma_start3A_32 = tpu.memref_slice %arg4[%add3A, %mul3A_26, %dma_start3A] : memref<32x84x128xi32, #tpu.memory_space<hbm>> -> memref<1x28x128xi32, #tpu.memory_space<hbm>>
        %dma_start3A_33 = tpu.memref_squeeze %dma_start3A_32 : memref<1x28x128xi32, #tpu.memory_space<hbm>> -> memref<28x128xi32, #tpu.memory_space<hbm>>
        %dma_start3A_34 = arith.constant 0 : i32
        %dma_start3A_35 = tpu.memref_slice %arg4[%add3A, %mul3A_26, %dma_start3A_34] : memref<32x84x128xi32, #tpu.memory_space<hbm>> -> memref<1x28x128xi32, #tpu.memory_space<hbm>>
        %dma_start3A_36 = tpu.memref_squeeze %dma_start3A_35 : memref<1x28x128xi32, #tpu.memory_space<hbm>> -> memref<28x128xi32, #tpu.memory_space<hbm>>
        tpu.enqueue_dma source(%dma_start3A_36 : memref<28x128xi32, #tpu.memory_space<hbm>>) target(%arg10 : memref<28x128xi32, #tpu.memory_space<vmem>>) target_semaphore(%run_scoped3A : memref<!tpu.dma_semaphore, #tpu.memory_space<semaphore_mem>>)
        %dma_wait3A = arith.constant 0 : i32
        %dma_wait3A_37 = tpu.memref_slice %arg4[%add3A, %mul3A_26, %dma_wait3A] : memref<32x84x128xi32, #tpu.memory_space<hbm>> -> memref<1x28x128xi32, #tpu.memory_space<hbm>>
        %dma_wait3A_38 = tpu.memref_squeeze %dma_wait3A_37 : memref<1x28x128xi32, #tpu.memory_space<hbm>> -> memref<28x128xi32, #tpu.memory_space<hbm>>
        %dma_wait3A_39 = arith.constant 0 : i32
        %dma_wait3A_40 = tpu.memref_slice %arg4[%add3A, %mul3A_26, %dma_wait3A_39] : memref<32x84x128xi32, #tpu.memory_space<hbm>> -> memref<1x28x128xi32, #tpu.memory_space<hbm>>
        %dma_wait3A_41 = tpu.memref_squeeze %dma_wait3A_40 : memref<1x28x128xi32, #tpu.memory_space<hbm>> -> memref<28x128xi32, #tpu.memory_space<hbm>>
        tpu.wait_dma2 semaphore(%run_scoped3A : memref<!tpu.dma_semaphore, #tpu.memory_space<semaphore_mem>>) src(%dma_wait3A_41 : memref<28x128xi32, #tpu.memory_space<hbm>>) dst(%arg10 : memref<28x128xi32, #tpu.memory_space<vmem>>)
        tpu.yield
      }) : () -> ()
      %scan3A_27 = arith.constant 0 : i32
      %scan3A_28 = arith.constant 7 : i32
      %scan3A_29 = arith.addi %scan3A_27, %scan3A_28 : i32
      %scan3A_30 = arith.constant 1 : i32
      scf.for %scan3A_32 = %scan3A_27 to %scan3A_29 step %scan3A_30  : i32 {
        %mul3A_33 = arith.constant 4 : i32
        %mul3A_34 = arith.muli %scan3A_32, %mul3A_33 : i32
        %add3A_35 = arith.constant 0 : i32
        %add3A_36 = arith.addi %add3A_35, %mul3A_34 : i32
        %add3A_37 = arith.constant 0 : i32
        %add3A_38 = arith.addi %add3A_36, %add3A_37 : i32
        %dma_start3A = arith.constant 0 : i32
        %dma_start3A_39 = tpu.memref_slice %arg9[%add3A_38, %dma_start3A] : memref<28x128xi32, #tpu.memory_space<vmem>> -> memref<1x128xi32, #tpu.memory_space<vmem>>
        %dma_start3A_40 = tpu.memref_squeeze %dma_start3A_39 : memref<1x128xi32, #tpu.memory_space<vmem>> -> memref<128xi32, #tpu.memory_space<vmem>>
        %dma_start3A_41 = arith.constant 0 : i32
        %dma_start3A_42 = arith.constant 0 : i32
        %dma_start3A_43 = tpu.memref_slice %arg8[%dma_start3A_41, %dma_start3A_42] : memref<10240x64xf32, #tpu.memory_space<vmem_shared>> -> memref<10240x64xf32, #tpu.memory_space<vmem_shared>>
        tpu.enqueue_indirect_dma source(%dma_start3A_43 : memref<10240x64xf32, #tpu.memory_space<vmem_shared>>) target(%arg11 : memref<128x64xf32, #tpu.memory_space<vmem>>) offsets(%dma_start3A_40 : memref<128xi32, #tpu.memory_space<vmem>>) semaphore(%arg15 : memref<!tpu.dma_semaphore, #tpu.memory_space<semaphore_mem>>)
        %add3A_44 = arith.constant 1 : i32
        %add3A_45 = arith.addi %add3A_36, %add3A_44 : i32
        %dma_start3A_46 = arith.constant 0 : i32
        %dma_start3A_47 = tpu.memref_slice %arg9[%add3A_45, %dma_start3A_46] : memref<28x128xi32, #tpu.memory_space<vmem>> -> memref<1x128xi32, #tpu.memory_space<vmem>>
        %dma_start3A_48 = tpu.memref_squeeze %dma_start3A_47 : memref<1x128xi32, #tpu.memory_space<vmem>> -> memref<128xi32, #tpu.memory_space<vmem>>
        %dma_start3A_49 = arith.constant 0 : i32
        %dma_start3A_50 = arith.constant 0 : i32
        %dma_start3A_51 = tpu.memref_slice %arg8[%dma_start3A_49, %dma_start3A_50] : memref<10240x64xf32, #tpu.memory_space<vmem_shared>> -> memref<10240x64xf32, #tpu.memory_space<vmem_shared>>
        tpu.enqueue_indirect_dma source(%dma_start3A_51 : memref<10240x64xf32, #tpu.memory_space<vmem_shared>>) target(%arg12 : memref<128x64xf32, #tpu.memory_space<vmem>>) offsets(%dma_start3A_48 : memref<128xi32, #tpu.memory_space<vmem>>) semaphore(%arg16 : memref<!tpu.dma_semaphore, #tpu.memory_space<semaphore_mem>>)
        %add3A_52 = arith.constant 2 : i32
        %add3A_53 = arith.addi %add3A_36, %add3A_52 : i32
        %dma_start3A_54 = arith.constant 0 : i32
        %dma_start3A_55 = tpu.memref_slice %arg9[%add3A_53, %dma_start3A_54] : memref<28x128xi32, #tpu.memory_space<vmem>> -> memref<1x128xi32, #tpu.memory_space<vmem>>
        %dma_start3A_56 = tpu.memref_squeeze %dma_start3A_55 : memref<1x128xi32, #tpu.memory_space<vmem>> -> memref<128xi32, #tpu.memory_space<vmem>>
        %dma_start3A_57 = arith.constant 0 : i32
        %dma_start3A_58 = arith.constant 0 : i32
        %dma_start3A_59 = tpu.memref_slice %arg8[%dma_start3A_57, %dma_start3A_58] : memref<10240x64xf32, #tpu.memory_space<vmem_shared>> -> memref<10240x64xf32, #tpu.memory_space<vmem_shared>>
        tpu.enqueue_indirect_dma source(%dma_start3A_59 : memref<10240x64xf32, #tpu.memory_space<vmem_shared>>) target(%arg13 : memref<128x64xf32, #tpu.memory_space<vmem>>) offsets(%dma_start3A_56 : memref<128xi32, #tpu.memory_space<vmem>>) semaphore(%arg17 : memref<!tpu.dma_semaphore, #tpu.memory_space<semaphore_mem>>)
        %add3A_60 = arith.constant 3 : i32
        %add3A_61 = arith.addi %add3A_36, %add3A_60 : i32
        %dma_start3A_62 = arith.constant 0 : i32
        %dma_start3A_63 = tpu.memref_slice %arg9[%add3A_61, %dma_start3A_62] : memref<28x128xi32, #tpu.memory_space<vmem>> -> memref<1x128xi32, #tpu.memory_space<vmem>>
        %dma_start3A_64 = tpu.memref_squeeze %dma_start3A_63 : memref<1x128xi32, #tpu.memory_space<vmem>> -> memref<128xi32, #tpu.memory_space<vmem>>
        %dma_start3A_65 = arith.constant 0 : i32
        %dma_start3A_66 = arith.constant 0 : i32
        %dma_start3A_67 = tpu.memref_slice %arg8[%dma_start3A_65, %dma_start3A_66] : memref<10240x64xf32, #tpu.memory_space<vmem_shared>> -> memref<10240x64xf32, #tpu.memory_space<vmem_shared>>
        tpu.enqueue_indirect_dma source(%dma_start3A_67 : memref<10240x64xf32, #tpu.memory_space<vmem_shared>>) target(%arg14 : memref<128x64xf32, #tpu.memory_space<vmem>>) offsets(%dma_start3A_64 : memref<128xi32, #tpu.memory_space<vmem>>) semaphore(%arg18 : memref<!tpu.dma_semaphore, #tpu.memory_space<semaphore_mem>>)
        %dma_wait3A = arith.constant 0 : i32
        %dma_wait3A_68 = tpu.memref_slice %arg9[%add3A_38, %dma_wait3A] : memref<28x128xi32, #tpu.memory_space<vmem>> -> memref<1x128xi32, #tpu.memory_space<vmem>>
        %dma_wait3A_69 = tpu.memref_squeeze %dma_wait3A_68 : memref<1x128xi32, #tpu.memory_space<vmem>> -> memref<128xi32, #tpu.memory_space<vmem>>
        %dma_wait3A_70 = arith.constant 0 : i32
        %dma_wait3A_71 = arith.constant 0 : i32
        %dma_wait3A_72 = tpu.memref_slice %arg8[%dma_wait3A_70, %dma_wait3A_71] : memref<10240x64xf32, #tpu.memory_space<vmem_shared>> -> memref<10240x64xf32, #tpu.memory_space<vmem_shared>>
        tpu.wait_indirect_dma semaphore(%arg15 : memref<!tpu.dma_semaphore, #tpu.memory_space<semaphore_mem>>) src(%dma_wait3A_72 : memref<10240x64xf32, #tpu.memory_space<vmem_shared>>) dst(%arg11 : memref<128x64xf32, #tpu.memory_space<vmem>>)
        %add3A_73 = arith.constant 0 : i32
        %add3A_74 = arith.addi %add3A_36, %add3A_73 : i32
        %dma_start3A_75 = arith.constant 0 : i32
        %dma_start3A_76 = tpu.memref_slice %arg10[%add3A_74, %dma_start3A_75] : memref<28x128xi32, #tpu.memory_space<vmem>> -> memref<1x128xi32, #tpu.memory_space<vmem>>
        %dma_start3A_77 = tpu.memref_squeeze %dma_start3A_76 : memref<1x128xi32, #tpu.memory_space<vmem>> -> memref<128xi32, #tpu.memory_space<vmem>>
        %dma_start3A_78 = arith.constant 0 : i32
        %dma_start3A_79 = arith.constant 0 : i32
        %dma_start3A_80 = tpu.memref_slice %arg7[%dma_start3A_78, %dma_start3A_79] : memref<10240x64xf32, #tpu.memory_space<vmem_shared>> -> memref<10240x64xf32, #tpu.memory_space<vmem_shared>>
        tpu.enqueue_indirect_dma source(%arg11 : memref<128x64xf32, #tpu.memory_space<vmem>>) target(%dma_start3A_80 : memref<10240x64xf32, #tpu.memory_space<vmem_shared>>) offsets(%dma_start3A_77 : memref<128xi32, #tpu.memory_space<vmem>>) semaphore(%arg19 : memref<!tpu.dma_semaphore, #tpu.memory_space<semaphore_mem>>) {add = true}
        %dma_wait3A_81 = arith.constant 0 : i32
        %dma_wait3A_82 = tpu.memref_slice %arg9[%add3A_45, %dma_wait3A_81] : memref<28x128xi32, #tpu.memory_space<vmem>> -> memref<1x128xi32, #tpu.memory_space<vmem>>
        %dma_wait3A_83 = tpu.memref_squeeze %dma_wait3A_82 : memref<1x128xi32, #tpu.memory_space<vmem>> -> memref<128xi32, #tpu.memory_space<vmem>>
        %dma_wait3A_84 = arith.constant 0 : i32
        %dma_wait3A_85 = arith.constant 0 : i32
        %dma_wait3A_86 = tpu.memref_slice %arg8[%dma_wait3A_84, %dma_wait3A_85] : memref<10240x64xf32, #tpu.memory_space<vmem_shared>> -> memref<10240x64xf32, #tpu.memory_space<vmem_shared>>
        tpu.wait_indirect_dma semaphore(%arg16 : memref<!tpu.dma_semaphore, #tpu.memory_space<semaphore_mem>>) src(%dma_wait3A_86 : memref<10240x64xf32, #tpu.memory_space<vmem_shared>>) dst(%arg12 : memref<128x64xf32, #tpu.memory_space<vmem>>)
        %add3A_87 = arith.constant 1 : i32
        %add3A_88 = arith.addi %add3A_36, %add3A_87 : i32
        %dma_start3A_89 = arith.constant 0 : i32
        %dma_start3A_90 = tpu.memref_slice %arg10[%add3A_88, %dma_start3A_89] : memref<28x128xi32, #tpu.memory_space<vmem>> -> memref<1x128xi32, #tpu.memory_space<vmem>>
        %dma_start3A_91 = tpu.memref_squeeze %dma_start3A_90 : memref<1x128xi32, #tpu.memory_space<vmem>> -> memref<128xi32, #tpu.memory_space<vmem>>
        %dma_start3A_92 = arith.constant 0 : i32
        %dma_start3A_93 = arith.constant 0 : i32
        %dma_start3A_94 = tpu.memref_slice %arg7[%dma_start3A_92, %dma_start3A_93] : memref<10240x64xf32, #tpu.memory_space<vmem_shared>> -> memref<10240x64xf32, #tpu.memory_space<vmem_shared>>
        tpu.enqueue_indirect_dma source(%arg12 : memref<128x64xf32, #tpu.memory_space<vmem>>) target(%dma_start3A_94 : memref<10240x64xf32, #tpu.memory_space<vmem_shared>>) offsets(%dma_start3A_91 : memref<128xi32, #tpu.memory_space<vmem>>) semaphore(%arg20 : memref<!tpu.dma_semaphore, #tpu.memory_space<semaphore_mem>>) {add = true}
        %dma_wait3A_95 = arith.constant 0 : i32
        %dma_wait3A_96 = tpu.memref_slice %arg9[%add3A_53, %dma_wait3A_95] : memref<28x128xi32, #tpu.memory_space<vmem>> -> memref<1x128xi32, #tpu.memory_space<vmem>>
        %dma_wait3A_97 = tpu.memref_squeeze %dma_wait3A_96 : memref<1x128xi32, #tpu.memory_space<vmem>> -> memref<128xi32, #tpu.memory_space<vmem>>
        %dma_wait3A_98 = arith.constant 0 : i32
        %dma_wait3A_99 = arith.constant 0 : i32
        %dma_wait3A_100 = tpu.memref_slice %arg8[%dma_wait3A_98, %dma_wait3A_99] : memref<10240x64xf32, #tpu.memory_space<vmem_shared>> -> memref<10240x64xf32, #tpu.memory_space<vmem_shared>>
        tpu.wait_indirect_dma semaphore(%arg17 : memref<!tpu.dma_semaphore, #tpu.memory_space<semaphore_mem>>) src(%dma_wait3A_100 : memref<10240x64xf32, #tpu.memory_space<vmem_shared>>) dst(%arg13 : memref<128x64xf32, #tpu.memory_space<vmem>>)
        %add3A_101 = arith.constant 2 : i32
        %add3A_102 = arith.addi %add3A_36, %add3A_101 : i32
        %dma_start3A_103 = arith.constant 0 : i32
        %dma_start3A_104 = tpu.memref_slice %arg10[%add3A_102, %dma_start3A_103] : memref<28x128xi32, #tpu.memory_space<vmem>> -> memref<1x128xi32, #tpu.memory_space<vmem>>
        %dma_start3A_105 = tpu.memref_squeeze %dma_start3A_104 : memref<1x128xi32, #tpu.memory_space<vmem>> -> memref<128xi32, #tpu.memory_space<vmem>>
        %dma_start3A_106 = arith.constant 0 : i32
        %dma_start3A_107 = arith.constant 0 : i32
        %dma_start3A_108 = tpu.memref_slice %arg7[%dma_start3A_106, %dma_start3A_107] : memref<10240x64xf32, #tpu.memory_space<vmem_shared>> -> memref<10240x64xf32, #tpu.memory_space<vmem_shared>>
        tpu.enqueue_indirect_dma source(%arg13 : memref<128x64xf32, #tpu.memory_space<vmem>>) target(%dma_start3A_108 : memref<10240x64xf32, #tpu.memory_space<vmem_shared>>) offsets(%dma_start3A_105 : memref<128xi32, #tpu.memory_space<vmem>>) semaphore(%arg21 : memref<!tpu.dma_semaphore, #tpu.memory_space<semaphore_mem>>) {add = true}
        %dma_wait3A_109 = arith.constant 0 : i32
        %dma_wait3A_110 = tpu.memref_slice %arg9[%add3A_61, %dma_wait3A_109] : memref<28x128xi32, #tpu.memory_space<vmem>> -> memref<1x128xi32, #tpu.memory_space<vmem>>
        %dma_wait3A_111 = tpu.memref_squeeze %dma_wait3A_110 : memref<1x128xi32, #tpu.memory_space<vmem>> -> memref<128xi32, #tpu.memory_space<vmem>>
        %dma_wait3A_112 = arith.constant 0 : i32
        %dma_wait3A_113 = arith.constant 0 : i32
        %dma_wait3A_114 = tpu.memref_slice %arg8[%dma_wait3A_112, %dma_wait3A_113] : memref<10240x64xf32, #tpu.memory_space<vmem_shared>> -> memref<10240x64xf32, #tpu.memory_space<vmem_shared>>
        tpu.wait_indirect_dma semaphore(%arg18 : memref<!tpu.dma_semaphore, #tpu.memory_space<semaphore_mem>>) src(%dma_wait3A_114 : memref<10240x64xf32, #tpu.memory_space<vmem_shared>>) dst(%arg14 : memref<128x64xf32, #tpu.memory_space<vmem>>)
        %add3A_115 = arith.constant 3 : i32
        %add3A_116 = arith.addi %add3A_36, %add3A_115 : i32
        %dma_start3A_117 = arith.constant 0 : i32
        %dma_start3A_118 = tpu.memref_slice %arg10[%add3A_116, %dma_start3A_117] : memref<28x128xi32, #tpu.memory_space<vmem>> -> memref<1x128xi32, #tpu.memory_space<vmem>>
        %dma_start3A_119 = tpu.memref_squeeze %dma_start3A_118 : memref<1x128xi32, #tpu.memory_space<vmem>> -> memref<128xi32, #tpu.memory_space<vmem>>
        %dma_start3A_120 = arith.constant 0 : i32
        %dma_start3A_121 = arith.constant 0 : i32
        %dma_start3A_122 = tpu.memref_slice %arg7[%dma_start3A_120, %dma_start3A_121] : memref<10240x64xf32, #tpu.memory_space<vmem_shared>> -> memref<10240x64xf32, #tpu.memory_space<vmem_shared>>
        tpu.enqueue_indirect_dma source(%arg14 : memref<128x64xf32, #tpu.memory_space<vmem>>) target(%dma_start3A_122 : memref<10240x64xf32, #tpu.memory_space<vmem_shared>>) offsets(%dma_start3A_119 : memref<128xi32, #tpu.memory_space<vmem>>) semaphore(%arg22 : memref<!tpu.dma_semaphore, #tpu.memory_space<semaphore_mem>>) {add = true}
        %dma_wait3A_123 = arith.constant 0 : i32
        %dma_wait3A_124 = tpu.memref_slice %arg10[%add3A_74, %dma_wait3A_123] : memref<28x128xi32, #tpu.memory_space<vmem>> -> memref<1x128xi32, #tpu.memory_space<vmem>>
        %dma_wait3A_125 = tpu.memref_squeeze %dma_wait3A_124 : memref<1x128xi32, #tpu.memory_space<vmem>> -> memref<128xi32, #tpu.memory_space<vmem>>
        %dma_wait3A_126 = arith.constant 0 : i32
        %dma_wait3A_127 = arith.constant 0 : i32
        %dma_wait3A_128 = tpu.memref_slice %arg7[%dma_wait3A_126, %dma_wait3A_127] : memref<10240x64xf32, #tpu.memory_space<vmem_shared>> -> memref<10240x64xf32, #tpu.memory_space<vmem_shared>>
        tpu.wait_indirect_dma semaphore(%arg19 : memref<!tpu.dma_semaphore, #tpu.memory_space<semaphore_mem>>) src(%arg11 : memref<128x64xf32, #tpu.memory_space<vmem>>) dst(%dma_wait3A_128 : memref<10240x64xf32, #tpu.memory_space<vmem_shared>>)
        %dma_wait3A_129 = arith.constant 0 : i32
        %dma_wait3A_130 = tpu.memref_slice %arg10[%add3A_88, %dma_wait3A_129] : memref<28x128xi32, #tpu.memory_space<vmem>> -> memref<1x128xi32, #tpu.memory_space<vmem>>
        %dma_wait3A_131 = tpu.memref_squeeze %dma_wait3A_130 : memref<1x128xi32, #tpu.memory_space<vmem>> -> memref<128xi32, #tpu.memory_space<vmem>>
        %dma_wait3A_132 = arith.constant 0 : i32
        %dma_wait3A_133 = arith.constant 0 : i32
        %dma_wait3A_134 = tpu.memref_slice %arg7[%dma_wait3A_132, %dma_wait3A_133] : memref<10240x64xf32, #tpu.memory_space<vmem_shared>> -> memref<10240x64xf32, #tpu.memory_space<vmem_shared>>
        tpu.wait_indirect_dma semaphore(%arg20 : memref<!tpu.dma_semaphore, #tpu.memory_space<semaphore_mem>>) src(%arg12 : memref<128x64xf32, #tpu.memory_space<vmem>>) dst(%dma_wait3A_134 : memref<10240x64xf32, #tpu.memory_space<vmem_shared>>)
        %dma_wait3A_135 = arith.constant 0 : i32
        %dma_wait3A_136 = tpu.memref_slice %arg10[%add3A_102, %dma_wait3A_135] : memref<28x128xi32, #tpu.memory_space<vmem>> -> memref<1x128xi32, #tpu.memory_space<vmem>>
        %dma_wait3A_137 = tpu.memref_squeeze %dma_wait3A_136 : memref<1x128xi32, #tpu.memory_space<vmem>> -> memref<128xi32, #tpu.memory_space<vmem>>
        %dma_wait3A_138 = arith.constant 0 : i32
        %dma_wait3A_139 = arith.constant 0 : i32
        %dma_wait3A_140 = tpu.memref_slice %arg7[%dma_wait3A_138, %dma_wait3A_139] : memref<10240x64xf32, #tpu.memory_space<vmem_shared>> -> memref<10240x64xf32, #tpu.memory_space<vmem_shared>>
        tpu.wait_indirect_dma semaphore(%arg21 : memref<!tpu.dma_semaphore, #tpu.memory_space<semaphore_mem>>) src(%arg13 : memref<128x64xf32, #tpu.memory_space<vmem>>) dst(%dma_wait3A_140 : memref<10240x64xf32, #tpu.memory_space<vmem_shared>>)
        %dma_wait3A_141 = arith.constant 0 : i32
        %dma_wait3A_142 = tpu.memref_slice %arg10[%add3A_116, %dma_wait3A_141] : memref<28x128xi32, #tpu.memory_space<vmem>> -> memref<1x128xi32, #tpu.memory_space<vmem>>
        %dma_wait3A_143 = tpu.memref_squeeze %dma_wait3A_142 : memref<1x128xi32, #tpu.memory_space<vmem>> -> memref<128xi32, #tpu.memory_space<vmem>>
        %dma_wait3A_144 = arith.constant 0 : i32
        %dma_wait3A_145 = arith.constant 0 : i32
        %dma_wait3A_146 = tpu.memref_slice %arg7[%dma_wait3A_144, %dma_wait3A_145] : memref<10240x64xf32, #tpu.memory_space<vmem_shared>> -> memref<10240x64xf32, #tpu.memory_space<vmem_shared>>
        tpu.wait_indirect_dma semaphore(%arg22 : memref<!tpu.dma_semaphore, #tpu.memory_space<semaphore_mem>>) src(%arg14 : memref<128x64xf32, #tpu.memory_space<vmem>>) dst(%dma_wait3A_146 : memref<10240x64xf32, #tpu.memory_space<vmem_shared>>)
      }
      %scan3A_31 = arith.constant 7 : i32
    }
    %scan3A_12 = arith.constant 3 : i32
    %barrier3A_13 = arith.constant 0 : index
    tpu.barrier barrier_id(%barrier3A_13)
    %mul3A_14 = arith.constant 640 : i32
    %mul3A_15 = arith.muli %arg1, %mul3A_14 : i32
    %mul3A_16 = arith.constant 640 : i32
    %mul3A_17 = arith.muli %arg1, %mul3A_16 : i32
    "tpu.region"() ({
      %run_scoped3A = tpu.sem_alloc : memref<!tpu.dma_semaphore, #tpu.memory_space<semaphore_mem>>
      %dma_start3A = arith.constant 0 : i32
      %dma_start3A_18 = tpu.memref_slice %arg6[%arg0, %mul3A_17, %dma_start3A] : memref<2x10240x64xf32, #tpu.memory_space<hbm>> -> memref<1x640x64xf32, #tpu.memory_space<hbm>>
      %dma_start3A_19 = tpu.memref_squeeze %dma_start3A_18 : memref<1x640x64xf32, #tpu.memory_space<hbm>> -> memref<640x64xf32, #tpu.memory_space<hbm>>
      %dma_start3A_20 = arith.constant 0 : i32
      %dma_start3A_21 = tpu.memref_slice %arg7[%mul3A_15, %dma_start3A_20] : memref<10240x64xf32, #tpu.memory_space<vmem_shared>> -> memref<640x64xf32, #tpu.memory_space<vmem_shared>>
      tpu.enqueue_dma source(%dma_start3A_21 : memref<640x64xf32, #tpu.memory_space<vmem_shared>>) target(%dma_start3A_19 : memref<640x64xf32, #tpu.memory_space<hbm>>) target_semaphore(%run_scoped3A : memref<!tpu.dma_semaphore, #tpu.memory_space<semaphore_mem>>)
      %dma_wait3A = arith.constant 0 : i32
      %dma_wait3A_22 = tpu.memref_slice %arg6[%arg0, %mul3A_17, %dma_wait3A] : memref<2x10240x64xf32, #tpu.memory_space<hbm>> -> memref<1x640x64xf32, #tpu.memory_space<hbm>>
      %dma_wait3A_23 = tpu.memref_squeeze %dma_wait3A_22 : memref<1x640x64xf32, #tpu.memory_space<hbm>> -> memref<640x64xf32, #tpu.memory_space<hbm>>
      %dma_wait3A_24 = arith.constant 0 : i32
      %dma_wait3A_25 = tpu.memref_slice %arg7[%mul3A_15, %dma_wait3A_24] : memref<10240x64xf32, #tpu.memory_space<vmem_shared>> -> memref<640x64xf32, #tpu.memory_space<vmem_shared>>
      tpu.wait_dma2 semaphore(%run_scoped3A : memref<!tpu.dma_semaphore, #tpu.memory_space<semaphore_mem>>) src(%dma_wait3A_25 : memref<640x64xf32, #tpu.memory_space<vmem_shared>>) dst(%dma_wait3A_23 : memref<640x64xf32, #tpu.memory_space<hbm>>)
      tpu.yield
    }) : () -> ()
    return
  }
}

#map = affine_map<(d0, d1) -> (0, 0, 0)>
#map1 = affine_map<(d0, d1) -> (0, 0)>
module attributes {stable_mosaic.version = 14 : i64} {
  func.func @_deg_kernel(%arg0: i32, %arg1: i32, %arg2: memref<32x84x128xi32, #tpu.memory_space<hbm>>, %arg3: memref<1x10240x16xf32, #tpu.memory_space<hbm>>, %arg4: memref<128x16xf32, #tpu.memory_space<hbm>>, %arg5: memref<2x10240x16xf32, #tpu.memory_space<hbm>>, %arg6: memref<10240x16xf32, #tpu.memory_space<vmem_shared>>, %arg7: memref<84x128xi32, #tpu.memory_space<vmem>>, %arg8: memref<128x16xf32, #tpu.memory_space<vmem>>) attributes {dimension_semantics = [#tpu.dimension_semantics<core_parallel>, #tpu.dimension_semantics<subcore_parallel>], iteration_bounds = array<i64: 2, 16>, scalar_prefetch = 0 : i64, scratch_operands = 3 : i64, tpu.core_type = #tpu.core_type<sc_vector_subcore>, window_params = [{transform_indices = #map}, {transform_indices = #map}, {transform_indices = #map1}, {transform_indices = #map}]} {
    %mul3A = arith.constant 16 : i32
    %mul3A_0 = arith.muli %arg0, %mul3A : i32
    %add3A = arith.addi %mul3A_0, %arg1 : i32
    %mul3A_1 = arith.constant 640 : i32
    %mul3A_2 = arith.muli %arg1, %mul3A_1 : i32
    %mul3A_3 = arith.constant 640 : i32
    %mul3A_4 = arith.muli %arg1, %mul3A_3 : i32
    %run_scoped3A = arith.constant 0 : i32
    "tpu.region"() ({
      %run_scoped3A_14 = tpu.sem_alloc : memref<!tpu.dma_semaphore, #tpu.memory_space<semaphore_mem>>
      %dma_start3A = arith.constant 0 : i32
      %dma_start3A_15 = tpu.memref_slice %arg6[%mul3A_4, %dma_start3A] : memref<10240x16xf32, #tpu.memory_space<vmem_shared>> -> memref<640x16xf32, #tpu.memory_space<vmem_shared>>
      %dma_start3A_16 = arith.constant 0 : i32
      %dma_start3A_17 = tpu.memref_slice %arg3[%run_scoped3A, %mul3A_2, %dma_start3A_16] : memref<1x10240x16xf32, #tpu.memory_space<hbm>> -> memref<1x640x16xf32, #tpu.memory_space<hbm>>
      %dma_start3A_18 = tpu.memref_squeeze %dma_start3A_17 : memref<1x640x16xf32, #tpu.memory_space<hbm>> -> memref<640x16xf32, #tpu.memory_space<hbm>>
      tpu.enqueue_dma source(%dma_start3A_18 : memref<640x16xf32, #tpu.memory_space<hbm>>) target(%dma_start3A_15 : memref<640x16xf32, #tpu.memory_space<vmem_shared>>) target_semaphore(%run_scoped3A_14 : memref<!tpu.dma_semaphore, #tpu.memory_space<semaphore_mem>>)
      %dma_wait3A = arith.constant 0 : i32
      %dma_wait3A_19 = tpu.memref_slice %arg6[%mul3A_4, %dma_wait3A] : memref<10240x16xf32, #tpu.memory_space<vmem_shared>> -> memref<640x16xf32, #tpu.memory_space<vmem_shared>>
      %dma_wait3A_20 = arith.constant 0 : i32
      %dma_wait3A_21 = tpu.memref_slice %arg3[%run_scoped3A, %mul3A_2, %dma_wait3A_20] : memref<1x10240x16xf32, #tpu.memory_space<hbm>> -> memref<1x640x16xf32, #tpu.memory_space<hbm>>
      %dma_wait3A_22 = tpu.memref_squeeze %dma_wait3A_21 : memref<1x640x16xf32, #tpu.memory_space<hbm>> -> memref<640x16xf32, #tpu.memory_space<hbm>>
      tpu.wait_dma2 semaphore(%run_scoped3A_14 : memref<!tpu.dma_semaphore, #tpu.memory_space<semaphore_mem>>) src(%dma_wait3A_22 : memref<640x16xf32, #tpu.memory_space<hbm>>) dst(%dma_wait3A_19 : memref<640x16xf32, #tpu.memory_space<vmem_shared>>)
      tpu.yield
    }) : () -> ()
    "tpu.region"() ({
      %run_scoped3A_14 = tpu.sem_alloc : memref<!tpu.dma_semaphore, #tpu.memory_space<semaphore_mem>>
      %dma_start3A = arith.constant 0 : i32
      %dma_start3A_15 = arith.constant 0 : i32
      %dma_start3A_16 = tpu.memref_slice %arg2[%add3A, %dma_start3A, %dma_start3A_15] : memref<32x84x128xi32, #tpu.memory_space<hbm>> -> memref<1x84x128xi32, #tpu.memory_space<hbm>>
      %dma_start3A_17 = tpu.memref_squeeze %dma_start3A_16 : memref<1x84x128xi32, #tpu.memory_space<hbm>> -> memref<84x128xi32, #tpu.memory_space<hbm>>
      %dma_start3A_18 = arith.constant 0 : i32
      %dma_start3A_19 = arith.constant 0 : i32
      %dma_start3A_20 = tpu.memref_slice %arg2[%add3A, %dma_start3A_18, %dma_start3A_19] : memref<32x84x128xi32, #tpu.memory_space<hbm>> -> memref<1x84x128xi32, #tpu.memory_space<hbm>>
      %dma_start3A_21 = tpu.memref_squeeze %dma_start3A_20 : memref<1x84x128xi32, #tpu.memory_space<hbm>> -> memref<84x128xi32, #tpu.memory_space<hbm>>
      tpu.enqueue_dma source(%dma_start3A_21 : memref<84x128xi32, #tpu.memory_space<hbm>>) target(%arg7 : memref<84x128xi32, #tpu.memory_space<vmem>>) target_semaphore(%run_scoped3A_14 : memref<!tpu.dma_semaphore, #tpu.memory_space<semaphore_mem>>)
      %dma_wait3A = arith.constant 0 : i32
      %dma_wait3A_22 = arith.constant 0 : i32
      %dma_wait3A_23 = tpu.memref_slice %arg2[%add3A, %dma_wait3A, %dma_wait3A_22] : memref<32x84x128xi32, #tpu.memory_space<hbm>> -> memref<1x84x128xi32, #tpu.memory_space<hbm>>
      %dma_wait3A_24 = tpu.memref_squeeze %dma_wait3A_23 : memref<1x84x128xi32, #tpu.memory_space<hbm>> -> memref<84x128xi32, #tpu.memory_space<hbm>>
      %dma_wait3A_25 = arith.constant 0 : i32
      %dma_wait3A_26 = arith.constant 0 : i32
      %dma_wait3A_27 = tpu.memref_slice %arg2[%add3A, %dma_wait3A_25, %dma_wait3A_26] : memref<32x84x128xi32, #tpu.memory_space<hbm>> -> memref<1x84x128xi32, #tpu.memory_space<hbm>>
      %dma_wait3A_28 = tpu.memref_squeeze %dma_wait3A_27 : memref<1x84x128xi32, #tpu.memory_space<hbm>> -> memref<84x128xi32, #tpu.memory_space<hbm>>
      tpu.wait_dma2 semaphore(%run_scoped3A_14 : memref<!tpu.dma_semaphore, #tpu.memory_space<semaphore_mem>>) src(%dma_wait3A_28 : memref<84x128xi32, #tpu.memory_space<hbm>>) dst(%arg7 : memref<84x128xi32, #tpu.memory_space<vmem>>)
      tpu.yield
    }) : () -> ()
    "tpu.region"() ({
      %run_scoped3A_14 = tpu.sem_alloc : memref<!tpu.dma_semaphore, #tpu.memory_space<semaphore_mem>>
      tpu.enqueue_dma source(%arg4 : memref<128x16xf32, #tpu.memory_space<hbm>>) target(%arg8 : memref<128x16xf32, #tpu.memory_space<vmem>>) target_semaphore(%run_scoped3A_14 : memref<!tpu.dma_semaphore, #tpu.memory_space<semaphore_mem>>)
      tpu.wait_dma2 semaphore(%run_scoped3A_14 : memref<!tpu.dma_semaphore, #tpu.memory_space<semaphore_mem>>) src(%arg4 : memref<128x16xf32, #tpu.memory_space<hbm>>) dst(%arg8 : memref<128x16xf32, #tpu.memory_space<vmem>>)
      tpu.yield
    }) : () -> ()
    %barrier3A = arith.constant 0 : index
    tpu.barrier barrier_id(%barrier3A)
    %scan3A = arith.constant 0 : i32
    %scan3A_5 = arith.constant 84 : i32
    %scan3A_6 = arith.addi %scan3A, %scan3A_5 : i32
    %scan3A_7 = arith.constant 1 : i32
    scf.for %scan3A_14 = %scan3A to %scan3A_6 step %scan3A_7  : i32 {
      %mul3A_15 = arith.constant 1 : i32
      %mul3A_16 = arith.muli %scan3A_14, %mul3A_15 : i32
      %add3A_17 = arith.constant 0 : i32
      %add3A_18 = arith.addi %add3A_17, %mul3A_16 : i32
      "tpu.region"() ({
        %run_scoped3A_19 = tpu.sem_alloc : memref<!tpu.dma_semaphore, #tpu.memory_space<semaphore_mem>>
        %dma_start3A = arith.constant 0 : i32
        %dma_start3A_20 = tpu.memref_slice %arg7[%add3A_18, %dma_start3A] : memref<84x128xi32, #tpu.memory_space<vmem>> -> memref<1x128xi32, #tpu.memory_space<vmem>>
        %dma_start3A_21 = tpu.memref_squeeze %dma_start3A_20 : memref<1x128xi32, #tpu.memory_space<vmem>> -> memref<128xi32, #tpu.memory_space<vmem>>
        %dma_start3A_22 = arith.constant 0 : i32
        %dma_start3A_23 = arith.constant 0 : i32
        %dma_start3A_24 = tpu.memref_slice %arg6[%dma_start3A_22, %dma_start3A_23] : memref<10240x16xf32, #tpu.memory_space<vmem_shared>> -> memref<10240x16xf32, #tpu.memory_space<vmem_shared>>
        tpu.enqueue_indirect_dma source(%arg8 : memref<128x16xf32, #tpu.memory_space<vmem>>) target(%dma_start3A_24 : memref<10240x16xf32, #tpu.memory_space<vmem_shared>>) offsets(%dma_start3A_21 : memref<128xi32, #tpu.memory_space<vmem>>) semaphore(%run_scoped3A_19 : memref<!tpu.dma_semaphore, #tpu.memory_space<semaphore_mem>>) {add = true}
        %dma_wait3A = arith.constant 0 : i32
        %dma_wait3A_25 = tpu.memref_slice %arg7[%add3A_18, %dma_wait3A] : memref<84x128xi32, #tpu.memory_space<vmem>> -> memref<1x128xi32, #tpu.memory_space<vmem>>
        %dma_wait3A_26 = tpu.memref_squeeze %dma_wait3A_25 : memref<1x128xi32, #tpu.memory_space<vmem>> -> memref<128xi32, #tpu.memory_space<vmem>>
        %dma_wait3A_27 = arith.constant 0 : i32
        %dma_wait3A_28 = arith.constant 0 : i32
        %dma_wait3A_29 = tpu.memref_slice %arg6[%dma_wait3A_27, %dma_wait3A_28] : memref<10240x16xf32, #tpu.memory_space<vmem_shared>> -> memref<10240x16xf32, #tpu.memory_space<vmem_shared>>
        tpu.wait_indirect_dma semaphore(%run_scoped3A_19 : memref<!tpu.dma_semaphore, #tpu.memory_space<semaphore_mem>>) src(%arg8 : memref<128x16xf32, #tpu.memory_space<vmem>>) dst(%dma_wait3A_29 : memref<10240x16xf32, #tpu.memory_space<vmem_shared>>)
        tpu.yield
      }) : () -> ()
    }
    %scan3A_8 = arith.constant 84 : i32
    %barrier3A_9 = arith.constant 0 : index
    tpu.barrier barrier_id(%barrier3A_9)
    %mul3A_10 = arith.constant 640 : i32
    %mul3A_11 = arith.muli %arg1, %mul3A_10 : i32
    %mul3A_12 = arith.constant 640 : i32
    %mul3A_13 = arith.muli %arg1, %mul3A_12 : i32
    "tpu.region"() ({
      %run_scoped3A_14 = tpu.sem_alloc : memref<!tpu.dma_semaphore, #tpu.memory_space<semaphore_mem>>
      %dma_start3A = arith.constant 0 : i32
      %dma_start3A_15 = tpu.memref_slice %arg5[%arg0, %mul3A_13, %dma_start3A] : memref<2x10240x16xf32, #tpu.memory_space<hbm>> -> memref<1x640x16xf32, #tpu.memory_space<hbm>>
      %dma_start3A_16 = tpu.memref_squeeze %dma_start3A_15 : memref<1x640x16xf32, #tpu.memory_space<hbm>> -> memref<640x16xf32, #tpu.memory_space<hbm>>
      %dma_start3A_17 = arith.constant 0 : i32
      %dma_start3A_18 = tpu.memref_slice %arg6[%mul3A_11, %dma_start3A_17] : memref<10240x16xf32, #tpu.memory_space<vmem_shared>> -> memref<640x16xf32, #tpu.memory_space<vmem_shared>>
      tpu.enqueue_dma source(%dma_start3A_18 : memref<640x16xf32, #tpu.memory_space<vmem_shared>>) target(%dma_start3A_16 : memref<640x16xf32, #tpu.memory_space<hbm>>) target_semaphore(%run_scoped3A_14 : memref<!tpu.dma_semaphore, #tpu.memory_space<semaphore_mem>>)
      %dma_wait3A = arith.constant 0 : i32
      %dma_wait3A_19 = tpu.memref_slice %arg5[%arg0, %mul3A_13, %dma_wait3A] : memref<2x10240x16xf32, #tpu.memory_space<hbm>> -> memref<1x640x16xf32, #tpu.memory_space<hbm>>
      %dma_wait3A_20 = tpu.memref_squeeze %dma_wait3A_19 : memref<1x640x16xf32, #tpu.memory_space<hbm>> -> memref<640x16xf32, #tpu.memory_space<hbm>>
      %dma_wait3A_21 = arith.constant 0 : i32
      %dma_wait3A_22 = tpu.memref_slice %arg6[%mul3A_11, %dma_wait3A_21] : memref<10240x16xf32, #tpu.memory_space<vmem_shared>> -> memref<640x16xf32, #tpu.memory_space<vmem_shared>>
      tpu.wait_dma2 semaphore(%run_scoped3A_14 : memref<!tpu.dma_semaphore, #tpu.memory_space<semaphore_mem>>) src(%dma_wait3A_22 : memref<640x16xf32, #tpu.memory_space<vmem_shared>>) dst(%dma_wait3A_20 : memref<640x16xf32, #tpu.memory_space<hbm>>)
      tpu.yield
    }) : () -> ()
    return
  }
}

#map = affine_map<(d0, d1) -> (0, 0)>
#map1 = affine_map<(d0, d1) -> (0, 0, 0)>
module attributes {stable_mosaic.version = 14 : i64} {
  func.func @_hop_kernel(%arg0: i32, %arg1: i32, %arg2: memref<10240x64xf32, #tpu.memory_space<hbm>>, %arg3: memref<32x84x128xi32, #tpu.memory_space<hbm>>, %arg4: memref<32x84x128xi32, #tpu.memory_space<hbm>>, %arg5: memref<10240x64xf32, #tpu.memory_space<hbm>>, %arg6: memref<2x10240x64xf32, #tpu.memory_space<hbm>>, %arg7: memref<10240x64xf32, #tpu.memory_space<vmem_shared>>, %arg8: memref<10240x64xf32, #tpu.memory_space<vmem_shared>>, %arg9: memref<28x128xi32, #tpu.memory_space<vmem>>, %arg10: memref<28x128xi32, #tpu.memory_space<vmem>>, %arg11: memref<128x64xf32, #tpu.memory_space<vmem>>, %arg12: memref<128x64xf32, #tpu.memory_space<vmem>>, %arg13: memref<128x64xf32, #tpu.memory_space<vmem>>, %arg14: memref<128x64xf32, #tpu.memory_space<vmem>>, %arg15: memref<!tpu.dma_semaphore, #tpu.memory_space<semaphore_mem>>, %arg16: memref<!tpu.dma_semaphore, #tpu.memory_space<semaphore_mem>>, %arg17: memref<!tpu.dma_semaphore, #tpu.memory_space<semaphore_mem>>, %arg18: memref<!tpu.dma_semaphore, #tpu.memory_space<semaphore_mem>>, %arg19: memref<!tpu.dma_semaphore, #tpu.memory_space<semaphore_mem>>, %arg20: memref<!tpu.dma_semaphore, #tpu.memory_space<semaphore_mem>>, %arg21: memref<!tpu.dma_semaphore, #tpu.memory_space<semaphore_mem>>, %arg22: memref<!tpu.dma_semaphore, #tpu.memory_space<semaphore_mem>>, %arg23: memref<!tpu.dma_semaphore, #tpu.memory_space<semaphore_mem>>, %arg24: memref<!tpu.dma_semaphore, #tpu.memory_space<semaphore_mem>>, %arg25: memref<!tpu.dma_semaphore, #tpu.memory_space<semaphore_mem>>, %arg26: memref<!tpu.dma_semaphore, #tpu.memory_space<semaphore_mem>>) attributes {dimension_semantics = [#tpu.dimension_semantics<core_parallel>, #tpu.dimension_semantics<subcore_parallel>], iteration_bounds = array<i64: 2, 16>, scalar_prefetch = 0 : i64, scratch_operands = 20 : i64, tpu.core_type = #tpu.core_type<sc_vector_subcore>, window_params = [{transform_indices = #map}, {transform_indices = #map1}, {transform_indices = #map1}, {transform_indices = #map}, {transform_indices = #map1}]} {
    %mul3A = arith.constant 16 : i32
    %mul3A_0 = arith.muli %arg0, %mul3A : i32
    %add3A = arith.addi %mul3A_0, %arg1 : i32
    %mul3A_1 = arith.constant 640 : i32
    %mul3A_2 = arith.muli %arg1, %mul3A_1 : i32
    %mul3A_3 = arith.constant 640 : i32
    %mul3A_4 = arith.muli %arg1, %mul3A_3 : i32
    "tpu.region"() ({
      %run_scoped3A = tpu.sem_alloc : memref<!tpu.dma_semaphore, #tpu.memory_space<semaphore_mem>>
      %dma_start3A = arith.constant 0 : i32
      %dma_start3A_18 = tpu.memref_slice %arg7[%mul3A_4, %dma_start3A] : memref<10240x64xf32, #tpu.memory_space<vmem_shared>> -> memref<640x64xf32, #tpu.memory_space<vmem_shared>>
      %dma_start3A_19 = arith.constant 0 : i32
      %dma_start3A_20 = tpu.memref_slice %arg5[%mul3A_2, %dma_start3A_19] : memref<10240x64xf32, #tpu.memory_space<hbm>> -> memref<640x64xf32, #tpu.memory_space<hbm>>
      tpu.enqueue_dma source(%dma_start3A_20 : memref<640x64xf32, #tpu.memory_space<hbm>>) target(%dma_start3A_18 : memref<640x64xf32, #tpu.memory_space<vmem_shared>>) target_semaphore(%run_scoped3A : memref<!tpu.dma_semaphore, #tpu.memory_space<semaphore_mem>>)
      %dma_wait3A = arith.constant 0 : i32
      %dma_wait3A_21 = tpu.memref_slice %arg7[%mul3A_4, %dma_wait3A] : memref<10240x64xf32, #tpu.memory_space<vmem_shared>> -> memref<640x64xf32, #tpu.memory_space<vmem_shared>>
      %dma_wait3A_22 = arith.constant 0 : i32
      %dma_wait3A_23 = tpu.memref_slice %arg5[%mul3A_2, %dma_wait3A_22] : memref<10240x64xf32, #tpu.memory_space<hbm>> -> memref<640x64xf32, #tpu.memory_space<hbm>>
      tpu.wait_dma2 semaphore(%run_scoped3A : memref<!tpu.dma_semaphore, #tpu.memory_space<semaphore_mem>>) src(%dma_wait3A_23 : memref<640x64xf32, #tpu.memory_space<hbm>>) dst(%dma_wait3A_21 : memref<640x64xf32, #tpu.memory_space<vmem_shared>>)
      tpu.yield
    }) : () -> ()
    %mul3A_5 = arith.constant 640 : i32
    %mul3A_6 = arith.muli %arg1, %mul3A_5 : i32
    %mul3A_7 = arith.constant 640 : i32
    %mul3A_8 = arith.muli %arg1, %mul3A_7 : i32
    "tpu.region"() ({
      %run_scoped3A = tpu.sem_alloc : memref<!tpu.dma_semaphore, #tpu.memory_space<semaphore_mem>>
      %dma_start3A = arith.constant 0 : i32
      %dma_start3A_18 = tpu.memref_slice %arg8[%mul3A_8, %dma_start3A] : memref<10240x64xf32, #tpu.memory_space<vmem_shared>> -> memref<640x64xf32, #tpu.memory_space<vmem_shared>>
      %dma_start3A_19 = arith.constant 0 : i32
      %dma_start3A_20 = tpu.memref_slice %arg2[%mul3A_6, %dma_start3A_19] : memref<10240x64xf32, #tpu.memory_space<hbm>> -> memref<640x64xf32, #tpu.memory_space<hbm>>
      tpu.enqueue_dma source(%dma_start3A_20 : memref<640x64xf32, #tpu.memory_space<hbm>>) target(%dma_start3A_18 : memref<640x64xf32, #tpu.memory_space<vmem_shared>>) target_semaphore(%run_scoped3A : memref<!tpu.dma_semaphore, #tpu.memory_space<semaphore_mem>>)
      %dma_wait3A = arith.constant 0 : i32
      %dma_wait3A_21 = tpu.memref_slice %arg8[%mul3A_8, %dma_wait3A] : memref<10240x64xf32, #tpu.memory_space<vmem_shared>> -> memref<640x64xf32, #tpu.memory_space<vmem_shared>>
      %dma_wait3A_22 = arith.constant 0 : i32
      %dma_wait3A_23 = tpu.memref_slice %arg2[%mul3A_6, %dma_wait3A_22] : memref<10240x64xf32, #tpu.memory_space<hbm>> -> memref<640x64xf32, #tpu.memory_space<hbm>>
      tpu.wait_dma2 semaphore(%run_scoped3A : memref<!tpu.dma_semaphore, #tpu.memory_space<semaphore_mem>>) src(%dma_wait3A_23 : memref<640x64xf32, #tpu.memory_space<hbm>>) dst(%dma_wait3A_21 : memref<640x64xf32, #tpu.memory_space<vmem_shared>>)
      tpu.yield
    }) : () -> ()
    %barrier3A = arith.constant 0 : index
    tpu.barrier barrier_id(%barrier3A)
    %scan3A = arith.constant 0 : i32
    %scan3A_9 = arith.constant 3 : i32
    %scan3A_10 = arith.addi %scan3A, %scan3A_9 : i32
    %scan3A_11 = arith.constant 1 : i32
    scf.for %scan3A_18 = %scan3A to %scan3A_10 step %scan3A_11  : i32 {
      %mul3A_19 = arith.constant 1 : i32
      %mul3A_20 = arith.muli %scan3A_18, %mul3A_19 : i32
      %add3A_21 = arith.constant 0 : i32
      %add3A_22 = arith.addi %add3A_21, %mul3A_20 : i32
      %mul3A_23 = arith.constant 28 : i32
      %mul3A_24 = arith.muli %add3A_22, %mul3A_23 : i32
      "tpu.region"() ({
        %run_scoped3A = tpu.sem_alloc : memref<!tpu.dma_semaphore, #tpu.memory_space<semaphore_mem>>
        %dma_start3A = arith.constant 0 : i32
        %dma_start3A_32 = tpu.memref_slice %arg3[%add3A, %mul3A_24, %dma_start3A] : memref<32x84x128xi32, #tpu.memory_space<hbm>> -> memref<1x28x128xi32, #tpu.memory_space<hbm>>
        %dma_start3A_33 = tpu.memref_squeeze %dma_start3A_32 : memref<1x28x128xi32, #tpu.memory_space<hbm>> -> memref<28x128xi32, #tpu.memory_space<hbm>>
        %dma_start3A_34 = arith.constant 0 : i32
        %dma_start3A_35 = tpu.memref_slice %arg3[%add3A, %mul3A_24, %dma_start3A_34] : memref<32x84x128xi32, #tpu.memory_space<hbm>> -> memref<1x28x128xi32, #tpu.memory_space<hbm>>
        %dma_start3A_36 = tpu.memref_squeeze %dma_start3A_35 : memref<1x28x128xi32, #tpu.memory_space<hbm>> -> memref<28x128xi32, #tpu.memory_space<hbm>>
        tpu.enqueue_dma source(%dma_start3A_36 : memref<28x128xi32, #tpu.memory_space<hbm>>) target(%arg9 : memref<28x128xi32, #tpu.memory_space<vmem>>) target_semaphore(%run_scoped3A : memref<!tpu.dma_semaphore, #tpu.memory_space<semaphore_mem>>)
        %dma_wait3A = arith.constant 0 : i32
        %dma_wait3A_37 = tpu.memref_slice %arg3[%add3A, %mul3A_24, %dma_wait3A] : memref<32x84x128xi32, #tpu.memory_space<hbm>> -> memref<1x28x128xi32, #tpu.memory_space<hbm>>
        %dma_wait3A_38 = tpu.memref_squeeze %dma_wait3A_37 : memref<1x28x128xi32, #tpu.memory_space<hbm>> -> memref<28x128xi32, #tpu.memory_space<hbm>>
        %dma_wait3A_39 = arith.constant 0 : i32
        %dma_wait3A_40 = tpu.memref_slice %arg3[%add3A, %mul3A_24, %dma_wait3A_39] : memref<32x84x128xi32, #tpu.memory_space<hbm>> -> memref<1x28x128xi32, #tpu.memory_space<hbm>>
        %dma_wait3A_41 = tpu.memref_squeeze %dma_wait3A_40 : memref<1x28x128xi32, #tpu.memory_space<hbm>> -> memref<28x128xi32, #tpu.memory_space<hbm>>
        tpu.wait_dma2 semaphore(%run_scoped3A : memref<!tpu.dma_semaphore, #tpu.memory_space<semaphore_mem>>) src(%dma_wait3A_41 : memref<28x128xi32, #tpu.memory_space<hbm>>) dst(%arg9 : memref<28x128xi32, #tpu.memory_space<vmem>>)
        tpu.yield
      }) : () -> ()
      %mul3A_25 = arith.constant 28 : i32
      %mul3A_26 = arith.muli %add3A_22, %mul3A_25 : i32
      "tpu.region"() ({
        %run_scoped3A = tpu.sem_alloc : memref<!tpu.dma_semaphore, #tpu.memory_space<semaphore_mem>>
        %dma_start3A = arith.constant 0 : i32
        %dma_start3A_32 = tpu.memref_slice %arg4[%add3A, %mul3A_26, %dma_start3A] : memref<32x84x128xi32, #tpu.memory_space<hbm>> -> memref<1x28x128xi32, #tpu.memory_space<hbm>>
        %dma_start3A_33 = tpu.memref_squeeze %dma_start3A_32 : memref<1x28x128xi32, #tpu.memory_space<hbm>> -> memref<28x128xi32, #tpu.memory_space<hbm>>
        %dma_start3A_34 = arith.constant 0 : i32
        %dma_start3A_35 = tpu.memref_slice %arg4[%add3A, %mul3A_26, %dma_start3A_34] : memref<32x84x128xi32, #tpu.memory_space<hbm>> -> memref<1x28x128xi32, #tpu.memory_space<hbm>>
        %dma_start3A_36 = tpu.memref_squeeze %dma_start3A_35 : memref<1x28x128xi32, #tpu.memory_space<hbm>> -> memref<28x128xi32, #tpu.memory_space<hbm>>
        tpu.enqueue_dma source(%dma_start3A_36 : memref<28x128xi32, #tpu.memory_space<hbm>>) target(%arg10 : memref<28x128xi32, #tpu.memory_space<vmem>>) target_semaphore(%run_scoped3A : memref<!tpu.dma_semaphore, #tpu.memory_space<semaphore_mem>>)
        %dma_wait3A = arith.constant 0 : i32
        %dma_wait3A_37 = tpu.memref_slice %arg4[%add3A, %mul3A_26, %dma_wait3A] : memref<32x84x128xi32, #tpu.memory_space<hbm>> -> memref<1x28x128xi32, #tpu.memory_space<hbm>>
        %dma_wait3A_38 = tpu.memref_squeeze %dma_wait3A_37 : memref<1x28x128xi32, #tpu.memory_space<hbm>> -> memref<28x128xi32, #tpu.memory_space<hbm>>
        %dma_wait3A_39 = arith.constant 0 : i32
        %dma_wait3A_40 = tpu.memref_slice %arg4[%add3A, %mul3A_26, %dma_wait3A_39] : memref<32x84x128xi32, #tpu.memory_space<hbm>> -> memref<1x28x128xi32, #tpu.memory_space<hbm>>
        %dma_wait3A_41 = tpu.memref_squeeze %dma_wait3A_40 : memref<1x28x128xi32, #tpu.memory_space<hbm>> -> memref<28x128xi32, #tpu.memory_space<hbm>>
        tpu.wait_dma2 semaphore(%run_scoped3A : memref<!tpu.dma_semaphore, #tpu.memory_space<semaphore_mem>>) src(%dma_wait3A_41 : memref<28x128xi32, #tpu.memory_space<hbm>>) dst(%arg10 : memref<28x128xi32, #tpu.memory_space<vmem>>)
        tpu.yield
      }) : () -> ()
      %scan3A_27 = arith.constant 0 : i32
      %scan3A_28 = arith.constant 7 : i32
      %scan3A_29 = arith.addi %scan3A_27, %scan3A_28 : i32
      %scan3A_30 = arith.constant 1 : i32
      scf.for %scan3A_32 = %scan3A_27 to %scan3A_29 step %scan3A_30  : i32 {
        %mul3A_33 = arith.constant 4 : i32
        %mul3A_34 = arith.muli %scan3A_32, %mul3A_33 : i32
        %add3A_35 = arith.constant 0 : i32
        %add3A_36 = arith.addi %add3A_35, %mul3A_34 : i32
        %add3A_37 = arith.constant 0 : i32
        %add3A_38 = arith.addi %add3A_36, %add3A_37 : i32
        %dma_start3A = arith.constant 0 : i32
        %dma_start3A_39 = tpu.memref_slice %arg9[%add3A_38, %dma_start3A] : memref<28x128xi32, #tpu.memory_space<vmem>> -> memref<1x128xi32, #tpu.memory_space<vmem>>
        %dma_start3A_40 = tpu.memref_squeeze %dma_start3A_39 : memref<1x128xi32, #tpu.memory_space<vmem>> -> memref<128xi32, #tpu.memory_space<vmem>>
        %dma_start3A_41 = arith.constant 0 : i32
        %dma_start3A_42 = arith.constant 0 : i32
        %dma_start3A_43 = tpu.memref_slice %arg8[%dma_start3A_41, %dma_start3A_42] : memref<10240x64xf32, #tpu.memory_space<vmem_shared>> -> memref<10240x64xf32, #tpu.memory_space<vmem_shared>>
        tpu.enqueue_indirect_dma source(%dma_start3A_43 : memref<10240x64xf32, #tpu.memory_space<vmem_shared>>) target(%arg11 : memref<128x64xf32, #tpu.memory_space<vmem>>) offsets(%dma_start3A_40 : memref<128xi32, #tpu.memory_space<vmem>>) semaphore(%arg15 : memref<!tpu.dma_semaphore, #tpu.memory_space<semaphore_mem>>)
        %add3A_44 = arith.constant 1 : i32
        %add3A_45 = arith.addi %add3A_36, %add3A_44 : i32
        %dma_start3A_46 = arith.constant 0 : i32
        %dma_start3A_47 = tpu.memref_slice %arg9[%add3A_45, %dma_start3A_46] : memref<28x128xi32, #tpu.memory_space<vmem>> -> memref<1x128xi32, #tpu.memory_space<vmem>>
        %dma_start3A_48 = tpu.memref_squeeze %dma_start3A_47 : memref<1x128xi32, #tpu.memory_space<vmem>> -> memref<128xi32, #tpu.memory_space<vmem>>
        %dma_start3A_49 = arith.constant 0 : i32
        %dma_start3A_50 = arith.constant 0 : i32
        %dma_start3A_51 = tpu.memref_slice %arg8[%dma_start3A_49, %dma_start3A_50] : memref<10240x64xf32, #tpu.memory_space<vmem_shared>> -> memref<10240x64xf32, #tpu.memory_space<vmem_shared>>
        tpu.enqueue_indirect_dma source(%dma_start3A_51 : memref<10240x64xf32, #tpu.memory_space<vmem_shared>>) target(%arg12 : memref<128x64xf32, #tpu.memory_space<vmem>>) offsets(%dma_start3A_48 : memref<128xi32, #tpu.memory_space<vmem>>) semaphore(%arg16 : memref<!tpu.dma_semaphore, #tpu.memory_space<semaphore_mem>>)
        %add3A_52 = arith.constant 2 : i32
        %add3A_53 = arith.addi %add3A_36, %add3A_52 : i32
        %dma_start3A_54 = arith.constant 0 : i32
        %dma_start3A_55 = tpu.memref_slice %arg9[%add3A_53, %dma_start3A_54] : memref<28x128xi32, #tpu.memory_space<vmem>> -> memref<1x128xi32, #tpu.memory_space<vmem>>
        %dma_start3A_56 = tpu.memref_squeeze %dma_start3A_55 : memref<1x128xi32, #tpu.memory_space<vmem>> -> memref<128xi32, #tpu.memory_space<vmem>>
        %dma_start3A_57 = arith.constant 0 : i32
        %dma_start3A_58 = arith.constant 0 : i32
        %dma_start3A_59 = tpu.memref_slice %arg8[%dma_start3A_57, %dma_start3A_58] : memref<10240x64xf32, #tpu.memory_space<vmem_shared>> -> memref<10240x64xf32, #tpu.memory_space<vmem_shared>>
        tpu.enqueue_indirect_dma source(%dma_start3A_59 : memref<10240x64xf32, #tpu.memory_space<vmem_shared>>) target(%arg13 : memref<128x64xf32, #tpu.memory_space<vmem>>) offsets(%dma_start3A_56 : memref<128xi32, #tpu.memory_space<vmem>>) semaphore(%arg17 : memref<!tpu.dma_semaphore, #tpu.memory_space<semaphore_mem>>)
        %add3A_60 = arith.constant 3 : i32
        %add3A_61 = arith.addi %add3A_36, %add3A_60 : i32
        %dma_start3A_62 = arith.constant 0 : i32
        %dma_start3A_63 = tpu.memref_slice %arg9[%add3A_61, %dma_start3A_62] : memref<28x128xi32, #tpu.memory_space<vmem>> -> memref<1x128xi32, #tpu.memory_space<vmem>>
        %dma_start3A_64 = tpu.memref_squeeze %dma_start3A_63 : memref<1x128xi32, #tpu.memory_space<vmem>> -> memref<128xi32, #tpu.memory_space<vmem>>
        %dma_start3A_65 = arith.constant 0 : i32
        %dma_start3A_66 = arith.constant 0 : i32
        %dma_start3A_67 = tpu.memref_slice %arg8[%dma_start3A_65, %dma_start3A_66] : memref<10240x64xf32, #tpu.memory_space<vmem_shared>> -> memref<10240x64xf32, #tpu.memory_space<vmem_shared>>
        tpu.enqueue_indirect_dma source(%dma_start3A_67 : memref<10240x64xf32, #tpu.memory_space<vmem_shared>>) target(%arg14 : memref<128x64xf32, #tpu.memory_space<vmem>>) offsets(%dma_start3A_64 : memref<128xi32, #tpu.memory_space<vmem>>) semaphore(%arg18 : memref<!tpu.dma_semaphore, #tpu.memory_space<semaphore_mem>>)
        %dma_wait3A = arith.constant 0 : i32
        %dma_wait3A_68 = tpu.memref_slice %arg9[%add3A_38, %dma_wait3A] : memref<28x128xi32, #tpu.memory_space<vmem>> -> memref<1x128xi32, #tpu.memory_space<vmem>>
        %dma_wait3A_69 = tpu.memref_squeeze %dma_wait3A_68 : memref<1x128xi32, #tpu.memory_space<vmem>> -> memref<128xi32, #tpu.memory_space<vmem>>
        %dma_wait3A_70 = arith.constant 0 : i32
        %dma_wait3A_71 = arith.constant 0 : i32
        %dma_wait3A_72 = tpu.memref_slice %arg8[%dma_wait3A_70, %dma_wait3A_71] : memref<10240x64xf32, #tpu.memory_space<vmem_shared>> -> memref<10240x64xf32, #tpu.memory_space<vmem_shared>>
        tpu.wait_indirect_dma semaphore(%arg15 : memref<!tpu.dma_semaphore, #tpu.memory_space<semaphore_mem>>) src(%dma_wait3A_72 : memref<10240x64xf32, #tpu.memory_space<vmem_shared>>) dst(%arg11 : memref<128x64xf32, #tpu.memory_space<vmem>>)
        %add3A_73 = arith.constant 0 : i32
        %add3A_74 = arith.addi %add3A_36, %add3A_73 : i32
        %dma_start3A_75 = arith.constant 0 : i32
        %dma_start3A_76 = tpu.memref_slice %arg10[%add3A_74, %dma_start3A_75] : memref<28x128xi32, #tpu.memory_space<vmem>> -> memref<1x128xi32, #tpu.memory_space<vmem>>
        %dma_start3A_77 = tpu.memref_squeeze %dma_start3A_76 : memref<1x128xi32, #tpu.memory_space<vmem>> -> memref<128xi32, #tpu.memory_space<vmem>>
        %dma_start3A_78 = arith.constant 0 : i32
        %dma_start3A_79 = arith.constant 0 : i32
        %dma_start3A_80 = tpu.memref_slice %arg7[%dma_start3A_78, %dma_start3A_79] : memref<10240x64xf32, #tpu.memory_space<vmem_shared>> -> memref<10240x64xf32, #tpu.memory_space<vmem_shared>>
        tpu.enqueue_indirect_dma source(%arg11 : memref<128x64xf32, #tpu.memory_space<vmem>>) target(%dma_start3A_80 : memref<10240x64xf32, #tpu.memory_space<vmem_shared>>) offsets(%dma_start3A_77 : memref<128xi32, #tpu.memory_space<vmem>>) semaphore(%arg19 : memref<!tpu.dma_semaphore, #tpu.memory_space<semaphore_mem>>) {add = true}
        %dma_wait3A_81 = arith.constant 0 : i32
        %dma_wait3A_82 = tpu.memref_slice %arg9[%add3A_45, %dma_wait3A_81] : memref<28x128xi32, #tpu.memory_space<vmem>> -> memref<1x128xi32, #tpu.memory_space<vmem>>
        %dma_wait3A_83 = tpu.memref_squeeze %dma_wait3A_82 : memref<1x128xi32, #tpu.memory_space<vmem>> -> memref<128xi32, #tpu.memory_space<vmem>>
        %dma_wait3A_84 = arith.constant 0 : i32
        %dma_wait3A_85 = arith.constant 0 : i32
        %dma_wait3A_86 = tpu.memref_slice %arg8[%dma_wait3A_84, %dma_wait3A_85] : memref<10240x64xf32, #tpu.memory_space<vmem_shared>> -> memref<10240x64xf32, #tpu.memory_space<vmem_shared>>
        tpu.wait_indirect_dma semaphore(%arg16 : memref<!tpu.dma_semaphore, #tpu.memory_space<semaphore_mem>>) src(%dma_wait3A_86 : memref<10240x64xf32, #tpu.memory_space<vmem_shared>>) dst(%arg12 : memref<128x64xf32, #tpu.memory_space<vmem>>)
        %add3A_87 = arith.constant 1 : i32
        %add3A_88 = arith.addi %add3A_36, %add3A_87 : i32
        %dma_start3A_89 = arith.constant 0 : i32
        %dma_start3A_90 = tpu.memref_slice %arg10[%add3A_88, %dma_start3A_89] : memref<28x128xi32, #tpu.memory_space<vmem>> -> memref<1x128xi32, #tpu.memory_space<vmem>>
        %dma_start3A_91 = tpu.memref_squeeze %dma_start3A_90 : memref<1x128xi32, #tpu.memory_space<vmem>> -> memref<128xi32, #tpu.memory_space<vmem>>
        %dma_start3A_92 = arith.constant 0 : i32
        %dma_start3A_93 = arith.constant 0 : i32
        %dma_start3A_94 = tpu.memref_slice %arg7[%dma_start3A_92, %dma_start3A_93] : memref<10240x64xf32, #tpu.memory_space<vmem_shared>> -> memref<10240x64xf32, #tpu.memory_space<vmem_shared>>
        tpu.enqueue_indirect_dma source(%arg12 : memref<128x64xf32, #tpu.memory_space<vmem>>) target(%dma_start3A_94 : memref<10240x64xf32, #tpu.memory_space<vmem_shared>>) offsets(%dma_start3A_91 : memref<128xi32, #tpu.memory_space<vmem>>) semaphore(%arg20 : memref<!tpu.dma_semaphore, #tpu.memory_space<semaphore_mem>>) {add = true}
        %dma_wait3A_95 = arith.constant 0 : i32
        %dma_wait3A_96 = tpu.memref_slice %arg9[%add3A_53, %dma_wait3A_95] : memref<28x128xi32, #tpu.memory_space<vmem>> -> memref<1x128xi32, #tpu.memory_space<vmem>>
        %dma_wait3A_97 = tpu.memref_squeeze %dma_wait3A_96 : memref<1x128xi32, #tpu.memory_space<vmem>> -> memref<128xi32, #tpu.memory_space<vmem>>
        %dma_wait3A_98 = arith.constant 0 : i32
        %dma_wait3A_99 = arith.constant 0 : i32
        %dma_wait3A_100 = tpu.memref_slice %arg8[%dma_wait3A_98, %dma_wait3A_99] : memref<10240x64xf32, #tpu.memory_space<vmem_shared>> -> memref<10240x64xf32, #tpu.memory_space<vmem_shared>>
        tpu.wait_indirect_dma semaphore(%arg17 : memref<!tpu.dma_semaphore, #tpu.memory_space<semaphore_mem>>) src(%dma_wait3A_100 : memref<10240x64xf32, #tpu.memory_space<vmem_shared>>) dst(%arg13 : memref<128x64xf32, #tpu.memory_space<vmem>>)
        %add3A_101 = arith.constant 2 : i32
        %add3A_102 = arith.addi %add3A_36, %add3A_101 : i32
        %dma_start3A_103 = arith.constant 0 : i32
        %dma_start3A_104 = tpu.memref_slice %arg10[%add3A_102, %dma_start3A_103] : memref<28x128xi32, #tpu.memory_space<vmem>> -> memref<1x128xi32, #tpu.memory_space<vmem>>
        %dma_start3A_105 = tpu.memref_squeeze %dma_start3A_104 : memref<1x128xi32, #tpu.memory_space<vmem>> -> memref<128xi32, #tpu.memory_space<vmem>>
        %dma_start3A_106 = arith.constant 0 : i32
        %dma_start3A_107 = arith.constant 0 : i32
        %dma_start3A_108 = tpu.memref_slice %arg7[%dma_start3A_106, %dma_start3A_107] : memref<10240x64xf32, #tpu.memory_space<vmem_shared>> -> memref<10240x64xf32, #tpu.memory_space<vmem_shared>>
        tpu.enqueue_indirect_dma source(%arg13 : memref<128x64xf32, #tpu.memory_space<vmem>>) target(%dma_start3A_108 : memref<10240x64xf32, #tpu.memory_space<vmem_shared>>) offsets(%dma_start3A_105 : memref<128xi32, #tpu.memory_space<vmem>>) semaphore(%arg21 : memref<!tpu.dma_semaphore, #tpu.memory_space<semaphore_mem>>) {add = true}
        %dma_wait3A_109 = arith.constant 0 : i32
        %dma_wait3A_110 = tpu.memref_slice %arg9[%add3A_61, %dma_wait3A_109] : memref<28x128xi32, #tpu.memory_space<vmem>> -> memref<1x128xi32, #tpu.memory_space<vmem>>
        %dma_wait3A_111 = tpu.memref_squeeze %dma_wait3A_110 : memref<1x128xi32, #tpu.memory_space<vmem>> -> memref<128xi32, #tpu.memory_space<vmem>>
        %dma_wait3A_112 = arith.constant 0 : i32
        %dma_wait3A_113 = arith.constant 0 : i32
        %dma_wait3A_114 = tpu.memref_slice %arg8[%dma_wait3A_112, %dma_wait3A_113] : memref<10240x64xf32, #tpu.memory_space<vmem_shared>> -> memref<10240x64xf32, #tpu.memory_space<vmem_shared>>
        tpu.wait_indirect_dma semaphore(%arg18 : memref<!tpu.dma_semaphore, #tpu.memory_space<semaphore_mem>>) src(%dma_wait3A_114 : memref<10240x64xf32, #tpu.memory_space<vmem_shared>>) dst(%arg14 : memref<128x64xf32, #tpu.memory_space<vmem>>)
        %add3A_115 = arith.constant 3 : i32
        %add3A_116 = arith.addi %add3A_36, %add3A_115 : i32
        %dma_start3A_117 = arith.constant 0 : i32
        %dma_start3A_118 = tpu.memref_slice %arg10[%add3A_116, %dma_start3A_117] : memref<28x128xi32, #tpu.memory_space<vmem>> -> memref<1x128xi32, #tpu.memory_space<vmem>>
        %dma_start3A_119 = tpu.memref_squeeze %dma_start3A_118 : memref<1x128xi32, #tpu.memory_space<vmem>> -> memref<128xi32, #tpu.memory_space<vmem>>
        %dma_start3A_120 = arith.constant 0 : i32
        %dma_start3A_121 = arith.constant 0 : i32
        %dma_start3A_122 = tpu.memref_slice %arg7[%dma_start3A_120, %dma_start3A_121] : memref<10240x64xf32, #tpu.memory_space<vmem_shared>> -> memref<10240x64xf32, #tpu.memory_space<vmem_shared>>
        tpu.enqueue_indirect_dma source(%arg14 : memref<128x64xf32, #tpu.memory_space<vmem>>) target(%dma_start3A_122 : memref<10240x64xf32, #tpu.memory_space<vmem_shared>>) offsets(%dma_start3A_119 : memref<128xi32, #tpu.memory_space<vmem>>) semaphore(%arg22 : memref<!tpu.dma_semaphore, #tpu.memory_space<semaphore_mem>>) {add = true}
        %dma_wait3A_123 = arith.constant 0 : i32
        %dma_wait3A_124 = tpu.memref_slice %arg10[%add3A_74, %dma_wait3A_123] : memref<28x128xi32, #tpu.memory_space<vmem>> -> memref<1x128xi32, #tpu.memory_space<vmem>>
        %dma_wait3A_125 = tpu.memref_squeeze %dma_wait3A_124 : memref<1x128xi32, #tpu.memory_space<vmem>> -> memref<128xi32, #tpu.memory_space<vmem>>
        %dma_wait3A_126 = arith.constant 0 : i32
        %dma_wait3A_127 = arith.constant 0 : i32
        %dma_wait3A_128 = tpu.memref_slice %arg7[%dma_wait3A_126, %dma_wait3A_127] : memref<10240x64xf32, #tpu.memory_space<vmem_shared>> -> memref<10240x64xf32, #tpu.memory_space<vmem_shared>>
        tpu.wait_indirect_dma semaphore(%arg19 : memref<!tpu.dma_semaphore, #tpu.memory_space<semaphore_mem>>) src(%arg11 : memref<128x64xf32, #tpu.memory_space<vmem>>) dst(%dma_wait3A_128 : memref<10240x64xf32, #tpu.memory_space<vmem_shared>>)
        %dma_wait3A_129 = arith.constant 0 : i32
        %dma_wait3A_130 = tpu.memref_slice %arg10[%add3A_88, %dma_wait3A_129] : memref<28x128xi32, #tpu.memory_space<vmem>> -> memref<1x128xi32, #tpu.memory_space<vmem>>
        %dma_wait3A_131 = tpu.memref_squeeze %dma_wait3A_130 : memref<1x128xi32, #tpu.memory_space<vmem>> -> memref<128xi32, #tpu.memory_space<vmem>>
        %dma_wait3A_132 = arith.constant 0 : i32
        %dma_wait3A_133 = arith.constant 0 : i32
        %dma_wait3A_134 = tpu.memref_slice %arg7[%dma_wait3A_132, %dma_wait3A_133] : memref<10240x64xf32, #tpu.memory_space<vmem_shared>> -> memref<10240x64xf32, #tpu.memory_space<vmem_shared>>
        tpu.wait_indirect_dma semaphore(%arg20 : memref<!tpu.dma_semaphore, #tpu.memory_space<semaphore_mem>>) src(%arg12 : memref<128x64xf32, #tpu.memory_space<vmem>>) dst(%dma_wait3A_134 : memref<10240x64xf32, #tpu.memory_space<vmem_shared>>)
        %dma_wait3A_135 = arith.constant 0 : i32
        %dma_wait3A_136 = tpu.memref_slice %arg10[%add3A_102, %dma_wait3A_135] : memref<28x128xi32, #tpu.memory_space<vmem>> -> memref<1x128xi32, #tpu.memory_space<vmem>>
        %dma_wait3A_137 = tpu.memref_squeeze %dma_wait3A_136 : memref<1x128xi32, #tpu.memory_space<vmem>> -> memref<128xi32, #tpu.memory_space<vmem>>
        %dma_wait3A_138 = arith.constant 0 : i32
        %dma_wait3A_139 = arith.constant 0 : i32
        %dma_wait3A_140 = tpu.memref_slice %arg7[%dma_wait3A_138, %dma_wait3A_139] : memref<10240x64xf32, #tpu.memory_space<vmem_shared>> -> memref<10240x64xf32, #tpu.memory_space<vmem_shared>>
        tpu.wait_indirect_dma semaphore(%arg21 : memref<!tpu.dma_semaphore, #tpu.memory_space<semaphore_mem>>) src(%arg13 : memref<128x64xf32, #tpu.memory_space<vmem>>) dst(%dma_wait3A_140 : memref<10240x64xf32, #tpu.memory_space<vmem_shared>>)
        %dma_wait3A_141 = arith.constant 0 : i32
        %dma_wait3A_142 = tpu.memref_slice %arg10[%add3A_116, %dma_wait3A_141] : memref<28x128xi32, #tpu.memory_space<vmem>> -> memref<1x128xi32, #tpu.memory_space<vmem>>
        %dma_wait3A_143 = tpu.memref_squeeze %dma_wait3A_142 : memref<1x128xi32, #tpu.memory_space<vmem>> -> memref<128xi32, #tpu.memory_space<vmem>>
        %dma_wait3A_144 = arith.constant 0 : i32
        %dma_wait3A_145 = arith.constant 0 : i32
        %dma_wait3A_146 = tpu.memref_slice %arg7[%dma_wait3A_144, %dma_wait3A_145] : memref<10240x64xf32, #tpu.memory_space<vmem_shared>> -> memref<10240x64xf32, #tpu.memory_space<vmem_shared>>
        tpu.wait_indirect_dma semaphore(%arg22 : memref<!tpu.dma_semaphore, #tpu.memory_space<semaphore_mem>>) src(%arg14 : memref<128x64xf32, #tpu.memory_space<vmem>>) dst(%dma_wait3A_146 : memref<10240x64xf32, #tpu.memory_space<vmem_shared>>)
      }
      %scan3A_31 = arith.constant 7 : i32
    }
    %scan3A_12 = arith.constant 3 : i32
    %barrier3A_13 = arith.constant 0 : index
    tpu.barrier barrier_id(%barrier3A_13)
    %mul3A_14 = arith.constant 640 : i32
    %mul3A_15 = arith.muli %arg1, %mul3A_14 : i32
    %mul3A_16 = arith.constant 640 : i32
    %mul3A_17 = arith.muli %arg1, %mul3A_16 : i32
    "tpu.region"() ({
      %run_scoped3A = tpu.sem_alloc : memref<!tpu.dma_semaphore, #tpu.memory_space<semaphore_mem>>
      %dma_start3A = arith.constant 0 : i32
      %dma_start3A_18 = tpu.memref_slice %arg6[%arg0, %mul3A_17, %dma_start3A] : memref<2x10240x64xf32, #tpu.memory_space<hbm>> -> memref<1x640x64xf32, #tpu.memory_space<hbm>>
      %dma_start3A_19 = tpu.memref_squeeze %dma_start3A_18 : memref<1x640x64xf32, #tpu.memory_space<hbm>> -> memref<640x64xf32, #tpu.memory_space<hbm>>
      %dma_start3A_20 = arith.constant 0 : i32
      %dma_start3A_21 = tpu.memref_slice %arg7[%mul3A_15, %dma_start3A_20] : memref<10240x64xf32, #tpu.memory_space<vmem_shared>> -> memref<640x64xf32, #tpu.memory_space<vmem_shared>>
      tpu.enqueue_dma source(%dma_start3A_21 : memref<640x64xf32, #tpu.memory_space<vmem_shared>>) target(%dma_start3A_19 : memref<640x64xf32, #tpu.memory_space<hbm>>) target_semaphore(%run_scoped3A : memref<!tpu.dma_semaphore, #tpu.memory_space<semaphore_mem>>)
      %dma_wait3A = arith.constant 0 : i32
      %dma_wait3A_22 = tpu.memref_slice %arg6[%arg0, %mul3A_17, %dma_wait3A] : memref<2x10240x64xf32, #tpu.memory_space<hbm>> -> memref<1x640x64xf32, #tpu.memory_space<hbm>>
      %dma_wait3A_23 = tpu.memref_squeeze %dma_wait3A_22 : memref<1x640x64xf32, #tpu.memory_space<hbm>> -> memref<640x64xf32, #tpu.memory_space<hbm>>
      %dma_wait3A_24 = arith.constant 0 : i32
      %dma_wait3A_25 = tpu.memref_slice %arg7[%mul3A_15, %dma_wait3A_24] : memref<10240x64xf32, #tpu.memory_space<vmem_shared>> -> memref<640x64xf32, #tpu.memory_space<vmem_shared>>
      tpu.wait_dma2 semaphore(%run_scoped3A : memref<!tpu.dma_semaphore, #tpu.memory_space<semaphore_mem>>) src(%dma_wait3A_25 : memref<640x64xf32, #tpu.memory_space<vmem_shared>>) dst(%dma_wait3A_23 : memref<640x64xf32, #tpu.memory_space<hbm>>)
      tpu.yield
    }) : () -> ()
    return
  }
}

#map = affine_map<(d0, d1) -> (0, 0)>
#map1 = affine_map<(d0, d1) -> (0, 0, 0)>
module attributes {stable_mosaic.version = 14 : i64} {
  func.func @_hop_kernel(%arg0: i32, %arg1: i32, %arg2: memref<10240x64xf32, #tpu.memory_space<hbm>>, %arg3: memref<32x84x128xi32, #tpu.memory_space<hbm>>, %arg4: memref<32x84x128xi32, #tpu.memory_space<hbm>>, %arg5: memref<10240x64xf32, #tpu.memory_space<hbm>>, %arg6: memref<2x10240x64xf32, #tpu.memory_space<hbm>>, %arg7: memref<10240x64xf32, #tpu.memory_space<vmem_shared>>, %arg8: memref<10240x64xf32, #tpu.memory_space<vmem_shared>>, %arg9: memref<28x128xi32, #tpu.memory_space<vmem>>, %arg10: memref<28x128xi32, #tpu.memory_space<vmem>>, %arg11: memref<128x64xf32, #tpu.memory_space<vmem>>, %arg12: memref<128x64xf32, #tpu.memory_space<vmem>>, %arg13: memref<128x64xf32, #tpu.memory_space<vmem>>, %arg14: memref<128x64xf32, #tpu.memory_space<vmem>>, %arg15: memref<!tpu.dma_semaphore, #tpu.memory_space<semaphore_mem>>, %arg16: memref<!tpu.dma_semaphore, #tpu.memory_space<semaphore_mem>>, %arg17: memref<!tpu.dma_semaphore, #tpu.memory_space<semaphore_mem>>, %arg18: memref<!tpu.dma_semaphore, #tpu.memory_space<semaphore_mem>>, %arg19: memref<!tpu.dma_semaphore, #tpu.memory_space<semaphore_mem>>, %arg20: memref<!tpu.dma_semaphore, #tpu.memory_space<semaphore_mem>>, %arg21: memref<!tpu.dma_semaphore, #tpu.memory_space<semaphore_mem>>, %arg22: memref<!tpu.dma_semaphore, #tpu.memory_space<semaphore_mem>>, %arg23: memref<!tpu.dma_semaphore, #tpu.memory_space<semaphore_mem>>, %arg24: memref<!tpu.dma_semaphore, #tpu.memory_space<semaphore_mem>>, %arg25: memref<!tpu.dma_semaphore, #tpu.memory_space<semaphore_mem>>, %arg26: memref<!tpu.dma_semaphore, #tpu.memory_space<semaphore_mem>>) attributes {dimension_semantics = [#tpu.dimension_semantics<core_parallel>, #tpu.dimension_semantics<subcore_parallel>], iteration_bounds = array<i64: 2, 16>, scalar_prefetch = 0 : i64, scratch_operands = 20 : i64, tpu.core_type = #tpu.core_type<sc_vector_subcore>, window_params = [{transform_indices = #map}, {transform_indices = #map1}, {transform_indices = #map1}, {transform_indices = #map}, {transform_indices = #map1}]} {
    %mul3A = arith.constant 16 : i32
    %mul3A_0 = arith.muli %arg0, %mul3A : i32
    %add3A = arith.addi %mul3A_0, %arg1 : i32
    %mul3A_1 = arith.constant 640 : i32
    %mul3A_2 = arith.muli %arg1, %mul3A_1 : i32
    %mul3A_3 = arith.constant 640 : i32
    %mul3A_4 = arith.muli %arg1, %mul3A_3 : i32
    "tpu.region"() ({
      %run_scoped3A = tpu.sem_alloc : memref<!tpu.dma_semaphore, #tpu.memory_space<semaphore_mem>>
      %dma_start3A = arith.constant 0 : i32
      %dma_start3A_18 = tpu.memref_slice %arg7[%mul3A_4, %dma_start3A] : memref<10240x64xf32, #tpu.memory_space<vmem_shared>> -> memref<640x64xf32, #tpu.memory_space<vmem_shared>>
      %dma_start3A_19 = arith.constant 0 : i32
      %dma_start3A_20 = tpu.memref_slice %arg5[%mul3A_2, %dma_start3A_19] : memref<10240x64xf32, #tpu.memory_space<hbm>> -> memref<640x64xf32, #tpu.memory_space<hbm>>
      tpu.enqueue_dma source(%dma_start3A_20 : memref<640x64xf32, #tpu.memory_space<hbm>>) target(%dma_start3A_18 : memref<640x64xf32, #tpu.memory_space<vmem_shared>>) target_semaphore(%run_scoped3A : memref<!tpu.dma_semaphore, #tpu.memory_space<semaphore_mem>>)
      %dma_wait3A = arith.constant 0 : i32
      %dma_wait3A_21 = tpu.memref_slice %arg7[%mul3A_4, %dma_wait3A] : memref<10240x64xf32, #tpu.memory_space<vmem_shared>> -> memref<640x64xf32, #tpu.memory_space<vmem_shared>>
      %dma_wait3A_22 = arith.constant 0 : i32
      %dma_wait3A_23 = tpu.memref_slice %arg5[%mul3A_2, %dma_wait3A_22] : memref<10240x64xf32, #tpu.memory_space<hbm>> -> memref<640x64xf32, #tpu.memory_space<hbm>>
      tpu.wait_dma2 semaphore(%run_scoped3A : memref<!tpu.dma_semaphore, #tpu.memory_space<semaphore_mem>>) src(%dma_wait3A_23 : memref<640x64xf32, #tpu.memory_space<hbm>>) dst(%dma_wait3A_21 : memref<640x64xf32, #tpu.memory_space<vmem_shared>>)
      tpu.yield
    }) : () -> ()
    %mul3A_5 = arith.constant 640 : i32
    %mul3A_6 = arith.muli %arg1, %mul3A_5 : i32
    %mul3A_7 = arith.constant 640 : i32
    %mul3A_8 = arith.muli %arg1, %mul3A_7 : i32
    "tpu.region"() ({
      %run_scoped3A = tpu.sem_alloc : memref<!tpu.dma_semaphore, #tpu.memory_space<semaphore_mem>>
      %dma_start3A = arith.constant 0 : i32
      %dma_start3A_18 = tpu.memref_slice %arg8[%mul3A_8, %dma_start3A] : memref<10240x64xf32, #tpu.memory_space<vmem_shared>> -> memref<640x64xf32, #tpu.memory_space<vmem_shared>>
      %dma_start3A_19 = arith.constant 0 : i32
      %dma_start3A_20 = tpu.memref_slice %arg2[%mul3A_6, %dma_start3A_19] : memref<10240x64xf32, #tpu.memory_space<hbm>> -> memref<640x64xf32, #tpu.memory_space<hbm>>
      tpu.enqueue_dma source(%dma_start3A_20 : memref<640x64xf32, #tpu.memory_space<hbm>>) target(%dma_start3A_18 : memref<640x64xf32, #tpu.memory_space<vmem_shared>>) target_semaphore(%run_scoped3A : memref<!tpu.dma_semaphore, #tpu.memory_space<semaphore_mem>>)
      %dma_wait3A = arith.constant 0 : i32
      %dma_wait3A_21 = tpu.memref_slice %arg8[%mul3A_8, %dma_wait3A] : memref<10240x64xf32, #tpu.memory_space<vmem_shared>> -> memref<640x64xf32, #tpu.memory_space<vmem_shared>>
      %dma_wait3A_22 = arith.constant 0 : i32
      %dma_wait3A_23 = tpu.memref_slice %arg2[%mul3A_6, %dma_wait3A_22] : memref<10240x64xf32, #tpu.memory_space<hbm>> -> memref<640x64xf32, #tpu.memory_space<hbm>>
      tpu.wait_dma2 semaphore(%run_scoped3A : memref<!tpu.dma_semaphore, #tpu.memory_space<semaphore_mem>>) src(%dma_wait3A_23 : memref<640x64xf32, #tpu.memory_space<hbm>>) dst(%dma_wait3A_21 : memref<640x64xf32, #tpu.memory_space<vmem_shared>>)
      tpu.yield
    }) : () -> ()
    %barrier3A = arith.constant 0 : index
    tpu.barrier barrier_id(%barrier3A)
    %scan3A = arith.constant 0 : i32
    %scan3A_9 = arith.constant 3 : i32
    %scan3A_10 = arith.addi %scan3A, %scan3A_9 : i32
    %scan3A_11 = arith.constant 1 : i32
    scf.for %scan3A_18 = %scan3A to %scan3A_10 step %scan3A_11  : i32 {
      %mul3A_19 = arith.constant 1 : i32
      %mul3A_20 = arith.muli %scan3A_18, %mul3A_19 : i32
      %add3A_21 = arith.constant 0 : i32
      %add3A_22 = arith.addi %add3A_21, %mul3A_20 : i32
      %mul3A_23 = arith.constant 28 : i32
      %mul3A_24 = arith.muli %add3A_22, %mul3A_23 : i32
      "tpu.region"() ({
        %run_scoped3A = tpu.sem_alloc : memref<!tpu.dma_semaphore, #tpu.memory_space<semaphore_mem>>
        %dma_start3A = arith.constant 0 : i32
        %dma_start3A_32 = tpu.memref_slice %arg3[%add3A, %mul3A_24, %dma_start3A] : memref<32x84x128xi32, #tpu.memory_space<hbm>> -> memref<1x28x128xi32, #tpu.memory_space<hbm>>
        %dma_start3A_33 = tpu.memref_squeeze %dma_start3A_32 : memref<1x28x128xi32, #tpu.memory_space<hbm>> -> memref<28x128xi32, #tpu.memory_space<hbm>>
        %dma_start3A_34 = arith.constant 0 : i32
        %dma_start3A_35 = tpu.memref_slice %arg3[%add3A, %mul3A_24, %dma_start3A_34] : memref<32x84x128xi32, #tpu.memory_space<hbm>> -> memref<1x28x128xi32, #tpu.memory_space<hbm>>
        %dma_start3A_36 = tpu.memref_squeeze %dma_start3A_35 : memref<1x28x128xi32, #tpu.memory_space<hbm>> -> memref<28x128xi32, #tpu.memory_space<hbm>>
        tpu.enqueue_dma source(%dma_start3A_36 : memref<28x128xi32, #tpu.memory_space<hbm>>) target(%arg9 : memref<28x128xi32, #tpu.memory_space<vmem>>) target_semaphore(%run_scoped3A : memref<!tpu.dma_semaphore, #tpu.memory_space<semaphore_mem>>)
        %dma_wait3A = arith.constant 0 : i32
        %dma_wait3A_37 = tpu.memref_slice %arg3[%add3A, %mul3A_24, %dma_wait3A] : memref<32x84x128xi32, #tpu.memory_space<hbm>> -> memref<1x28x128xi32, #tpu.memory_space<hbm>>
        %dma_wait3A_38 = tpu.memref_squeeze %dma_wait3A_37 : memref<1x28x128xi32, #tpu.memory_space<hbm>> -> memref<28x128xi32, #tpu.memory_space<hbm>>
        %dma_wait3A_39 = arith.constant 0 : i32
        %dma_wait3A_40 = tpu.memref_slice %arg3[%add3A, %mul3A_24, %dma_wait3A_39] : memref<32x84x128xi32, #tpu.memory_space<hbm>> -> memref<1x28x128xi32, #tpu.memory_space<hbm>>
        %dma_wait3A_41 = tpu.memref_squeeze %dma_wait3A_40 : memref<1x28x128xi32, #tpu.memory_space<hbm>> -> memref<28x128xi32, #tpu.memory_space<hbm>>
        tpu.wait_dma2 semaphore(%run_scoped3A : memref<!tpu.dma_semaphore, #tpu.memory_space<semaphore_mem>>) src(%dma_wait3A_41 : memref<28x128xi32, #tpu.memory_space<hbm>>) dst(%arg9 : memref<28x128xi32, #tpu.memory_space<vmem>>)
        tpu.yield
      }) : () -> ()
      %mul3A_25 = arith.constant 28 : i32
      %mul3A_26 = arith.muli %add3A_22, %mul3A_25 : i32
      "tpu.region"() ({
        %run_scoped3A = tpu.sem_alloc : memref<!tpu.dma_semaphore, #tpu.memory_space<semaphore_mem>>
        %dma_start3A = arith.constant 0 : i32
        %dma_start3A_32 = tpu.memref_slice %arg4[%add3A, %mul3A_26, %dma_start3A] : memref<32x84x128xi32, #tpu.memory_space<hbm>> -> memref<1x28x128xi32, #tpu.memory_space<hbm>>
        %dma_start3A_33 = tpu.memref_squeeze %dma_start3A_32 : memref<1x28x128xi32, #tpu.memory_space<hbm>> -> memref<28x128xi32, #tpu.memory_space<hbm>>
        %dma_start3A_34 = arith.constant 0 : i32
        %dma_start3A_35 = tpu.memref_slice %arg4[%add3A, %mul3A_26, %dma_start3A_34] : memref<32x84x128xi32, #tpu.memory_space<hbm>> -> memref<1x28x128xi32, #tpu.memory_space<hbm>>
        %dma_start3A_36 = tpu.memref_squeeze %dma_start3A_35 : memref<1x28x128xi32, #tpu.memory_space<hbm>> -> memref<28x128xi32, #tpu.memory_space<hbm>>
        tpu.enqueue_dma source(%dma_start3A_36 : memref<28x128xi32, #tpu.memory_space<hbm>>) target(%arg10 : memref<28x128xi32, #tpu.memory_space<vmem>>) target_semaphore(%run_scoped3A : memref<!tpu.dma_semaphore, #tpu.memory_space<semaphore_mem>>)
        %dma_wait3A = arith.constant 0 : i32
        %dma_wait3A_37 = tpu.memref_slice %arg4[%add3A, %mul3A_26, %dma_wait3A] : memref<32x84x128xi32, #tpu.memory_space<hbm>> -> memref<1x28x128xi32, #tpu.memory_space<hbm>>
        %dma_wait3A_38 = tpu.memref_squeeze %dma_wait3A_37 : memref<1x28x128xi32, #tpu.memory_space<hbm>> -> memref<28x128xi32, #tpu.memory_space<hbm>>
        %dma_wait3A_39 = arith.constant 0 : i32
        %dma_wait3A_40 = tpu.memref_slice %arg4[%add3A, %mul3A_26, %dma_wait3A_39] : memref<32x84x128xi32, #tpu.memory_space<hbm>> -> memref<1x28x128xi32, #tpu.memory_space<hbm>>
        %dma_wait3A_41 = tpu.memref_squeeze %dma_wait3A_40 : memref<1x28x128xi32, #tpu.memory_space<hbm>> -> memref<28x128xi32, #tpu.memory_space<hbm>>
        tpu.wait_dma2 semaphore(%run_scoped3A : memref<!tpu.dma_semaphore, #tpu.memory_space<semaphore_mem>>) src(%dma_wait3A_41 : memref<28x128xi32, #tpu.memory_space<hbm>>) dst(%arg10 : memref<28x128xi32, #tpu.memory_space<vmem>>)
        tpu.yield
      }) : () -> ()
      %scan3A_27 = arith.constant 0 : i32
      %scan3A_28 = arith.constant 7 : i32
      %scan3A_29 = arith.addi %scan3A_27, %scan3A_28 : i32
      %scan3A_30 = arith.constant 1 : i32
      scf.for %scan3A_32 = %scan3A_27 to %scan3A_29 step %scan3A_30  : i32 {
        %mul3A_33 = arith.constant 4 : i32
        %mul3A_34 = arith.muli %scan3A_32, %mul3A_33 : i32
        %add3A_35 = arith.constant 0 : i32
        %add3A_36 = arith.addi %add3A_35, %mul3A_34 : i32
        %add3A_37 = arith.constant 0 : i32
        %add3A_38 = arith.addi %add3A_36, %add3A_37 : i32
        %dma_start3A = arith.constant 0 : i32
        %dma_start3A_39 = tpu.memref_slice %arg9[%add3A_38, %dma_start3A] : memref<28x128xi32, #tpu.memory_space<vmem>> -> memref<1x128xi32, #tpu.memory_space<vmem>>
        %dma_start3A_40 = tpu.memref_squeeze %dma_start3A_39 : memref<1x128xi32, #tpu.memory_space<vmem>> -> memref<128xi32, #tpu.memory_space<vmem>>
        %dma_start3A_41 = arith.constant 0 : i32
        %dma_start3A_42 = arith.constant 0 : i32
        %dma_start3A_43 = tpu.memref_slice %arg8[%dma_start3A_41, %dma_start3A_42] : memref<10240x64xf32, #tpu.memory_space<vmem_shared>> -> memref<10240x64xf32, #tpu.memory_space<vmem_shared>>
        tpu.enqueue_indirect_dma source(%dma_start3A_43 : memref<10240x64xf32, #tpu.memory_space<vmem_shared>>) target(%arg11 : memref<128x64xf32, #tpu.memory_space<vmem>>) offsets(%dma_start3A_40 : memref<128xi32, #tpu.memory_space<vmem>>) semaphore(%arg15 : memref<!tpu.dma_semaphore, #tpu.memory_space<semaphore_mem>>)
        %add3A_44 = arith.constant 1 : i32
        %add3A_45 = arith.addi %add3A_36, %add3A_44 : i32
        %dma_start3A_46 = arith.constant 0 : i32
        %dma_start3A_47 = tpu.memref_slice %arg9[%add3A_45, %dma_start3A_46] : memref<28x128xi32, #tpu.memory_space<vmem>> -> memref<1x128xi32, #tpu.memory_space<vmem>>
        %dma_start3A_48 = tpu.memref_squeeze %dma_start3A_47 : memref<1x128xi32, #tpu.memory_space<vmem>> -> memref<128xi32, #tpu.memory_space<vmem>>
        %dma_start3A_49 = arith.constant 0 : i32
        %dma_start3A_50 = arith.constant 0 : i32
        %dma_start3A_51 = tpu.memref_slice %arg8[%dma_start3A_49, %dma_start3A_50] : memref<10240x64xf32, #tpu.memory_space<vmem_shared>> -> memref<10240x64xf32, #tpu.memory_space<vmem_shared>>
        tpu.enqueue_indirect_dma source(%dma_start3A_51 : memref<10240x64xf32, #tpu.memory_space<vmem_shared>>) target(%arg12 : memref<128x64xf32, #tpu.memory_space<vmem>>) offsets(%dma_start3A_48 : memref<128xi32, #tpu.memory_space<vmem>>) semaphore(%arg16 : memref<!tpu.dma_semaphore, #tpu.memory_space<semaphore_mem>>)
        %add3A_52 = arith.constant 2 : i32
        %add3A_53 = arith.addi %add3A_36, %add3A_52 : i32
        %dma_start3A_54 = arith.constant 0 : i32
        %dma_start3A_55 = tpu.memref_slice %arg9[%add3A_53, %dma_start3A_54] : memref<28x128xi32, #tpu.memory_space<vmem>> -> memref<1x128xi32, #tpu.memory_space<vmem>>
        %dma_start3A_56 = tpu.memref_squeeze %dma_start3A_55 : memref<1x128xi32, #tpu.memory_space<vmem>> -> memref<128xi32, #tpu.memory_space<vmem>>
        %dma_start3A_57 = arith.constant 0 : i32
        %dma_start3A_58 = arith.constant 0 : i32
        %dma_start3A_59 = tpu.memref_slice %arg8[%dma_start3A_57, %dma_start3A_58] : memref<10240x64xf32, #tpu.memory_space<vmem_shared>> -> memref<10240x64xf32, #tpu.memory_space<vmem_shared>>
        tpu.enqueue_indirect_dma source(%dma_start3A_59 : memref<10240x64xf32, #tpu.memory_space<vmem_shared>>) target(%arg13 : memref<128x64xf32, #tpu.memory_space<vmem>>) offsets(%dma_start3A_56 : memref<128xi32, #tpu.memory_space<vmem>>) semaphore(%arg17 : memref<!tpu.dma_semaphore, #tpu.memory_space<semaphore_mem>>)
        %add3A_60 = arith.constant 3 : i32
        %add3A_61 = arith.addi %add3A_36, %add3A_60 : i32
        %dma_start3A_62 = arith.constant 0 : i32
        %dma_start3A_63 = tpu.memref_slice %arg9[%add3A_61, %dma_start3A_62] : memref<28x128xi32, #tpu.memory_space<vmem>> -> memref<1x128xi32, #tpu.memory_space<vmem>>
        %dma_start3A_64 = tpu.memref_squeeze %dma_start3A_63 : memref<1x128xi32, #tpu.memory_space<vmem>> -> memref<128xi32, #tpu.memory_space<vmem>>
        %dma_start3A_65 = arith.constant 0 : i32
        %dma_start3A_66 = arith.constant 0 : i32
        %dma_start3A_67 = tpu.memref_slice %arg8[%dma_start3A_65, %dma_start3A_66] : memref<10240x64xf32, #tpu.memory_space<vmem_shared>> -> memref<10240x64xf32, #tpu.memory_space<vmem_shared>>
        tpu.enqueue_indirect_dma source(%dma_start3A_67 : memref<10240x64xf32, #tpu.memory_space<vmem_shared>>) target(%arg14 : memref<128x64xf32, #tpu.memory_space<vmem>>) offsets(%dma_start3A_64 : memref<128xi32, #tpu.memory_space<vmem>>) semaphore(%arg18 : memref<!tpu.dma_semaphore, #tpu.memory_space<semaphore_mem>>)
        %dma_wait3A = arith.constant 0 : i32
        %dma_wait3A_68 = tpu.memref_slice %arg9[%add3A_38, %dma_wait3A] : memref<28x128xi32, #tpu.memory_space<vmem>> -> memref<1x128xi32, #tpu.memory_space<vmem>>
        %dma_wait3A_69 = tpu.memref_squeeze %dma_wait3A_68 : memref<1x128xi32, #tpu.memory_space<vmem>> -> memref<128xi32, #tpu.memory_space<vmem>>
        %dma_wait3A_70 = arith.constant 0 : i32
        %dma_wait3A_71 = arith.constant 0 : i32
        %dma_wait3A_72 = tpu.memref_slice %arg8[%dma_wait3A_70, %dma_wait3A_71] : memref<10240x64xf32, #tpu.memory_space<vmem_shared>> -> memref<10240x64xf32, #tpu.memory_space<vmem_shared>>
        tpu.wait_indirect_dma semaphore(%arg15 : memref<!tpu.dma_semaphore, #tpu.memory_space<semaphore_mem>>) src(%dma_wait3A_72 : memref<10240x64xf32, #tpu.memory_space<vmem_shared>>) dst(%arg11 : memref<128x64xf32, #tpu.memory_space<vmem>>)
        %add3A_73 = arith.constant 0 : i32
        %add3A_74 = arith.addi %add3A_36, %add3A_73 : i32
        %dma_start3A_75 = arith.constant 0 : i32
        %dma_start3A_76 = tpu.memref_slice %arg10[%add3A_74, %dma_start3A_75] : memref<28x128xi32, #tpu.memory_space<vmem>> -> memref<1x128xi32, #tpu.memory_space<vmem>>
        %dma_start3A_77 = tpu.memref_squeeze %dma_start3A_76 : memref<1x128xi32, #tpu.memory_space<vmem>> -> memref<128xi32, #tpu.memory_space<vmem>>
        %dma_start3A_78 = arith.constant 0 : i32
        %dma_start3A_79 = arith.constant 0 : i32
        %dma_start3A_80 = tpu.memref_slice %arg7[%dma_start3A_78, %dma_start3A_79] : memref<10240x64xf32, #tpu.memory_space<vmem_shared>> -> memref<10240x64xf32, #tpu.memory_space<vmem_shared>>
        tpu.enqueue_indirect_dma source(%arg11 : memref<128x64xf32, #tpu.memory_space<vmem>>) target(%dma_start3A_80 : memref<10240x64xf32, #tpu.memory_space<vmem_shared>>) offsets(%dma_start3A_77 : memref<128xi32, #tpu.memory_space<vmem>>) semaphore(%arg19 : memref<!tpu.dma_semaphore, #tpu.memory_space<semaphore_mem>>) {add = true}
        %dma_wait3A_81 = arith.constant 0 : i32
        %dma_wait3A_82 = tpu.memref_slice %arg9[%add3A_45, %dma_wait3A_81] : memref<28x128xi32, #tpu.memory_space<vmem>> -> memref<1x128xi32, #tpu.memory_space<vmem>>
        %dma_wait3A_83 = tpu.memref_squeeze %dma_wait3A_82 : memref<1x128xi32, #tpu.memory_space<vmem>> -> memref<128xi32, #tpu.memory_space<vmem>>
        %dma_wait3A_84 = arith.constant 0 : i32
        %dma_wait3A_85 = arith.constant 0 : i32
        %dma_wait3A_86 = tpu.memref_slice %arg8[%dma_wait3A_84, %dma_wait3A_85] : memref<10240x64xf32, #tpu.memory_space<vmem_shared>> -> memref<10240x64xf32, #tpu.memory_space<vmem_shared>>
        tpu.wait_indirect_dma semaphore(%arg16 : memref<!tpu.dma_semaphore, #tpu.memory_space<semaphore_mem>>) src(%dma_wait3A_86 : memref<10240x64xf32, #tpu.memory_space<vmem_shared>>) dst(%arg12 : memref<128x64xf32, #tpu.memory_space<vmem>>)
        %add3A_87 = arith.constant 1 : i32
        %add3A_88 = arith.addi %add3A_36, %add3A_87 : i32
        %dma_start3A_89 = arith.constant 0 : i32
        %dma_start3A_90 = tpu.memref_slice %arg10[%add3A_88, %dma_start3A_89] : memref<28x128xi32, #tpu.memory_space<vmem>> -> memref<1x128xi32, #tpu.memory_space<vmem>>
        %dma_start3A_91 = tpu.memref_squeeze %dma_start3A_90 : memref<1x128xi32, #tpu.memory_space<vmem>> -> memref<128xi32, #tpu.memory_space<vmem>>
        %dma_start3A_92 = arith.constant 0 : i32
        %dma_start3A_93 = arith.constant 0 : i32
        %dma_start3A_94 = tpu.memref_slice %arg7[%dma_start3A_92, %dma_start3A_93] : memref<10240x64xf32, #tpu.memory_space<vmem_shared>> -> memref<10240x64xf32, #tpu.memory_space<vmem_shared>>
        tpu.enqueue_indirect_dma source(%arg12 : memref<128x64xf32, #tpu.memory_space<vmem>>) target(%dma_start3A_94 : memref<10240x64xf32, #tpu.memory_space<vmem_shared>>) offsets(%dma_start3A_91 : memref<128xi32, #tpu.memory_space<vmem>>) semaphore(%arg20 : memref<!tpu.dma_semaphore, #tpu.memory_space<semaphore_mem>>) {add = true}
        %dma_wait3A_95 = arith.constant 0 : i32
        %dma_wait3A_96 = tpu.memref_slice %arg9[%add3A_53, %dma_wait3A_95] : memref<28x128xi32, #tpu.memory_space<vmem>> -> memref<1x128xi32, #tpu.memory_space<vmem>>
        %dma_wait3A_97 = tpu.memref_squeeze %dma_wait3A_96 : memref<1x128xi32, #tpu.memory_space<vmem>> -> memref<128xi32, #tpu.memory_space<vmem>>
        %dma_wait3A_98 = arith.constant 0 : i32
        %dma_wait3A_99 = arith.constant 0 : i32
        %dma_wait3A_100 = tpu.memref_slice %arg8[%dma_wait3A_98, %dma_wait3A_99] : memref<10240x64xf32, #tpu.memory_space<vmem_shared>> -> memref<10240x64xf32, #tpu.memory_space<vmem_shared>>
        tpu.wait_indirect_dma semaphore(%arg17 : memref<!tpu.dma_semaphore, #tpu.memory_space<semaphore_mem>>) src(%dma_wait3A_100 : memref<10240x64xf32, #tpu.memory_space<vmem_shared>>) dst(%arg13 : memref<128x64xf32, #tpu.memory_space<vmem>>)
        %add3A_101 = arith.constant 2 : i32
        %add3A_102 = arith.addi %add3A_36, %add3A_101 : i32
        %dma_start3A_103 = arith.constant 0 : i32
        %dma_start3A_104 = tpu.memref_slice %arg10[%add3A_102, %dma_start3A_103] : memref<28x128xi32, #tpu.memory_space<vmem>> -> memref<1x128xi32, #tpu.memory_space<vmem>>
        %dma_start3A_105 = tpu.memref_squeeze %dma_start3A_104 : memref<1x128xi32, #tpu.memory_space<vmem>> -> memref<128xi32, #tpu.memory_space<vmem>>
        %dma_start3A_106 = arith.constant 0 : i32
        %dma_start3A_107 = arith.constant 0 : i32
        %dma_start3A_108 = tpu.memref_slice %arg7[%dma_start3A_106, %dma_start3A_107] : memref<10240x64xf32, #tpu.memory_space<vmem_shared>> -> memref<10240x64xf32, #tpu.memory_space<vmem_shared>>
        tpu.enqueue_indirect_dma source(%arg13 : memref<128x64xf32, #tpu.memory_space<vmem>>) target(%dma_start3A_108 : memref<10240x64xf32, #tpu.memory_space<vmem_shared>>) offsets(%dma_start3A_105 : memref<128xi32, #tpu.memory_space<vmem>>) semaphore(%arg21 : memref<!tpu.dma_semaphore, #tpu.memory_space<semaphore_mem>>) {add = true}
        %dma_wait3A_109 = arith.constant 0 : i32
        %dma_wait3A_110 = tpu.memref_slice %arg9[%add3A_61, %dma_wait3A_109] : memref<28x128xi32, #tpu.memory_space<vmem>> -> memref<1x128xi32, #tpu.memory_space<vmem>>
        %dma_wait3A_111 = tpu.memref_squeeze %dma_wait3A_110 : memref<1x128xi32, #tpu.memory_space<vmem>> -> memref<128xi32, #tpu.memory_space<vmem>>
        %dma_wait3A_112 = arith.constant 0 : i32
        %dma_wait3A_113 = arith.constant 0 : i32
        %dma_wait3A_114 = tpu.memref_slice %arg8[%dma_wait3A_112, %dma_wait3A_113] : memref<10240x64xf32, #tpu.memory_space<vmem_shared>> -> memref<10240x64xf32, #tpu.memory_space<vmem_shared>>
        tpu.wait_indirect_dma semaphore(%arg18 : memref<!tpu.dma_semaphore, #tpu.memory_space<semaphore_mem>>) src(%dma_wait3A_114 : memref<10240x64xf32, #tpu.memory_space<vmem_shared>>) dst(%arg14 : memref<128x64xf32, #tpu.memory_space<vmem>>)
        %add3A_115 = arith.constant 3 : i32
        %add3A_116 = arith.addi %add3A_36, %add3A_115 : i32
        %dma_start3A_117 = arith.constant 0 : i32
        %dma_start3A_118 = tpu.memref_slice %arg10[%add3A_116, %dma_start3A_117] : memref<28x128xi32, #tpu.memory_space<vmem>> -> memref<1x128xi32, #tpu.memory_space<vmem>>
        %dma_start3A_119 = tpu.memref_squeeze %dma_start3A_118 : memref<1x128xi32, #tpu.memory_space<vmem>> -> memref<128xi32, #tpu.memory_space<vmem>>
        %dma_start3A_120 = arith.constant 0 : i32
        %dma_start3A_121 = arith.constant 0 : i32
        %dma_start3A_122 = tpu.memref_slice %arg7[%dma_start3A_120, %dma_start3A_121] : memref<10240x64xf32, #tpu.memory_space<vmem_shared>> -> memref<10240x64xf32, #tpu.memory_space<vmem_shared>>
        tpu.enqueue_indirect_dma source(%arg14 : memref<128x64xf32, #tpu.memory_space<vmem>>) target(%dma_start3A_122 : memref<10240x64xf32, #tpu.memory_space<vmem_shared>>) offsets(%dma_start3A_119 : memref<128xi32, #tpu.memory_space<vmem>>) semaphore(%arg22 : memref<!tpu.dma_semaphore, #tpu.memory_space<semaphore_mem>>) {add = true}
        %dma_wait3A_123 = arith.constant 0 : i32
        %dma_wait3A_124 = tpu.memref_slice %arg10[%add3A_74, %dma_wait3A_123] : memref<28x128xi32, #tpu.memory_space<vmem>> -> memref<1x128xi32, #tpu.memory_space<vmem>>
        %dma_wait3A_125 = tpu.memref_squeeze %dma_wait3A_124 : memref<1x128xi32, #tpu.memory_space<vmem>> -> memref<128xi32, #tpu.memory_space<vmem>>
        %dma_wait3A_126 = arith.constant 0 : i32
        %dma_wait3A_127 = arith.constant 0 : i32
        %dma_wait3A_128 = tpu.memref_slice %arg7[%dma_wait3A_126, %dma_wait3A_127] : memref<10240x64xf32, #tpu.memory_space<vmem_shared>> -> memref<10240x64xf32, #tpu.memory_space<vmem_shared>>
        tpu.wait_indirect_dma semaphore(%arg19 : memref<!tpu.dma_semaphore, #tpu.memory_space<semaphore_mem>>) src(%arg11 : memref<128x64xf32, #tpu.memory_space<vmem>>) dst(%dma_wait3A_128 : memref<10240x64xf32, #tpu.memory_space<vmem_shared>>)
        %dma_wait3A_129 = arith.constant 0 : i32
        %dma_wait3A_130 = tpu.memref_slice %arg10[%add3A_88, %dma_wait3A_129] : memref<28x128xi32, #tpu.memory_space<vmem>> -> memref<1x128xi32, #tpu.memory_space<vmem>>
        %dma_wait3A_131 = tpu.memref_squeeze %dma_wait3A_130 : memref<1x128xi32, #tpu.memory_space<vmem>> -> memref<128xi32, #tpu.memory_space<vmem>>
        %dma_wait3A_132 = arith.constant 0 : i32
        %dma_wait3A_133 = arith.constant 0 : i32
        %dma_wait3A_134 = tpu.memref_slice %arg7[%dma_wait3A_132, %dma_wait3A_133] : memref<10240x64xf32, #tpu.memory_space<vmem_shared>> -> memref<10240x64xf32, #tpu.memory_space<vmem_shared>>
        tpu.wait_indirect_dma semaphore(%arg20 : memref<!tpu.dma_semaphore, #tpu.memory_space<semaphore_mem>>) src(%arg12 : memref<128x64xf32, #tpu.memory_space<vmem>>) dst(%dma_wait3A_134 : memref<10240x64xf32, #tpu.memory_space<vmem_shared>>)
        %dma_wait3A_135 = arith.constant 0 : i32
        %dma_wait3A_136 = tpu.memref_slice %arg10[%add3A_102, %dma_wait3A_135] : memref<28x128xi32, #tpu.memory_space<vmem>> -> memref<1x128xi32, #tpu.memory_space<vmem>>
        %dma_wait3A_137 = tpu.memref_squeeze %dma_wait3A_136 : memref<1x128xi32, #tpu.memory_space<vmem>> -> memref<128xi32, #tpu.memory_space<vmem>>
        %dma_wait3A_138 = arith.constant 0 : i32
        %dma_wait3A_139 = arith.constant 0 : i32
        %dma_wait3A_140 = tpu.memref_slice %arg7[%dma_wait3A_138, %dma_wait3A_139] : memref<10240x64xf32, #tpu.memory_space<vmem_shared>> -> memref<10240x64xf32, #tpu.memory_space<vmem_shared>>
        tpu.wait_indirect_dma semaphore(%arg21 : memref<!tpu.dma_semaphore, #tpu.memory_space<semaphore_mem>>) src(%arg13 : memref<128x64xf32, #tpu.memory_space<vmem>>) dst(%dma_wait3A_140 : memref<10240x64xf32, #tpu.memory_space<vmem_shared>>)
        %dma_wait3A_141 = arith.constant 0 : i32
        %dma_wait3A_142 = tpu.memref_slice %arg10[%add3A_116, %dma_wait3A_141] : memref<28x128xi32, #tpu.memory_space<vmem>> -> memref<1x128xi32, #tpu.memory_space<vmem>>
        %dma_wait3A_143 = tpu.memref_squeeze %dma_wait3A_142 : memref<1x128xi32, #tpu.memory_space<vmem>> -> memref<128xi32, #tpu.memory_space<vmem>>
        %dma_wait3A_144 = arith.constant 0 : i32
        %dma_wait3A_145 = arith.constant 0 : i32
        %dma_wait3A_146 = tpu.memref_slice %arg7[%dma_wait3A_144, %dma_wait3A_145] : memref<10240x64xf32, #tpu.memory_space<vmem_shared>> -> memref<10240x64xf32, #tpu.memory_space<vmem_shared>>
        tpu.wait_indirect_dma semaphore(%arg22 : memref<!tpu.dma_semaphore, #tpu.memory_space<semaphore_mem>>) src(%arg14 : memref<128x64xf32, #tpu.memory_space<vmem>>) dst(%dma_wait3A_146 : memref<10240x64xf32, #tpu.memory_space<vmem_shared>>)
      }
      %scan3A_31 = arith.constant 7 : i32
    }
    %scan3A_12 = arith.constant 3 : i32
    %barrier3A_13 = arith.constant 0 : index
    tpu.barrier barrier_id(%barrier3A_13)
    %mul3A_14 = arith.constant 640 : i32
    %mul3A_15 = arith.muli %arg1, %mul3A_14 : i32
    %mul3A_16 = arith.constant 640 : i32
    %mul3A_17 = arith.muli %arg1, %mul3A_16 : i32
    "tpu.region"() ({
      %run_scoped3A = tpu.sem_alloc : memref<!tpu.dma_semaphore, #tpu.memory_space<semaphore_mem>>
      %dma_start3A = arith.constant 0 : i32
      %dma_start3A_18 = tpu.memref_slice %arg6[%arg0, %mul3A_17, %dma_start3A] : memref<2x10240x64xf32, #tpu.memory_space<hbm>> -> memref<1x640x64xf32, #tpu.memory_space<hbm>>
      %dma_start3A_19 = tpu.memref_squeeze %dma_start3A_18 : memref<1x640x64xf32, #tpu.memory_space<hbm>> -> memref<640x64xf32, #tpu.memory_space<hbm>>
      %dma_start3A_20 = arith.constant 0 : i32
      %dma_start3A_21 = tpu.memref_slice %arg7[%mul3A_15, %dma_start3A_20] : memref<10240x64xf32, #tpu.memory_space<vmem_shared>> -> memref<640x64xf32, #tpu.memory_space<vmem_shared>>
      tpu.enqueue_dma source(%dma_start3A_21 : memref<640x64xf32, #tpu.memory_space<vmem_shared>>) target(%dma_start3A_19 : memref<640x64xf32, #tpu.memory_space<hbm>>) target_semaphore(%run_scoped3A : memref<!tpu.dma_semaphore, #tpu.memory_space<semaphore_mem>>)
      %dma_wait3A = arith.constant 0 : i32
      %dma_wait3A_22 = tpu.memref_slice %arg6[%arg0, %mul3A_17, %dma_wait3A] : memref<2x10240x64xf32, #tpu.memory_space<hbm>> -> memref<1x640x64xf32, #tpu.memory_space<hbm>>
      %dma_wait3A_23 = tpu.memref_squeeze %dma_wait3A_22 : memref<1x640x64xf32, #tpu.memory_space<hbm>> -> memref<640x64xf32, #tpu.memory_space<hbm>>
      %dma_wait3A_24 = arith.constant 0 : i32
      %dma_wait3A_25 = tpu.memref_slice %arg7[%mul3A_15, %dma_wait3A_24] : memref<10240x64xf32, #tpu.memory_space<vmem_shared>> -> memref<640x64xf32, #tpu.memory_space<vmem_shared>>
      tpu.wait_dma2 semaphore(%run_scoped3A : memref<!tpu.dma_semaphore, #tpu.memory_space<semaphore_mem>>) src(%dma_wait3A_25 : memref<640x64xf32, #tpu.memory_space<vmem_shared>>) dst(%dma_wait3A_23 : memref<640x64xf32, #tpu.memory_space<hbm>>)
      tpu.yield
    }) : () -> ()
    return
  }
}

#map = affine_map<(d0, d1) -> (0, 0)>
#map1 = affine_map<(d0, d1) -> (0, 0, 0)>
module attributes {stable_mosaic.version = 14 : i64} {
  func.func @_hop_kernel(%arg0: i32, %arg1: i32, %arg2: memref<10240x64xf32, #tpu.memory_space<hbm>>, %arg3: memref<32x84x128xi32, #tpu.memory_space<hbm>>, %arg4: memref<32x84x128xi32, #tpu.memory_space<hbm>>, %arg5: memref<10240x64xf32, #tpu.memory_space<hbm>>, %arg6: memref<2x10240x64xf32, #tpu.memory_space<hbm>>, %arg7: memref<10240x64xf32, #tpu.memory_space<vmem_shared>>, %arg8: memref<10240x64xf32, #tpu.memory_space<vmem_shared>>, %arg9: memref<28x128xi32, #tpu.memory_space<vmem>>, %arg10: memref<28x128xi32, #tpu.memory_space<vmem>>, %arg11: memref<128x64xf32, #tpu.memory_space<vmem>>, %arg12: memref<128x64xf32, #tpu.memory_space<vmem>>, %arg13: memref<128x64xf32, #tpu.memory_space<vmem>>, %arg14: memref<128x64xf32, #tpu.memory_space<vmem>>, %arg15: memref<!tpu.dma_semaphore, #tpu.memory_space<semaphore_mem>>, %arg16: memref<!tpu.dma_semaphore, #tpu.memory_space<semaphore_mem>>, %arg17: memref<!tpu.dma_semaphore, #tpu.memory_space<semaphore_mem>>, %arg18: memref<!tpu.dma_semaphore, #tpu.memory_space<semaphore_mem>>, %arg19: memref<!tpu.dma_semaphore, #tpu.memory_space<semaphore_mem>>, %arg20: memref<!tpu.dma_semaphore, #tpu.memory_space<semaphore_mem>>, %arg21: memref<!tpu.dma_semaphore, #tpu.memory_space<semaphore_mem>>, %arg22: memref<!tpu.dma_semaphore, #tpu.memory_space<semaphore_mem>>, %arg23: memref<!tpu.dma_semaphore, #tpu.memory_space<semaphore_mem>>, %arg24: memref<!tpu.dma_semaphore, #tpu.memory_space<semaphore_mem>>, %arg25: memref<!tpu.dma_semaphore, #tpu.memory_space<semaphore_mem>>, %arg26: memref<!tpu.dma_semaphore, #tpu.memory_space<semaphore_mem>>) attributes {dimension_semantics = [#tpu.dimension_semantics<core_parallel>, #tpu.dimension_semantics<subcore_parallel>], iteration_bounds = array<i64: 2, 16>, scalar_prefetch = 0 : i64, scratch_operands = 20 : i64, tpu.core_type = #tpu.core_type<sc_vector_subcore>, window_params = [{transform_indices = #map}, {transform_indices = #map1}, {transform_indices = #map1}, {transform_indices = #map}, {transform_indices = #map1}]} {
    %mul3A = arith.constant 16 : i32
    %mul3A_0 = arith.muli %arg0, %mul3A : i32
    %add3A = arith.addi %mul3A_0, %arg1 : i32
    %mul3A_1 = arith.constant 640 : i32
    %mul3A_2 = arith.muli %arg1, %mul3A_1 : i32
    %mul3A_3 = arith.constant 640 : i32
    %mul3A_4 = arith.muli %arg1, %mul3A_3 : i32
    "tpu.region"() ({
      %run_scoped3A = tpu.sem_alloc : memref<!tpu.dma_semaphore, #tpu.memory_space<semaphore_mem>>
      %dma_start3A = arith.constant 0 : i32
      %dma_start3A_18 = tpu.memref_slice %arg7[%mul3A_4, %dma_start3A] : memref<10240x64xf32, #tpu.memory_space<vmem_shared>> -> memref<640x64xf32, #tpu.memory_space<vmem_shared>>
      %dma_start3A_19 = arith.constant 0 : i32
      %dma_start3A_20 = tpu.memref_slice %arg5[%mul3A_2, %dma_start3A_19] : memref<10240x64xf32, #tpu.memory_space<hbm>> -> memref<640x64xf32, #tpu.memory_space<hbm>>
      tpu.enqueue_dma source(%dma_start3A_20 : memref<640x64xf32, #tpu.memory_space<hbm>>) target(%dma_start3A_18 : memref<640x64xf32, #tpu.memory_space<vmem_shared>>) target_semaphore(%run_scoped3A : memref<!tpu.dma_semaphore, #tpu.memory_space<semaphore_mem>>)
      %dma_wait3A = arith.constant 0 : i32
      %dma_wait3A_21 = tpu.memref_slice %arg7[%mul3A_4, %dma_wait3A] : memref<10240x64xf32, #tpu.memory_space<vmem_shared>> -> memref<640x64xf32, #tpu.memory_space<vmem_shared>>
      %dma_wait3A_22 = arith.constant 0 : i32
      %dma_wait3A_23 = tpu.memref_slice %arg5[%mul3A_2, %dma_wait3A_22] : memref<10240x64xf32, #tpu.memory_space<hbm>> -> memref<640x64xf32, #tpu.memory_space<hbm>>
      tpu.wait_dma2 semaphore(%run_scoped3A : memref<!tpu.dma_semaphore, #tpu.memory_space<semaphore_mem>>) src(%dma_wait3A_23 : memref<640x64xf32, #tpu.memory_space<hbm>>) dst(%dma_wait3A_21 : memref<640x64xf32, #tpu.memory_space<vmem_shared>>)
      tpu.yield
    }) : () -> ()
    %mul3A_5 = arith.constant 640 : i32
    %mul3A_6 = arith.muli %arg1, %mul3A_5 : i32
    %mul3A_7 = arith.constant 640 : i32
    %mul3A_8 = arith.muli %arg1, %mul3A_7 : i32
    "tpu.region"() ({
      %run_scoped3A = tpu.sem_alloc : memref<!tpu.dma_semaphore, #tpu.memory_space<semaphore_mem>>
      %dma_start3A = arith.constant 0 : i32
      %dma_start3A_18 = tpu.memref_slice %arg8[%mul3A_8, %dma_start3A] : memref<10240x64xf32, #tpu.memory_space<vmem_shared>> -> memref<640x64xf32, #tpu.memory_space<vmem_shared>>
      %dma_start3A_19 = arith.constant 0 : i32
      %dma_start3A_20 = tpu.memref_slice %arg2[%mul3A_6, %dma_start3A_19] : memref<10240x64xf32, #tpu.memory_space<hbm>> -> memref<640x64xf32, #tpu.memory_space<hbm>>
      tpu.enqueue_dma source(%dma_start3A_20 : memref<640x64xf32, #tpu.memory_space<hbm>>) target(%dma_start3A_18 : memref<640x64xf32, #tpu.memory_space<vmem_shared>>) target_semaphore(%run_scoped3A : memref<!tpu.dma_semaphore, #tpu.memory_space<semaphore_mem>>)
      %dma_wait3A = arith.constant 0 : i32
      %dma_wait3A_21 = tpu.memref_slice %arg8[%mul3A_8, %dma_wait3A] : memref<10240x64xf32, #tpu.memory_space<vmem_shared>> -> memref<640x64xf32, #tpu.memory_space<vmem_shared>>
      %dma_wait3A_22 = arith.constant 0 : i32
      %dma_wait3A_23 = tpu.memref_slice %arg2[%mul3A_6, %dma_wait3A_22] : memref<10240x64xf32, #tpu.memory_space<hbm>> -> memref<640x64xf32, #tpu.memory_space<hbm>>
      tpu.wait_dma2 semaphore(%run_scoped3A : memref<!tpu.dma_semaphore, #tpu.memory_space<semaphore_mem>>) src(%dma_wait3A_23 : memref<640x64xf32, #tpu.memory_space<hbm>>) dst(%dma_wait3A_21 : memref<640x64xf32, #tpu.memory_space<vmem_shared>>)
      tpu.yield
    }) : () -> ()
    %barrier3A = arith.constant 0 : index
    tpu.barrier barrier_id(%barrier3A)
    %scan3A = arith.constant 0 : i32
    %scan3A_9 = arith.constant 3 : i32
    %scan3A_10 = arith.addi %scan3A, %scan3A_9 : i32
    %scan3A_11 = arith.constant 1 : i32
    scf.for %scan3A_18 = %scan3A to %scan3A_10 step %scan3A_11  : i32 {
      %mul3A_19 = arith.constant 1 : i32
      %mul3A_20 = arith.muli %scan3A_18, %mul3A_19 : i32
      %add3A_21 = arith.constant 0 : i32
      %add3A_22 = arith.addi %add3A_21, %mul3A_20 : i32
      %mul3A_23 = arith.constant 28 : i32
      %mul3A_24 = arith.muli %add3A_22, %mul3A_23 : i32
      "tpu.region"() ({
        %run_scoped3A = tpu.sem_alloc : memref<!tpu.dma_semaphore, #tpu.memory_space<semaphore_mem>>
        %dma_start3A = arith.constant 0 : i32
        %dma_start3A_32 = tpu.memref_slice %arg3[%add3A, %mul3A_24, %dma_start3A] : memref<32x84x128xi32, #tpu.memory_space<hbm>> -> memref<1x28x128xi32, #tpu.memory_space<hbm>>
        %dma_start3A_33 = tpu.memref_squeeze %dma_start3A_32 : memref<1x28x128xi32, #tpu.memory_space<hbm>> -> memref<28x128xi32, #tpu.memory_space<hbm>>
        %dma_start3A_34 = arith.constant 0 : i32
        %dma_start3A_35 = tpu.memref_slice %arg3[%add3A, %mul3A_24, %dma_start3A_34] : memref<32x84x128xi32, #tpu.memory_space<hbm>> -> memref<1x28x128xi32, #tpu.memory_space<hbm>>
        %dma_start3A_36 = tpu.memref_squeeze %dma_start3A_35 : memref<1x28x128xi32, #tpu.memory_space<hbm>> -> memref<28x128xi32, #tpu.memory_space<hbm>>
        tpu.enqueue_dma source(%dma_start3A_36 : memref<28x128xi32, #tpu.memory_space<hbm>>) target(%arg9 : memref<28x128xi32, #tpu.memory_space<vmem>>) target_semaphore(%run_scoped3A : memref<!tpu.dma_semaphore, #tpu.memory_space<semaphore_mem>>)
        %dma_wait3A = arith.constant 0 : i32
        %dma_wait3A_37 = tpu.memref_slice %arg3[%add3A, %mul3A_24, %dma_wait3A] : memref<32x84x128xi32, #tpu.memory_space<hbm>> -> memref<1x28x128xi32, #tpu.memory_space<hbm>>
        %dma_wait3A_38 = tpu.memref_squeeze %dma_wait3A_37 : memref<1x28x128xi32, #tpu.memory_space<hbm>> -> memref<28x128xi32, #tpu.memory_space<hbm>>
        %dma_wait3A_39 = arith.constant 0 : i32
        %dma_wait3A_40 = tpu.memref_slice %arg3[%add3A, %mul3A_24, %dma_wait3A_39] : memref<32x84x128xi32, #tpu.memory_space<hbm>> -> memref<1x28x128xi32, #tpu.memory_space<hbm>>
        %dma_wait3A_41 = tpu.memref_squeeze %dma_wait3A_40 : memref<1x28x128xi32, #tpu.memory_space<hbm>> -> memref<28x128xi32, #tpu.memory_space<hbm>>
        tpu.wait_dma2 semaphore(%run_scoped3A : memref<!tpu.dma_semaphore, #tpu.memory_space<semaphore_mem>>) src(%dma_wait3A_41 : memref<28x128xi32, #tpu.memory_space<hbm>>) dst(%arg9 : memref<28x128xi32, #tpu.memory_space<vmem>>)
        tpu.yield
      }) : () -> ()
      %mul3A_25 = arith.constant 28 : i32
      %mul3A_26 = arith.muli %add3A_22, %mul3A_25 : i32
      "tpu.region"() ({
        %run_scoped3A = tpu.sem_alloc : memref<!tpu.dma_semaphore, #tpu.memory_space<semaphore_mem>>
        %dma_start3A = arith.constant 0 : i32
        %dma_start3A_32 = tpu.memref_slice %arg4[%add3A, %mul3A_26, %dma_start3A] : memref<32x84x128xi32, #tpu.memory_space<hbm>> -> memref<1x28x128xi32, #tpu.memory_space<hbm>>
        %dma_start3A_33 = tpu.memref_squeeze %dma_start3A_32 : memref<1x28x128xi32, #tpu.memory_space<hbm>> -> memref<28x128xi32, #tpu.memory_space<hbm>>
        %dma_start3A_34 = arith.constant 0 : i32
        %dma_start3A_35 = tpu.memref_slice %arg4[%add3A, %mul3A_26, %dma_start3A_34] : memref<32x84x128xi32, #tpu.memory_space<hbm>> -> memref<1x28x128xi32, #tpu.memory_space<hbm>>
        %dma_start3A_36 = tpu.memref_squeeze %dma_start3A_35 : memref<1x28x128xi32, #tpu.memory_space<hbm>> -> memref<28x128xi32, #tpu.memory_space<hbm>>
        tpu.enqueue_dma source(%dma_start3A_36 : memref<28x128xi32, #tpu.memory_space<hbm>>) target(%arg10 : memref<28x128xi32, #tpu.memory_space<vmem>>) target_semaphore(%run_scoped3A : memref<!tpu.dma_semaphore, #tpu.memory_space<semaphore_mem>>)
        %dma_wait3A = arith.constant 0 : i32
        %dma_wait3A_37 = tpu.memref_slice %arg4[%add3A, %mul3A_26, %dma_wait3A] : memref<32x84x128xi32, #tpu.memory_space<hbm>> -> memref<1x28x128xi32, #tpu.memory_space<hbm>>
        %dma_wait3A_38 = tpu.memref_squeeze %dma_wait3A_37 : memref<1x28x128xi32, #tpu.memory_space<hbm>> -> memref<28x128xi32, #tpu.memory_space<hbm>>
        %dma_wait3A_39 = arith.constant 0 : i32
        %dma_wait3A_40 = tpu.memref_slice %arg4[%add3A, %mul3A_26, %dma_wait3A_39] : memref<32x84x128xi32, #tpu.memory_space<hbm>> -> memref<1x28x128xi32, #tpu.memory_space<hbm>>
        %dma_wait3A_41 = tpu.memref_squeeze %dma_wait3A_40 : memref<1x28x128xi32, #tpu.memory_space<hbm>> -> memref<28x128xi32, #tpu.memory_space<hbm>>
        tpu.wait_dma2 semaphore(%run_scoped3A : memref<!tpu.dma_semaphore, #tpu.memory_space<semaphore_mem>>) src(%dma_wait3A_41 : memref<28x128xi32, #tpu.memory_space<hbm>>) dst(%arg10 : memref<28x128xi32, #tpu.memory_space<vmem>>)
        tpu.yield
      }) : () -> ()
      %scan3A_27 = arith.constant 0 : i32
      %scan3A_28 = arith.constant 7 : i32
      %scan3A_29 = arith.addi %scan3A_27, %scan3A_28 : i32
      %scan3A_30 = arith.constant 1 : i32
      scf.for %scan3A_32 = %scan3A_27 to %scan3A_29 step %scan3A_30  : i32 {
        %mul3A_33 = arith.constant 4 : i32
        %mul3A_34 = arith.muli %scan3A_32, %mul3A_33 : i32
        %add3A_35 = arith.constant 0 : i32
        %add3A_36 = arith.addi %add3A_35, %mul3A_34 : i32
        %add3A_37 = arith.constant 0 : i32
        %add3A_38 = arith.addi %add3A_36, %add3A_37 : i32
        %dma_start3A = arith.constant 0 : i32
        %dma_start3A_39 = tpu.memref_slice %arg9[%add3A_38, %dma_start3A] : memref<28x128xi32, #tpu.memory_space<vmem>> -> memref<1x128xi32, #tpu.memory_space<vmem>>
        %dma_start3A_40 = tpu.memref_squeeze %dma_start3A_39 : memref<1x128xi32, #tpu.memory_space<vmem>> -> memref<128xi32, #tpu.memory_space<vmem>>
        %dma_start3A_41 = arith.constant 0 : i32
        %dma_start3A_42 = arith.constant 0 : i32
        %dma_start3A_43 = tpu.memref_slice %arg8[%dma_start3A_41, %dma_start3A_42] : memref<10240x64xf32, #tpu.memory_space<vmem_shared>> -> memref<10240x64xf32, #tpu.memory_space<vmem_shared>>
        tpu.enqueue_indirect_dma source(%dma_start3A_43 : memref<10240x64xf32, #tpu.memory_space<vmem_shared>>) target(%arg11 : memref<128x64xf32, #tpu.memory_space<vmem>>) offsets(%dma_start3A_40 : memref<128xi32, #tpu.memory_space<vmem>>) semaphore(%arg15 : memref<!tpu.dma_semaphore, #tpu.memory_space<semaphore_mem>>)
        %add3A_44 = arith.constant 1 : i32
        %add3A_45 = arith.addi %add3A_36, %add3A_44 : i32
        %dma_start3A_46 = arith.constant 0 : i32
        %dma_start3A_47 = tpu.memref_slice %arg9[%add3A_45, %dma_start3A_46] : memref<28x128xi32, #tpu.memory_space<vmem>> -> memref<1x128xi32, #tpu.memory_space<vmem>>
        %dma_start3A_48 = tpu.memref_squeeze %dma_start3A_47 : memref<1x128xi32, #tpu.memory_space<vmem>> -> memref<128xi32, #tpu.memory_space<vmem>>
        %dma_start3A_49 = arith.constant 0 : i32
        %dma_start3A_50 = arith.constant 0 : i32
        %dma_start3A_51 = tpu.memref_slice %arg8[%dma_start3A_49, %dma_start3A_50] : memref<10240x64xf32, #tpu.memory_space<vmem_shared>> -> memref<10240x64xf32, #tpu.memory_space<vmem_shared>>
        tpu.enqueue_indirect_dma source(%dma_start3A_51 : memref<10240x64xf32, #tpu.memory_space<vmem_shared>>) target(%arg12 : memref<128x64xf32, #tpu.memory_space<vmem>>) offsets(%dma_start3A_48 : memref<128xi32, #tpu.memory_space<vmem>>) semaphore(%arg16 : memref<!tpu.dma_semaphore, #tpu.memory_space<semaphore_mem>>)
        %add3A_52 = arith.constant 2 : i32
        %add3A_53 = arith.addi %add3A_36, %add3A_52 : i32
        %dma_start3A_54 = arith.constant 0 : i32
        %dma_start3A_55 = tpu.memref_slice %arg9[%add3A_53, %dma_start3A_54] : memref<28x128xi32, #tpu.memory_space<vmem>> -> memref<1x128xi32, #tpu.memory_space<vmem>>
        %dma_start3A_56 = tpu.memref_squeeze %dma_start3A_55 : memref<1x128xi32, #tpu.memory_space<vmem>> -> memref<128xi32, #tpu.memory_space<vmem>>
        %dma_start3A_57 = arith.constant 0 : i32
        %dma_start3A_58 = arith.constant 0 : i32
        %dma_start3A_59 = tpu.memref_slice %arg8[%dma_start3A_57, %dma_start3A_58] : memref<10240x64xf32, #tpu.memory_space<vmem_shared>> -> memref<10240x64xf32, #tpu.memory_space<vmem_shared>>
        tpu.enqueue_indirect_dma source(%dma_start3A_59 : memref<10240x64xf32, #tpu.memory_space<vmem_shared>>) target(%arg13 : memref<128x64xf32, #tpu.memory_space<vmem>>) offsets(%dma_start3A_56 : memref<128xi32, #tpu.memory_space<vmem>>) semaphore(%arg17 : memref<!tpu.dma_semaphore, #tpu.memory_space<semaphore_mem>>)
        %add3A_60 = arith.constant 3 : i32
        %add3A_61 = arith.addi %add3A_36, %add3A_60 : i32
        %dma_start3A_62 = arith.constant 0 : i32
        %dma_start3A_63 = tpu.memref_slice %arg9[%add3A_61, %dma_start3A_62] : memref<28x128xi32, #tpu.memory_space<vmem>> -> memref<1x128xi32, #tpu.memory_space<vmem>>
        %dma_start3A_64 = tpu.memref_squeeze %dma_start3A_63 : memref<1x128xi32, #tpu.memory_space<vmem>> -> memref<128xi32, #tpu.memory_space<vmem>>
        %dma_start3A_65 = arith.constant 0 : i32
        %dma_start3A_66 = arith.constant 0 : i32
        %dma_start3A_67 = tpu.memref_slice %arg8[%dma_start3A_65, %dma_start3A_66] : memref<10240x64xf32, #tpu.memory_space<vmem_shared>> -> memref<10240x64xf32, #tpu.memory_space<vmem_shared>>
        tpu.enqueue_indirect_dma source(%dma_start3A_67 : memref<10240x64xf32, #tpu.memory_space<vmem_shared>>) target(%arg14 : memref<128x64xf32, #tpu.memory_space<vmem>>) offsets(%dma_start3A_64 : memref<128xi32, #tpu.memory_space<vmem>>) semaphore(%arg18 : memref<!tpu.dma_semaphore, #tpu.memory_space<semaphore_mem>>)
        %dma_wait3A = arith.constant 0 : i32
        %dma_wait3A_68 = tpu.memref_slice %arg9[%add3A_38, %dma_wait3A] : memref<28x128xi32, #tpu.memory_space<vmem>> -> memref<1x128xi32, #tpu.memory_space<vmem>>
        %dma_wait3A_69 = tpu.memref_squeeze %dma_wait3A_68 : memref<1x128xi32, #tpu.memory_space<vmem>> -> memref<128xi32, #tpu.memory_space<vmem>>
        %dma_wait3A_70 = arith.constant 0 : i32
        %dma_wait3A_71 = arith.constant 0 : i32
        %dma_wait3A_72 = tpu.memref_slice %arg8[%dma_wait3A_70, %dma_wait3A_71] : memref<10240x64xf32, #tpu.memory_space<vmem_shared>> -> memref<10240x64xf32, #tpu.memory_space<vmem_shared>>
        tpu.wait_indirect_dma semaphore(%arg15 : memref<!tpu.dma_semaphore, #tpu.memory_space<semaphore_mem>>) src(%dma_wait3A_72 : memref<10240x64xf32, #tpu.memory_space<vmem_shared>>) dst(%arg11 : memref<128x64xf32, #tpu.memory_space<vmem>>)
        %add3A_73 = arith.constant 0 : i32
        %add3A_74 = arith.addi %add3A_36, %add3A_73 : i32
        %dma_start3A_75 = arith.constant 0 : i32
        %dma_start3A_76 = tpu.memref_slice %arg10[%add3A_74, %dma_start3A_75] : memref<28x128xi32, #tpu.memory_space<vmem>> -> memref<1x128xi32, #tpu.memory_space<vmem>>
        %dma_start3A_77 = tpu.memref_squeeze %dma_start3A_76 : memref<1x128xi32, #tpu.memory_space<vmem>> -> memref<128xi32, #tpu.memory_space<vmem>>
        %dma_start3A_78 = arith.constant 0 : i32
        %dma_start3A_79 = arith.constant 0 : i32
        %dma_start3A_80 = tpu.memref_slice %arg7[%dma_start3A_78, %dma_start3A_79] : memref<10240x64xf32, #tpu.memory_space<vmem_shared>> -> memref<10240x64xf32, #tpu.memory_space<vmem_shared>>
        tpu.enqueue_indirect_dma source(%arg11 : memref<128x64xf32, #tpu.memory_space<vmem>>) target(%dma_start3A_80 : memref<10240x64xf32, #tpu.memory_space<vmem_shared>>) offsets(%dma_start3A_77 : memref<128xi32, #tpu.memory_space<vmem>>) semaphore(%arg19 : memref<!tpu.dma_semaphore, #tpu.memory_space<semaphore_mem>>) {add = true}
        %dma_wait3A_81 = arith.constant 0 : i32
        %dma_wait3A_82 = tpu.memref_slice %arg9[%add3A_45, %dma_wait3A_81] : memref<28x128xi32, #tpu.memory_space<vmem>> -> memref<1x128xi32, #tpu.memory_space<vmem>>
        %dma_wait3A_83 = tpu.memref_squeeze %dma_wait3A_82 : memref<1x128xi32, #tpu.memory_space<vmem>> -> memref<128xi32, #tpu.memory_space<vmem>>
        %dma_wait3A_84 = arith.constant 0 : i32
        %dma_wait3A_85 = arith.constant 0 : i32
        %dma_wait3A_86 = tpu.memref_slice %arg8[%dma_wait3A_84, %dma_wait3A_85] : memref<10240x64xf32, #tpu.memory_space<vmem_shared>> -> memref<10240x64xf32, #tpu.memory_space<vmem_shared>>
        tpu.wait_indirect_dma semaphore(%arg16 : memref<!tpu.dma_semaphore, #tpu.memory_space<semaphore_mem>>) src(%dma_wait3A_86 : memref<10240x64xf32, #tpu.memory_space<vmem_shared>>) dst(%arg12 : memref<128x64xf32, #tpu.memory_space<vmem>>)
        %add3A_87 = arith.constant 1 : i32
        %add3A_88 = arith.addi %add3A_36, %add3A_87 : i32
        %dma_start3A_89 = arith.constant 0 : i32
        %dma_start3A_90 = tpu.memref_slice %arg10[%add3A_88, %dma_start3A_89] : memref<28x128xi32, #tpu.memory_space<vmem>> -> memref<1x128xi32, #tpu.memory_space<vmem>>
        %dma_start3A_91 = tpu.memref_squeeze %dma_start3A_90 : memref<1x128xi32, #tpu.memory_space<vmem>> -> memref<128xi32, #tpu.memory_space<vmem>>
        %dma_start3A_92 = arith.constant 0 : i32
        %dma_start3A_93 = arith.constant 0 : i32
        %dma_start3A_94 = tpu.memref_slice %arg7[%dma_start3A_92, %dma_start3A_93] : memref<10240x64xf32, #tpu.memory_space<vmem_shared>> -> memref<10240x64xf32, #tpu.memory_space<vmem_shared>>
        tpu.enqueue_indirect_dma source(%arg12 : memref<128x64xf32, #tpu.memory_space<vmem>>) target(%dma_start3A_94 : memref<10240x64xf32, #tpu.memory_space<vmem_shared>>) offsets(%dma_start3A_91 : memref<128xi32, #tpu.memory_space<vmem>>) semaphore(%arg20 : memref<!tpu.dma_semaphore, #tpu.memory_space<semaphore_mem>>) {add = true}
        %dma_wait3A_95 = arith.constant 0 : i32
        %dma_wait3A_96 = tpu.memref_slice %arg9[%add3A_53, %dma_wait3A_95] : memref<28x128xi32, #tpu.memory_space<vmem>> -> memref<1x128xi32, #tpu.memory_space<vmem>>
        %dma_wait3A_97 = tpu.memref_squeeze %dma_wait3A_96 : memref<1x128xi32, #tpu.memory_space<vmem>> -> memref<128xi32, #tpu.memory_space<vmem>>
        %dma_wait3A_98 = arith.constant 0 : i32
        %dma_wait3A_99 = arith.constant 0 : i32
        %dma_wait3A_100 = tpu.memref_slice %arg8[%dma_wait3A_98, %dma_wait3A_99] : memref<10240x64xf32, #tpu.memory_space<vmem_shared>> -> memref<10240x64xf32, #tpu.memory_space<vmem_shared>>
        tpu.wait_indirect_dma semaphore(%arg17 : memref<!tpu.dma_semaphore, #tpu.memory_space<semaphore_mem>>) src(%dma_wait3A_100 : memref<10240x64xf32, #tpu.memory_space<vmem_shared>>) dst(%arg13 : memref<128x64xf32, #tpu.memory_space<vmem>>)
        %add3A_101 = arith.constant 2 : i32
        %add3A_102 = arith.addi %add3A_36, %add3A_101 : i32
        %dma_start3A_103 = arith.constant 0 : i32
        %dma_start3A_104 = tpu.memref_slice %arg10[%add3A_102, %dma_start3A_103] : memref<28x128xi32, #tpu.memory_space<vmem>> -> memref<1x128xi32, #tpu.memory_space<vmem>>
        %dma_start3A_105 = tpu.memref_squeeze %dma_start3A_104 : memref<1x128xi32, #tpu.memory_space<vmem>> -> memref<128xi32, #tpu.memory_space<vmem>>
        %dma_start3A_106 = arith.constant 0 : i32
        %dma_start3A_107 = arith.constant 0 : i32
        %dma_start3A_108 = tpu.memref_slice %arg7[%dma_start3A_106, %dma_start3A_107] : memref<10240x64xf32, #tpu.memory_space<vmem_shared>> -> memref<10240x64xf32, #tpu.memory_space<vmem_shared>>
        tpu.enqueue_indirect_dma source(%arg13 : memref<128x64xf32, #tpu.memory_space<vmem>>) target(%dma_start3A_108 : memref<10240x64xf32, #tpu.memory_space<vmem_shared>>) offsets(%dma_start3A_105 : memref<128xi32, #tpu.memory_space<vmem>>) semaphore(%arg21 : memref<!tpu.dma_semaphore, #tpu.memory_space<semaphore_mem>>) {add = true}
        %dma_wait3A_109 = arith.constant 0 : i32
        %dma_wait3A_110 = tpu.memref_slice %arg9[%add3A_61, %dma_wait3A_109] : memref<28x128xi32, #tpu.memory_space<vmem>> -> memref<1x128xi32, #tpu.memory_space<vmem>>
        %dma_wait3A_111 = tpu.memref_squeeze %dma_wait3A_110 : memref<1x128xi32, #tpu.memory_space<vmem>> -> memref<128xi32, #tpu.memory_space<vmem>>
        %dma_wait3A_112 = arith.constant 0 : i32
        %dma_wait3A_113 = arith.constant 0 : i32
        %dma_wait3A_114 = tpu.memref_slice %arg8[%dma_wait3A_112, %dma_wait3A_113] : memref<10240x64xf32, #tpu.memory_space<vmem_shared>> -> memref<10240x64xf32, #tpu.memory_space<vmem_shared>>
        tpu.wait_indirect_dma semaphore(%arg18 : memref<!tpu.dma_semaphore, #tpu.memory_space<semaphore_mem>>) src(%dma_wait3A_114 : memref<10240x64xf32, #tpu.memory_space<vmem_shared>>) dst(%arg14 : memref<128x64xf32, #tpu.memory_space<vmem>>)
        %add3A_115 = arith.constant 3 : i32
        %add3A_116 = arith.addi %add3A_36, %add3A_115 : i32
        %dma_start3A_117 = arith.constant 0 : i32
        %dma_start3A_118 = tpu.memref_slice %arg10[%add3A_116, %dma_start3A_117] : memref<28x128xi32, #tpu.memory_space<vmem>> -> memref<1x128xi32, #tpu.memory_space<vmem>>
        %dma_start3A_119 = tpu.memref_squeeze %dma_start3A_118 : memref<1x128xi32, #tpu.memory_space<vmem>> -> memref<128xi32, #tpu.memory_space<vmem>>
        %dma_start3A_120 = arith.constant 0 : i32
        %dma_start3A_121 = arith.constant 0 : i32
        %dma_start3A_122 = tpu.memref_slice %arg7[%dma_start3A_120, %dma_start3A_121] : memref<10240x64xf32, #tpu.memory_space<vmem_shared>> -> memref<10240x64xf32, #tpu.memory_space<vmem_shared>>
        tpu.enqueue_indirect_dma source(%arg14 : memref<128x64xf32, #tpu.memory_space<vmem>>) target(%dma_start3A_122 : memref<10240x64xf32, #tpu.memory_space<vmem_shared>>) offsets(%dma_start3A_119 : memref<128xi32, #tpu.memory_space<vmem>>) semaphore(%arg22 : memref<!tpu.dma_semaphore, #tpu.memory_space<semaphore_mem>>) {add = true}
        %dma_wait3A_123 = arith.constant 0 : i32
        %dma_wait3A_124 = tpu.memref_slice %arg10[%add3A_74, %dma_wait3A_123] : memref<28x128xi32, #tpu.memory_space<vmem>> -> memref<1x128xi32, #tpu.memory_space<vmem>>
        %dma_wait3A_125 = tpu.memref_squeeze %dma_wait3A_124 : memref<1x128xi32, #tpu.memory_space<vmem>> -> memref<128xi32, #tpu.memory_space<vmem>>
        %dma_wait3A_126 = arith.constant 0 : i32
        %dma_wait3A_127 = arith.constant 0 : i32
        %dma_wait3A_128 = tpu.memref_slice %arg7[%dma_wait3A_126, %dma_wait3A_127] : memref<10240x64xf32, #tpu.memory_space<vmem_shared>> -> memref<10240x64xf32, #tpu.memory_space<vmem_shared>>
        tpu.wait_indirect_dma semaphore(%arg19 : memref<!tpu.dma_semaphore, #tpu.memory_space<semaphore_mem>>) src(%arg11 : memref<128x64xf32, #tpu.memory_space<vmem>>) dst(%dma_wait3A_128 : memref<10240x64xf32, #tpu.memory_space<vmem_shared>>)
        %dma_wait3A_129 = arith.constant 0 : i32
        %dma_wait3A_130 = tpu.memref_slice %arg10[%add3A_88, %dma_wait3A_129] : memref<28x128xi32, #tpu.memory_space<vmem>> -> memref<1x128xi32, #tpu.memory_space<vmem>>
        %dma_wait3A_131 = tpu.memref_squeeze %dma_wait3A_130 : memref<1x128xi32, #tpu.memory_space<vmem>> -> memref<128xi32, #tpu.memory_space<vmem>>
        %dma_wait3A_132 = arith.constant 0 : i32
        %dma_wait3A_133 = arith.constant 0 : i32
        %dma_wait3A_134 = tpu.memref_slice %arg7[%dma_wait3A_132, %dma_wait3A_133] : memref<10240x64xf32, #tpu.memory_space<vmem_shared>> -> memref<10240x64xf32, #tpu.memory_space<vmem_shared>>
        tpu.wait_indirect_dma semaphore(%arg20 : memref<!tpu.dma_semaphore, #tpu.memory_space<semaphore_mem>>) src(%arg12 : memref<128x64xf32, #tpu.memory_space<vmem>>) dst(%dma_wait3A_134 : memref<10240x64xf32, #tpu.memory_space<vmem_shared>>)
        %dma_wait3A_135 = arith.constant 0 : i32
        %dma_wait3A_136 = tpu.memref_slice %arg10[%add3A_102, %dma_wait3A_135] : memref<28x128xi32, #tpu.memory_space<vmem>> -> memref<1x128xi32, #tpu.memory_space<vmem>>
        %dma_wait3A_137 = tpu.memref_squeeze %dma_wait3A_136 : memref<1x128xi32, #tpu.memory_space<vmem>> -> memref<128xi32, #tpu.memory_space<vmem>>
        %dma_wait3A_138 = arith.constant 0 : i32
        %dma_wait3A_139 = arith.constant 0 : i32
        %dma_wait3A_140 = tpu.memref_slice %arg7[%dma_wait3A_138, %dma_wait3A_139] : memref<10240x64xf32, #tpu.memory_space<vmem_shared>> -> memref<10240x64xf32, #tpu.memory_space<vmem_shared>>
        tpu.wait_indirect_dma semaphore(%arg21 : memref<!tpu.dma_semaphore, #tpu.memory_space<semaphore_mem>>) src(%arg13 : memref<128x64xf32, #tpu.memory_space<vmem>>) dst(%dma_wait3A_140 : memref<10240x64xf32, #tpu.memory_space<vmem_shared>>)
        %dma_wait3A_141 = arith.constant 0 : i32
        %dma_wait3A_142 = tpu.memref_slice %arg10[%add3A_116, %dma_wait3A_141] : memref<28x128xi32, #tpu.memory_space<vmem>> -> memref<1x128xi32, #tpu.memory_space<vmem>>
        %dma_wait3A_143 = tpu.memref_squeeze %dma_wait3A_142 : memref<1x128xi32, #tpu.memory_space<vmem>> -> memref<128xi32, #tpu.memory_space<vmem>>
        %dma_wait3A_144 = arith.constant 0 : i32
        %dma_wait3A_145 = arith.constant 0 : i32
        %dma_wait3A_146 = tpu.memref_slice %arg7[%dma_wait3A_144, %dma_wait3A_145] : memref<10240x64xf32, #tpu.memory_space<vmem_shared>> -> memref<10240x64xf32, #tpu.memory_space<vmem_shared>>
        tpu.wait_indirect_dma semaphore(%arg22 : memref<!tpu.dma_semaphore, #tpu.memory_space<semaphore_mem>>) src(%arg14 : memref<128x64xf32, #tpu.memory_space<vmem>>) dst(%dma_wait3A_146 : memref<10240x64xf32, #tpu.memory_space<vmem_shared>>)
      }
      %scan3A_31 = arith.constant 7 : i32
    }
    %scan3A_12 = arith.constant 3 : i32
    %barrier3A_13 = arith.constant 0 : index
    tpu.barrier barrier_id(%barrier3A_13)
    %mul3A_14 = arith.constant 640 : i32
    %mul3A_15 = arith.muli %arg1, %mul3A_14 : i32
    %mul3A_16 = arith.constant 640 : i32
    %mul3A_17 = arith.muli %arg1, %mul3A_16 : i32
    "tpu.region"() ({
      %run_scoped3A = tpu.sem_alloc : memref<!tpu.dma_semaphore, #tpu.memory_space<semaphore_mem>>
      %dma_start3A = arith.constant 0 : i32
      %dma_start3A_18 = tpu.memref_slice %arg6[%arg0, %mul3A_17, %dma_start3A] : memref<2x10240x64xf32, #tpu.memory_space<hbm>> -> memref<1x640x64xf32, #tpu.memory_space<hbm>>
      %dma_start3A_19 = tpu.memref_squeeze %dma_start3A_18 : memref<1x640x64xf32, #tpu.memory_space<hbm>> -> memref<640x64xf32, #tpu.memory_space<hbm>>
      %dma_start3A_20 = arith.constant 0 : i32
      %dma_start3A_21 = tpu.memref_slice %arg7[%mul3A_15, %dma_start3A_20] : memref<10240x64xf32, #tpu.memory_space<vmem_shared>> -> memref<640x64xf32, #tpu.memory_space<vmem_shared>>
      tpu.enqueue_dma source(%dma_start3A_21 : memref<640x64xf32, #tpu.memory_space<vmem_shared>>) target(%dma_start3A_19 : memref<640x64xf32, #tpu.memory_space<hbm>>) target_semaphore(%run_scoped3A : memref<!tpu.dma_semaphore, #tpu.memory_space<semaphore_mem>>)
      %dma_wait3A = arith.constant 0 : i32
      %dma_wait3A_22 = tpu.memref_slice %arg6[%arg0, %mul3A_17, %dma_wait3A] : memref<2x10240x64xf32, #tpu.memory_space<hbm>> -> memref<1x640x64xf32, #tpu.memory_space<hbm>>
      %dma_wait3A_23 = tpu.memref_squeeze %dma_wait3A_22 : memref<1x640x64xf32, #tpu.memory_space<hbm>> -> memref<640x64xf32, #tpu.memory_space<hbm>>
      %dma_wait3A_24 = arith.constant 0 : i32
      %dma_wait3A_25 = tpu.memref_slice %arg7[%mul3A_15, %dma_wait3A_24] : memref<10240x64xf32, #tpu.memory_space<vmem_shared>> -> memref<640x64xf32, #tpu.memory_space<vmem_shared>>
      tpu.wait_dma2 semaphore(%run_scoped3A : memref<!tpu.dma_semaphore, #tpu.memory_space<semaphore_mem>>) src(%dma_wait3A_25 : memref<640x64xf32, #tpu.memory_space<vmem_shared>>) dst(%dma_wait3A_23 : memref<640x64xf32, #tpu.memory_space<hbm>>)
      tpu.yield
    }) : () -> ()
    return
  }
}

#map = affine_map<(d0, d1) -> (0, 0)>
#map1 = affine_map<(d0, d1) -> (0, 0, 0)>
module attributes {stable_mosaic.version = 14 : i64} {
  func.func @_hop_kernel(%arg0: i32, %arg1: i32, %arg2: memref<10240x64xf32, #tpu.memory_space<hbm>>, %arg3: memref<32x84x128xi32, #tpu.memory_space<hbm>>, %arg4: memref<32x84x128xi32, #tpu.memory_space<hbm>>, %arg5: memref<10240x64xf32, #tpu.memory_space<hbm>>, %arg6: memref<2x10240x64xf32, #tpu.memory_space<hbm>>, %arg7: memref<10240x64xf32, #tpu.memory_space<vmem_shared>>, %arg8: memref<10240x64xf32, #tpu.memory_space<vmem_shared>>, %arg9: memref<28x128xi32, #tpu.memory_space<vmem>>, %arg10: memref<28x128xi32, #tpu.memory_space<vmem>>, %arg11: memref<128x64xf32, #tpu.memory_space<vmem>>, %arg12: memref<128x64xf32, #tpu.memory_space<vmem>>, %arg13: memref<128x64xf32, #tpu.memory_space<vmem>>, %arg14: memref<128x64xf32, #tpu.memory_space<vmem>>, %arg15: memref<!tpu.dma_semaphore, #tpu.memory_space<semaphore_mem>>, %arg16: memref<!tpu.dma_semaphore, #tpu.memory_space<semaphore_mem>>, %arg17: memref<!tpu.dma_semaphore, #tpu.memory_space<semaphore_mem>>, %arg18: memref<!tpu.dma_semaphore, #tpu.memory_space<semaphore_mem>>, %arg19: memref<!tpu.dma_semaphore, #tpu.memory_space<semaphore_mem>>, %arg20: memref<!tpu.dma_semaphore, #tpu.memory_space<semaphore_mem>>, %arg21: memref<!tpu.dma_semaphore, #tpu.memory_space<semaphore_mem>>, %arg22: memref<!tpu.dma_semaphore, #tpu.memory_space<semaphore_mem>>, %arg23: memref<!tpu.dma_semaphore, #tpu.memory_space<semaphore_mem>>, %arg24: memref<!tpu.dma_semaphore, #tpu.memory_space<semaphore_mem>>, %arg25: memref<!tpu.dma_semaphore, #tpu.memory_space<semaphore_mem>>, %arg26: memref<!tpu.dma_semaphore, #tpu.memory_space<semaphore_mem>>) attributes {dimension_semantics = [#tpu.dimension_semantics<core_parallel>, #tpu.dimension_semantics<subcore_parallel>], iteration_bounds = array<i64: 2, 16>, scalar_prefetch = 0 : i64, scratch_operands = 20 : i64, tpu.core_type = #tpu.core_type<sc_vector_subcore>, window_params = [{transform_indices = #map}, {transform_indices = #map1}, {transform_indices = #map1}, {transform_indices = #map}, {transform_indices = #map1}]} {
    %mul3A = arith.constant 16 : i32
    %mul3A_0 = arith.muli %arg0, %mul3A : i32
    %add3A = arith.addi %mul3A_0, %arg1 : i32
    %mul3A_1 = arith.constant 640 : i32
    %mul3A_2 = arith.muli %arg1, %mul3A_1 : i32
    %mul3A_3 = arith.constant 640 : i32
    %mul3A_4 = arith.muli %arg1, %mul3A_3 : i32
    "tpu.region"() ({
      %run_scoped3A = tpu.sem_alloc : memref<!tpu.dma_semaphore, #tpu.memory_space<semaphore_mem>>
      %dma_start3A = arith.constant 0 : i32
      %dma_start3A_18 = tpu.memref_slice %arg7[%mul3A_4, %dma_start3A] : memref<10240x64xf32, #tpu.memory_space<vmem_shared>> -> memref<640x64xf32, #tpu.memory_space<vmem_shared>>
      %dma_start3A_19 = arith.constant 0 : i32
      %dma_start3A_20 = tpu.memref_slice %arg5[%mul3A_2, %dma_start3A_19] : memref<10240x64xf32, #tpu.memory_space<hbm>> -> memref<640x64xf32, #tpu.memory_space<hbm>>
      tpu.enqueue_dma source(%dma_start3A_20 : memref<640x64xf32, #tpu.memory_space<hbm>>) target(%dma_start3A_18 : memref<640x64xf32, #tpu.memory_space<vmem_shared>>) target_semaphore(%run_scoped3A : memref<!tpu.dma_semaphore, #tpu.memory_space<semaphore_mem>>)
      %dma_wait3A = arith.constant 0 : i32
      %dma_wait3A_21 = tpu.memref_slice %arg7[%mul3A_4, %dma_wait3A] : memref<10240x64xf32, #tpu.memory_space<vmem_shared>> -> memref<640x64xf32, #tpu.memory_space<vmem_shared>>
      %dma_wait3A_22 = arith.constant 0 : i32
      %dma_wait3A_23 = tpu.memref_slice %arg5[%mul3A_2, %dma_wait3A_22] : memref<10240x64xf32, #tpu.memory_space<hbm>> -> memref<640x64xf32, #tpu.memory_space<hbm>>
      tpu.wait_dma2 semaphore(%run_scoped3A : memref<!tpu.dma_semaphore, #tpu.memory_space<semaphore_mem>>) src(%dma_wait3A_23 : memref<640x64xf32, #tpu.memory_space<hbm>>) dst(%dma_wait3A_21 : memref<640x64xf32, #tpu.memory_space<vmem_shared>>)
      tpu.yield
    }) : () -> ()
    %mul3A_5 = arith.constant 640 : i32
    %mul3A_6 = arith.muli %arg1, %mul3A_5 : i32
    %mul3A_7 = arith.constant 640 : i32
    %mul3A_8 = arith.muli %arg1, %mul3A_7 : i32
    "tpu.region"() ({
      %run_scoped3A = tpu.sem_alloc : memref<!tpu.dma_semaphore, #tpu.memory_space<semaphore_mem>>
      %dma_start3A = arith.constant 0 : i32
      %dma_start3A_18 = tpu.memref_slice %arg8[%mul3A_8, %dma_start3A] : memref<10240x64xf32, #tpu.memory_space<vmem_shared>> -> memref<640x64xf32, #tpu.memory_space<vmem_shared>>
      %dma_start3A_19 = arith.constant 0 : i32
      %dma_start3A_20 = tpu.memref_slice %arg2[%mul3A_6, %dma_start3A_19] : memref<10240x64xf32, #tpu.memory_space<hbm>> -> memref<640x64xf32, #tpu.memory_space<hbm>>
      tpu.enqueue_dma source(%dma_start3A_20 : memref<640x64xf32, #tpu.memory_space<hbm>>) target(%dma_start3A_18 : memref<640x64xf32, #tpu.memory_space<vmem_shared>>) target_semaphore(%run_scoped3A : memref<!tpu.dma_semaphore, #tpu.memory_space<semaphore_mem>>)
      %dma_wait3A = arith.constant 0 : i32
      %dma_wait3A_21 = tpu.memref_slice %arg8[%mul3A_8, %dma_wait3A] : memref<10240x64xf32, #tpu.memory_space<vmem_shared>> -> memref<640x64xf32, #tpu.memory_space<vmem_shared>>
      %dma_wait3A_22 = arith.constant 0 : i32
      %dma_wait3A_23 = tpu.memref_slice %arg2[%mul3A_6, %dma_wait3A_22] : memref<10240x64xf32, #tpu.memory_space<hbm>> -> memref<640x64xf32, #tpu.memory_space<hbm>>
      tpu.wait_dma2 semaphore(%run_scoped3A : memref<!tpu.dma_semaphore, #tpu.memory_space<semaphore_mem>>) src(%dma_wait3A_23 : memref<640x64xf32, #tpu.memory_space<hbm>>) dst(%dma_wait3A_21 : memref<640x64xf32, #tpu.memory_space<vmem_shared>>)
      tpu.yield
    }) : () -> ()
    %barrier3A = arith.constant 0 : index
    tpu.barrier barrier_id(%barrier3A)
    %scan3A = arith.constant 0 : i32
    %scan3A_9 = arith.constant 3 : i32
    %scan3A_10 = arith.addi %scan3A, %scan3A_9 : i32
    %scan3A_11 = arith.constant 1 : i32
    scf.for %scan3A_18 = %scan3A to %scan3A_10 step %scan3A_11  : i32 {
      %mul3A_19 = arith.constant 1 : i32
      %mul3A_20 = arith.muli %scan3A_18, %mul3A_19 : i32
      %add3A_21 = arith.constant 0 : i32
      %add3A_22 = arith.addi %add3A_21, %mul3A_20 : i32
      %mul3A_23 = arith.constant 28 : i32
      %mul3A_24 = arith.muli %add3A_22, %mul3A_23 : i32
      "tpu.region"() ({
        %run_scoped3A = tpu.sem_alloc : memref<!tpu.dma_semaphore, #tpu.memory_space<semaphore_mem>>
        %dma_start3A = arith.constant 0 : i32
        %dma_start3A_32 = tpu.memref_slice %arg3[%add3A, %mul3A_24, %dma_start3A] : memref<32x84x128xi32, #tpu.memory_space<hbm>> -> memref<1x28x128xi32, #tpu.memory_space<hbm>>
        %dma_start3A_33 = tpu.memref_squeeze %dma_start3A_32 : memref<1x28x128xi32, #tpu.memory_space<hbm>> -> memref<28x128xi32, #tpu.memory_space<hbm>>
        %dma_start3A_34 = arith.constant 0 : i32
        %dma_start3A_35 = tpu.memref_slice %arg3[%add3A, %mul3A_24, %dma_start3A_34] : memref<32x84x128xi32, #tpu.memory_space<hbm>> -> memref<1x28x128xi32, #tpu.memory_space<hbm>>
        %dma_start3A_36 = tpu.memref_squeeze %dma_start3A_35 : memref<1x28x128xi32, #tpu.memory_space<hbm>> -> memref<28x128xi32, #tpu.memory_space<hbm>>
        tpu.enqueue_dma source(%dma_start3A_36 : memref<28x128xi32, #tpu.memory_space<hbm>>) target(%arg9 : memref<28x128xi32, #tpu.memory_space<vmem>>) target_semaphore(%run_scoped3A : memref<!tpu.dma_semaphore, #tpu.memory_space<semaphore_mem>>)
        %dma_wait3A = arith.constant 0 : i32
        %dma_wait3A_37 = tpu.memref_slice %arg3[%add3A, %mul3A_24, %dma_wait3A] : memref<32x84x128xi32, #tpu.memory_space<hbm>> -> memref<1x28x128xi32, #tpu.memory_space<hbm>>
        %dma_wait3A_38 = tpu.memref_squeeze %dma_wait3A_37 : memref<1x28x128xi32, #tpu.memory_space<hbm>> -> memref<28x128xi32, #tpu.memory_space<hbm>>
        %dma_wait3A_39 = arith.constant 0 : i32
        %dma_wait3A_40 = tpu.memref_slice %arg3[%add3A, %mul3A_24, %dma_wait3A_39] : memref<32x84x128xi32, #tpu.memory_space<hbm>> -> memref<1x28x128xi32, #tpu.memory_space<hbm>>
        %dma_wait3A_41 = tpu.memref_squeeze %dma_wait3A_40 : memref<1x28x128xi32, #tpu.memory_space<hbm>> -> memref<28x128xi32, #tpu.memory_space<hbm>>
        tpu.wait_dma2 semaphore(%run_scoped3A : memref<!tpu.dma_semaphore, #tpu.memory_space<semaphore_mem>>) src(%dma_wait3A_41 : memref<28x128xi32, #tpu.memory_space<hbm>>) dst(%arg9 : memref<28x128xi32, #tpu.memory_space<vmem>>)
        tpu.yield
      }) : () -> ()
      %mul3A_25 = arith.constant 28 : i32
      %mul3A_26 = arith.muli %add3A_22, %mul3A_25 : i32
      "tpu.region"() ({
        %run_scoped3A = tpu.sem_alloc : memref<!tpu.dma_semaphore, #tpu.memory_space<semaphore_mem>>
        %dma_start3A = arith.constant 0 : i32
        %dma_start3A_32 = tpu.memref_slice %arg4[%add3A, %mul3A_26, %dma_start3A] : memref<32x84x128xi32, #tpu.memory_space<hbm>> -> memref<1x28x128xi32, #tpu.memory_space<hbm>>
        %dma_start3A_33 = tpu.memref_squeeze %dma_start3A_32 : memref<1x28x128xi32, #tpu.memory_space<hbm>> -> memref<28x128xi32, #tpu.memory_space<hbm>>
        %dma_start3A_34 = arith.constant 0 : i32
        %dma_start3A_35 = tpu.memref_slice %arg4[%add3A, %mul3A_26, %dma_start3A_34] : memref<32x84x128xi32, #tpu.memory_space<hbm>> -> memref<1x28x128xi32, #tpu.memory_space<hbm>>
        %dma_start3A_36 = tpu.memref_squeeze %dma_start3A_35 : memref<1x28x128xi32, #tpu.memory_space<hbm>> -> memref<28x128xi32, #tpu.memory_space<hbm>>
        tpu.enqueue_dma source(%dma_start3A_36 : memref<28x128xi32, #tpu.memory_space<hbm>>) target(%arg10 : memref<28x128xi32, #tpu.memory_space<vmem>>) target_semaphore(%run_scoped3A : memref<!tpu.dma_semaphore, #tpu.memory_space<semaphore_mem>>)
        %dma_wait3A = arith.constant 0 : i32
        %dma_wait3A_37 = tpu.memref_slice %arg4[%add3A, %mul3A_26, %dma_wait3A] : memref<32x84x128xi32, #tpu.memory_space<hbm>> -> memref<1x28x128xi32, #tpu.memory_space<hbm>>
        %dma_wait3A_38 = tpu.memref_squeeze %dma_wait3A_37 : memref<1x28x128xi32, #tpu.memory_space<hbm>> -> memref<28x128xi32, #tpu.memory_space<hbm>>
        %dma_wait3A_39 = arith.constant 0 : i32
        %dma_wait3A_40 = tpu.memref_slice %arg4[%add3A, %mul3A_26, %dma_wait3A_39] : memref<32x84x128xi32, #tpu.memory_space<hbm>> -> memref<1x28x128xi32, #tpu.memory_space<hbm>>
        %dma_wait3A_41 = tpu.memref_squeeze %dma_wait3A_40 : memref<1x28x128xi32, #tpu.memory_space<hbm>> -> memref<28x128xi32, #tpu.memory_space<hbm>>
        tpu.wait_dma2 semaphore(%run_scoped3A : memref<!tpu.dma_semaphore, #tpu.memory_space<semaphore_mem>>) src(%dma_wait3A_41 : memref<28x128xi32, #tpu.memory_space<hbm>>) dst(%arg10 : memref<28x128xi32, #tpu.memory_space<vmem>>)
        tpu.yield
      }) : () -> ()
      %scan3A_27 = arith.constant 0 : i32
      %scan3A_28 = arith.constant 7 : i32
      %scan3A_29 = arith.addi %scan3A_27, %scan3A_28 : i32
      %scan3A_30 = arith.constant 1 : i32
      scf.for %scan3A_32 = %scan3A_27 to %scan3A_29 step %scan3A_30  : i32 {
        %mul3A_33 = arith.constant 4 : i32
        %mul3A_34 = arith.muli %scan3A_32, %mul3A_33 : i32
        %add3A_35 = arith.constant 0 : i32
        %add3A_36 = arith.addi %add3A_35, %mul3A_34 : i32
        %add3A_37 = arith.constant 0 : i32
        %add3A_38 = arith.addi %add3A_36, %add3A_37 : i32
        %dma_start3A = arith.constant 0 : i32
        %dma_start3A_39 = tpu.memref_slice %arg9[%add3A_38, %dma_start3A] : memref<28x128xi32, #tpu.memory_space<vmem>> -> memref<1x128xi32, #tpu.memory_space<vmem>>
        %dma_start3A_40 = tpu.memref_squeeze %dma_start3A_39 : memref<1x128xi32, #tpu.memory_space<vmem>> -> memref<128xi32, #tpu.memory_space<vmem>>
        %dma_start3A_41 = arith.constant 0 : i32
        %dma_start3A_42 = arith.constant 0 : i32
        %dma_start3A_43 = tpu.memref_slice %arg8[%dma_start3A_41, %dma_start3A_42] : memref<10240x64xf32, #tpu.memory_space<vmem_shared>> -> memref<10240x64xf32, #tpu.memory_space<vmem_shared>>
        tpu.enqueue_indirect_dma source(%dma_start3A_43 : memref<10240x64xf32, #tpu.memory_space<vmem_shared>>) target(%arg11 : memref<128x64xf32, #tpu.memory_space<vmem>>) offsets(%dma_start3A_40 : memref<128xi32, #tpu.memory_space<vmem>>) semaphore(%arg15 : memref<!tpu.dma_semaphore, #tpu.memory_space<semaphore_mem>>)
        %add3A_44 = arith.constant 1 : i32
        %add3A_45 = arith.addi %add3A_36, %add3A_44 : i32
        %dma_start3A_46 = arith.constant 0 : i32
        %dma_start3A_47 = tpu.memref_slice %arg9[%add3A_45, %dma_start3A_46] : memref<28x128xi32, #tpu.memory_space<vmem>> -> memref<1x128xi32, #tpu.memory_space<vmem>>
        %dma_start3A_48 = tpu.memref_squeeze %dma_start3A_47 : memref<1x128xi32, #tpu.memory_space<vmem>> -> memref<128xi32, #tpu.memory_space<vmem>>
        %dma_start3A_49 = arith.constant 0 : i32
        %dma_start3A_50 = arith.constant 0 : i32
        %dma_start3A_51 = tpu.memref_slice %arg8[%dma_start3A_49, %dma_start3A_50] : memref<10240x64xf32, #tpu.memory_space<vmem_shared>> -> memref<10240x64xf32, #tpu.memory_space<vmem_shared>>
        tpu.enqueue_indirect_dma source(%dma_start3A_51 : memref<10240x64xf32, #tpu.memory_space<vmem_shared>>) target(%arg12 : memref<128x64xf32, #tpu.memory_space<vmem>>) offsets(%dma_start3A_48 : memref<128xi32, #tpu.memory_space<vmem>>) semaphore(%arg16 : memref<!tpu.dma_semaphore, #tpu.memory_space<semaphore_mem>>)
        %add3A_52 = arith.constant 2 : i32
        %add3A_53 = arith.addi %add3A_36, %add3A_52 : i32
        %dma_start3A_54 = arith.constant 0 : i32
        %dma_start3A_55 = tpu.memref_slice %arg9[%add3A_53, %dma_start3A_54] : memref<28x128xi32, #tpu.memory_space<vmem>> -> memref<1x128xi32, #tpu.memory_space<vmem>>
        %dma_start3A_56 = tpu.memref_squeeze %dma_start3A_55 : memref<1x128xi32, #tpu.memory_space<vmem>> -> memref<128xi32, #tpu.memory_space<vmem>>
        %dma_start3A_57 = arith.constant 0 : i32
        %dma_start3A_58 = arith.constant 0 : i32
        %dma_start3A_59 = tpu.memref_slice %arg8[%dma_start3A_57, %dma_start3A_58] : memref<10240x64xf32, #tpu.memory_space<vmem_shared>> -> memref<10240x64xf32, #tpu.memory_space<vmem_shared>>
        tpu.enqueue_indirect_dma source(%dma_start3A_59 : memref<10240x64xf32, #tpu.memory_space<vmem_shared>>) target(%arg13 : memref<128x64xf32, #tpu.memory_space<vmem>>) offsets(%dma_start3A_56 : memref<128xi32, #tpu.memory_space<vmem>>) semaphore(%arg17 : memref<!tpu.dma_semaphore, #tpu.memory_space<semaphore_mem>>)
        %add3A_60 = arith.constant 3 : i32
        %add3A_61 = arith.addi %add3A_36, %add3A_60 : i32
        %dma_start3A_62 = arith.constant 0 : i32
        %dma_start3A_63 = tpu.memref_slice %arg9[%add3A_61, %dma_start3A_62] : memref<28x128xi32, #tpu.memory_space<vmem>> -> memref<1x128xi32, #tpu.memory_space<vmem>>
        %dma_start3A_64 = tpu.memref_squeeze %dma_start3A_63 : memref<1x128xi32, #tpu.memory_space<vmem>> -> memref<128xi32, #tpu.memory_space<vmem>>
        %dma_start3A_65 = arith.constant 0 : i32
        %dma_start3A_66 = arith.constant 0 : i32
        %dma_start3A_67 = tpu.memref_slice %arg8[%dma_start3A_65, %dma_start3A_66] : memref<10240x64xf32, #tpu.memory_space<vmem_shared>> -> memref<10240x64xf32, #tpu.memory_space<vmem_shared>>
        tpu.enqueue_indirect_dma source(%dma_start3A_67 : memref<10240x64xf32, #tpu.memory_space<vmem_shared>>) target(%arg14 : memref<128x64xf32, #tpu.memory_space<vmem>>) offsets(%dma_start3A_64 : memref<128xi32, #tpu.memory_space<vmem>>) semaphore(%arg18 : memref<!tpu.dma_semaphore, #tpu.memory_space<semaphore_mem>>)
        %dma_wait3A = arith.constant 0 : i32
        %dma_wait3A_68 = tpu.memref_slice %arg9[%add3A_38, %dma_wait3A] : memref<28x128xi32, #tpu.memory_space<vmem>> -> memref<1x128xi32, #tpu.memory_space<vmem>>
        %dma_wait3A_69 = tpu.memref_squeeze %dma_wait3A_68 : memref<1x128xi32, #tpu.memory_space<vmem>> -> memref<128xi32, #tpu.memory_space<vmem>>
        %dma_wait3A_70 = arith.constant 0 : i32
        %dma_wait3A_71 = arith.constant 0 : i32
        %dma_wait3A_72 = tpu.memref_slice %arg8[%dma_wait3A_70, %dma_wait3A_71] : memref<10240x64xf32, #tpu.memory_space<vmem_shared>> -> memref<10240x64xf32, #tpu.memory_space<vmem_shared>>
        tpu.wait_indirect_dma semaphore(%arg15 : memref<!tpu.dma_semaphore, #tpu.memory_space<semaphore_mem>>) src(%dma_wait3A_72 : memref<10240x64xf32, #tpu.memory_space<vmem_shared>>) dst(%arg11 : memref<128x64xf32, #tpu.memory_space<vmem>>)
        %add3A_73 = arith.constant 0 : i32
        %add3A_74 = arith.addi %add3A_36, %add3A_73 : i32
        %dma_start3A_75 = arith.constant 0 : i32
        %dma_start3A_76 = tpu.memref_slice %arg10[%add3A_74, %dma_start3A_75] : memref<28x128xi32, #tpu.memory_space<vmem>> -> memref<1x128xi32, #tpu.memory_space<vmem>>
        %dma_start3A_77 = tpu.memref_squeeze %dma_start3A_76 : memref<1x128xi32, #tpu.memory_space<vmem>> -> memref<128xi32, #tpu.memory_space<vmem>>
        %dma_start3A_78 = arith.constant 0 : i32
        %dma_start3A_79 = arith.constant 0 : i32
        %dma_start3A_80 = tpu.memref_slice %arg7[%dma_start3A_78, %dma_start3A_79] : memref<10240x64xf32, #tpu.memory_space<vmem_shared>> -> memref<10240x64xf32, #tpu.memory_space<vmem_shared>>
        tpu.enqueue_indirect_dma source(%arg11 : memref<128x64xf32, #tpu.memory_space<vmem>>) target(%dma_start3A_80 : memref<10240x64xf32, #tpu.memory_space<vmem_shared>>) offsets(%dma_start3A_77 : memref<128xi32, #tpu.memory_space<vmem>>) semaphore(%arg19 : memref<!tpu.dma_semaphore, #tpu.memory_space<semaphore_mem>>) {add = true}
        %dma_wait3A_81 = arith.constant 0 : i32
        %dma_wait3A_82 = tpu.memref_slice %arg9[%add3A_45, %dma_wait3A_81] : memref<28x128xi32, #tpu.memory_space<vmem>> -> memref<1x128xi32, #tpu.memory_space<vmem>>
        %dma_wait3A_83 = tpu.memref_squeeze %dma_wait3A_82 : memref<1x128xi32, #tpu.memory_space<vmem>> -> memref<128xi32, #tpu.memory_space<vmem>>
        %dma_wait3A_84 = arith.constant 0 : i32
        %dma_wait3A_85 = arith.constant 0 : i32
        %dma_wait3A_86 = tpu.memref_slice %arg8[%dma_wait3A_84, %dma_wait3A_85] : memref<10240x64xf32, #tpu.memory_space<vmem_shared>> -> memref<10240x64xf32, #tpu.memory_space<vmem_shared>>
        tpu.wait_indirect_dma semaphore(%arg16 : memref<!tpu.dma_semaphore, #tpu.memory_space<semaphore_mem>>) src(%dma_wait3A_86 : memref<10240x64xf32, #tpu.memory_space<vmem_shared>>) dst(%arg12 : memref<128x64xf32, #tpu.memory_space<vmem>>)
        %add3A_87 = arith.constant 1 : i32
        %add3A_88 = arith.addi %add3A_36, %add3A_87 : i32
        %dma_start3A_89 = arith.constant 0 : i32
        %dma_start3A_90 = tpu.memref_slice %arg10[%add3A_88, %dma_start3A_89] : memref<28x128xi32, #tpu.memory_space<vmem>> -> memref<1x128xi32, #tpu.memory_space<vmem>>
        %dma_start3A_91 = tpu.memref_squeeze %dma_start3A_90 : memref<1x128xi32, #tpu.memory_space<vmem>> -> memref<128xi32, #tpu.memory_space<vmem>>
        %dma_start3A_92 = arith.constant 0 : i32
        %dma_start3A_93 = arith.constant 0 : i32
        %dma_start3A_94 = tpu.memref_slice %arg7[%dma_start3A_92, %dma_start3A_93] : memref<10240x64xf32, #tpu.memory_space<vmem_shared>> -> memref<10240x64xf32, #tpu.memory_space<vmem_shared>>
        tpu.enqueue_indirect_dma source(%arg12 : memref<128x64xf32, #tpu.memory_space<vmem>>) target(%dma_start3A_94 : memref<10240x64xf32, #tpu.memory_space<vmem_shared>>) offsets(%dma_start3A_91 : memref<128xi32, #tpu.memory_space<vmem>>) semaphore(%arg20 : memref<!tpu.dma_semaphore, #tpu.memory_space<semaphore_mem>>) {add = true}
        %dma_wait3A_95 = arith.constant 0 : i32
        %dma_wait3A_96 = tpu.memref_slice %arg9[%add3A_53, %dma_wait3A_95] : memref<28x128xi32, #tpu.memory_space<vmem>> -> memref<1x128xi32, #tpu.memory_space<vmem>>
        %dma_wait3A_97 = tpu.memref_squeeze %dma_wait3A_96 : memref<1x128xi32, #tpu.memory_space<vmem>> -> memref<128xi32, #tpu.memory_space<vmem>>
        %dma_wait3A_98 = arith.constant 0 : i32
        %dma_wait3A_99 = arith.constant 0 : i32
        %dma_wait3A_100 = tpu.memref_slice %arg8[%dma_wait3A_98, %dma_wait3A_99] : memref<10240x64xf32, #tpu.memory_space<vmem_shared>> -> memref<10240x64xf32, #tpu.memory_space<vmem_shared>>
        tpu.wait_indirect_dma semaphore(%arg17 : memref<!tpu.dma_semaphore, #tpu.memory_space<semaphore_mem>>) src(%dma_wait3A_100 : memref<10240x64xf32, #tpu.memory_space<vmem_shared>>) dst(%arg13 : memref<128x64xf32, #tpu.memory_space<vmem>>)
        %add3A_101 = arith.constant 2 : i32
        %add3A_102 = arith.addi %add3A_36, %add3A_101 : i32
        %dma_start3A_103 = arith.constant 0 : i32
        %dma_start3A_104 = tpu.memref_slice %arg10[%add3A_102, %dma_start3A_103] : memref<28x128xi32, #tpu.memory_space<vmem>> -> memref<1x128xi32, #tpu.memory_space<vmem>>
        %dma_start3A_105 = tpu.memref_squeeze %dma_start3A_104 : memref<1x128xi32, #tpu.memory_space<vmem>> -> memref<128xi32, #tpu.memory_space<vmem>>
        %dma_start3A_106 = arith.constant 0 : i32
        %dma_start3A_107 = arith.constant 0 : i32
        %dma_start3A_108 = tpu.memref_slice %arg7[%dma_start3A_106, %dma_start3A_107] : memref<10240x64xf32, #tpu.memory_space<vmem_shared>> -> memref<10240x64xf32, #tpu.memory_space<vmem_shared>>
        tpu.enqueue_indirect_dma source(%arg13 : memref<128x64xf32, #tpu.memory_space<vmem>>) target(%dma_start3A_108 : memref<10240x64xf32, #tpu.memory_space<vmem_shared>>) offsets(%dma_start3A_105 : memref<128xi32, #tpu.memory_space<vmem>>) semaphore(%arg21 : memref<!tpu.dma_semaphore, #tpu.memory_space<semaphore_mem>>) {add = true}
        %dma_wait3A_109 = arith.constant 0 : i32
        %dma_wait3A_110 = tpu.memref_slice %arg9[%add3A_61, %dma_wait3A_109] : memref<28x128xi32, #tpu.memory_space<vmem>> -> memref<1x128xi32, #tpu.memory_space<vmem>>
        %dma_wait3A_111 = tpu.memref_squeeze %dma_wait3A_110 : memref<1x128xi32, #tpu.memory_space<vmem>> -> memref<128xi32, #tpu.memory_space<vmem>>
        %dma_wait3A_112 = arith.constant 0 : i32
        %dma_wait3A_113 = arith.constant 0 : i32
        %dma_wait3A_114 = tpu.memref_slice %arg8[%dma_wait3A_112, %dma_wait3A_113] : memref<10240x64xf32, #tpu.memory_space<vmem_shared>> -> memref<10240x64xf32, #tpu.memory_space<vmem_shared>>
        tpu.wait_indirect_dma semaphore(%arg18 : memref<!tpu.dma_semaphore, #tpu.memory_space<semaphore_mem>>) src(%dma_wait3A_114 : memref<10240x64xf32, #tpu.memory_space<vmem_shared>>) dst(%arg14 : memref<128x64xf32, #tpu.memory_space<vmem>>)
        %add3A_115 = arith.constant 3 : i32
        %add3A_116 = arith.addi %add3A_36, %add3A_115 : i32
        %dma_start3A_117 = arith.constant 0 : i32
        %dma_start3A_118 = tpu.memref_slice %arg10[%add3A_116, %dma_start3A_117] : memref<28x128xi32, #tpu.memory_space<vmem>> -> memref<1x128xi32, #tpu.memory_space<vmem>>
        %dma_start3A_119 = tpu.memref_squeeze %dma_start3A_118 : memref<1x128xi32, #tpu.memory_space<vmem>> -> memref<128xi32, #tpu.memory_space<vmem>>
        %dma_start3A_120 = arith.constant 0 : i32
        %dma_start3A_121 = arith.constant 0 : i32
        %dma_start3A_122 = tpu.memref_slice %arg7[%dma_start3A_120, %dma_start3A_121] : memref<10240x64xf32, #tpu.memory_space<vmem_shared>> -> memref<10240x64xf32, #tpu.memory_space<vmem_shared>>
        tpu.enqueue_indirect_dma source(%arg14 : memref<128x64xf32, #tpu.memory_space<vmem>>) target(%dma_start3A_122 : memref<10240x64xf32, #tpu.memory_space<vmem_shared>>) offsets(%dma_start3A_119 : memref<128xi32, #tpu.memory_space<vmem>>) semaphore(%arg22 : memref<!tpu.dma_semaphore, #tpu.memory_space<semaphore_mem>>) {add = true}
        %dma_wait3A_123 = arith.constant 0 : i32
        %dma_wait3A_124 = tpu.memref_slice %arg10[%add3A_74, %dma_wait3A_123] : memref<28x128xi32, #tpu.memory_space<vmem>> -> memref<1x128xi32, #tpu.memory_space<vmem>>
        %dma_wait3A_125 = tpu.memref_squeeze %dma_wait3A_124 : memref<1x128xi32, #tpu.memory_space<vmem>> -> memref<128xi32, #tpu.memory_space<vmem>>
        %dma_wait3A_126 = arith.constant 0 : i32
        %dma_wait3A_127 = arith.constant 0 : i32
        %dma_wait3A_128 = tpu.memref_slice %arg7[%dma_wait3A_126, %dma_wait3A_127] : memref<10240x64xf32, #tpu.memory_space<vmem_shared>> -> memref<10240x64xf32, #tpu.memory_space<vmem_shared>>
        tpu.wait_indirect_dma semaphore(%arg19 : memref<!tpu.dma_semaphore, #tpu.memory_space<semaphore_mem>>) src(%arg11 : memref<128x64xf32, #tpu.memory_space<vmem>>) dst(%dma_wait3A_128 : memref<10240x64xf32, #tpu.memory_space<vmem_shared>>)
        %dma_wait3A_129 = arith.constant 0 : i32
        %dma_wait3A_130 = tpu.memref_slice %arg10[%add3A_88, %dma_wait3A_129] : memref<28x128xi32, #tpu.memory_space<vmem>> -> memref<1x128xi32, #tpu.memory_space<vmem>>
        %dma_wait3A_131 = tpu.memref_squeeze %dma_wait3A_130 : memref<1x128xi32, #tpu.memory_space<vmem>> -> memref<128xi32, #tpu.memory_space<vmem>>
        %dma_wait3A_132 = arith.constant 0 : i32
        %dma_wait3A_133 = arith.constant 0 : i32
        %dma_wait3A_134 = tpu.memref_slice %arg7[%dma_wait3A_132, %dma_wait3A_133] : memref<10240x64xf32, #tpu.memory_space<vmem_shared>> -> memref<10240x64xf32, #tpu.memory_space<vmem_shared>>
        tpu.wait_indirect_dma semaphore(%arg20 : memref<!tpu.dma_semaphore, #tpu.memory_space<semaphore_mem>>) src(%arg12 : memref<128x64xf32, #tpu.memory_space<vmem>>) dst(%dma_wait3A_134 : memref<10240x64xf32, #tpu.memory_space<vmem_shared>>)
        %dma_wait3A_135 = arith.constant 0 : i32
        %dma_wait3A_136 = tpu.memref_slice %arg10[%add3A_102, %dma_wait3A_135] : memref<28x128xi32, #tpu.memory_space<vmem>> -> memref<1x128xi32, #tpu.memory_space<vmem>>
        %dma_wait3A_137 = tpu.memref_squeeze %dma_wait3A_136 : memref<1x128xi32, #tpu.memory_space<vmem>> -> memref<128xi32, #tpu.memory_space<vmem>>
        %dma_wait3A_138 = arith.constant 0 : i32
        %dma_wait3A_139 = arith.constant 0 : i32
        %dma_wait3A_140 = tpu.memref_slice %arg7[%dma_wait3A_138, %dma_wait3A_139] : memref<10240x64xf32, #tpu.memory_space<vmem_shared>> -> memref<10240x64xf32, #tpu.memory_space<vmem_shared>>
        tpu.wait_indirect_dma semaphore(%arg21 : memref<!tpu.dma_semaphore, #tpu.memory_space<semaphore_mem>>) src(%arg13 : memref<128x64xf32, #tpu.memory_space<vmem>>) dst(%dma_wait3A_140 : memref<10240x64xf32, #tpu.memory_space<vmem_shared>>)
        %dma_wait3A_141 = arith.constant 0 : i32
        %dma_wait3A_142 = tpu.memref_slice %arg10[%add3A_116, %dma_wait3A_141] : memref<28x128xi32, #tpu.memory_space<vmem>> -> memref<1x128xi32, #tpu.memory_space<vmem>>
        %dma_wait3A_143 = tpu.memref_squeeze %dma_wait3A_142 : memref<1x128xi32, #tpu.memory_space<vmem>> -> memref<128xi32, #tpu.memory_space<vmem>>
        %dma_wait3A_144 = arith.constant 0 : i32
        %dma_wait3A_145 = arith.constant 0 : i32
        %dma_wait3A_146 = tpu.memref_slice %arg7[%dma_wait3A_144, %dma_wait3A_145] : memref<10240x64xf32, #tpu.memory_space<vmem_shared>> -> memref<10240x64xf32, #tpu.memory_space<vmem_shared>>
        tpu.wait_indirect_dma semaphore(%arg22 : memref<!tpu.dma_semaphore, #tpu.memory_space<semaphore_mem>>) src(%arg14 : memref<128x64xf32, #tpu.memory_space<vmem>>) dst(%dma_wait3A_146 : memref<10240x64xf32, #tpu.memory_space<vmem_shared>>)
      }
      %scan3A_31 = arith.constant 7 : i32
    }
    %scan3A_12 = arith.constant 3 : i32
    %barrier3A_13 = arith.constant 0 : index
    tpu.barrier barrier_id(%barrier3A_13)
    %mul3A_14 = arith.constant 640 : i32
    %mul3A_15 = arith.muli %arg1, %mul3A_14 : i32
    %mul3A_16 = arith.constant 640 : i32
    %mul3A_17 = arith.muli %arg1, %mul3A_16 : i32
    "tpu.region"() ({
      %run_scoped3A = tpu.sem_alloc : memref<!tpu.dma_semaphore, #tpu.memory_space<semaphore_mem>>
      %dma_start3A = arith.constant 0 : i32
      %dma_start3A_18 = tpu.memref_slice %arg6[%arg0, %mul3A_17, %dma_start3A] : memref<2x10240x64xf32, #tpu.memory_space<hbm>> -> memref<1x640x64xf32, #tpu.memory_space<hbm>>
      %dma_start3A_19 = tpu.memref_squeeze %dma_start3A_18 : memref<1x640x64xf32, #tpu.memory_space<hbm>> -> memref<640x64xf32, #tpu.memory_space<hbm>>
      %dma_start3A_20 = arith.constant 0 : i32
      %dma_start3A_21 = tpu.memref_slice %arg7[%mul3A_15, %dma_start3A_20] : memref<10240x64xf32, #tpu.memory_space<vmem_shared>> -> memref<640x64xf32, #tpu.memory_space<vmem_shared>>
      tpu.enqueue_dma source(%dma_start3A_21 : memref<640x64xf32, #tpu.memory_space<vmem_shared>>) target(%dma_start3A_19 : memref<640x64xf32, #tpu.memory_space<hbm>>) target_semaphore(%run_scoped3A : memref<!tpu.dma_semaphore, #tpu.memory_space<semaphore_mem>>)
      %dma_wait3A = arith.constant 0 : i32
      %dma_wait3A_22 = tpu.memref_slice %arg6[%arg0, %mul3A_17, %dma_wait3A] : memref<2x10240x64xf32, #tpu.memory_space<hbm>> -> memref<1x640x64xf32, #tpu.memory_space<hbm>>
      %dma_wait3A_23 = tpu.memref_squeeze %dma_wait3A_22 : memref<1x640x64xf32, #tpu.memory_space<hbm>> -> memref<640x64xf32, #tpu.memory_space<hbm>>
      %dma_wait3A_24 = arith.constant 0 : i32
      %dma_wait3A_25 = tpu.memref_slice %arg7[%mul3A_15, %dma_wait3A_24] : memref<10240x64xf32, #tpu.memory_space<vmem_shared>> -> memref<640x64xf32, #tpu.memory_space<vmem_shared>>
      tpu.wait_dma2 semaphore(%run_scoped3A : memref<!tpu.dma_semaphore, #tpu.memory_space<semaphore_mem>>) src(%dma_wait3A_25 : memref<640x64xf32, #tpu.memory_space<vmem_shared>>) dst(%dma_wait3A_23 : memref<640x64xf32, #tpu.memory_space<hbm>>)
      tpu.yield
    }) : () -> ()
    return
  }
}

module attributes {stable_mosaic.version = 14 : i64} {
  func.func @_mlp_body(%arg0: i32, %arg1: memref<1024x128xf32, #tpu.memory_space<vmem>>, %arg2: memref<128x128xf32, #tpu.memory_space<vmem>>, %arg3: memref<1x128xf32, #tpu.memory_space<vmem>>, %arg4: memref<128x64xf32, #tpu.memory_space<vmem>>, %arg5: memref<1x64xf32, #tpu.memory_space<vmem>>, %arg6: memref<1024x64xf32, #tpu.memory_space<vmem>>) attributes {dimension_semantics = [#tpu.dimension_semantics<arbitrary>], iteration_bounds = array<i64: 10>, scalar_prefetch = 0 : i64, scratch_operands = 0 : i64, tpu.core_type = #tpu.core_type<tc>, window_params = [{transform_indices = @transform_0, window_bounds = array<i64: 1024, 128>}, {pipeline_mode = #tpu.pipeline_mode<synchronous>, transform_indices = @transform_1, window_bounds = array<i64: 128, 128>}, {pipeline_mode = #tpu.pipeline_mode<synchronous>, transform_indices = @transform_2, window_bounds = array<i64: 1, 128>}, {pipeline_mode = #tpu.pipeline_mode<synchronous>, transform_indices = @transform_3, window_bounds = array<i64: 128, 64>}, {pipeline_mode = #tpu.pipeline_mode<synchronous>, transform_indices = @transform_4, window_bounds = array<i64: 1, 64>}, {transform_indices = @transform_5, window_bounds = array<i64: 1024, 64>}]} {
    %get3A = arith.constant 0 : index
    %get3A_0 = arith.constant 0 : index
    %get3A_1 = vector.load %arg1[%get3A, %get3A_0] : memref<1024x128xf32, #tpu.memory_space<vmem>>, vector<1024x128xf32>
    %get3A_2 = arith.constant 0 : index
    %get3A_3 = arith.constant 0 : index
    %get3A_4 = vector.load %arg2[%get3A_2, %get3A_3] : memref<128x128xf32, #tpu.memory_space<vmem>>, vector<128x128xf32>
    %dot_general3A = arith.constant dense<0.000000e+00> : vector<1024x128xf32>
    %dot_general3A_5 = tpu.matmul %get3A_1, %get3A_4, %dot_general3A {dimension_numbers = #tpu.dot_dimension_numbers<[1], [0], [0], [1], [0, 0, 1, 1], [], []>, transpose_lhs_hint = false} : vector<1024x128xf32>, vector<128x128xf32>, vector<1024x128xf32> -> vector<1024x128xf32>
    %get3A_6 = arith.constant 0 : index
    %get3A_7 = arith.constant 0 : index
    %get3A_8 = vector.load %arg3[%get3A_6, %get3A_7] : memref<1x128xf32, #tpu.memory_space<vmem>>, vector<1x128xf32>
    %add3A = vector.broadcast %get3A_8 : vector<1x128xf32> to vector<1024x128xf32>
    %add3A_9 = arith.addf %dot_general3A_5, %add3A : vector<1024x128xf32>
    %max3A = arith.constant 0.000000e+00 : f32
    %max3A_10 = vector.broadcast %max3A : f32 to vector<1024x128xf32>
    %max3A_11 = arith.maximumf %add3A_9, %max3A_10 : vector<1024x128xf32>
    %get3A_12 = arith.constant 0 : index
    %get3A_13 = arith.constant 0 : index
    %get3A_14 = vector.load %arg4[%get3A_12, %get3A_13] : memref<128x64xf32, #tpu.memory_space<vmem>>, vector<128x64xf32>
    %dot_general3A_15 = arith.constant dense<0.000000e+00> : vector<1024x64xf32>
    %dot_general3A_16 = tpu.matmul %max3A_11, %get3A_14, %dot_general3A_15 {dimension_numbers = #tpu.dot_dimension_numbers<[1], [0], [0], [1], [0, 0, 1, 1], [], []>, transpose_lhs_hint = false} : vector<1024x128xf32>, vector<128x64xf32>, vector<1024x64xf32> -> vector<1024x64xf32>
    %get3A_17 = arith.constant 0 : index
    %get3A_18 = arith.constant 0 : index
    %get3A_19 = vector.load %arg5[%get3A_17, %get3A_18] : memref<1x64xf32, #tpu.memory_space<vmem>>, vector<1x64xf32>
    %add3A_20 = vector.broadcast %get3A_19 : vector<1x64xf32> to vector<1024x64xf32>
    %add3A_21 = arith.addf %dot_general3A_16, %add3A_20 : vector<1024x64xf32>
    %swap3A = arith.constant 0 : index
    %swap3A_22 = arith.constant 0 : index
    %swap3A_23 = vector.load %arg6[%swap3A, %swap3A_22] : memref<1024x64xf32, #tpu.memory_space<vmem>>, vector<1024x64xf32>
    tpu.vector_store %arg6[%swap3A, %swap3A_22], %add3A_21 {strides = array<i32>} : memref<1024x64xf32, #tpu.memory_space<vmem>>, vector<1024x64xf32>,
    return
  }
  func.func @transform_0(%arg0: i32) -> (i32, i32) {
    %c0_i32 = arith.constant 0 : i32
    %c0_i32_0 = arith.constant 0 : i32
    return %arg0, %c0_i32 : i32, i32
  }
  func.func @transform_1(%arg0: i32) -> (i32, i32) {
    %c0_i32 = arith.constant 0 : i32
    %c0_i32_0 = arith.constant 0 : i32
    %c0_i32_1 = arith.constant 0 : i32
    return %c0_i32, %c0_i32_0 : i32, i32
  }
  func.func @transform_2(%arg0: i32) -> (i32, i32) {
    %c0_i32 = arith.constant 0 : i32
    %c0_i32_0 = arith.constant 0 : i32
    %c0_i32_1 = arith.constant 0 : i32
    return %c0_i32, %c0_i32_0 : i32, i32
  }
  func.func @transform_3(%arg0: i32) -> (i32, i32) {
    %c0_i32 = arith.constant 0 : i32
    %c0_i32_0 = arith.constant 0 : i32
    %c0_i32_1 = arith.constant 0 : i32
    return %c0_i32, %c0_i32_0 : i32, i32
  }
  func.func @transform_4(%arg0: i32) -> (i32, i32) {
    %c0_i32 = arith.constant 0 : i32
    %c0_i32_0 = arith.constant 0 : i32
    %c0_i32_1 = arith.constant 0 : i32
    return %c0_i32, %c0_i32_0 : i32, i32
  }
  func.func @transform_5(%arg0: i32) -> (i32, i32) {
    %c0_i32 = arith.constant 0 : i32
    %c0_i32_0 = arith.constant 0 : i32
    return %arg0, %c0_i32 : i32, i32
  }
}

module attributes {stable_mosaic.version = 14 : i64} {
  func.func @_scale_body(%arg0: i32, %arg1: memref<1024x64xf32, #tpu.memory_space<vmem>>, %arg2: memref<1024x16xf32, #tpu.memory_space<vmem>>, %arg3: memref<1024x16xf32, #tpu.memory_space<vmem>>, %arg4: memref<1024x64xf32, #tpu.memory_space<vmem>>, %arg5: memref<1024x64xf32, #tpu.memory_space<vmem>>) attributes {dimension_semantics = [#tpu.dimension_semantics<arbitrary>], iteration_bounds = array<i64: 10>, scalar_prefetch = 0 : i64, scratch_operands = 0 : i64, tpu.core_type = #tpu.core_type<tc>, window_params = [{transform_indices = @transform_0, window_bounds = array<i64: 1024, 64>}, {transform_indices = @transform_1, window_bounds = array<i64: 1024, 16>}, {transform_indices = @transform_2, window_bounds = array<i64: 1024, 16>}, {transform_indices = @transform_3, window_bounds = array<i64: 1024, 64>}, {transform_indices = @transform_4, window_bounds = array<i64: 1024, 64>}]} {
    %get3A = arith.constant 0 : index
    %get3A_0 = arith.constant 0 : index
    %get3A_1 = vector.load %arg1[%get3A, %get3A_0] : memref<1024x64xf32, #tpu.memory_space<vmem>>, vector<1024x64xf32>
    %get3A_2 = arith.constant 0 : index
    %get3A_3 = arith.constant 0 : index
    %get3A_4 = vector.load %arg2[%get3A_2, %get3A_3] : memref<1024x16xf32, #tpu.memory_space<vmem>>, vector<1024x1xf32>
    %get3A_5 = arith.constant 0 : index
    %get3A_6 = arith.constant 0 : index
    %get3A_7 = vector.load %arg3[%get3A_5, %get3A_6] : memref<1024x16xf32, #tpu.memory_space<vmem>>, vector<1024x1xf32>
    %add3A = arith.addf %get3A_4, %get3A_7 : vector<1024x1xf32>
    %gt3A = arith.constant 0.000000e+00 : f32
    %gt3A_8 = vector.broadcast %gt3A : f32 to vector<1024x1xf32>
    %gt3A_9 = arith.cmpf ogt, %add3A, %gt3A_8 : vector<1024x1xf32>
    %rsqrt3A = math.rsqrt %add3A : vector<1024x1xf32>
    %jit3A = arith.constant 0.000000e+00 : f32
    %broadcast_in_dim3A = vector.broadcast %jit3A : f32 to vector<1024x1xf32>
    %select_n3A = arith.select %gt3A_9, %rsqrt3A, %broadcast_in_dim3A : vector<1024x1xi1>, vector<1024x1xf32>
    %mul3A = vector.broadcast %select_n3A : vector<1024x1xf32> to vector<1024x64xf32>
    %mul3A_10 = arith.mulf %mul3A, %get3A_1 : vector<1024x64xf32>
    %swap3A = arith.constant 0 : index
    %swap3A_11 = arith.constant 0 : index
    %swap3A_12 = vector.load %arg4[%swap3A, %swap3A_11] : memref<1024x64xf32, #tpu.memory_space<vmem>>, vector<1024x64xf32>
    tpu.vector_store %arg4[%swap3A, %swap3A_11], %mul3A_10 {strides = array<i32>} : memref<1024x64xf32, #tpu.memory_space<vmem>>, vector<1024x64xf32>,
    %broadcast_in_dim3A_13 = vector.shape_cast %select_n3A : vector<1024x1xf32> to vector<1024x1xf32>
    %broadcast_in_dim3A_14 = vector.broadcast %broadcast_in_dim3A_13 : vector<1024x1xf32> to vector<1024x64xf32>
    %swap3A_15 = arith.constant 0 : index
    %swap3A_16 = arith.constant 0 : index
    %swap3A_17 = vector.load %arg5[%swap3A_15, %swap3A_16] : memref<1024x64xf32, #tpu.memory_space<vmem>>, vector<1024x64xf32>
    tpu.vector_store %arg5[%swap3A_15, %swap3A_16], %broadcast_in_dim3A_14 {strides = array<i32>} : memref<1024x64xf32, #tpu.memory_space<vmem>>, vector<1024x64xf32>,
    return
  }
  func.func @transform_0(%arg0: i32) -> (i32, i32) {
    %c0_i32 = arith.constant 0 : i32
    %c0_i32_0 = arith.constant 0 : i32
    return %arg0, %c0_i32 : i32, i32
  }
  func.func @transform_1(%arg0: i32) -> (i32, i32) {
    %c0_i32 = arith.constant 0 : i32
    %c0_i32_0 = arith.constant 0 : i32
    return %arg0, %c0_i32 : i32, i32
  }
  func.func @transform_2(%arg0: i32) -> (i32, i32) {
    %c0_i32 = arith.constant 0 : i32
    %c0_i32_0 = arith.constant 0 : i32
    return %arg0, %c0_i32 : i32, i32
  }
  func.func @transform_3(%arg0: i32) -> (i32, i32) {
    %c0_i32 = arith.constant 0 : i32
    %c0_i32_0 = arith.constant 0 : i32
    return %arg0, %c0_i32 : i32, i32
  }
  func.func @transform_4(%arg0: i32) -> (i32, i32) {
    %c0_i32 = arith.constant 0 : i32
    %c0_i32_0 = arith.constant 0 : i32
    return %arg0, %c0_i32 : i32, i32
  }
}

module attributes {stable_mosaic.version = 14 : i64} {
  func.func @_comb_body(%arg0: i32, %arg1: memref<1024x64xf32, #tpu.memory_space<vmem>>, %arg2: memref<1024x64xf32, #tpu.memory_space<vmem>>, %arg3: memref<1024x64xf32, #tpu.memory_space<vmem>>, %arg4: memref<1024x64xf32, #tpu.memory_space<vmem>>, %arg5: memref<1024x64xf32, #tpu.memory_space<vmem>>) attributes {dimension_semantics = [#tpu.dimension_semantics<arbitrary>], iteration_bounds = array<i64: 10>, scalar_prefetch = 0 : i64, scratch_operands = 0 : i64, tpu.core_type = #tpu.core_type<tc>, window_params = [{transform_indices = @transform_0, window_bounds = array<i64: 1024, 64>}, {transform_indices = @transform_1, window_bounds = array<i64: 1024, 64>}, {transform_indices = @transform_2, window_bounds = array<i64: 1024, 64>}, {transform_indices = @transform_3, window_bounds = array<i64: 1024, 64>}, {transform_indices = @transform_4, window_bounds = array<i64: 1024, 64>}]} {
    %get3A = arith.constant 0 : index
    %get3A_0 = arith.constant 0 : index
    %get3A_1 = vector.load %arg3[%get3A, %get3A_0] : memref<1024x64xf32, #tpu.memory_space<vmem>>, vector<1024x64xf32>
    %get3A_2 = arith.constant 0 : index
    %get3A_3 = arith.constant 0 : index
    %get3A_4 = vector.load %arg1[%get3A_2, %get3A_3] : memref<1024x64xf32, #tpu.memory_space<vmem>>, vector<1024x64xf32>
    %get3A_5 = arith.constant 0 : index
    %get3A_6 = arith.constant 0 : index
    %get3A_7 = vector.load %arg2[%get3A_5, %get3A_6] : memref<1024x64xf32, #tpu.memory_space<vmem>>, vector<1024x64xf32>
    %add3A = arith.addf %get3A_4, %get3A_7 : vector<1024x64xf32>
    %mul3A = arith.constant 0.899999976 : f32
    %mul3A_8 = vector.broadcast %mul3A : f32 to vector<1024x64xf32>
    %mul3A_9 = arith.mulf %mul3A_8, %get3A_1 : vector<1024x64xf32>
    %mul3A_10 = arith.mulf %mul3A_9, %get3A_1 : vector<1024x64xf32>
    %mul3A_11 = arith.mulf %mul3A_10, %add3A : vector<1024x64xf32>
    %get3A_12 = arith.constant 0 : index
    %get3A_13 = arith.constant 0 : index
    %get3A_14 = vector.load %arg4[%get3A_12, %get3A_13] : memref<1024x64xf32, #tpu.memory_space<vmem>>, vector<1024x64xf32>
    %mul3A_15 = arith.constant 1.000000e-01 : f32
    %mul3A_16 = vector.broadcast %mul3A_15 : f32 to vector<1024x64xf32>
    %mul3A_17 = arith.mulf %mul3A_16, %get3A_14 : vector<1024x64xf32>
    %add3A_18 = arith.addf %mul3A_11, %mul3A_17 : vector<1024x64xf32>
    %swap3A = arith.constant 0 : index
    %swap3A_19 = arith.constant 0 : index
    %swap3A_20 = vector.load %arg5[%swap3A, %swap3A_19] : memref<1024x64xf32, #tpu.memory_space<vmem>>, vector<1024x64xf32>
    tpu.vector_store %arg5[%swap3A, %swap3A_19], %add3A_18 {strides = array<i32>} : memref<1024x64xf32, #tpu.memory_space<vmem>>, vector<1024x64xf32>,
    return
  }
  func.func @transform_0(%arg0: i32) -> (i32, i32) {
    %c0_i32 = arith.constant 0 : i32
    %c0_i32_0 = arith.constant 0 : i32
    return %arg0, %c0_i32 : i32, i32
  }
  func.func @transform_1(%arg0: i32) -> (i32, i32) {
    %c0_i32 = arith.constant 0 : i32
    %c0_i32_0 = arith.constant 0 : i32
    return %arg0, %c0_i32 : i32, i32
  }
  func.func @transform_2(%arg0: i32) -> (i32, i32) {
    %c0_i32 = arith.constant 0 : i32
    %c0_i32_0 = arith.constant 0 : i32
    return %arg0, %c0_i32 : i32, i32
  }
  func.func @transform_3(%arg0: i32) -> (i32, i32) {
    %c0_i32 = arith.constant 0 : i32
    %c0_i32_0 = arith.constant 0 : i32
    return %arg0, %c0_i32 : i32, i32
  }
  func.func @transform_4(%arg0: i32) -> (i32, i32) {
    %c0_i32 = arith.constant 0 : i32
    %c0_i32_0 = arith.constant 0 : i32
    return %arg0, %c0_i32 : i32, i32
  }
}

module attributes {stable_mosaic.version = 14 : i64} {
  func.func @_fin_body(%arg0: i32, %arg1: memref<1000x64xf32, #tpu.memory_space<vmem>>, %arg2: memref<1000x64xf32, #tpu.memory_space<vmem>>, %arg3: memref<1000x64xf32, #tpu.memory_space<vmem>>, %arg4: memref<1000x64xf32, #tpu.memory_space<vmem>>, %arg5: memref<1000x64xf32, #tpu.memory_space<vmem>>) attributes {dimension_semantics = [#tpu.dimension_semantics<arbitrary>], iteration_bounds = array<i64: 10>, scalar_prefetch = 0 : i64, scratch_operands = 0 : i64, tpu.core_type = #tpu.core_type<tc>, window_params = [{transform_indices = @transform_0, window_bounds = array<i64: 1000, 64>}, {transform_indices = @transform_1, window_bounds = array<i64: 1000, 64>}, {transform_indices = @transform_2, window_bounds = array<i64: 1000, 64>}, {transform_indices = @transform_3, window_bounds = array<i64: 1000, 64>}, {transform_indices = @transform_4, window_bounds = array<i64: 1000, 64>}]} {
    %get3A = arith.constant 0 : index
    %get3A_0 = arith.constant 0 : index
    %get3A_1 = vector.load %arg3[%get3A, %get3A_0] : memref<1000x64xf32, #tpu.memory_space<vmem>>, vector<1000x64xf32>
    %mul3A = arith.constant 0.899999976 : f32
    %mul3A_2 = vector.broadcast %mul3A : f32 to vector<1000x64xf32>
    %mul3A_3 = arith.mulf %mul3A_2, %get3A_1 : vector<1000x64xf32>
    %get3A_4 = arith.constant 0 : index
    %get3A_5 = arith.constant 0 : index
    %get3A_6 = vector.load %arg1[%get3A_4, %get3A_5] : memref<1000x64xf32, #tpu.memory_space<vmem>>, vector<1000x64xf32>
    %get3A_7 = arith.constant 0 : index
    %get3A_8 = arith.constant 0 : index
    %get3A_9 = vector.load %arg2[%get3A_7, %get3A_8] : memref<1000x64xf32, #tpu.memory_space<vmem>>, vector<1000x64xf32>
    %add3A = arith.addf %get3A_6, %get3A_9 : vector<1000x64xf32>
    %mul3A_10 = arith.mulf %mul3A_3, %add3A : vector<1000x64xf32>
    %get3A_11 = arith.constant 0 : index
    %get3A_12 = arith.constant 0 : index
    %get3A_13 = vector.load %arg4[%get3A_11, %get3A_12] : memref<1000x64xf32, #tpu.memory_space<vmem>>, vector<1000x64xf32>
    %mul3A_14 = arith.constant 1.000000e-01 : f32
    %mul3A_15 = vector.broadcast %mul3A_14 : f32 to vector<1000x64xf32>
    %mul3A_16 = arith.mulf %mul3A_15, %get3A_13 : vector<1000x64xf32>
    %add3A_17 = arith.addf %mul3A_10, %mul3A_16 : vector<1000x64xf32>
    %reduce_max3A = arith.constant dense<0xFF800000> : vector<1000xf32>
    %reduce_max3A_18 = vector.multi_reduction <maximumf>, %add3A_17, %reduce_max3A [1] : vector<1000x64xf32> to vector<1000xf32>
    %broadcast_in_dim3A = vector.shape_cast %reduce_max3A_18 : vector<1000xf32> to vector<1000x1xf32>
    %sub3A = vector.broadcast %broadcast_in_dim3A : vector<1000x1xf32> to vector<1000x64xf32>
    %sub3A_19 = arith.subf %add3A_17, %sub3A : vector<1000x64xf32>
    %exp3A = math.exp %sub3A_19 : vector<1000x64xf32>
    %sub3A_20 = vector.broadcast %broadcast_in_dim3A : vector<1000x1xf32> to vector<1000x64xf32>
    %sub3A_21 = arith.subf %add3A_17, %sub3A_20 : vector<1000x64xf32>
    %reduce_sum3A = arith.constant dense<0.000000e+00> : vector<1000xf32>
    %reduce_sum3A_22 = vector.multi_reduction <add>, %exp3A, %reduce_sum3A [1] : vector<1000x64xf32> to vector<1000xf32>
    %broadcast_in_dim3A_23 = vector.shape_cast %reduce_sum3A_22 : vector<1000xf32> to vector<1000x1xf32>
    %log3A = math.log %broadcast_in_dim3A_23 : vector<1000x1xf32>
    %sub3A_24 = vector.broadcast %log3A : vector<1000x1xf32> to vector<1000x64xf32>
    %sub3A_25 = arith.subf %sub3A_21, %sub3A_24 : vector<1000x64xf32>
    %swap3A = arith.constant 0 : index
    %swap3A_26 = arith.constant 0 : index
    %swap3A_27 = vector.load %arg5[%swap3A, %swap3A_26] : memref<1000x64xf32, #tpu.memory_space<vmem>>, vector<1000x64xf32>
    tpu.vector_store %arg5[%swap3A, %swap3A_26], %sub3A_25 {strides = array<i32>} : memref<1000x64xf32, #tpu.memory_space<vmem>>, vector<1000x64xf32>,
    return
  }
  func.func @transform_0(%arg0: i32) -> (i32, i32) {
    %c0_i32 = arith.constant 0 : i32
    %c0_i32_0 = arith.constant 0 : i32
    return %arg0, %c0_i32 : i32, i32
  }
  func.func @transform_1(%arg0: i32) -> (i32, i32) {
    %c0_i32 = arith.constant 0 : i32
    %c0_i32_0 = arith.constant 0 : i32
    return %arg0, %c0_i32 : i32, i32
  }
  func.func @transform_2(%arg0: i32) -> (i32, i32) {
    %c0_i32 = arith.constant 0 : i32
    %c0_i32_0 = arith.constant 0 : i32
    return %arg0, %c0_i32 : i32, i32
  }
  func.func @transform_3(%arg0: i32) -> (i32, i32) {
    %c0_i32 = arith.constant 0 : i32
    %c0_i32_0 = arith.constant 0 : i32
    return %arg0, %c0_i32 : i32, i32
  }
  func.func @transform_4(%arg0: i32) -> (i32, i32) {
    %c0_i32 = arith.constant 0 : i32
    %c0_i32_0 = arith.constant 0 : i32
    return %arg0, %c0_i32 : i32, i32
  }
}

</mosaic_0001>

<sc_bundles>
// kernel: kernel.15.cloned.1.call-start
scs
__scs_entry_jumppad:
0x0: {  	(pc) =	sbr.rel $0x88, $3  }
0x1: {  	(tag) =	ssettag $0x0;
	lr =	simm.s32 $0x1  }
0x2: {  	[smem:$0x3F9B] =	sst lr;
	_ =	strace $0xD0000000  }
0x3: {  	_ = 	snop  }
0x4: {  	_ = 	snop  }
0x5: {  	_ = 	snop  }
0x6: {  	_ = 	snop  }
0x7: {  	_ = 	snop  }
__scs_overlays_trampoline_lowered:
0x8: {  	[smem:$0x3FAA] =	sst s0  }
0x9: {  	[smem:$0x3FAB] =	sst s1  }
0xa: {  	[smem:$0x3FAC] =	sst s2  }
0xb: {  	[smem:$0x3FAD] =	sst s3  }
0xc: {  	[smem:$0x3FAE] =	sst s4  }
0xd: {  	[smem:$0x3FAF] =	sst s5  }
0xe: {  	[smem:$0x3FB0] =	sst s6  }
0xf: {  	[smem:$0x3FB1] =	sst s7  }
0x10: {  	[smem:$0x3FB2] =	sst s8  }
0x11: {  	[smem:$0x3FB3] =	sst s9;
	s0 =	simm.s32 @!p0 $0x0  }
0x12: {  	s1 =	sld [smem:$0x3F99];
	s0 =	simm.s32 @p0 $0x1  }
0x13: {  	[smem:$0x3FB4] =	sst s0;
	s0 =	simm.s32 @!p1 $0x0  }
0x14: {  	s2 =	sld [smem:$0x3F98];
	s0 =	simm.s32 @p1 $0x1  }
0x15: {  	[smem:$0x3FB5] =	sst s0;
	s0 =	simm.s32 @!p2 $0x0  }
0x16: {  	s3 =	sld [smem:$0x3FDB];
	s0 =	simm.s32 @p2 $0x1  }
0x17: {  	s4 =	simm.s32 $0x1BF5;
	[smem:$0x3FB7] =	sst s0  }
0x18: {  	s0 =	sld [smem:$0x3F9A];
	_ =	swait.ge [sflag:s4], $0x0  }
0x19: {  	s7 =	sld [smem:$0x3F9B]  }
0x1a: {  	s8 =	sadd.s32 $0xFFFFE003, lr  }
0x1b: {  	s9 =	sadd.s32 $0xFFFFFEF7, lr;
	s5 =	simm.s32 $0xFFFFFFFF;
	p2 =	slt.u32 s8, $0xFFFFF086  }
0x1c: {  	p1 =	slt.u32 s9, $0xF7A;
	s5 =	simm.s32 @!p2 $0x0  }
0x1d: {  	s5 =	simm.s32 @p1 $0x1;
	p0 =	seq.s32 s7, s2  }
0x1e: {  	s7 =	smul.u32 @!p0 $0xF7A, s2;
	p2 =	seq.s32 @!p0 s5, $0x0  }
0x1f: {  	s9 =	smul.u32 $0xF7A, s1;
	s8 =	simm.s32 @!p0 $0x1BF5;
	p2 =	por !p2, p0  }
0x20: {  	[sflag:s8] =	ssyncset.s32 @!p0 $0xFFFFF086;
	s6 =	sadd.s32 @!p0 s3, s7;
	s7 =	simm.s32 @!p0 $0x108  }
0x21: {  	s3 =	sadd.s32 s3, s9;
	s6 =	sadd.s32 @!p0 $0x88, s6;
	s7 =	simm.s32 @p2 $0x1082  }
0x22: {  	[simem:s7], [sflag:s8] =	dma.local @!p0 [hbm:s6], $0xF7A  }
0x23: {  	s9 =	sor.u32 $0xD0000000, s2;
	s6 =	simm.s32 $0x108;
	_ =	swait.ge @!p0 [sflag:s8], $0x0  }
0x24: {  	s3 =	sadd.s32 $0x88, s3;
	s6 =	simm.s32 @!p1 $0x1082;
	[sflag:s4] =	ssyncset.s32 $0xFFFFF086  }
0x25: {  	[simem:s6], [sflag:s4] =	dma.local [hbm:s3], $0xF7A  }
0x26: {  	[smem:$0x3F9B] =	sst s1;
	(tag) =	ssettag s2;
	_ =	strace s9  }
0x27: {  	s1 =	sld [smem:$0x3FAB]  }
0x28: {  	s2 =	sld [smem:$0x3FAC]  }
0x29: {  	s4 =	sld [smem:$0x3FAE]  }
0x2a: {  	p0 =	seq.s32 s5, $0x0;
	s5 =	sld [smem:$0x3FAF]  }
0x2b: {  	s6 =	sld [smem:$0x3FB0]  }
0x2c: {  	s7 =	sld [smem:$0x3FB1]  }
0x2d: {  	s3 =	simm.s32 $0x108;
	s8 =	sld [smem:$0x3FB2]  }
0x2e: {  	s3 =	simm.s32 @!p0 $0x1082;
	s9 =	sld [smem:$0x3FB3]  }
0x2f: {  	lr =	sadd.s32 s0, s3;
	s0 =	sld [smem:$0x3FAA]  }
0x30: {  	s3 =	sld [smem:$0x3FAD]  }
0x31: {  	[smem:$0x3FB6] =	sst s10  }
0x32: {  	s10 =	sld [smem:$0x3FB4];
	_ =	sdelay $0x3  }
0x33: {  	p0 =	seq.s32 s10, $0x1;
	s10 =	sld [smem:$0x3FB6];
	_ =	sdelay $0x3  }
0x34: {  	[smem:$0x3FB6] =	sst s10  }
0x35: {  	s10 =	sld [smem:$0x3FB5];
	_ =	sdelay $0x3  }
0x36: {  	p1 =	seq.s32 s10, $0x1;
	s10 =	sld [smem:$0x3FB6];
	_ =	sdelay $0x3  }
0x37: {  	[smem:$0x3FB6] =	sst s10  }
0x38: {  	s10 =	sld [smem:$0x3FB7]  }
0x39: {  	_ = 	snop;
	(pc) =	sbr.ind lr, $3  }
0x3a: {  	_ = 	snop  }
0x3b: {  	_ = 	snop  }
0x3c: {  	p2 =	seq.s32 s10, $0x1;
	s10 =	sld [smem:$0x3FB6]  }
0x3d: {  	_ =	shalt  }
0x3e: {  	_ =	shalt  }
0x3f: {  	_ =	shalt  }
0x40: {  	_ =	shalt  }
0x41: {  	_ =	shalt  }
0x42: {  	_ =	shalt  }
0x43: {  	_ =	shalt  }
0x44: {  	_ =	shalt  }
0x45: {  	_ =	shalt  }
0x46: {  	_ =	shalt  }
0x47: {  	_ =	shalt  }
0x48: {  	_ =	shalt  }
0x49: {  	_ =	shalt  }
0x4a: {  	_ =	shalt  }
0x4b: {  	_ =	shalt  }
0x4c: {  	_ =	shalt  }
0x4d: {  	_ =	shalt  }
0x4e: {  	_ =	shalt  }
0x4f: {  	_ =	shalt  }
0x50: {  	_ =	shalt  }
0x51: {  	_ =	shalt  }
0x52: {  	_ =	shalt  }
0x53: {  	_ =	shalt  }
0x54: {  	_ =	shalt  }
0x55: {  	_ =	shalt  }
0x56: {  	_ =	shalt  }
0x57: {  	_ =	shalt  }
0x58: {  	_ =	shalt  }
0x59: {  	_ =	shalt  }
0x5a: {  	_ =	shalt  }
0x5b: {  	_ =	shalt  }
0x5c: {  	_ =	shalt  }
0x5d: {  	_ =	shalt  }
0x5e: {  	_ =	shalt  }
0x5f: {  	_ =	shalt  }
0x60: {  	_ =	shalt  }
0x61: {  	_ =	shalt  }
0x62: {  	_ =	shalt  }
0x63: {  	_ =	shalt  }
0x64: {  	_ =	shalt  }
0x65: {  	_ =	shalt  }
0x66: {  	_ =	shalt  }
0x67: {  	_ =	shalt  }
0x68: {  	_ =	shalt  }
0x69: {  	_ =	shalt  }
0x6a: {  	_ =	shalt  }
0x6b: {  	_ =	shalt  }
0x6c: {  	_ =	shalt  }
0x6d: {  	_ =	shalt  }
0x6e: {  	_ =	shalt  }
0x6f: {  	_ =	shalt  }
0x70: {  	_ =	shalt  }
0x71: {  	_ =	shalt  }
0x72: {  	_ =	shalt  }
0x73: {  	_ =	shalt  }
0x74: {  	_ =	shalt  }
0x75: {  	_ =	shalt  }
0x76: {  	_ =	shalt  }
0x77: {  	_ =	shalt  }
0x78: {  	_ =	shalt  }
0x79: {  	_ =	shalt  }
0x7a: {  	_ =	shalt  }
0x7b: {  	_ =	shalt  }
0x7c: {  	_ =	shalt  }
0x7d: {  	_ =	shalt  }
0x7e: {  	_ =	shalt  }
0x7f: {  	_ =	shalt  }
0x80: {  	_ =	shalt  }
0x81: {  	_ =	shalt  }
0x82: {  	_ =	shalt  }
0x83: {  	_ =	shalt  }
0x84: {  	_ =	shalt  }
0x85: {  	_ =	shalt  }
0x86: {  	_ =	shalt  }
0x87: {  	_ =	shalt  }
.Lfunc_end0:
.L_simem_size_0:
called_computation_lowered:
.L_overlay_start_0:
0x88: {  	s2 =	sld [smem:$0x3FD9]  }
0x89: {  	s3 =	sld [smem:$0x3FFE];
	_ =	sdelay $0x1  }
0x8a: {  	s1 =	srdreg.scid  }
0x8b: {  	s0 =	sand.u32 $0x1, s1  }
0x8c: {  	s17 =	sshll.u32 s0, $0xA;
	s2 =	sadd.s32 s3, s2  }
0x8d: {  	s2 =	sadd.s32 s2, s17  }
0x8e: {  	[smem:$0x3FC2] =	sst s2  }
0x8f: {  	_ = 	snop  }
0x90: {  	s2 =	sld [smem:$0x3FD0];
	(tm) =	ssettm $0x1  }
0x91: {  	s18 =	sld [smem:$0x3FFB];
	_ =	sdelay $0x3  }
0x92: {  	_ =	strace s18  }
0x93: {  	s3 =	sld [smem:$0x3FFC];
	_ =	sdelay $0x3  }
0x94: {  	_ =	strace s3  }
0x95: {  	s3 =	sld [smem:$0x3FFD];
	_ =	sdelay $0x3  }
0x96: {  	_ =	strace s3  }
0x97: {  	_ =	strace $0x8FFFFFFF  }
0x98: {  	s19 =	sld [smem:$0x3FDB];
	_ =	sdelay $0x1  }
0x99: {  	s4 =	simm.s32 $_scs_section_size  }
0x9a: {  	s5 =	simm.s32 $_size__tile_overlayer_lowered;
	s6 =	simm.s32 $_tile_overlayer_lowered  }
0x9b: {  	s22 =	simm.s32 $0x1BFF;
	s21 =	sshll.u32 s6, $0x1;
	s3 =	sadd.s32 s4, s19  }
0x9c: {  	s7 =	simm.s32 $0x0;
	s20 =	sshll.u32 s5, $0x1;
	s5 =	sadd.s32 s21, s3  }
0x9d: {  	[timem:s7], [sflag:s22] =	dma.local [hbm:s5], s20  }
0x9e: {  	_ =	swait.ge [sflag:s22], s20  }
0x9f: {  	s4 =	ssub.s32 $0x0, s20;
	[sflag:s22] =	ssyncset.done $0x0  }
0xa0: {  	[sflag:s22] =	ssyncadd.s32 s4;
	_ =	sdelay $0x1  }
0xa1: {  	s23 =	simm.s32 $0x1B8B  }
0xa2: {  	_ =	swait.ge [sflag:s23], $0x1  }
0xa3: {  	[sflag:s23] =	ssyncset.done $0x0  }
0xa4: {  	s25 =	simm.s32 $0x1B8E;
	s24 =	sld [smem:$0x3FFE];
	[sflag:s23] =	ssyncadd.s32 $0xFFFFFFFF  }
0xa5: {  	s26 =	simm.s32 $execute0_lowered;
	[smem:$0x3FD2] =	sst s25  }
0xa6: {  	s5 =	sshll.u32 s26, $0x1;
	_ =	strace $0x80000046;
	[dreg:$0x1] =	wrdreg $0xFFFFFFFF  }
0xa7: {  	s28 =	simm.s32 $_size_execute0_lowered;
	s3 =	sadd.s32 s3, s5;
	[dreg:$0x0] =	wrdreg $0x0  }
0xa8: {  	s5 =	sshll.u32 s28, $0x1;
	[dreg:$0x2] =	wrdreg s3  }
0xa9: {  	[dreg:$0x3] =	wrdreg s5  }
0xaa: {  	[dreg:$0x4] =	wrdreg $0xC0  }
0xab: {  	_ =	task [dreg:s7], $0x5FFFF  }
0xac: {  	[dreg:$0x1] =	wrdreg $0xFFFFFFFF  }
0xad: {  	[dreg:$0x0] =	wrdreg $0x60  }
0xae: {  	[dreg:$0x2] =	wrdreg s2  }
0xaf: {  	[dreg:$0x3] =	wrdreg s24  }
0xb0: {  	[dreg:$0x4] =	wrdreg $0x0  }
0xb1: {  	[dreg:$0x5] =	wrdreg $0x9  }
0xb2: {  	_ =	task.clear_ibuf [dreg:s7], $0x6FFFF;
	_ =	strace $0x90000046  }
0xb3: {  	s29 =	simm.s32 $0x9;
	_ =	strace $0x80000048  }
0xb4: {  	_ =	swait.ge [sflag:s29], $0x1  }
0xb5: {  	[sflag:s29] =	ssyncadd.s32 $0xFFFFFFFF  }
0xb6: {  	_ =	strace $0x90000048  }
0xb7: {  	_ =	sfence  }
0xb8: {  	s30 =	sld [smem:$0x0];
	_ =	sdelay $0x2  }
0xb9: {  	s31 =	sshll.u32 s1, $0xD;
	s1 =	sshrl.u32 s1, $0x2  }
0xba: {  	s3 =	sand.u32 $0x4000, s31;
	s1 =	sadd.s32 s1, s30  }
0xbb: {  	s0 =	sor.u32 s3, s0;
	s1 =	sshll.u32 s1, $0x11  }
0xbc: {  	s0 =	sor.u32 s1, s0  }
0xbd: {  	s0 =	sadd.s32 $0x8F2B, s0  }
0xbe: {  	[sflag:s0] =	ssyncadd.remote.s32 $0x1  }
0xbf: {  	_ =	sfence.sel $0xFFFF  }
0xc0: {  	[dreg:$0x0] =	wrdreg $0xFFFFFFFF;
	(pc) =	sbr.abs _section_cstart, $3  }
0xc1: {  	[dreg:$0x1] =	wrdreg $0xFFFFFFFF  }
0xc2: {  	_ =	task.clear_ibuf [dreg:s7], $0x2FFFF;
	_ =	strace $0x9FFFFFFF  }
0xc3: {  	(tm) =	ssettm $0x7FFFFFFF  }
tec
execute0_lowered:
.L_overlay_start_1:
0x0: {  	(tag) =	ssettag $0x1  }
0x1: {  	s7 =	rddreg [dreg:$0x0]  }
0x2: {  	s5 =	rddreg [dreg:$0x1]  }
0x3: {  	s2 =	rddreg [dreg:$0x2]  }
0x4: {  	s0 =	rddreg [dreg:$0x3]  }
0x5: {  	s1 =	stileid.u32;
	s4 =	srdreg.scid;
	s3 =	simm.s32 $0x0  }
0x6: {  	s14 =	simm.s32 $0x80;
	s15 =	simm.s32 $0x0;
	s6 =	smul.u32 $0x2800, s1  }
0x7: {  	s8 =	sand.u32 $0x1, s4;
	[smem:$0x7FF] =	sst s3;
	s4 =	sadd.s32 $0x8A00, s5  }
0x8: {  	s12 =	sshll.u32 s1, $0x6;
	s9 =	smul.u32 $0x28000, s8;
	_ =	strace $0x80000047  }
0x9: {  	s11 =	ssub.s32 $0x2, s8;
	s8 =	sshll.u32 s8, $0x4;
	s30 =	sshrl.u32 s6, $0x3  }
0xa: {  	s31 =	sshrl.u32 s11, $0x1;
	s8 =	sor.u32 s1, s8;
	s13 =	sadd.s32 s6, s2  }
0xb: {  	s10 =	sadd.s32 s30, s5;
	s9 =	sadd.s32 s6, s9;
	s11 =	ssub.s32 s11, s31  }
0xc: {  	s8 =	smul.u32 $0x540, s8;
	s6 =	sor.u32 $0x1C01, s12;
	s9 =	sshrl.u32 s9, $0x3  }
0xd: {  	s12 =	simm.s32 $0x2800;
	s9 =	sadd.s32 s9, s5;
	s5 =	sadd.s32 $0x3A00, s10  }
0xe: {  	s7 =	sadd.s32 s7, s8;
	s10 =	sshrl.u32 s13, $0x3;
	s13 =	simm.s32 $0x5200  }
0xf: {  	s8 =	sadd.s32 $0x8C00, s9;
	s9 =	smax.u32 s11, $0x1;
	s11 =	simm.s32 $0x1  }
.LBB2_1:
0x10: {  	[spmem:s10], [sflag:s6] =	dma.local [hbm:s5], $0x500  }
0x11: {  	_ =	swait.ge [sflag:s11], $0x500  }
0x12: {  	[sflag:s11] =	ssyncset.done $0x0  }
0x13: {  	[sflag:s11] =	ssyncadd.s32 $0xFFFFFB00  }
0x14: {  	[tilespmem:s12], [sflag:$0x1] =	stream.linear.gather [hbm4b:s7+s3], $0x2A00, $0x38;
	[tilespmem:$0x5A00] =	vst v63  }
0x15: {  	_ =	swait.ge [sflag:s11], $0x2A00  }
0x16: {  	[sflag:s11] =	ssyncset.done $0x0  }
0x17: {  	[sflag:s11] =	ssyncadd.s32 $0xFFFFD600  }
0x18: {  	[tilespmem:s13], [sflag:$0x1] =	stream.linear.gather [hbm4b:s4+s3], $0x800, $0x38;
	[tilespmem:$0x5A00] =	vst v63  }
0x19: {  	_ =	swait.ge [sflag:s11], $0x800  }
0x1a: {  	[sflag:s11] =	ssyncset.done $0x0  }
0x1b: {  	[sflag:s11] =	ssyncadd.s32 $0xFFFFF800  }
0x1c: {  	s16 =	simm.s32 $0x2800;
	[bflag:$0x0] =	sbarrier.arrive $0xFFFF  }
0x1d: {  	[spmem:s2] =	stream.indirect.scatter.add.f32 [tilespmem:s13], [sflag:$0x1], $0x10, s16, s14, $0xb8;
	[tilespmem:$0x5A00] =	vst v63  }
0x1e: {  	s16 =	simm.s32 $0x200;
	_ =	swait.ge [sflag:s11], $0x800  }
.LBB2_2:
0x1f: {  	s17 =	sshra.s32 s16, $0x2;
	[sflag:s11] =	ssyncset.done $0x0;
	p0 =	sne.s32 s16, $0xA600  }
.Ltmp0:
0x20: {  	s17 =	sadd.s32 $0x2800, s17;
	[sflag:s11] =	ssyncadd.s32 $0xFFFFF800;
	(pc) =	sbr.rel @p0 .LBB2_2-.Ltmp0, $3  }
0x21: {  	[spmem:s2] =	stream.indirect.scatter.add.f32 [tilespmem:s13], [sflag:$0x1], $0x10, s17, s14, $0xb8;
	[tilespmem:$0x5A00] =	vst v63  }
0x22: {  	s16 =	sadd.s32 $0x200, s16;
	_ =	sdelay $0x1  }
0x23: {  	_ =	swait.ge [sflag:s11], $0x800  }
0x24: {  	[sflag:s11] =	ssyncset.done $0x0;
	s15 =	sadd.s32 $0x1, s15  }
0x25: {  	[sflag:s11] =	ssyncadd.s32 $0xFFFFF800;
	p0 =	sne.s32 s15, s9  }
.Ltmp1:
0x26: {  	[bflag:$0x0] =	sbarrier.arrive $0xFFFF;
	(pc) =	sbr.rel @p0 .LBB2_1-.Ltmp1, $4  }
0x27: {  	[hbm:s8], [sflag:s6] =	dma.local [spmem:s10], $0x500  }
0x28: {  	_ =	swait.ge [sflag:s11], $0x500  }
0x29: {  	[sflag:s11] =	ssyncset.done $0x0  }
0x2a: {  	[sflag:s11] =	ssyncadd.s32 $0xFFFFFB00  }
0x2b: {  	_ =	sfence.sel $0x180000  }
0x2c: {  	[bflag:$0x0] =	sbarrier.arrive $0xFFFF  }
0x2d: {  	p0 =	sne.s32 s1, $0x0;
	_ =	strace $0x90000047  }
0x2e: {  	s0 =	sadd.s32 @!p0 $0x100000, s0;
	[bflag:$0x2] =	sbarrier.arrive $0xFFFF  }
0x2f: {  	[sflag:s0] =	ssyncadd.tile.s32 @!p0 $0x1;
	_ =	shalt  }
.Lfunc_end2:
_tile_overlayer_lowered:
.L_overlay_start_2:
0x30: {  	(tag) =	ssettag $0x2  }
0x31: {  	s0 =	rddreg [dreg:$0x0];
	s2 =	stileid.u32  }
0x32: {  	s1 =	rddreg [dreg:$0x1];
	p0 =	sne.s32 s2, $0x0  }
0x33: {  	s3 =	rddreg [dreg:$0x2];
	[bflag:$0x3] =	sbarrier.arrive $0xFFFF;
	s2 =	simm.s32 @!p0 $0x1C01  }
0x34: {  	[timem:s3], [sflag:s2] =	dma.local @!p0 [hbm:s0], s1  }
0x35: {  	s0 =	simm.s32 @!p0 $0x1  }
0x36: {  	_ =	swait.ge @!p0 [sflag:s0], s1  }
0x37: {  	s1 =	ssub.s32 @!p0 $0x0, s1;
	[sflag:s0] =	ssyncset.done @!p0 $0x0  }
0x38: {  	[sflag:s0] =	ssyncadd.s32 @!p0 s1  }
0x39: {  	[bflag:$0x3] =	sbarrier.arrive $0xFFFF  }
0x3a: {  	_ =	shalt  }

// kernel: kernel.18.cloned.1.call-start
scs
__scs_entry_jumppad:
0x0: {  	(pc) =	sbr.rel $0x88, $3  }
0x1: {  	(tag) =	ssettag $0x0;
	lr =	simm.s32 $0x1  }
0x2: {  	[smem:$0x3F9B] =	sst lr;
	_ =	strace $0xD0000000  }
0x3: {  	_ = 	snop  }
0x4: {  	_ = 	snop  }
0x5: {  	_ = 	snop  }
0x6: {  	_ = 	snop  }
0x7: {  	_ = 	snop  }
__scs_overlays_trampoline_lowered:
0x8: {  	[smem:$0x3FAA] =	sst s0  }
0x9: {  	[smem:$0x3FAB] =	sst s1  }
0xa: {  	[smem:$0x3FAC] =	sst s2  }
0xb: {  	[smem:$0x3FAD] =	sst s3  }
0xc: {  	[smem:$0x3FAE] =	sst s4  }
0xd: {  	[smem:$0x3FAF] =	sst s5  }
0xe: {  	[smem:$0x3FB0] =	sst s6  }
0xf: {  	[smem:$0x3FB1] =	sst s7  }
0x10: {  	[smem:$0x3FB2] =	sst s8  }
0x11: {  	[smem:$0x3FB3] =	sst s9;
	s0 =	simm.s32 @!p0 $0x0  }
0x12: {  	s1 =	sld [smem:$0x3F99];
	s0 =	simm.s32 @p0 $0x1  }
0x13: {  	[smem:$0x3FB4] =	sst s0;
	s0 =	simm.s32 @!p1 $0x0  }
0x14: {  	s2 =	sld [smem:$0x3F98];
	s0 =	simm.s32 @p1 $0x1  }
0x15: {  	[smem:$0x3FB5] =	sst s0;
	s0 =	simm.s32 @!p2 $0x0  }
0x16: {  	s3 =	sld [smem:$0x3FDB];
	s0 =	simm.s32 @p2 $0x1  }
0x17: {  	s4 =	simm.s32 $0x1BF5;
	[smem:$0x3FB7] =	sst s0  }
0x18: {  	s0 =	sld [smem:$0x3F9A];
	_ =	swait.ge [sflag:s4], $0x0  }
0x19: {  	s7 =	sld [smem:$0x3F9B]  }
0x1a: {  	s8 =	sadd.s32 $0xFFFFE003, lr  }
0x1b: {  	s9 =	sadd.s32 $0xFFFFFEF7, lr;
	s5 =	simm.s32 $0xFFFFFFFF;
	p2 =	slt.u32 s8, $0xFFFFF086  }
0x1c: {  	p1 =	slt.u32 s9, $0xF7A;
	s5 =	simm.s32 @!p2 $0x0  }
0x1d: {  	s5 =	simm.s32 @p1 $0x1;
	p0 =	seq.s32 s7, s2  }
0x1e: {  	s7 =	smul.u32 @!p0 $0xF7A, s2;
	p2 =	seq.s32 @!p0 s5, $0x0  }
0x1f: {  	s9 =	smul.u32 $0xF7A, s1;
	s8 =	simm.s32 @!p0 $0x1BF5;
	p2 =	por !p2, p0  }
0x20: {  	[sflag:s8] =	ssyncset.s32 @!p0 $0xFFFFF086;
	s6 =	sadd.s32 @!p0 s3, s7;
	s7 =	simm.s32 @!p0 $0x108  }
0x21: {  	s3 =	sadd.s32 s3, s9;
	s6 =	sadd.s32 @!p0 $0x88, s6;
	s7 =	simm.s32 @p2 $0x1082  }
0x22: {  	[simem:s7], [sflag:s8] =	dma.local @!p0 [hbm:s6], $0xF7A  }
0x23: {  	s9 =	sor.u32 $0xD0000000, s2;
	s6 =	simm.s32 $0x108;
	_ =	swait.ge @!p0 [sflag:s8], $0x0  }
0x24: {  	s3 =	sadd.s32 $0x88, s3;
	s6 =	simm.s32 @!p1 $0x1082;
	[sflag:s4] =	ssyncset.s32 $0xFFFFF086  }
0x25: {  	[simem:s6], [sflag:s4] =	dma.local [hbm:s3], $0xF7A  }
0x26: {  	[smem:$0x3F9B] =	sst s1;
	(tag) =	ssettag s2;
	_ =	strace s9  }
0x27: {  	s1 =	sld [smem:$0x3FAB]  }
0x28: {  	s2 =	sld [smem:$0x3FAC]  }
0x29: {  	s4 =	sld [smem:$0x3FAE]  }
0x2a: {  	p0 =	seq.s32 s5, $0x0;
	s5 =	sld [smem:$0x3FAF]  }
0x2b: {  	s6 =	sld [smem:$0x3FB0]  }
0x2c: {  	s7 =	sld [smem:$0x3FB1]  }
0x2d: {  	s3 =	simm.s32 $0x108;
	s8 =	sld [smem:$0x3FB2]  }
0x2e: {  	s3 =	simm.s32 @!p0 $0x1082;
	s9 =	sld [smem:$0x3FB3]  }
0x2f: {  	lr =	sadd.s32 s0, s3;
	s0 =	sld [smem:$0x3FAA]  }
0x30: {  	s3 =	sld [smem:$0x3FAD]  }
0x31: {  	[smem:$0x3FB6] =	sst s10  }
0x32: {  	s10 =	sld [smem:$0x3FB4];
	_ =	sdelay $0x3  }
0x33: {  	p0 =	seq.s32 s10, $0x1;
	s10 =	sld [smem:$0x3FB6];
	_ =	sdelay $0x3  }
0x34: {  	[smem:$0x3FB6] =	sst s10  }
0x35: {  	s10 =	sld [smem:$0x3FB5];
	_ =	sdelay $0x3  }
0x36: {  	p1 =	seq.s32 s10, $0x1;
	s10 =	sld [smem:$0x3FB6];
	_ =	sdelay $0x3  }
0x37: {  	[smem:$0x3FB6] =	sst s10  }
0x38: {  	s10 =	sld [smem:$0x3FB7]  }
0x39: {  	_ = 	snop;
	(pc) =	sbr.ind lr, $3  }
0x3a: {  	_ = 	snop  }
0x3b: {  	_ = 	snop  }
0x3c: {  	p2 =	seq.s32 s10, $0x1;
	s10 =	sld [smem:$0x3FB6]  }
0x3d: {  	_ =	shalt  }
0x3e: {  	_ =	shalt  }
0x3f: {  	_ =	shalt  }
0x40: {  	_ =	shalt  }
0x41: {  	_ =	shalt  }
0x42: {  	_ =	shalt  }
0x43: {  	_ =	shalt  }
0x44: {  	_ =	shalt  }
0x45: {  	_ =	shalt  }
0x46: {  	_ =	shalt  }
0x47: {  	_ =	shalt  }
0x48: {  	_ =	shalt  }
0x49: {  	_ =	shalt  }
0x4a: {  	_ =	shalt  }
0x4b: {  	_ =	shalt  }
0x4c: {  	_ =	shalt  }
0x4d: {  	_ =	shalt  }
0x4e: {  	_ =	shalt  }
0x4f: {  	_ =	shalt  }
0x50: {  	_ =	shalt  }
0x51: {  	_ =	shalt  }
0x52: {  	_ =	shalt  }
0x53: {  	_ =	shalt  }
0x54: {  	_ =	shalt  }
0x55: {  	_ =	shalt  }
0x56: {  	_ =	shalt  }
0x57: {  	_ =	shalt  }
0x58: {  	_ =	shalt  }
0x59: {  	_ =	shalt  }
0x5a: {  	_ =	shalt  }
0x5b: {  	_ =	shalt  }
0x5c: {  	_ =	shalt  }
0x5d: {  	_ =	shalt  }
0x5e: {  	_ =	shalt  }
0x5f: {  	_ =	shalt  }
0x60: {  	_ =	shalt  }
0x61: {  	_ =	shalt  }
0x62: {  	_ =	shalt  }
0x63: {  	_ =	shalt  }
0x64: {  	_ =	shalt  }
0x65: {  	_ =	shalt  }
0x66: {  	_ =	shalt  }
0x67: {  	_ =	shalt  }
0x68: {  	_ =	shalt  }
0x69: {  	_ =	shalt  }
0x6a: {  	_ =	shalt  }
0x6b: {  	_ =	shalt  }
0x6c: {  	_ =	shalt  }
0x6d: {  	_ =	shalt  }
0x6e: {  	_ =	shalt  }
0x6f: {  	_ =	shalt  }
0x70: {  	_ =	shalt  }
0x71: {  	_ =	shalt  }
0x72: {  	_ =	shalt  }
0x73: {  	_ =	shalt  }
0x74: {  	_ =	shalt  }
0x75: {  	_ =	shalt  }
0x76: {  	_ =	shalt  }
0x77: {  	_ =	shalt  }
0x78: {  	_ =	shalt  }
0x79: {  	_ =	shalt  }
0x7a: {  	_ =	shalt  }
0x7b: {  	_ =	shalt  }
0x7c: {  	_ =	shalt  }
0x7d: {  	_ =	shalt  }
0x7e: {  	_ =	shalt  }
0x7f: {  	_ =	shalt  }
0x80: {  	_ =	shalt  }
0x81: {  	_ =	shalt  }
0x82: {  	_ =	shalt  }
0x83: {  	_ =	shalt  }
0x84: {  	_ =	shalt  }
0x85: {  	_ =	shalt  }
0x86: {  	_ =	shalt  }
0x87: {  	_ =	shalt  }
.Lfunc_end0:
.L_simem_size_0:
called_computation.1_lowered:
.L_overlay_start_0:
0x88: {  	s2 =	sld [smem:$0x3FD9]  }
0x89: {  	s3 =	sld [smem:$0x3FFE];
	_ =	sdelay $0x1  }
0x8a: {  	s1 =	srdreg.scid  }
0x8b: {  	s0 =	sand.u32 $0x1, s1  }
0x8c: {  	s17 =	sshll.u32 s0, $0xA;
	s2 =	sadd.s32 s3, s2  }
0x8d: {  	s2 =	sadd.s32 s2, s17  }
0x8e: {  	[smem:$0x3FC2] =	sst s2  }
0x8f: {  	_ = 	snop  }
0x90: {  	s2 =	sld [smem:$0x3FD0];
	(tm) =	ssettm $0x1  }
0x91: {  	s18 =	sld [smem:$0x3FFB];
	_ =	sdelay $0x3  }
0x92: {  	_ =	strace s18  }
0x93: {  	s3 =	sld [smem:$0x3FFC];
	_ =	sdelay $0x3  }
0x94: {  	_ =	strace s3  }
0x95: {  	s3 =	sld [smem:$0x3FFD];
	_ =	sdelay $0x3  }
0x96: {  	_ =	strace s3  }
0x97: {  	_ =	strace $0x8FFFFFFF  }
0x98: {  	s19 =	sld [smem:$0x3FDB];
	_ =	sdelay $0x1  }
0x99: {  	s4 =	simm.s32 $_scs_section_size  }
0x9a: {  	s5 =	simm.s32 $_size__tile_overlayer_lowered;
	s6 =	simm.s32 $_tile_overlayer_lowered  }
0x9b: {  	s22 =	simm.s32 $0x1BFF;
	s21 =	sshll.u32 s6, $0x1;
	s3 =	sadd.s32 s4, s19  }
0x9c: {  	s7 =	simm.s32 $0x0;
	s20 =	sshll.u32 s5, $0x1;
	s5 =	sadd.s32 s21, s3  }
0x9d: {  	[timem:s7], [sflag:s22] =	dma.local [hbm:s5], s20  }
0x9e: {  	_ =	swait.ge [sflag:s22], s20  }
0x9f: {  	s4 =	ssub.s32 $0x0, s20;
	[sflag:s22] =	ssyncset.done $0x0  }
0xa0: {  	[sflag:s22] =	ssyncadd.s32 s4;
	_ =	sdelay $0x1  }
0xa1: {  	s23 =	simm.s32 $0x1B8B  }
0xa2: {  	_ =	swait.ge [sflag:s23], $0x1  }
0xa3: {  	[sflag:s23] =	ssyncset.done $0x0  }
0xa4: {  	s25 =	simm.s32 $0x1B8E;
	s24 =	sld [smem:$0x3FFE];
	[sflag:s23] =	ssyncadd.s32 $0xFFFFFFFF  }
0xa5: {  	s26 =	simm.s32 $execute0_lowered;
	[smem:$0x3FD2] =	sst s25  }
0xa6: {  	s5 =	sshll.u32 s26, $0x1;
	_ =	strace $0x80000049;
	[dreg:$0x1] =	wrdreg $0xFFFFFFFF  }
0xa7: {  	s28 =	simm.s32 $_size_execute0_lowered;
	s3 =	sadd.s32 s3, s5;
	[dreg:$0x0] =	wrdreg $0x0  }
0xa8: {  	s5 =	sshll.u32 s28, $0x1;
	[dreg:$0x2] =	wrdreg s3  }
0xa9: {  	[dreg:$0x3] =	wrdreg s5  }
0xaa: {  	[dreg:$0x4] =	wrdreg $0xC0  }
0xab: {  	_ =	task [dreg:s7], $0x5FFFF  }
0xac: {  	[dreg:$0x1] =	wrdreg $0xFFFFFFFF  }
0xad: {  	[dreg:$0x0] =	wrdreg $0x60  }
0xae: {  	[dreg:$0x2] =	wrdreg s24  }
0xaf: {  	[dreg:$0x3] =	wrdreg s2  }
0xb0: {  	[dreg:$0x4] =	wrdreg $0x0  }
0xb1: {  	[dreg:$0x5] =	wrdreg $0xA0000  }
0xb2: {  	[dreg:$0x6] =	wrdreg $0x9  }
0xb3: {  	_ =	task.clear_ibuf [dreg:s7], $0x7FFFF;
	_ =	strace $0x90000049  }
0xb4: {  	s29 =	simm.s32 $0x9;
	_ =	strace $0x8000004B  }
0xb5: {  	_ =	swait.ge [sflag:s29], $0x1  }
0xb6: {  	[sflag:s29] =	ssyncadd.s32 $0xFFFFFFFF  }
0xb7: {  	_ =	strace $0x9000004B  }
0xb8: {  	_ =	sfence  }
0xb9: {  	s30 =	sld [smem:$0x0];
	_ =	sdelay $0x2  }
0xba: {  	s31 =	sshll.u32 s1, $0xD;
	s1 =	sshrl.u32 s1, $0x2  }
0xbb: {  	s3 =	sand.u32 $0x4000, s31;
	s1 =	sadd.s32 s1, s30  }
0xbc: {  	s0 =	sor.u32 s3, s0;
	s1 =	sshll.u32 s1, $0x11  }
0xbd: {  	s0 =	sor.u32 s1, s0  }
0xbe: {  	s0 =	sadd.s32 $0x8F2B, s0  }
0xbf: {  	[sflag:s0] =	ssyncadd.remote.s32 $0x1  }
0xc0: {  	_ =	sfence.sel $0xFFFF  }
0xc1: {  	[dreg:$0x0] =	wrdreg $0xFFFFFFFF;
	(pc) =	sbr.abs _section_cstart, $3  }
0xc2: {  	[dreg:$0x1] =	wrdreg $0xFFFFFFFF  }
0xc3: {  	_ =	task.clear_ibuf [dreg:s7], $0x2FFFF;
	_ =	strace $0x9FFFFFFF  }
0xc4: {  	(tm) =	ssettm $0x7FFFFFFF  }
0xc5: {  	_ =	shalt  }
tec
execute0_lowered:
.L_overlay_start_1:
0x0: {  	(tag) =	ssettag $0x1  }
0x1: {  	s0 =	rddreg [dreg:$0x0]  }
0x2: {  	s2 =	rddreg [dreg:$0x1]  }
0x3: {  	s3 =	rddreg [dreg:$0x2]  }
0x4: {  	s4 =	rddreg [dreg:$0x3]  }
0x5: {  	s12 =	stileid.u32;
	s6 =	srdreg.scid  }
0x6: {  	s5 =	simm.s32 $0x0;
	s14 =	simm.s32 $0x9;
	s16 =	simm.s32 $0x14000  }
0x7: {  	s17 =	simm.s32 $0x14E00;
	s18 =	simm.s32 $0x80;
	s19 =	simm.s32 $0x15C00  }
0x8: {  	s20 =	simm.s32 $0x17C00;
	s21 =	simm.s32 $0x19C00;
	s22 =	simm.s32 $0x1BC00  }
0x9: {  	s28 =	simm.s32 $0x5;
	s29 =	simm.s32 $0x6;
	s30 =	simm.s32 $0x7  }
0xa: {  	s31 =	simm.s32 $0x8;
	s1 =	smul.u32 $0xA000, s12;
	s7 =	sand.u32 $0x1, s6  }
0xb: {  	[smem:$0x7FF] =	sst s5;
	s6 =	sadd.s32 $0x12C00, s0;
	s25 =	sshll.u32 s12, $0x6  }
0xc: {  	s8 =	smul.u32 $0xA0000, s7;
	_ =	strace $0x8000004A;
	s10 =	ssub.s32 $0x2, s7  }
0xd: {  	s7 =	sshll.u32 s7, $0x4;
	s23 =	sshrl.u32 s1, $0x3;
	s11 =	sshrl.u32 s10, $0x1  }
0xe: {  	s7 =	sor.u32 s12, s7;
	s13 =	sadd.s32 s1, s3;
	s9 =	sadd.s32 s23, s0  }
0xf: {  	s8 =	sadd.s32 s1, s8;
	s11 =	ssub.s32 s10, s11;
	s1 =	sadd.s32 s1, s4  }
0x10: {  	s10 =	smul.u32 $0x2A00, s7;
	s13 =	sshrl.u32 s13, $0x3;
	s23 =	simm.s32 $0x1  }
0x11: {  	s8 =	sshrl.u32 s8, $0x3;
	s24 =	sadd.s32 $0x81400, s9;
	s9 =	sadd.s32 $0x6D400, s9  }
0x12: {  	s26 =	smax.u32 s11, $0x1;
	s15 =	sshrl.u32 s1, $0x3;
	[dreg:$0x5] =	wrdreg s24  }
0x13: {  	s0 =	sadd.s32 s8, s0;
	s8 =	sor.u32 $0x1C09, s25;
	[dreg:$0x6] =	wrdreg s9  }
0x14: {  	[dreg:$0x8] =	wrdreg s26;
	s24 =	simm.s32 $0x2;
	s0 =	sadd.s32 $0x95400, s0  }
0x15: {  	s25 =	simm.s32 $0x3;
	s26 =	simm.s32 $0x4;
	[dreg:$0x7] =	wrdreg s0  }
.LBB2_1:
0x16: {  	s0 =	rddreg [dreg:$0x5]  }
0x17: {  	[spmem:s13], [sflag:s8] =	dma.local [hbm:s0], $0x1400  }
0x18: {  	_ =	swait.ge [sflag:s14], $0x1400  }
0x19: {  	[sflag:s14] =	ssyncset.done $0x0  }
0x1a: {  	s12 =	rddreg [dreg:$0x6];
	[sflag:s14] =	ssyncadd.s32 $0xFFFFEC00  }
0x1b: {  	[spmem:s15], [sflag:s8] =	dma.local [hbm:s12], $0x1400  }
0x1c: {  	_ =	swait.ge [sflag:s14], $0x1400  }
0x1d: {  	[sflag:s14] =	ssyncset.done $0x0  }
0x1e: {  	[sflag:s14] =	ssyncadd.s32 $0xFFFFEC00  }
0x1f: {  	s1 =	simm.s32 $0x0;
	[bflag:$0x0] =	sbarrier.arrive $0xFFFF  }
.LBB2_2:
0x20: {  	s0 =	smul.u32 $0xE00, s1;
	_ =	sdelay $0x1  }
0x21: {  	s0 =	sadd.s32 s10, s0  }
0x22: {  	s0 =	sshrl.u32 s0, $0x3  }
0x23: {  	s9 =	simm.s32 $0x0;
	s7 =	sadd.s32 s6, s0  }
0x24: {  	[tilespmem:s16], [sflag:$0x9] =	stream.linear.gather [hbm4b:s7+s9], $0xE00, $0x38;
	[tilespmem:$0x1DC00] =	vst v63  }
0x25: {  	_ =	swait.ge [sflag:s14], $0xE00  }
0x26: {  	[sflag:s14] =	ssyncset.done $0x0  }
0x27: {  	s0 =	sadd.s32 s2, s0;
	[sflag:s14] =	ssyncadd.s32 $0xFFFFF200  }
0x28: {  	[tilespmem:s17], [sflag:$0x9] =	stream.linear.gather [hbm4b:s0+s9], $0xE00, $0x38;
	[tilespmem:$0x1DC00] =	vst v63  }
0x29: {  	_ =	swait.ge [sflag:s14], $0xE00  }
0x2a: {  	[sflag:s14] =	ssyncset.done $0x0  }
0x2b: {  	s7 =	simm.s32 $0x14000;
	[sflag:s14] =	ssyncadd.s32 $0xFFFFF200  }
0x2c: {  	[tilespmem:s19], [sflag:$0x1] =	stream.indirect.gather [spmem:s4], $0x40, s7, s18, $0xb8;
	[tilespmem:$0x1DC00] =	vst v63  }
0x2d: {  	s9 =	simm.s32 $0x14080  }
0x2e: {  	[tilespmem:s20], [sflag:$0x2] =	stream.indirect.gather [spmem:s4], $0x40, s9, s18, $0xb8;
	[tilespmem:$0x1DC00] =	vst v63  }
0x2f: {  	s11 =	simm.s32 $0x14100  }
0x30: {  	[tilespmem:s21], [sflag:$0x3] =	stream.indirect.gather [spmem:s4], $0x40, s11, s18, $0xb8;
	[tilespmem:$0x1DC00] =	vst v63  }
0x31: {  	s12 =	simm.s32 $0x14180  }
0x32: {  	[tilespmem:s22], [sflag:$0x4] =	stream.indirect.gather [spmem:s4], $0x40, s12, s18, $0xb8;
	[tilespmem:$0x1DC00] =	vst v63  }
0x33: {  	_ =	swait.ge [sflag:s23], $0x2000  }
0x34: {  	[sflag:s23] =	ssyncset.done $0x0  }
0x35: {  	s7 =	simm.s32 $0x14E00;
	[sflag:s23] =	ssyncadd.s32 $0xFFFFE000  }
0x36: {  	[spmem:s3] =	stream.indirect.scatter.add.f32 [tilespmem:s19], [sflag:$0x5], $0x40, s7, s18, $0xb8;
	[tilespmem:$0x1DC00] =	vst v63  }
0x37: {  	_ =	swait.ge [sflag:s24], $0x2000  }
0x38: {  	[sflag:s24] =	ssyncset.done $0x0  }
0x39: {  	s9 =	simm.s32 $0x14E80;
	[sflag:s24] =	ssyncadd.s32 $0xFFFFE000  }
0x3a: {  	[spmem:s3] =	stream.indirect.scatter.add.f32 [tilespmem:s20], [sflag:$0x6], $0x40, s9, s18, $0xb8;
	[tilespmem:$0x1DC00] =	vst v63  }
0x3b: {  	_ =	swait.ge [sflag:s25], $0x2000  }
0x3c: {  	[sflag:s25] =	ssyncset.done $0x0  }
0x3d: {  	s11 =	simm.s32 $0x14F00;
	[sflag:s25] =	ssyncadd.s32 $0xFFFFE000  }
0x3e: {  	[spmem:s3] =	stream.indirect.scatter.add.f32 [tilespmem:s21], [sflag:$0x7], $0x40, s11, s18, $0xb8;
	[tilespmem:$0x1DC00] =	vst v63  }
0x3f: {  	_ =	swait.ge [sflag:s26], $0x2000  }
0x40: {  	[sflag:s26] =	ssyncset.done $0x0  }
0x41: {  	s12 =	simm.s32 $0x14F80;
	[sflag:s26] =	ssyncadd.s32 $0xFFFFE000  }
0x42: {  	[spmem:s3] =	stream.indirect.scatter.add.f32 [tilespmem:s22], [sflag:$0x8], $0x40, s12, s18, $0xb8;
	[tilespmem:$0x1DC00] =	vst v63  }
0x43: {  	_ =	swait.ge [sflag:s28], $0x2000  }
0x44: {  	[sflag:s28] =	ssyncset.done $0x0  }
0x45: {  	[sflag:s28] =	ssyncadd.s32 $0xFFFFE000  }
0x46: {  	_ =	swait.ge [sflag:s29], $0x2000  }
0x47: {  	[sflag:s29] =	ssyncset.done $0x0  }
0x48: {  	[sflag:s29] =	ssyncadd.s32 $0xFFFFE000  }
0x49: {  	_ =	swait.ge [sflag:s30], $0x2000  }
0x4a: {  	[sflag:s30] =	ssyncset.done $0x0  }
0x4b: {  	[sflag:s30] =	ssyncadd.s32 $0xFFFFE000  }
0x4c: {  	_ =	swait.ge [sflag:s31], $0x2000  }
0x4d: {  	s0 =	simm.s32 $0x200;
	s7 =	simm.s32 $0x1000;
	[sflag:s31] =	ssyncset.done $0x0  }
.LBB2_3:
0x4e: {  	s12 =	sadd.s32 $0x14000, s0  }
0x4f: {  	[sflag:s31] =	ssyncadd.s32 $0xFFFFE000;
	s9 =	smov.u32 s7;
	s11 =	sadd.s32 $0x800, s7  }
0x50: {  	[tilespmem:s19], [sflag:$0x1] =	stream.indirect.gather [spmem:s4], $0x40, s12, s18, $0xb8;
	[tilespmem:$0x1DC00] =	vst v63  }
0x51: {  	p0 =	sne.s32 s7, $0x3000;
	s7 =	sadd.s32 $0x14080, s0  }
0x52: {  	[tilespmem:s20], [sflag:$0x2] =	stream.indirect.gather [spmem:s4], $0x40, s7, s18, $0xb8;
	[tilespmem:$0x1DC00] =	vst v63  }
0x53: {  	s7 =	sadd.s32 $0x14100, s0  }
0x54: {  	[tilespmem:s21], [sflag:$0x3] =	stream.indirect.gather [spmem:s4], $0x40, s7, s18, $0xb8;
	[tilespmem:$0x1DC00] =	vst v63  }
0x55: {  	s7 =	sadd.s32 $0x14180, s0  }
0x56: {  	[tilespmem:s22], [sflag:$0x4] =	stream.indirect.gather [spmem:s4], $0x40, s7, s18, $0xb8;
	[tilespmem:$0x1DC00] =	vst v63  }
0x57: {  	_ =	swait.ge [sflag:s23], $0x2000  }
0x58: {  	[sflag:s23] =	ssyncset.done $0x0  }
0x59: {  	s7 =	sadd.s32 $0x14E00, s0;
	[sflag:s23] =	ssyncadd.s32 $0xFFFFE000  }
0x5a: {  	[spmem:s3] =	stream.indirect.scatter.add.f32 [tilespmem:s19], [sflag:$0x5], $0x40, s7, s18, $0xb8;
	[tilespmem:$0x1DC00] =	vst v63  }
0x5b: {  	_ =	swait.ge [sflag:s24], $0x2000  }
0x5c: {  	[sflag:s24] =	ssyncset.done $0x0  }
0x5d: {  	s7 =	sadd.s32 $0x14E80, s0;
	[sflag:s24] =	ssyncadd.s32 $0xFFFFE000  }
0x5e: {  	[spmem:s3] =	stream.indirect.scatter.add.f32 [tilespmem:s20], [sflag:$0x6], $0x40, s7, s18, $0xb8;
	[tilespmem:$0x1DC00] =	vst v63  }
0x5f: {  	_ =	swait.ge [sflag:s25], $0x2000  }
0x60: {  	[sflag:s25] =	ssyncset.done $0x0  }
0x61: {  	s7 =	sadd.s32 $0x14F00, s0;
	[sflag:s25] =	ssyncadd.s32 $0xFFFFE000  }
0x62: {  	[spmem:s3] =	stream.indirect.scatter.add.f32 [tilespmem:s21], [sflag:$0x7], $0x40, s7, s18, $0xb8;
	[tilespmem:$0x1DC00] =	vst v63  }
0x63: {  	_ =	swait.ge [sflag:s26], $0x2000  }
0x64: {  	[sflag:s26] =	ssyncset.done $0x0  }
0x65: {  	s0 =	sadd.s32 $0x14F80, s0;
	[sflag:s26] =	ssyncadd.s32 $0xFFFFE000  }
0x66: {  	[spmem:s3] =	stream.indirect.scatter.add.f32 [tilespmem:s22], [sflag:$0x8], $0x40, s0, s18, $0xb8;
	[tilespmem:$0x1DC00] =	vst v63  }
0x67: {  	_ =	swait.ge [sflag:s28], $0x2000  }
0x68: {  	[sflag:s28] =	ssyncset.done $0x0  }
0x69: {  	[sflag:s28] =	ssyncadd.s32 $0xFFFFE000  }
0x6a: {  	_ =	swait.ge [sflag:s29], $0x2000  }
0x6b: {  	[sflag:s29] =	ssyncset.done $0x0  }
0x6c: {  	[sflag:s29] =	ssyncadd.s32 $0xFFFFE000  }
.Ltmp0:
0x6d: {  	_ =	swait.ge [sflag:s30], $0x2000;
	(pc) =	sbr.rel @p0 .LBB2_3-.Ltmp0, $4  }
0x6e: {  	[sflag:s30] =	ssyncset.done $0x0  }
0x6f: {  	[sflag:s30] =	ssyncadd.s32 $0xFFFFE000  }
0x70: {  	_ =	swait.ge [sflag:s31], $0x2000  }
0x71: {  	s7 =	smov.u32 s11;
	s0 =	sshra.s32 s9, $0x2;
	[sflag:s31] =	ssyncset.done $0x0  }
0x72: {  	s7 =	sadd.s32 $0x14000, s0;
	[sflag:s31] =	ssyncadd.s32 $0xFFFFE000  }
0x73: {  	[tilespmem:s19], [sflag:$0x1] =	stream.indirect.gather [spmem:s4], $0x40, s7, s18, $0xb8;
	[tilespmem:$0x1DC00] =	vst v63  }
0x74: {  	s12 =	sadd.s32 $0x14080, s0  }
0x75: {  	[tilespmem:s20], [sflag:$0x2] =	stream.indirect.gather [spmem:s4], $0x40, s12, s18, $0xb8;
	[tilespmem:$0x1DC00] =	vst v63  }
0x76: {  	s9 =	sadd.s32 $0x14100, s0  }
0x77: {  	[tilespmem:s21], [sflag:$0x3] =	stream.indirect.gather [spmem:s4], $0x40, s9, s18, $0xb8;
	[tilespmem:$0x1DC00] =	vst v63  }
0x78: {  	s11 =	sadd.s32 $0x14180, s0  }
0x79: {  	[tilespmem:s22], [sflag:$0x4] =	stream.indirect.gather [spmem:s4], $0x40, s11, s18, $0xb8;
	[tilespmem:$0x1DC00] =	vst v63  }
0x7a: {  	_ =	swait.ge [sflag:s23], $0x2000  }
0x7b: {  	[sflag:s23] =	ssyncset.done $0x0  }
0x7c: {  	s12 =	sadd.s32 $0x14E00, s0;
	[sflag:s23] =	ssyncadd.s32 $0xFFFFE000  }
0x7d: {  	[spmem:s3] =	stream.indirect.scatter.add.f32 [tilespmem:s19], [sflag:$0x5], $0x40, s12, s18, $0xb8;
	[tilespmem:$0x1DC00] =	vst v63  }
0x7e: {  	_ =	swait.ge [sflag:s24], $0x2000  }
0x7f: {  	[sflag:s24] =	ssyncset.done $0x0  }
0x80: {  	s9 =	sadd.s32 $0x14E80, s0;
	[sflag:s24] =	ssyncadd.s32 $0xFFFFE000  }
0x81: {  	[spmem:s3] =	stream.indirect.scatter.add.f32 [tilespmem:s20], [sflag:$0x6], $0x40, s9, s18, $0xb8;
	[tilespmem:$0x1DC00] =	vst v63  }
0x82: {  	_ =	swait.ge [sflag:s25], $0x2000  }
0x83: {  	[sflag:s25] =	ssyncset.done $0x0  }
0x84: {  	s11 =	sadd.s32 $0x14F00, s0;
	[sflag:s25] =	ssyncadd.s32 $0xFFFFE000  }
0x85: {  	[spmem:s3] =	stream.indirect.scatter.add.f32 [tilespmem:s21], [sflag:$0x7], $0x40, s11, s18, $0xb8;
	[tilespmem:$0x1DC00] =	vst v63  }
0x86: {  	_ =	swait.ge [sflag:s26], $0x2000  }
0x87: {  	[sflag:s26] =	ssyncset.done $0x0  }
0x88: {  	s12 =	sadd.s32 $0x14F80, s0;
	[sflag:s26] =	ssyncadd.s32 $0xFFFFE000  }
0x89: {  	[spmem:s3] =	stream.indirect.scatter.add.f32 [tilespmem:s22], [sflag:$0x8], $0x40, s12, s18, $0xb8;
	[tilespmem:$0x1DC00] =	vst v63  }
0x8a: {  	_ =	swait.ge [sflag:s28], $0x2000  }
0x8b: {  	[sflag:s28] =	ssyncset.done $0x0  }
0x8c: {  	[sflag:s28] =	ssyncadd.s32 $0xFFFFE000  }
0x8d: {  	_ =	swait.ge [sflag:s29], $0x2000  }
0x8e: {  	[sflag:s29] =	ssyncset.done $0x0  }
0x8f: {  	s1 =	sadd.s32 $0x1, s1;
	[sflag:s29] =	ssyncadd.s32 $0xFFFFE000  }
0x90: {  	p0 =	sne.s32 s1, $0x3;
	_ =	swait.ge [sflag:s30], $0x2000  }
.Ltmp1:
0x91: {  	[sflag:s30] =	ssyncset.done $0x0;
	(pc) =	sbr.rel @p0 .LBB2_2-.Ltmp1, $4  }
0x92: {  	[sflag:s30] =	ssyncadd.s32 $0xFFFFE000  }
0x93: {  	_ =	swait.ge [sflag:s31], $0x2000  }
0x94: {  	[sflag:s31] =	ssyncset.done $0x0  }
0x95: {  	[sflag:s31] =	ssyncadd.s32 $0xFFFFE000  }
0x96: {  	[bflag:$0x0] =	sbarrier.arrive $0xFFFF  }
0x97: {  	s0 =	rddreg [dreg:$0x7]  }
0x98: {  	[hbm:s0], [sflag:s8] =	dma.local [spmem:s13], $0x1400  }
0x99: {  	_ =	swait.ge [sflag:s14], $0x1400  }
0x9a: {  	s5 =	sadd.s32 $0x1, s5;
	s12 =	rddreg [dreg:$0x8]  }
0x9b: {  	p0 =	sne.s32 s5, s12  }
.Ltmp2:
0x9c: {  	_ = 	snop;
	(pc) =	sbr.rel @p0 .LBB2_1-.Ltmp2, $3  }
0x9d: {  	_ =	sdelay $0x1  }
0x9e: {  	[sflag:s14] =	ssyncset.done $0x0  }
0x9f: {  	[sflag:s14] =	ssyncadd.s32 $0xFFFFEC00  }
0xa0: {  	_ =	sfence.sel $0x180000  }
0xa1: {  	[bflag:$0x0] =	sbarrier.arrive $0xFFFF  }
0xa2: {  	_ =	strace $0x9000004A  }
0xa3: {  	s0 =	stileid.u32;
	[bflag:$0x2] =	sbarrier.arrive $0xFFFF  }
0xa4: {  	p0 =	sne.s32 s0, $0x0;
	s0 =	rddreg [dreg:$0x4]  }
0xa5: {  	s0 =	sadd.s32 @!p0 $0x100000, s0  }
0xa6: {  	[sflag:s0] =	ssyncadd.tile.s32 @!p0 $0x1;
	_ =	shalt  }
.Lfunc_end2:
_tile_overlayer_lowered:
.L_overlay_start_2:
0xa7: {  	(tag) =	ssettag $0x2  }
0xa8: {  	s0 =	rddreg [dreg:$0x0];
	s2 =	stileid.u32  }
0xa9: {  	s1 =	rddreg [dreg:$0x1];
	p0 =	sne.s32 s2, $0x0  }
0xaa: {  	s3 =	rddreg [dreg:$0x2];
	[bflag:$0x3] =	sbarrier.arrive $0xFFFF;
	s2 =	simm.s32 @!p0 $0x1C09  }
0xab: {  	[timem:s3], [sflag:s2] =	dma.local @!p0 [hbm:s0], s1  }
0xac: {  	s0 =	simm.s32 @!p0 $0x9  }
0xad: {  	_ =	swait.ge @!p0 [sflag:s0], s1  }
0xae: {  	s1 =	ssub.s32 @!p0 $0x0, s1;
	[sflag:s0] =	ssyncset.done @!p0 $0x0  }
0xaf: {  	[sflag:s0] =	ssyncadd.s32 @!p0 s1  }
0xb0: {  	[bflag:$0x3] =	sbarrier.arrive $0xFFFF  }
0xb1: {  	_ =	shalt  }

// kernel: kernel.21.cloned.1.call-start
scs
__scs_entry_jumppad:
0x0: {  	(pc) =	sbr.rel $0x88, $3  }
0x1: {  	(tag) =	ssettag $0x0;
	lr =	simm.s32 $0x1  }
0x2: {  	[smem:$0x3F9B] =	sst lr;
	_ =	strace $0xD0000000  }
0x3: {  	_ = 	snop  }
0x4: {  	_ = 	snop  }
0x5: {  	_ = 	snop  }
0x6: {  	_ = 	snop  }
0x7: {  	_ = 	snop  }
__scs_overlays_trampoline_lowered:
0x8: {  	[smem:$0x3FAA] =	sst s0  }
0x9: {  	[smem:$0x3FAB] =	sst s1  }
0xa: {  	[smem:$0x3FAC] =	sst s2  }
0xb: {  	[smem:$0x3FAD] =	sst s3  }
0xc: {  	[smem:$0x3FAE] =	sst s4  }
0xd: {  	[smem:$0x3FAF] =	sst s5  }
0xe: {  	[smem:$0x3FB0] =	sst s6  }
0xf: {  	[smem:$0x3FB1] =	sst s7  }
0x10: {  	[smem:$0x3FB2] =	sst s8  }
0x11: {  	[smem:$0x3FB3] =	sst s9;
	s0 =	simm.s32 @!p0 $0x0  }
0x12: {  	s1 =	sld [smem:$0x3F99];
	s0 =	simm.s32 @p0 $0x1  }
0x13: {  	[smem:$0x3FB4] =	sst s0;
	s0 =	simm.s32 @!p1 $0x0  }
0x14: {  	s2 =	sld [smem:$0x3F98];
	s0 =	simm.s32 @p1 $0x1  }
0x15: {  	[smem:$0x3FB5] =	sst s0;
	s0 =	simm.s32 @!p2 $0x0  }
0x16: {  	s3 =	sld [smem:$0x3FDB];
	s0 =	simm.s32 @p2 $0x1  }
0x17: {  	s4 =	simm.s32 $0x1BF5;
	[smem:$0x3FB7] =	sst s0  }
0x18: {  	s0 =	sld [smem:$0x3F9A];
	_ =	swait.ge [sflag:s4], $0x0  }
0x19: {  	s7 =	sld [smem:$0x3F9B]  }
0x1a: {  	s8 =	sadd.s32 $0xFFFFE003, lr  }
0x1b: {  	s9 =	sadd.s32 $0xFFFFFEF7, lr;
	s5 =	simm.s32 $0xFFFFFFFF;
	p2 =	slt.u32 s8, $0xFFFFF086  }
0x1c: {  	p1 =	slt.u32 s9, $0xF7A;
	s5 =	simm.s32 @!p2 $0x0  }
0x1d: {  	s5 =	simm.s32 @p1 $0x1;
	p0 =	seq.s32 s7, s2  }
0x1e: {  	s7 =	smul.u32 @!p0 $0xF7A, s2;
	p2 =	seq.s32 @!p0 s5, $0x0  }
0x1f: {  	s9 =	smul.u32 $0xF7A, s1;
	s8 =	simm.s32 @!p0 $0x1BF5;
	p2 =	por !p2, p0  }
0x20: {  	[sflag:s8] =	ssyncset.s32 @!p0 $0xFFFFF086;
	s6 =	sadd.s32 @!p0 s3, s7;
	s7 =	simm.s32 @!p0 $0x108  }
0x21: {  	s3 =	sadd.s32 s3, s9;
	s6 =	sadd.s32 @!p0 $0x88, s6;
	s7 =	simm.s32 @p2 $0x1082  }
0x22: {  	[simem:s7], [sflag:s8] =	dma.local @!p0 [hbm:s6], $0xF7A  }
0x23: {  	s9 =	sor.u32 $0xD0000000, s2;
	s6 =	simm.s32 $0x108;
	_ =	swait.ge @!p0 [sflag:s8], $0x0  }
0x24: {  	s3 =	sadd.s32 $0x88, s3;
	s6 =	simm.s32 @!p1 $0x1082;
	[sflag:s4] =	ssyncset.s32 $0xFFFFF086  }
0x25: {  	[simem:s6], [sflag:s4] =	dma.local [hbm:s3], $0xF7A  }
0x26: {  	[smem:$0x3F9B] =	sst s1;
	(tag) =	ssettag s2;
	_ =	strace s9  }
0x27: {  	s1 =	sld [smem:$0x3FAB]  }
0x28: {  	s2 =	sld [smem:$0x3FAC]  }
0x29: {  	s4 =	sld [smem:$0x3FAE]  }
0x2a: {  	p0 =	seq.s32 s5, $0x0;
	s5 =	sld [smem:$0x3FAF]  }
0x2b: {  	s6 =	sld [smem:$0x3FB0]  }
0x2c: {  	s7 =	sld [smem:$0x3FB1]  }
0x2d: {  	s3 =	simm.s32 $0x108;
	s8 =	sld [smem:$0x3FB2]  }
0x2e: {  	s3 =	simm.s32 @!p0 $0x1082;
	s9 =	sld [smem:$0x3FB3]  }
0x2f: {  	lr =	sadd.s32 s0, s3;
	s0 =	sld [smem:$0x3FAA]  }
0x30: {  	s3 =	sld [smem:$0x3FAD]  }
0x31: {  	[smem:$0x3FB6] =	sst s10  }
0x32: {  	s10 =	sld [smem:$0x3FB4];
	_ =	sdelay $0x3  }
0x33: {  	p0 =	seq.s32 s10, $0x1;
	s10 =	sld [smem:$0x3FB6];
	_ =	sdelay $0x3  }
0x34: {  	[smem:$0x3FB6] =	sst s10  }
0x35: {  	s10 =	sld [smem:$0x3FB5];
	_ =	sdelay $0x3  }
0x36: {  	p1 =	seq.s32 s10, $0x1;
	s10 =	sld [smem:$0x3FB6];
	_ =	sdelay $0x3  }
0x37: {  	[smem:$0x3FB6] =	sst s10  }
0x38: {  	s10 =	sld [smem:$0x3FB7]  }
0x39: {  	_ = 	snop;
	(pc) =	sbr.ind lr, $3  }
0x3a: {  	_ = 	snop  }
0x3b: {  	_ = 	snop  }
0x3c: {  	p2 =	seq.s32 s10, $0x1;
	s10 =	sld [smem:$0x3FB6]  }
0x3d: {  	_ =	shalt  }
0x3e: {  	_ =	shalt  }
0x3f: {  	_ =	shalt  }
0x40: {  	_ =	shalt  }
0x41: {  	_ =	shalt  }
0x42: {  	_ =	shalt  }
0x43: {  	_ =	shalt  }
0x44: {  	_ =	shalt  }
0x45: {  	_ =	shalt  }
0x46: {  	_ =	shalt  }
0x47: {  	_ =	shalt  }
0x48: {  	_ =	shalt  }
0x49: {  	_ =	shalt  }
0x4a: {  	_ =	shalt  }
0x4b: {  	_ =	shalt  }
0x4c: {  	_ =	shalt  }
0x4d: {  	_ =	shalt  }
0x4e: {  	_ =	shalt  }
0x4f: {  	_ =	shalt  }
0x50: {  	_ =	shalt  }
0x51: {  	_ =	shalt  }
0x52: {  	_ =	shalt  }
0x53: {  	_ =	shalt  }
0x54: {  	_ =	shalt  }
0x55: {  	_ =	shalt  }
0x56: {  	_ =	shalt  }
0x57: {  	_ =	shalt  }
0x58: {  	_ =	shalt  }
0x59: {  	_ =	shalt  }
0x5a: {  	_ =	shalt  }
0x5b: {  	_ =	shalt  }
0x5c: {  	_ =	shalt  }
0x5d: {  	_ =	shalt  }
0x5e: {  	_ =	shalt  }
0x5f: {  	_ =	shalt  }
0x60: {  	_ =	shalt  }
0x61: {  	_ =	shalt  }
0x62: {  	_ =	shalt  }
0x63: {  	_ =	shalt  }
0x64: {  	_ =	shalt  }
0x65: {  	_ =	shalt  }
0x66: {  	_ =	shalt  }
0x67: {  	_ =	shalt  }
0x68: {  	_ =	shalt  }
0x69: {  	_ =	shalt  }
0x6a: {  	_ =	shalt  }
0x6b: {  	_ =	shalt  }
0x6c: {  	_ =	shalt  }
0x6d: {  	_ =	shalt  }
0x6e: {  	_ =	shalt  }
0x6f: {  	_ =	shalt  }
0x70: {  	_ =	shalt  }
0x71: {  	_ =	shalt  }
0x72: {  	_ =	shalt  }
0x73: {  	_ =	shalt  }
0x74: {  	_ =	shalt  }
0x75: {  	_ =	shalt  }
0x76: {  	_ =	shalt  }
0x77: {  	_ =	shalt  }
0x78: {  	_ =	shalt  }
0x79: {  	_ =	shalt  }
0x7a: {  	_ =	shalt  }
0x7b: {  	_ =	shalt  }
0x7c: {  	_ =	shalt  }
0x7d: {  	_ =	shalt  }
0x7e: {  	_ =	shalt  }
0x7f: {  	_ =	shalt  }
0x80: {  	_ =	shalt  }
0x81: {  	_ =	shalt  }
0x82: {  	_ =	shalt  }
0x83: {  	_ =	shalt  }
0x84: {  	_ =	shalt  }
0x85: {  	_ =	shalt  }
0x86: {  	_ =	shalt  }
0x87: {  	_ =	shalt  }
.Lfunc_end0:
.L_simem_size_0:
called_computation.2_lowered:
.L_overlay_start_0:
0x88: {  	s2 =	sld [smem:$0x3FD9]  }
0x89: {  	s3 =	sld [smem:$0x3FFE];
	_ =	sdelay $0x1  }
0x8a: {  	s1 =	srdreg.scid  }
0x8b: {  	s0 =	sand.u32 $0x1, s1  }
0x8c: {  	s17 =	sshll.u32 s0, $0xA;
	s2 =	sadd.s32 s3, s2  }
0x8d: {  	s2 =	sadd.s32 s2, s17  }
0x8e: {  	[smem:$0x3FC2] =	sst s2  }
0x8f: {  	_ = 	snop  }
0x90: {  	s2 =	sld [smem:$0x3FD0];
	(tm) =	ssettm $0x1  }
0x91: {  	s18 =	sld [smem:$0x3FFB];
	_ =	sdelay $0x3  }
0x92: {  	_ =	strace s18  }
0x93: {  	s3 =	sld [smem:$0x3FFC];
	_ =	sdelay $0x3  }
0x94: {  	_ =	strace s3  }
0x95: {  	s3 =	sld [smem:$0x3FFD];
	_ =	sdelay $0x3  }
0x96: {  	_ =	strace s3  }
0x97: {  	_ =	strace $0x8FFFFFFF  }
0x98: {  	s19 =	sld [smem:$0x3FDB];
	_ =	sdelay $0x1  }
0x99: {  	s4 =	simm.s32 $_scs_section_size  }
0x9a: {  	s5 =	simm.s32 $_size__tile_overlayer_lowered;
	s6 =	simm.s32 $_tile_overlayer_lowered  }
0x9b: {  	s22 =	simm.s32 $0x1BFF;
	s21 =	sshll.u32 s6, $0x1;
	s3 =	sadd.s32 s4, s19  }
0x9c: {  	s7 =	simm.s32 $0x0;
	s20 =	sshll.u32 s5, $0x1;
	s5 =	sadd.s32 s21, s3  }
0x9d: {  	[timem:s7], [sflag:s22] =	dma.local [hbm:s5], s20  }
0x9e: {  	_ =	swait.ge [sflag:s22], s20  }
0x9f: {  	s4 =	ssub.s32 $0x0, s20;
	[sflag:s22] =	ssyncset.done $0x0  }
0xa0: {  	[sflag:s22] =	ssyncadd.s32 s4;
	_ =	sdelay $0x1  }
0xa1: {  	s23 =	simm.s32 $0x1B8B  }
0xa2: {  	_ =	swait.ge [sflag:s23], $0x1  }
0xa3: {  	[sflag:s23] =	ssyncset.done $0x0  }
0xa4: {  	s25 =	simm.s32 $0x1B8E;
	s24 =	sld [smem:$0x3FFE];
	[sflag:s23] =	ssyncadd.s32 $0xFFFFFFFF  }
0xa5: {  	s26 =	simm.s32 $execute0_lowered;
	[smem:$0x3FD2] =	sst s25  }
0xa6: {  	s5 =	sshll.u32 s26, $0x1;
	_ =	strace $0x8000004C;
	[dreg:$0x1] =	wrdreg $0xFFFFFFFF  }
0xa7: {  	s28 =	simm.s32 $_size_execute0_lowered;
	s3 =	sadd.s32 s3, s5;
	[dreg:$0x0] =	wrdreg $0x0  }
0xa8: {  	s5 =	sshll.u32 s28, $0x1;
	[dreg:$0x2] =	wrdreg s3  }
0xa9: {  	[dreg:$0x3] =	wrdreg s5  }
0xaa: {  	[dreg:$0x4] =	wrdreg $0xC0  }
0xab: {  	_ =	task [dreg:s7], $0x5FFFF  }
0xac: {  	[dreg:$0x1] =	wrdreg $0xFFFFFFFF  }
0xad: {  	[dreg:$0x0] =	wrdreg $0x60  }
0xae: {  	[dreg:$0x2] =	wrdreg s24  }
0xaf: {  	[dreg:$0x3] =	wrdreg s2  }
0xb0: {  	[dreg:$0x4] =	wrdreg $0x0  }
0xb1: {  	[dreg:$0x5] =	wrdreg $0xA0000  }
0xb2: {  	[dreg:$0x6] =	wrdreg $0x9  }
0xb3: {  	_ =	task.clear_ibuf [dreg:s7], $0x7FFFF;
	_ =	strace $0x9000004C  }
0xb4: {  	s29 =	simm.s32 $0x9;
	_ =	strace $0x8000004E  }
0xb5: {  	_ =	swait.ge [sflag:s29], $0x1  }
0xb6: {  	[sflag:s29] =	ssyncadd.s32 $0xFFFFFFFF  }
0xb7: {  	_ =	strace $0x9000004E  }
0xb8: {  	_ =	sfence  }
0xb9: {  	s30 =	sld [smem:$0x0];
	_ =	sdelay $0x2  }
0xba: {  	s31 =	sshll.u32 s1, $0xD;
	s1 =	sshrl.u32 s1, $0x2  }
0xbb: {  	s3 =	sand.u32 $0x4000, s31;
	s1 =	sadd.s32 s1, s30  }
0xbc: {  	s0 =	sor.u32 s3, s0;
	s1 =	sshll.u32 s1, $0x11  }
0xbd: {  	s0 =	sor.u32 s1, s0  }
0xbe: {  	s0 =	sadd.s32 $0x8F2B, s0  }
0xbf: {  	[sflag:s0] =	ssyncadd.remote.s32 $0x1  }
0xc0: {  	_ =	sfence.sel $0xFFFF  }
0xc1: {  	[dreg:$0x0] =	wrdreg $0xFFFFFFFF;
	(pc) =	sbr.abs _section_cstart, $3  }
0xc2: {  	[dreg:$0x1] =	wrdreg $0xFFFFFFFF  }
0xc3: {  	_ =	task.clear_ibuf [dreg:s7], $0x2FFFF;
	_ =	strace $0x9FFFFFFF  }
0xc4: {  	(tm) =	ssettm $0x7FFFFFFF  }
0xc5: {  	_ =	shalt  }
tec
execute0_lowered:
.L_overlay_start_1:
0x0: {  	(tag) =	ssettag $0x1  }
0x1: {  	s0 =	rddreg [dreg:$0x0]  }
0x2: {  	s2 =	rddreg [dreg:$0x1]  }
0x3: {  	s3 =	rddreg [dreg:$0x2]  }
0x4: {  	s4 =	rddreg [dreg:$0x3]  }
0x5: {  	s12 =	stileid.u32;
	s6 =	srdreg.scid  }
0x6: {  	s5 =	simm.s32 $0x0;
	s14 =	simm.s32 $0x9;
	s16 =	simm.s32 $0x14000  }
0x7: {  	s17 =	simm.s32 $0x14E00;
	s18 =	simm.s32 $0x80;
	s19 =	simm.s32 $0x15C00  }
0x8: {  	s20 =	simm.s32 $0x17C00;
	s21 =	simm.s32 $0x19C00;
	s22 =	simm.s32 $0x1BC00  }
0x9: {  	s28 =	simm.s32 $0x5;
	s29 =	simm.s32 $0x6;
	s30 =	simm.s32 $0x7  }
0xa: {  	s31 =	simm.s32 $0x8;
	s1 =	smul.u32 $0xA000, s12;
	s7 =	sand.u32 $0x1, s6  }
0xb: {  	[smem:$0x7FF] =	sst s5;
	s6 =	sadd.s32 $0x12C00, s0;
	s25 =	sshll.u32 s12, $0x6  }
0xc: {  	s8 =	smul.u32 $0xA0000, s7;
	_ =	strace $0x8000004D;
	s10 =	ssub.s32 $0x2, s7  }
0xd: {  	s7 =	sshll.u32 s7, $0x4;
	s23 =	sshrl.u32 s1, $0x3;
	s11 =	sshrl.u32 s10, $0x1  }
0xe: {  	s7 =	sor.u32 s12, s7;
	s13 =	sadd.s32 s1, s3;
	s9 =	sadd.s32 s23, s0  }
0xf: {  	s8 =	sadd.s32 s1, s8;
	s11 =	ssub.s32 s10, s11;
	s1 =	sadd.s32 s1, s4  }
0x10: {  	s10 =	smul.u32 $0x2A00, s7;
	s13 =	sshrl.u32 s13, $0x3;
	s23 =	simm.s32 $0x1  }
0x11: {  	s8 =	sshrl.u32 s8, $0x3;
	s24 =	sadd.s32 $0x81400, s9;
	s9 =	sadd.s32 $0x6D400, s9  }
0x12: {  	s26 =	smax.u32 s11, $0x1;
	s15 =	sshrl.u32 s1, $0x3;
	[dreg:$0x5] =	wrdreg s24  }
0x13: {  	s0 =	sadd.s32 s8, s0;
	s8 =	sor.u32 $0x1C09, s25;
	[dreg:$0x6] =	wrdreg s9  }
0x14: {  	[dreg:$0x8] =	wrdreg s26;
	s24 =	simm.s32 $0x2;
	s0 =	sadd.s32 $0x95400, s0  }
0x15: {  	s25 =	simm.s32 $0x3;
	s26 =	simm.s32 $0x4;
	[dreg:$0x7] =	wrdreg s0  }
.LBB2_1:
0x16: {  	s0 =	rddreg [dreg:$0x5]  }
0x17: {  	[spmem:s13], [sflag:s8] =	dma.local [hbm:s0], $0x1400  }
0x18: {  	_ =	swait.ge [sflag:s14], $0x1400  }
0x19: {  	[sflag:s14] =	ssyncset.done $0x0  }
0x1a: {  	s12 =	rddreg [dreg:$0x6];
	[sflag:s14] =	ssyncadd.s32 $0xFFFFEC00  }
0x1b: {  	[spmem:s15], [sflag:s8] =	dma.local [hbm:s12], $0x1400  }
0x1c: {  	_ =	swait.ge [sflag:s14], $0x1400  }
0x1d: {  	[sflag:s14] =	ssyncset.done $0x0  }
0x1e: {  	[sflag:s14] =	ssyncadd.s32 $0xFFFFEC00  }
0x1f: {  	s1 =	simm.s32 $0x0;
	[bflag:$0x0] =	sbarrier.arrive $0xFFFF  }
.LBB2_2:
0x20: {  	s0 =	smul.u32 $0xE00, s1;
	_ =	sdelay $0x1  }
0x21: {  	s0 =	sadd.s32 s10, s0  }
0x22: {  	s0 =	sshrl.u32 s0, $0x3  }
0x23: {  	s9 =	simm.s32 $0x0;
	s7 =	sadd.s32 s6, s0  }
0x24: {  	[tilespmem:s16], [sflag:$0x9] =	stream.linear.gather [hbm4b:s7+s9], $0xE00, $0x38;
	[tilespmem:$0x1DC00] =	vst v63  }
0x25: {  	_ =	swait.ge [sflag:s14], $0xE00  }
0x26: {  	[sflag:s14] =	ssyncset.done $0x0  }
0x27: {  	s0 =	sadd.s32 s2, s0;
	[sflag:s14] =	ssyncadd.s32 $0xFFFFF200  }
0x28: {  	[tilespmem:s17], [sflag:$0x9] =	stream.linear.gather [hbm4b:s0+s9], $0xE00, $0x38;
	[tilespmem:$0x1DC00] =	vst v63  }
0x29: {  	_ =	swait.ge [sflag:s14], $0xE00  }
0x2a: {  	[sflag:s14] =	ssyncset.done $0x0  }
0x2b: {  	s7 =	simm.s32 $0x14000;
	[sflag:s14] =	ssyncadd.s32 $0xFFFFF200  }
0x2c: {  	[tilespmem:s19], [sflag:$0x1] =	stream.indirect.gather [spmem:s4], $0x40, s7, s18, $0xb8;
	[tilespmem:$0x1DC00] =	vst v63  }
0x2d: {  	s9 =	simm.s32 $0x14080  }
0x2e: {  	[tilespmem:s20], [sflag:$0x2] =	stream.indirect.gather [spmem:s4], $0x40, s9, s18, $0xb8;
	[tilespmem:$0x1DC00] =	vst v63  }
0x2f: {  	s11 =	simm.s32 $0x14100  }
0x30: {  	[tilespmem:s21], [sflag:$0x3] =	stream.indirect.gather [spmem:s4], $0x40, s11, s18, $0xb8;
	[tilespmem:$0x1DC00] =	vst v63  }
0x31: {  	s12 =	simm.s32 $0x14180  }
0x32: {  	[tilespmem:s22], [sflag:$0x4] =	stream.indirect.gather [spmem:s4], $0x40, s12, s18, $0xb8;
	[tilespmem:$0x1DC00] =	vst v63  }
0x33: {  	_ =	swait.ge [sflag:s23], $0x2000  }
0x34: {  	[sflag:s23] =	ssyncset.done $0x0  }
0x35: {  	s7 =	simm.s32 $0x14E00;
	[sflag:s23] =	ssyncadd.s32 $0xFFFFE000  }
0x36: {  	[spmem:s3] =	stream.indirect.scatter.add.f32 [tilespmem:s19], [sflag:$0x5], $0x40, s7, s18, $0xb8;
	[tilespmem:$0x1DC00] =	vst v63  }
0x37: {  	_ =	swait.ge [sflag:s24], $0x2000  }
0x38: {  	[sflag:s24] =	ssyncset.done $0x0  }
0x39: {  	s9 =	simm.s32 $0x14E80;
	[sflag:s24] =	ssyncadd.s32 $0xFFFFE000  }
0x3a: {  	[spmem:s3] =	stream.indirect.scatter.add.f32 [tilespmem:s20], [sflag:$0x6], $0x40, s9, s18, $0xb8;
	[tilespmem:$0x1DC00] =	vst v63  }
0x3b: {  	_ =	swait.ge [sflag:s25], $0x2000  }
0x3c: {  	[sflag:s25] =	ssyncset.done $0x0  }
0x3d: {  	s11 =	simm.s32 $0x14F00;
	[sflag:s25] =	ssyncadd.s32 $0xFFFFE000  }
0x3e: {  	[spmem:s3] =	stream.indirect.scatter.add.f32 [tilespmem:s21], [sflag:$0x7], $0x40, s11, s18, $0xb8;
	[tilespmem:$0x1DC00] =	vst v63  }
0x3f: {  	_ =	swait.ge [sflag:s26], $0x2000  }
0x40: {  	[sflag:s26] =	ssyncset.done $0x0  }
0x41: {  	s12 =	simm.s32 $0x14F80;
	[sflag:s26] =	ssyncadd.s32 $0xFFFFE000  }
0x42: {  	[spmem:s3] =	stream.indirect.scatter.add.f32 [tilespmem:s22], [sflag:$0x8], $0x40, s12, s18, $0xb8;
	[tilespmem:$0x1DC00] =	vst v63  }
0x43: {  	_ =	swait.ge [sflag:s28], $0x2000  }
0x44: {  	[sflag:s28] =	ssyncset.done $0x0  }
0x45: {  	[sflag:s28] =	ssyncadd.s32 $0xFFFFE000  }
0x46: {  	_ =	swait.ge [sflag:s29], $0x2000  }
0x47: {  	[sflag:s29] =	ssyncset.done $0x0  }
0x48: {  	[sflag:s29] =	ssyncadd.s32 $0xFFFFE000  }
0x49: {  	_ =	swait.ge [sflag:s30], $0x2000  }
0x4a: {  	[sflag:s30] =	ssyncset.done $0x0  }
0x4b: {  	[sflag:s30] =	ssyncadd.s32 $0xFFFFE000  }
0x4c: {  	_ =	swait.ge [sflag:s31], $0x2000  }
0x4d: {  	s0 =	simm.s32 $0x200;
	s7 =	simm.s32 $0x1000;
	[sflag:s31] =	ssyncset.done $0x0  }
.LBB2_3:
0x4e: {  	s12 =	sadd.s32 $0x14000, s0  }
0x4f: {  	[sflag:s31] =	ssyncadd.s32 $0xFFFFE000;
	s9 =	smov.u32 s7;
	s11 =	sadd.s32 $0x800, s7  }
0x50: {  	[tilespmem:s19], [sflag:$0x1] =	stream.indirect.gather [spmem:s4], $0x40, s12, s18, $0xb8;
	[tilespmem:$0x1DC00] =	vst v63  }
0x51: {  	p0 =	sne.s32 s7, $0x3000;
	s7 =	sadd.s32 $0x14080, s0  }
0x52: {  	[tilespmem:s20], [sflag:$0x2] =	stream.indirect.gather [spmem:s4], $0x40, s7, s18, $0xb8;
	[tilespmem:$0x1DC00] =	vst v63  }
0x53: {  	s7 =	sadd.s32 $0x14100, s0  }
0x54: {  	[tilespmem:s21], [sflag:$0x3] =	stream.indirect.gather [spmem:s4], $0x40, s7, s18, $0xb8;
	[tilespmem:$0x1DC00] =	vst v63  }
0x55: {  	s7 =	sadd.s32 $0x14180, s0  }
0x56: {  	[tilespmem:s22], [sflag:$0x4] =	stream.indirect.gather [spmem:s4], $0x40, s7, s18, $0xb8;
	[tilespmem:$0x1DC00] =	vst v63  }
0x57: {  	_ =	swait.ge [sflag:s23], $0x2000  }
0x58: {  	[sflag:s23] =	ssyncset.done $0x0  }
0x59: {  	s7 =	sadd.s32 $0x14E00, s0;
	[sflag:s23] =	ssyncadd.s32 $0xFFFFE000  }
0x5a: {  	[spmem:s3] =	stream.indirect.scatter.add.f32 [tilespmem:s19], [sflag:$0x5], $0x40, s7, s18, $0xb8;
	[tilespmem:$0x1DC00] =	vst v63  }
0x5b: {  	_ =	swait.ge [sflag:s24], $0x2000  }
0x5c: {  	[sflag:s24] =	ssyncset.done $0x0  }
0x5d: {  	s7 =	sadd.s32 $0x14E80, s0;
	[sflag:s24] =	ssyncadd.s32 $0xFFFFE000  }
0x5e: {  	[spmem:s3] =	stream.indirect.scatter.add.f32 [tilespmem:s20], [sflag:$0x6], $0x40, s7, s18, $0xb8;
	[tilespmem:$0x1DC00] =	vst v63  }
0x5f: {  	_ =	swait.ge [sflag:s25], $0x2000  }
0x60: {  	[sflag:s25] =	ssyncset.done $0x0  }
0x61: {  	s7 =	sadd.s32 $0x14F00, s0;
	[sflag:s25] =	ssyncadd.s32 $0xFFFFE000  }
0x62: {  	[spmem:s3] =	stream.indirect.scatter.add.f32 [tilespmem:s21], [sflag:$0x7], $0x40, s7, s18, $0xb8;
	[tilespmem:$0x1DC00] =	vst v63  }
0x63: {  	_ =	swait.ge [sflag:s26], $0x2000  }
0x64: {  	[sflag:s26] =	ssyncset.done $0x0  }
0x65: {  	s0 =	sadd.s32 $0x14F80, s0;
	[sflag:s26] =	ssyncadd.s32 $0xFFFFE000  }
0x66: {  	[spmem:s3] =	stream.indirect.scatter.add.f32 [tilespmem:s22], [sflag:$0x8], $0x40, s0, s18, $0xb8;
	[tilespmem:$0x1DC00] =	vst v63  }
0x67: {  	_ =	swait.ge [sflag:s28], $0x2000  }
0x68: {  	[sflag:s28] =	ssyncset.done $0x0  }
0x69: {  	[sflag:s28] =	ssyncadd.s32 $0xFFFFE000  }
0x6a: {  	_ =	swait.ge [sflag:s29], $0x2000  }
0x6b: {  	[sflag:s29] =	ssyncset.done $0x0  }
0x6c: {  	[sflag:s29] =	ssyncadd.s32 $0xFFFFE000  }
.Ltmp0:
0x6d: {  	_ =	swait.ge [sflag:s30], $0x2000;
	(pc) =	sbr.rel @p0 .LBB2_3-.Ltmp0, $4  }
0x6e: {  	[sflag:s30] =	ssyncset.done $0x0  }
0x6f: {  	[sflag:s30] =	ssyncadd.s32 $0xFFFFE000  }
0x70: {  	_ =	swait.ge [sflag:s31], $0x2000  }
0x71: {  	s7 =	smov.u32 s11;
	s0 =	sshra.s32 s9, $0x2;
	[sflag:s31] =	ssyncset.done $0x0  }
0x72: {  	s7 =	sadd.s32 $0x14000, s0;
	[sflag:s31] =	ssyncadd.s32 $0xFFFFE000  }
0x73: {  	[tilespmem:s19], [sflag:$0x1] =	stream.indirect.gather [spmem:s4], $0x40, s7, s18, $0xb8;
	[tilespmem:$0x1DC00] =	vst v63  }
0x74: {  	s12 =	sadd.s32 $0x14080, s0  }
0x75: {  	[tilespmem:s20], [sflag:$0x2] =	stream.indirect.gather [spmem:s4], $0x40, s12, s18, $0xb8;
	[tilespmem:$0x1DC00] =	vst v63  }
0x76: {  	s9 =	sadd.s32 $0x14100, s0  }
0x77: {  	[tilespmem:s21], [sflag:$0x3] =	stream.indirect.gather [spmem:s4], $0x40, s9, s18, $0xb8;
	[tilespmem:$0x1DC00] =	vst v63  }
0x78: {  	s11 =	sadd.s32 $0x14180, s0  }
0x79: {  	[tilespmem:s22], [sflag:$0x4] =	stream.indirect.gather [spmem:s4], $0x40, s11, s18, $0xb8;
	[tilespmem:$0x1DC00] =	vst v63  }
0x7a: {  	_ =	swait.ge [sflag:s23], $0x2000  }
0x7b: {  	[sflag:s23] =	ssyncset.done $0x0  }
0x7c: {  	s12 =	sadd.s32 $0x14E00, s0;
	[sflag:s23] =	ssyncadd.s32 $0xFFFFE000  }
0x7d: {  	[spmem:s3] =	stream.indirect.scatter.add.f32 [tilespmem:s19], [sflag:$0x5], $0x40, s12, s18, $0xb8;
	[tilespmem:$0x1DC00] =	vst v63  }
0x7e: {  	_ =	swait.ge [sflag:s24], $0x2000  }
0x7f: {  	[sflag:s24] =	ssyncset.done $0x0  }
0x80: {  	s9 =	sadd.s32 $0x14E80, s0;
	[sflag:s24] =	ssyncadd.s32 $0xFFFFE000  }
0x81: {  	[spmem:s3] =	stream.indirect.scatter.add.f32 [tilespmem:s20], [sflag:$0x6], $0x40, s9, s18, $0xb8;
	[tilespmem:$0x1DC00] =	vst v63  }
0x82: {  	_ =	swait.ge [sflag:s25], $0x2000  }
0x83: {  	[sflag:s25] =	ssyncset.done $0x0  }
0x84: {  	s11 =	sadd.s32 $0x14F00, s0;
	[sflag:s25] =	ssyncadd.s32 $0xFFFFE000  }
0x85: {  	[spmem:s3] =	stream.indirect.scatter.add.f32 [tilespmem:s21], [sflag:$0x7], $0x40, s11, s18, $0xb8;
	[tilespmem:$0x1DC00] =	vst v63  }
0x86: {  	_ =	swait.ge [sflag:s26], $0x2000  }
0x87: {  	[sflag:s26] =	ssyncset.done $0x0  }
0x88: {  	s12 =	sadd.s32 $0x14F80, s0;
	[sflag:s26] =	ssyncadd.s32 $0xFFFFE000  }
0x89: {  	[spmem:s3] =	stream.indirect.scatter.add.f32 [tilespmem:s22], [sflag:$0x8], $0x40, s12, s18, $0xb8;
	[tilespmem:$0x1DC00] =	vst v63  }
0x8a: {  	_ =	swait.ge [sflag:s28], $0x2000  }
0x8b: {  	[sflag:s28] =	ssyncset.done $0x0  }
0x8c: {  	[sflag:s28] =	ssyncadd.s32 $0xFFFFE000  }
0x8d: {  	_ =	swait.ge [sflag:s29], $0x2000  }
0x8e: {  	[sflag:s29] =	ssyncset.done $0x0  }
0x8f: {  	s1 =	sadd.s32 $0x1, s1;
	[sflag:s29] =	ssyncadd.s32 $0xFFFFE000  }
0x90: {  	p0 =	sne.s32 s1, $0x3;
	_ =	swait.ge [sflag:s30], $0x2000  }
.Ltmp1:
0x91: {  	[sflag:s30] =	ssyncset.done $0x0;
	(pc) =	sbr.rel @p0 .LBB2_2-.Ltmp1, $4  }
0x92: {  	[sflag:s30] =	ssyncadd.s32 $0xFFFFE000  }
0x93: {  	_ =	swait.ge [sflag:s31], $0x2000  }
0x94: {  	[sflag:s31] =	ssyncset.done $0x0  }
0x95: {  	[sflag:s31] =	ssyncadd.s32 $0xFFFFE000  }
0x96: {  	[bflag:$0x0] =	sbarrier.arrive $0xFFFF  }
0x97: {  	s0 =	rddreg [dreg:$0x7]  }
0x98: {  	[hbm:s0], [sflag:s8] =	dma.local [spmem:s13], $0x1400  }
0x99: {  	_ =	swait.ge [sflag:s14], $0x1400  }
0x9a: {  	s5 =	sadd.s32 $0x1, s5;
	s12 =	rddreg [dreg:$0x8]  }
0x9b: {  	p0 =	sne.s32 s5, s12  }
.Ltmp2:
0x9c: {  	_ = 	snop;
	(pc) =	sbr.rel @p0 .LBB2_1-.Ltmp2, $3  }
0x9d: {  	_ =	sdelay $0x1  }
0x9e: {  	[sflag:s14] =	ssyncset.done $0x0  }
0x9f: {  	[sflag:s14] =	ssyncadd.s32 $0xFFFFEC00  }
0xa0: {  	_ =	sfence.sel $0x180000  }
0xa1: {  	[bflag:$0x0] =	sbarrier.arrive $0xFFFF  }
0xa2: {  	_ =	strace $0x9000004D  }
0xa3: {  	s0 =	stileid.u32;
	[bflag:$0x2] =	sbarrier.arrive $0xFFFF  }
0xa4: {  	p0 =	sne.s32 s0, $0x0;
	s0 =	rddreg [dreg:$0x4]  }
0xa5: {  	s0 =	sadd.s32 @!p0 $0x100000, s0  }
0xa6: {  	[sflag:s0] =	ssyncadd.tile.s32 @!p0 $0x1;
	_ =	shalt  }
.Lfunc_end2:
_tile_overlayer_lowered:
.L_overlay_start_2:
0xa7: {  	(tag) =	ssettag $0x2  }
0xa8: {  	s0 =	rddreg [dreg:$0x0];
	s2 =	stileid.u32  }
0xa9: {  	s1 =	rddreg [dreg:$0x1];
	p0 =	sne.s32 s2, $0x0  }
0xaa: {  	s3 =	rddreg [dreg:$0x2];
	[bflag:$0x3] =	sbarrier.arrive $0xFFFF;
	s2 =	simm.s32 @!p0 $0x1C09  }
0xab: {  	[timem:s3], [sflag:s2] =	dma.local @!p0 [hbm:s0], s1  }
0xac: {  	s0 =	simm.s32 @!p0 $0x9  }
0xad: {  	_ =	swait.ge @!p0 [sflag:s0], s1  }
0xae: {  	s1 =	ssub.s32 @!p0 $0x0, s1;
	[sflag:s0] =	ssyncset.done @!p0 $0x0  }
0xaf: {  	[sflag:s0] =	ssyncadd.s32 @!p0 s1  }
0xb0: {  	[bflag:$0x3] =	sbarrier.arrive $0xFFFF  }
0xb1: {  	_ =	shalt  }

// kernel: kernel.24.cloned.1.call-start
scs
__scs_entry_jumppad:
0x0: {  	(pc) =	sbr.rel $0x88, $3  }
0x1: {  	(tag) =	ssettag $0x0;
	lr =	simm.s32 $0x1  }
0x2: {  	[smem:$0x3F9B] =	sst lr;
	_ =	strace $0xD0000000  }
0x3: {  	_ = 	snop  }
0x4: {  	_ = 	snop  }
0x5: {  	_ = 	snop  }
0x6: {  	_ = 	snop  }
0x7: {  	_ = 	snop  }
__scs_overlays_trampoline_lowered:
0x8: {  	[smem:$0x3FAA] =	sst s0  }
0x9: {  	[smem:$0x3FAB] =	sst s1  }
0xa: {  	[smem:$0x3FAC] =	sst s2  }
0xb: {  	[smem:$0x3FAD] =	sst s3  }
0xc: {  	[smem:$0x3FAE] =	sst s4  }
0xd: {  	[smem:$0x3FAF] =	sst s5  }
0xe: {  	[smem:$0x3FB0] =	sst s6  }
0xf: {  	[smem:$0x3FB1] =	sst s7  }
0x10: {  	[smem:$0x3FB2] =	sst s8  }
0x11: {  	[smem:$0x3FB3] =	sst s9;
	s0 =	simm.s32 @!p0 $0x0  }
0x12: {  	s1 =	sld [smem:$0x3F99];
	s0 =	simm.s32 @p0 $0x1  }
0x13: {  	[smem:$0x3FB4] =	sst s0;
	s0 =	simm.s32 @!p1 $0x0  }
0x14: {  	s2 =	sld [smem:$0x3F98];
	s0 =	simm.s32 @p1 $0x1  }
0x15: {  	[smem:$0x3FB5] =	sst s0;
	s0 =	simm.s32 @!p2 $0x0  }
0x16: {  	s3 =	sld [smem:$0x3FDB];
	s0 =	simm.s32 @p2 $0x1  }
0x17: {  	s4 =	simm.s32 $0x1BF5;
	[smem:$0x3FB7] =	sst s0  }
0x18: {  	s0 =	sld [smem:$0x3F9A];
	_ =	swait.ge [sflag:s4], $0x0  }
0x19: {  	s7 =	sld [smem:$0x3F9B]  }
0x1a: {  	s8 =	sadd.s32 $0xFFFFE003, lr  }
0x1b: {  	s9 =	sadd.s32 $0xFFFFFEF7, lr;
	s5 =	simm.s32 $0xFFFFFFFF;
	p2 =	slt.u32 s8, $0xFFFFF086  }
0x1c: {  	p1 =	slt.u32 s9, $0xF7A;
	s5 =	simm.s32 @!p2 $0x0  }
0x1d: {  	s5 =	simm.s32 @p1 $0x1;
	p0 =	seq.s32 s7, s2  }
0x1e: {  	s7 =	smul.u32 @!p0 $0xF7A, s2;
	p2 =	seq.s32 @!p0 s5, $0x0  }
0x1f: {  	s9 =	smul.u32 $0xF7A, s1;
	s8 =	simm.s32 @!p0 $0x1BF5;
	p2 =	por !p2, p0  }
0x20: {  	[sflag:s8] =	ssyncset.s32 @!p0 $0xFFFFF086;
	s6 =	sadd.s32 @!p0 s3, s7;
	s7 =	simm.s32 @!p0 $0x108  }
0x21: {  	s3 =	sadd.s32 s3, s9;
	s6 =	sadd.s32 @!p0 $0x88, s6;
	s7 =	simm.s32 @p2 $0x1082  }
0x22: {  	[simem:s7], [sflag:s8] =	dma.local @!p0 [hbm:s6], $0xF7A  }
0x23: {  	s9 =	sor.u32 $0xD0000000, s2;
	s6 =	simm.s32 $0x108;
	_ =	swait.ge @!p0 [sflag:s8], $0x0  }
0x24: {  	s3 =	sadd.s32 $0x88, s3;
	s6 =	simm.s32 @!p1 $0x1082;
	[sflag:s4] =	ssyncset.s32 $0xFFFFF086  }
0x25: {  	[simem:s6], [sflag:s4] =	dma.local [hbm:s3], $0xF7A  }
0x26: {  	[smem:$0x3F9B] =	sst s1;
	(tag) =	ssettag s2;
	_ =	strace s9  }
0x27: {  	s1 =	sld [smem:$0x3FAB]  }
0x28: {  	s2 =	sld [smem:$0x3FAC]  }
0x29: {  	s4 =	sld [smem:$0x3FAE]  }
0x2a: {  	p0 =	seq.s32 s5, $0x0;
	s5 =	sld [smem:$0x3FAF]  }
0x2b: {  	s6 =	sld [smem:$0x3FB0]  }
0x2c: {  	s7 =	sld [smem:$0x3FB1]  }
0x2d: {  	s3 =	simm.s32 $0x108;
	s8 =	sld [smem:$0x3FB2]  }
0x2e: {  	s3 =	simm.s32 @!p0 $0x1082;
	s9 =	sld [smem:$0x3FB3]  }
0x2f: {  	lr =	sadd.s32 s0, s3;
	s0 =	sld [smem:$0x3FAA]  }
0x30: {  	s3 =	sld [smem:$0x3FAD]  }
0x31: {  	[smem:$0x3FB6] =	sst s10  }
0x32: {  	s10 =	sld [smem:$0x3FB4];
	_ =	sdelay $0x3  }
0x33: {  	p0 =	seq.s32 s10, $0x1;
	s10 =	sld [smem:$0x3FB6];
	_ =	sdelay $0x3  }
0x34: {  	[smem:$0x3FB6] =	sst s10  }
0x35: {  	s10 =	sld [smem:$0x3FB5];
	_ =	sdelay $0x3  }
0x36: {  	p1 =	seq.s32 s10, $0x1;
	s10 =	sld [smem:$0x3FB6];
	_ =	sdelay $0x3  }
0x37: {  	[smem:$0x3FB6] =	sst s10  }
0x38: {  	s10 =	sld [smem:$0x3FB7]  }
0x39: {  	_ = 	snop;
	(pc) =	sbr.ind lr, $3  }
0x3a: {  	_ = 	snop  }
0x3b: {  	_ = 	snop  }
0x3c: {  	p2 =	seq.s32 s10, $0x1;
	s10 =	sld [smem:$0x3FB6]  }
0x3d: {  	_ =	shalt  }
0x3e: {  	_ =	shalt  }
0x3f: {  	_ =	shalt  }
0x40: {  	_ =	shalt  }
0x41: {  	_ =	shalt  }
0x42: {  	_ =	shalt  }
0x43: {  	_ =	shalt  }
0x44: {  	_ =	shalt  }
0x45: {  	_ =	shalt  }
0x46: {  	_ =	shalt  }
0x47: {  	_ =	shalt  }
0x48: {  	_ =	shalt  }
0x49: {  	_ =	shalt  }
0x4a: {  	_ =	shalt  }
0x4b: {  	_ =	shalt  }
0x4c: {  	_ =	shalt  }
0x4d: {  	_ =	shalt  }
0x4e: {  	_ =	shalt  }
0x4f: {  	_ =	shalt  }
0x50: {  	_ =	shalt  }
0x51: {  	_ =	shalt  }
0x52: {  	_ =	shalt  }
0x53: {  	_ =	shalt  }
0x54: {  	_ =	shalt  }
0x55: {  	_ =	shalt  }
0x56: {  	_ =	shalt  }
0x57: {  	_ =	shalt  }
0x58: {  	_ =	shalt  }
0x59: {  	_ =	shalt  }
0x5a: {  	_ =	shalt  }
0x5b: {  	_ =	shalt  }
0x5c: {  	_ =	shalt  }
0x5d: {  	_ =	shalt  }
0x5e: {  	_ =	shalt  }
0x5f: {  	_ =	shalt  }
0x60: {  	_ =	shalt  }
0x61: {  	_ =	shalt  }
0x62: {  	_ =	shalt  }
0x63: {  	_ =	shalt  }
0x64: {  	_ =	shalt  }
0x65: {  	_ =	shalt  }
0x66: {  	_ =	shalt  }
0x67: {  	_ =	shalt  }
0x68: {  	_ =	shalt  }
0x69: {  	_ =	shalt  }
0x6a: {  	_ =	shalt  }
0x6b: {  	_ =	shalt  }
0x6c: {  	_ =	shalt  }
0x6d: {  	_ =	shalt  }
0x6e: {  	_ =	shalt  }
0x6f: {  	_ =	shalt  }
0x70: {  	_ =	shalt  }
0x71: {  	_ =	shalt  }
0x72: {  	_ =	shalt  }
0x73: {  	_ =	shalt  }
0x74: {  	_ =	shalt  }
0x75: {  	_ =	shalt  }
0x76: {  	_ =	shalt  }
0x77: {  	_ =	shalt  }
0x78: {  	_ =	shalt  }
0x79: {  	_ =	shalt  }
0x7a: {  	_ =	shalt  }
0x7b: {  	_ =	shalt  }
0x7c: {  	_ =	shalt  }
0x7d: {  	_ =	shalt  }
0x7e: {  	_ =	shalt  }
0x7f: {  	_ =	shalt  }
0x80: {  	_ =	shalt  }
0x81: {  	_ =	shalt  }
0x82: {  	_ =	shalt  }
0x83: {  	_ =	shalt  }
0x84: {  	_ =	shalt  }
0x85: {  	_ =	shalt  }
0x86: {  	_ =	shalt  }
0x87: {  	_ =	shalt  }
.Lfunc_end0:
.L_simem_size_0:
called_computation.3_lowered:
.L_overlay_start_0:
0x88: {  	s2 =	sld [smem:$0x3FD9]  }
0x89: {  	s3 =	sld [smem:$0x3FFE];
	_ =	sdelay $0x1  }
0x8a: {  	s1 =	srdreg.scid  }
0x8b: {  	s0 =	sand.u32 $0x1, s1  }
0x8c: {  	s17 =	sshll.u32 s0, $0xA;
	s2 =	sadd.s32 s3, s2  }
0x8d: {  	s2 =	sadd.s32 s2, s17  }
0x8e: {  	[smem:$0x3FC2] =	sst s2  }
0x8f: {  	_ = 	snop  }
0x90: {  	s2 =	sld [smem:$0x3FD0];
	(tm) =	ssettm $0x1  }
0x91: {  	s18 =	sld [smem:$0x3FFB];
	_ =	sdelay $0x3  }
0x92: {  	_ =	strace s18  }
0x93: {  	s3 =	sld [smem:$0x3FFC];
	_ =	sdelay $0x3  }
0x94: {  	_ =	strace s3  }
0x95: {  	s3 =	sld [smem:$0x3FFD];
	_ =	sdelay $0x3  }
0x96: {  	_ =	strace s3  }
0x97: {  	_ =	strace $0x8FFFFFFF  }
0x98: {  	s19 =	sld [smem:$0x3FDB];
	_ =	sdelay $0x1  }
0x99: {  	s4 =	simm.s32 $_scs_section_size  }
0x9a: {  	s5 =	simm.s32 $_size__tile_overlayer_lowered;
	s6 =	simm.s32 $_tile_overlayer_lowered  }
0x9b: {  	s22 =	simm.s32 $0x1BFF;
	s21 =	sshll.u32 s6, $0x1;
	s3 =	sadd.s32 s4, s19  }
0x9c: {  	s7 =	simm.s32 $0x0;
	s20 =	sshll.u32 s5, $0x1;
	s5 =	sadd.s32 s21, s3  }
0x9d: {  	[timem:s7], [sflag:s22] =	dma.local [hbm:s5], s20  }
0x9e: {  	_ =	swait.ge [sflag:s22], s20  }
0x9f: {  	s4 =	ssub.s32 $0x0, s20;
	[sflag:s22] =	ssyncset.done $0x0  }
0xa0: {  	[sflag:s22] =	ssyncadd.s32 s4;
	_ =	sdelay $0x1  }
0xa1: {  	s23 =	simm.s32 $0x1B8B  }
0xa2: {  	_ =	swait.ge [sflag:s23], $0x1  }
0xa3: {  	[sflag:s23] =	ssyncset.done $0x0  }
0xa4: {  	s25 =	simm.s32 $0x1B8E;
	s24 =	sld [smem:$0x3FFE];
	[sflag:s23] =	ssyncadd.s32 $0xFFFFFFFF  }
0xa5: {  	s26 =	simm.s32 $execute0_lowered;
	[smem:$0x3FD2] =	sst s25  }
0xa6: {  	s5 =	sshll.u32 s26, $0x1;
	_ =	strace $0x8000004F;
	[dreg:$0x1] =	wrdreg $0xFFFFFFFF  }
0xa7: {  	s28 =	simm.s32 $_size_execute0_lowered;
	s3 =	sadd.s32 s3, s5;
	[dreg:$0x0] =	wrdreg $0x0  }
0xa8: {  	s5 =	sshll.u32 s28, $0x1;
	[dreg:$0x2] =	wrdreg s3  }
0xa9: {  	[dreg:$0x3] =	wrdreg s5  }
0xaa: {  	[dreg:$0x4] =	wrdreg $0xC0  }
0xab: {  	_ =	task [dreg:s7], $0x5FFFF  }
0xac: {  	[dreg:$0x1] =	wrdreg $0xFFFFFFFF  }
0xad: {  	[dreg:$0x0] =	wrdreg $0x60  }
0xae: {  	[dreg:$0x2] =	wrdreg s24  }
0xaf: {  	[dreg:$0x3] =	wrdreg s2  }
0xb0: {  	[dreg:$0x4] =	wrdreg $0x0  }
0xb1: {  	[dreg:$0x5] =	wrdreg $0xA0000  }
0xb2: {  	[dreg:$0x6] =	wrdreg $0x9  }
0xb3: {  	_ =	task.clear_ibuf [dreg:s7], $0x7FFFF;
	_ =	strace $0x9000004F  }
0xb4: {  	s29 =	simm.s32 $0x9;
	_ =	strace $0x80000051  }
0xb5: {  	_ =	swait.ge [sflag:s29], $0x1  }
0xb6: {  	[sflag:s29] =	ssyncadd.s32 $0xFFFFFFFF  }
0xb7: {  	_ =	strace $0x90000051  }
0xb8: {  	_ =	sfence  }
0xb9: {  	s30 =	sld [smem:$0x0];
	_ =	sdelay $0x2  }
0xba: {  	s31 =	sshll.u32 s1, $0xD;
	s1 =	sshrl.u32 s1, $0x2  }
0xbb: {  	s3 =	sand.u32 $0x4000, s31;
	s1 =	sadd.s32 s1, s30  }
0xbc: {  	s0 =	sor.u32 s3, s0;
	s1 =	sshll.u32 s1, $0x11  }
0xbd: {  	s0 =	sor.u32 s1, s0  }
0xbe: {  	s0 =	sadd.s32 $0x8F2B, s0  }
0xbf: {  	[sflag:s0] =	ssyncadd.remote.s32 $0x1  }
0xc0: {  	_ =	sfence.sel $0xFFFF  }
0xc1: {  	[dreg:$0x0] =	wrdreg $0xFFFFFFFF;
	(pc) =	sbr.abs _section_cstart, $3  }
0xc2: {  	[dreg:$0x1] =	wrdreg $0xFFFFFFFF  }
0xc3: {  	_ =	task.clear_ibuf [dreg:s7], $0x2FFFF;
	_ =	strace $0x9FFFFFFF  }
0xc4: {  	(tm) =	ssettm $0x7FFFFFFF  }
0xc5: {  	_ =	shalt  }
tec
execute0_lowered:
.L_overlay_start_1:
0x0: {  	(tag) =	ssettag $0x1  }
0x1: {  	s0 =	rddreg [dreg:$0x0]  }
0x2: {  	s2 =	rddreg [dreg:$0x1]  }
0x3: {  	s3 =	rddreg [dreg:$0x2]  }
0x4: {  	s4 =	rddreg [dreg:$0x3]  }
0x5: {  	s12 =	stileid.u32;
	s6 =	srdreg.scid  }
0x6: {  	s5 =	simm.s32 $0x0;
	s14 =	simm.s32 $0x9;
	s16 =	simm.s32 $0x14000  }
0x7: {  	s17 =	simm.s32 $0x14E00;
	s18 =	simm.s32 $0x80;
	s19 =	simm.s32 $0x15C00  }
0x8: {  	s20 =	simm.s32 $0x17C00;
	s21 =	simm.s32 $0x19C00;
	s22 =	simm.s32 $0x1BC00  }
0x9: {  	s28 =	simm.s32 $0x5;
	s29 =	simm.s32 $0x6;
	s30 =	simm.s32 $0x7  }
0xa: {  	s31 =	simm.s32 $0x8;
	s1 =	smul.u32 $0xA000, s12;
	s7 =	sand.u32 $0x1, s6  }
0xb: {  	[smem:$0x7FF] =	sst s5;
	s6 =	sadd.s32 $0x12C00, s0;
	s25 =	sshll.u32 s12, $0x6  }
0xc: {  	s8 =	smul.u32 $0xA0000, s7;
	_ =	strace $0x80000050;
	s10 =	ssub.s32 $0x2, s7  }
0xd: {  	s7 =	sshll.u32 s7, $0x4;
	s23 =	sshrl.u32 s1, $0x3;
	s11 =	sshrl.u32 s10, $0x1  }
0xe: {  	s7 =	sor.u32 s12, s7;
	s13 =	sadd.s32 s1, s3;
	s9 =	sadd.s32 s23, s0  }
0xf: {  	s8 =	sadd.s32 s1, s8;
	s11 =	ssub.s32 s10, s11;
	s1 =	sadd.s32 s1, s4  }
0x10: {  	s10 =	smul.u32 $0x2A00, s7;
	s13 =	sshrl.u32 s13, $0x3;
	s23 =	simm.s32 $0x1  }
0x11: {  	s8 =	sshrl.u32 s8, $0x3;
	s24 =	sadd.s32 $0x81400, s9;
	s9 =	sadd.s32 $0x6D400, s9  }
0x12: {  	s26 =	smax.u32 s11, $0x1;
	s15 =	sshrl.u32 s1, $0x3;
	[dreg:$0x5] =	wrdreg s24  }
0x13: {  	s0 =	sadd.s32 s8, s0;
	s8 =	sor.u32 $0x1C09, s25;
	[dreg:$0x6] =	wrdreg s9  }
0x14: {  	[dreg:$0x8] =	wrdreg s26;
	s24 =	simm.s32 $0x2;
	s0 =	sadd.s32 $0x95400, s0  }
0x15: {  	s25 =	simm.s32 $0x3;
	s26 =	simm.s32 $0x4;
	[dreg:$0x7] =	wrdreg s0  }
.LBB2_1:
0x16: {  	s0 =	rddreg [dreg:$0x5]  }
0x17: {  	[spmem:s13], [sflag:s8] =	dma.local [hbm:s0], $0x1400  }
0x18: {  	_ =	swait.ge [sflag:s14], $0x1400  }
0x19: {  	[sflag:s14] =	ssyncset.done $0x0  }
0x1a: {  	s12 =	rddreg [dreg:$0x6];
	[sflag:s14] =	ssyncadd.s32 $0xFFFFEC00  }
0x1b: {  	[spmem:s15], [sflag:s8] =	dma.local [hbm:s12], $0x1400  }
0x1c: {  	_ =	swait.ge [sflag:s14], $0x1400  }
0x1d: {  	[sflag:s14] =	ssyncset.done $0x0  }
0x1e: {  	[sflag:s14] =	ssyncadd.s32 $0xFFFFEC00  }
0x1f: {  	s1 =	simm.s32 $0x0;
	[bflag:$0x0] =	sbarrier.arrive $0xFFFF  }
.LBB2_2:
0x20: {  	s0 =	smul.u32 $0xE00, s1;
	_ =	sdelay $0x1  }
0x21: {  	s0 =	sadd.s32 s10, s0  }
0x22: {  	s0 =	sshrl.u32 s0, $0x3  }
0x23: {  	s9 =	simm.s32 $0x0;
	s7 =	sadd.s32 s6, s0  }
0x24: {  	[tilespmem:s16], [sflag:$0x9] =	stream.linear.gather [hbm4b:s7+s9], $0xE00, $0x38;
	[tilespmem:$0x1DC00] =	vst v63  }
0x25: {  	_ =	swait.ge [sflag:s14], $0xE00  }
0x26: {  	[sflag:s14] =	ssyncset.done $0x0  }
0x27: {  	s0 =	sadd.s32 s2, s0;
	[sflag:s14] =	ssyncadd.s32 $0xFFFFF200  }
0x28: {  	[tilespmem:s17], [sflag:$0x9] =	stream.linear.gather [hbm4b:s0+s9], $0xE00, $0x38;
	[tilespmem:$0x1DC00] =	vst v63  }
0x29: {  	_ =	swait.ge [sflag:s14], $0xE00  }
0x2a: {  	[sflag:s14] =	ssyncset.done $0x0  }
0x2b: {  	s7 =	simm.s32 $0x14000;
	[sflag:s14] =	ssyncadd.s32 $0xFFFFF200  }
0x2c: {  	[tilespmem:s19], [sflag:$0x1] =	stream.indirect.gather [spmem:s4], $0x40, s7, s18, $0xb8;
	[tilespmem:$0x1DC00] =	vst v63  }
0x2d: {  	s9 =	simm.s32 $0x14080  }
0x2e: {  	[tilespmem:s20], [sflag:$0x2] =	stream.indirect.gather [spmem:s4], $0x40, s9, s18, $0xb8;
	[tilespmem:$0x1DC00] =	vst v63  }
0x2f: {  	s11 =	simm.s32 $0x14100  }
0x30: {  	[tilespmem:s21], [sflag:$0x3] =	stream.indirect.gather [spmem:s4], $0x40, s11, s18, $0xb8;
	[tilespmem:$0x1DC00] =	vst v63  }
0x31: {  	s12 =	simm.s32 $0x14180  }
0x32: {  	[tilespmem:s22], [sflag:$0x4] =	stream.indirect.gather [spmem:s4], $0x40, s12, s18, $0xb8;
	[tilespmem:$0x1DC00] =	vst v63  }
0x33: {  	_ =	swait.ge [sflag:s23], $0x2000  }
0x34: {  	[sflag:s23] =	ssyncset.done $0x0  }
0x35: {  	s7 =	simm.s32 $0x14E00;
	[sflag:s23] =	ssyncadd.s32 $0xFFFFE000  }
0x36: {  	[spmem:s3] =	stream.indirect.scatter.add.f32 [tilespmem:s19], [sflag:$0x5], $0x40, s7, s18, $0xb8;
	[tilespmem:$0x1DC00] =	vst v63  }
0x37: {  	_ =	swait.ge [sflag:s24], $0x2000  }
0x38: {  	[sflag:s24] =	ssyncset.done $0x0  }
0x39: {  	s9 =	simm.s32 $0x14E80;
	[sflag:s24] =	ssyncadd.s32 $0xFFFFE000  }
0x3a: {  	[spmem:s3] =	stream.indirect.scatter.add.f32 [tilespmem:s20], [sflag:$0x6], $0x40, s9, s18, $0xb8;
	[tilespmem:$0x1DC00] =	vst v63  }
0x3b: {  	_ =	swait.ge [sflag:s25], $0x2000  }
0x3c: {  	[sflag:s25] =	ssyncset.done $0x0  }
0x3d: {  	s11 =	simm.s32 $0x14F00;
	[sflag:s25] =	ssyncadd.s32 $0xFFFFE000  }
0x3e: {  	[spmem:s3] =	stream.indirect.scatter.add.f32 [tilespmem:s21], [sflag:$0x7], $0x40, s11, s18, $0xb8;
	[tilespmem:$0x1DC00] =	vst v63  }
0x3f: {  	_ =	swait.ge [sflag:s26], $0x2000  }
0x40: {  	[sflag:s26] =	ssyncset.done $0x0  }
0x41: {  	s12 =	simm.s32 $0x14F80;
	[sflag:s26] =	ssyncadd.s32 $0xFFFFE000  }
0x42: {  	[spmem:s3] =	stream.indirect.scatter.add.f32 [tilespmem:s22], [sflag:$0x8], $0x40, s12, s18, $0xb8;
	[tilespmem:$0x1DC00] =	vst v63  }
0x43: {  	_ =	swait.ge [sflag:s28], $0x2000  }
0x44: {  	[sflag:s28] =	ssyncset.done $0x0  }
0x45: {  	[sflag:s28] =	ssyncadd.s32 $0xFFFFE000  }
0x46: {  	_ =	swait.ge [sflag:s29], $0x2000  }
0x47: {  	[sflag:s29] =	ssyncset.done $0x0  }
0x48: {  	[sflag:s29] =	ssyncadd.s32 $0xFFFFE000  }
0x49: {  	_ =	swait.ge [sflag:s30], $0x2000  }
0x4a: {  	[sflag:s30] =	ssyncset.done $0x0  }
0x4b: {  	[sflag:s30] =	ssyncadd.s32 $0xFFFFE000  }
0x4c: {  	_ =	swait.ge [sflag:s31], $0x2000  }
0x4d: {  	s0 =	simm.s32 $0x200;
	s7 =	simm.s32 $0x1000;
	[sflag:s31] =	ssyncset.done $0x0  }
.LBB2_3:
0x4e: {  	s12 =	sadd.s32 $0x14000, s0  }
0x4f: {  	[sflag:s31] =	ssyncadd.s32 $0xFFFFE000;
	s9 =	smov.u32 s7;
	s11 =	sadd.s32 $0x800, s7  }
0x50: {  	[tilespmem:s19], [sflag:$0x1] =	stream.indirect.gather [spmem:s4], $0x40, s12, s18, $0xb8;
	[tilespmem:$0x1DC00] =	vst v63  }
0x51: {  	p0 =	sne.s32 s7, $0x3000;
	s7 =	sadd.s32 $0x14080, s0  }
0x52: {  	[tilespmem:s20], [sflag:$0x2] =	stream.indirect.gather [spmem:s4], $0x40, s7, s18, $0xb8;
	[tilespmem:$0x1DC00] =	vst v63  }
0x53: {  	s7 =	sadd.s32 $0x14100, s0  }
0x54: {  	[tilespmem:s21], [sflag:$0x3] =	stream.indirect.gather [spmem:s4], $0x40, s7, s18, $0xb8;
	[tilespmem:$0x1DC00] =	vst v63  }
0x55: {  	s7 =	sadd.s32 $0x14180, s0  }
0x56: {  	[tilespmem:s22], [sflag:$0x4] =	stream.indirect.gather [spmem:s4], $0x40, s7, s18, $0xb8;
	[tilespmem:$0x1DC00] =	vst v63  }
0x57: {  	_ =	swait.ge [sflag:s23], $0x2000  }
0x58: {  	[sflag:s23] =	ssyncset.done $0x0  }
0x59: {  	s7 =	sadd.s32 $0x14E00, s0;
	[sflag:s23] =	ssyncadd.s32 $0xFFFFE000  }
0x5a: {  	[spmem:s3] =	stream.indirect.scatter.add.f32 [tilespmem:s19], [sflag:$0x5], $0x40, s7, s18, $0xb8;
	[tilespmem:$0x1DC00] =	vst v63  }
0x5b: {  	_ =	swait.ge [sflag:s24], $0x2000  }
0x5c: {  	[sflag:s24] =	ssyncset.done $0x0  }
0x5d: {  	s7 =	sadd.s32 $0x14E80, s0;
	[sflag:s24] =	ssyncadd.s32 $0xFFFFE000  }
0x5e: {  	[spmem:s3] =	stream.indirect.scatter.add.f32 [tilespmem:s20], [sflag:$0x6], $0x40, s7, s18, $0xb8;
	[tilespmem:$0x1DC00] =	vst v63  }
0x5f: {  	_ =	swait.ge [sflag:s25], $0x2000  }
0x60: {  	[sflag:s25] =	ssyncset.done $0x0  }
0x61: {  	s7 =	sadd.s32 $0x14F00, s0;
	[sflag:s25] =	ssyncadd.s32 $0xFFFFE000  }
0x62: {  	[spmem:s3] =	stream.indirect.scatter.add.f32 [tilespmem:s21], [sflag:$0x7], $0x40, s7, s18, $0xb8;
	[tilespmem:$0x1DC00] =	vst v63  }
0x63: {  	_ =	swait.ge [sflag:s26], $0x2000  }
0x64: {  	[sflag:s26] =	ssyncset.done $0x0  }
0x65: {  	s0 =	sadd.s32 $0x14F80, s0;
	[sflag:s26] =	ssyncadd.s32 $0xFFFFE000  }
0x66: {  	[spmem:s3] =	stream.indirect.scatter.add.f32 [tilespmem:s22], [sflag:$0x8], $0x40, s0, s18, $0xb8;
	[tilespmem:$0x1DC00] =	vst v63  }
0x67: {  	_ =	swait.ge [sflag:s28], $0x2000  }
0x68: {  	[sflag:s28] =	ssyncset.done $0x0  }
0x69: {  	[sflag:s28] =	ssyncadd.s32 $0xFFFFE000  }
0x6a: {  	_ =	swait.ge [sflag:s29], $0x2000  }
0x6b: {  	[sflag:s29] =	ssyncset.done $0x0  }
0x6c: {  	[sflag:s29] =	ssyncadd.s32 $0xFFFFE000  }
.Ltmp0:
0x6d: {  	_ =	swait.ge [sflag:s30], $0x2000;
	(pc) =	sbr.rel @p0 .LBB2_3-.Ltmp0, $4  }
0x6e: {  	[sflag:s30] =	ssyncset.done $0x0  }
0x6f: {  	[sflag:s30] =	ssyncadd.s32 $0xFFFFE000  }
0x70: {  	_ =	swait.ge [sflag:s31], $0x2000  }
0x71: {  	s7 =	smov.u32 s11;
	s0 =	sshra.s32 s9, $0x2;
	[sflag:s31] =	ssyncset.done $0x0  }
0x72: {  	s7 =	sadd.s32 $0x14000, s0;
	[sflag:s31] =	ssyncadd.s32 $0xFFFFE000  }
0x73: {  	[tilespmem:s19], [sflag:$0x1] =	stream.indirect.gather [spmem:s4], $0x40, s7, s18, $0xb8;
	[tilespmem:$0x1DC00] =	vst v63  }
0x74: {  	s12 =	sadd.s32 $0x14080, s0  }
0x75: {  	[tilespmem:s20], [sflag:$0x2] =	stream.indirect.gather [spmem:s4], $0x40, s12, s18, $0xb8;
	[tilespmem:$0x1DC00] =	vst v63  }
0x76: {  	s9 =	sadd.s32 $0x14100, s0  }
0x77: {  	[tilespmem:s21], [sflag:$0x3] =	stream.indirect.gather [spmem:s4], $0x40, s9, s18, $0xb8;
	[tilespmem:$0x1DC00] =	vst v63  }
0x78: {  	s11 =	sadd.s32 $0x14180, s0  }
0x79: {  	[tilespmem:s22], [sflag:$0x4] =	stream.indirect.gather [spmem:s4], $0x40, s11, s18, $0xb8;
	[tilespmem:$0x1DC00] =	vst v63  }
0x7a: {  	_ =	swait.ge [sflag:s23], $0x2000  }
0x7b: {  	[sflag:s23] =	ssyncset.done $0x0  }
0x7c: {  	s12 =	sadd.s32 $0x14E00, s0;
	[sflag:s23] =	ssyncadd.s32 $0xFFFFE000  }
0x7d: {  	[spmem:s3] =	stream.indirect.scatter.add.f32 [tilespmem:s19], [sflag:$0x5], $0x40, s12, s18, $0xb8;
	[tilespmem:$0x1DC00] =	vst v63  }
0x7e: {  	_ =	swait.ge [sflag:s24], $0x2000  }
0x7f: {  	[sflag:s24] =	ssyncset.done $0x0  }
0x80: {  	s9 =	sadd.s32 $0x14E80, s0;
	[sflag:s24] =	ssyncadd.s32 $0xFFFFE000  }
0x81: {  	[spmem:s3] =	stream.indirect.scatter.add.f32 [tilespmem:s20], [sflag:$0x6], $0x40, s9, s18, $0xb8;
	[tilespmem:$0x1DC00] =	vst v63  }
0x82: {  	_ =	swait.ge [sflag:s25], $0x2000  }
0x83: {  	[sflag:s25] =	ssyncset.done $0x0  }
0x84: {  	s11 =	sadd.s32 $0x14F00, s0;
	[sflag:s25] =	ssyncadd.s32 $0xFFFFE000  }
0x85: {  	[spmem:s3] =	stream.indirect.scatter.add.f32 [tilespmem:s21], [sflag:$0x7], $0x40, s11, s18, $0xb8;
	[tilespmem:$0x1DC00] =	vst v63  }
0x86: {  	_ =	swait.ge [sflag:s26], $0x2000  }
0x87: {  	[sflag:s26] =	ssyncset.done $0x0  }
0x88: {  	s12 =	sadd.s32 $0x14F80, s0;
	[sflag:s26] =	ssyncadd.s32 $0xFFFFE000  }
0x89: {  	[spmem:s3] =	stream.indirect.scatter.add.f32 [tilespmem:s22], [sflag:$0x8], $0x40, s12, s18, $0xb8;
	[tilespmem:$0x1DC00] =	vst v63  }
0x8a: {  	_ =	swait.ge [sflag:s28], $0x2000  }
0x8b: {  	[sflag:s28] =	ssyncset.done $0x0  }
0x8c: {  	[sflag:s28] =	ssyncadd.s32 $0xFFFFE000  }
0x8d: {  	_ =	swait.ge [sflag:s29], $0x2000  }
0x8e: {  	[sflag:s29] =	ssyncset.done $0x0  }
0x8f: {  	s1 =	sadd.s32 $0x1, s1;
	[sflag:s29] =	ssyncadd.s32 $0xFFFFE000  }
0x90: {  	p0 =	sne.s32 s1, $0x3;
	_ =	swait.ge [sflag:s30], $0x2000  }
.Ltmp1:
0x91: {  	[sflag:s30] =	ssyncset.done $0x0;
	(pc) =	sbr.rel @p0 .LBB2_2-.Ltmp1, $4  }
0x92: {  	[sflag:s30] =	ssyncadd.s32 $0xFFFFE000  }
0x93: {  	_ =	swait.ge [sflag:s31], $0x2000  }
0x94: {  	[sflag:s31] =	ssyncset.done $0x0  }
0x95: {  	[sflag:s31] =	ssyncadd.s32 $0xFFFFE000  }
0x96: {  	[bflag:$0x0] =	sbarrier.arrive $0xFFFF  }
0x97: {  	s0 =	rddreg [dreg:$0x7]  }
0x98: {  	[hbm:s0], [sflag:s8] =	dma.local [spmem:s13], $0x1400  }
0x99: {  	_ =	swait.ge [sflag:s14], $0x1400  }
0x9a: {  	s5 =	sadd.s32 $0x1, s5;
	s12 =	rddreg [dreg:$0x8]  }
0x9b: {  	p0 =	sne.s32 s5, s12  }
.Ltmp2:
0x9c: {  	_ = 	snop;
	(pc) =	sbr.rel @p0 .LBB2_1-.Ltmp2, $3  }
0x9d: {  	_ =	sdelay $0x1  }
0x9e: {  	[sflag:s14] =	ssyncset.done $0x0  }
0x9f: {  	[sflag:s14] =	ssyncadd.s32 $0xFFFFEC00  }
0xa0: {  	_ =	sfence.sel $0x180000  }
0xa1: {  	[bflag:$0x0] =	sbarrier.arrive $0xFFFF  }
0xa2: {  	_ =	strace $0x90000050  }
0xa3: {  	s0 =	stileid.u32;
	[bflag:$0x2] =	sbarrier.arrive $0xFFFF  }
0xa4: {  	p0 =	sne.s32 s0, $0x0;
	s0 =	rddreg [dreg:$0x4]  }
0xa5: {  	s0 =	sadd.s32 @!p0 $0x100000, s0  }
0xa6: {  	[sflag:s0] =	ssyncadd.tile.s32 @!p0 $0x1;
	_ =	shalt  }
.Lfunc_end2:
_tile_overlayer_lowered:
.L_overlay_start_2:
0xa7: {  	(tag) =	ssettag $0x2  }
0xa8: {  	s0 =	rddreg [dreg:$0x0];
	s2 =	stileid.u32  }
0xa9: {  	s1 =	rddreg [dreg:$0x1];
	p0 =	sne.s32 s2, $0x0  }
0xaa: {  	s3 =	rddreg [dreg:$0x2];
	[bflag:$0x3] =	sbarrier.arrive $0xFFFF;
	s2 =	simm.s32 @!p0 $0x1C09  }
0xab: {  	[timem:s3], [sflag:s2] =	dma.local @!p0 [hbm:s0], s1  }
0xac: {  	s0 =	simm.s32 @!p0 $0x9  }
0xad: {  	_ =	swait.ge @!p0 [sflag:s0], s1  }
0xae: {  	s1 =	ssub.s32 @!p0 $0x0, s1;
	[sflag:s0] =	ssyncset.done @!p0 $0x0  }
0xaf: {  	[sflag:s0] =	ssyncadd.s32 @!p0 s1  }
0xb0: {  	[bflag:$0x3] =	sbarrier.arrive $0xFFFF  }
0xb1: {  	_ =	shalt  }

// kernel: kernel.27.cloned.1.call-start
scs
__scs_entry_jumppad:
0x0: {  	(pc) =	sbr.rel $0x88, $3  }
0x1: {  	(tag) =	ssettag $0x0;
	lr =	simm.s32 $0x1  }
0x2: {  	[smem:$0x3F9B] =	sst lr;
	_ =	strace $0xD0000000  }
0x3: {  	_ = 	snop  }
0x4: {  	_ = 	snop  }
0x5: {  	_ = 	snop  }
0x6: {  	_ = 	snop  }
0x7: {  	_ = 	snop  }
__scs_overlays_trampoline_lowered:
0x8: {  	[smem:$0x3FAA] =	sst s0  }
0x9: {  	[smem:$0x3FAB] =	sst s1  }
0xa: {  	[smem:$0x3FAC] =	sst s2  }
0xb: {  	[smem:$0x3FAD] =	sst s3  }
0xc: {  	[smem:$0x3FAE] =	sst s4  }
0xd: {  	[smem:$0x3FAF] =	sst s5  }
0xe: {  	[smem:$0x3FB0] =	sst s6  }
0xf: {  	[smem:$0x3FB1] =	sst s7  }
0x10: {  	[smem:$0x3FB2] =	sst s8  }
0x11: {  	[smem:$0x3FB3] =	sst s9;
	s0 =	simm.s32 @!p0 $0x0  }
0x12: {  	s1 =	sld [smem:$0x3F99];
	s0 =	simm.s32 @p0 $0x1  }
0x13: {  	[smem:$0x3FB4] =	sst s0;
	s0 =	simm.s32 @!p1 $0x0  }
0x14: {  	s2 =	sld [smem:$0x3F98];
	s0 =	simm.s32 @p1 $0x1  }
0x15: {  	[smem:$0x3FB5] =	sst s0;
	s0 =	simm.s32 @!p2 $0x0  }
0x16: {  	s3 =	sld [smem:$0x3FDB];
	s0 =	simm.s32 @p2 $0x1  }
0x17: {  	s4 =	simm.s32 $0x1BF5;
	[smem:$0x3FB7] =	sst s0  }
0x18: {  	s0 =	sld [smem:$0x3F9A];
	_ =	swait.ge [sflag:s4], $0x0  }
0x19: {  	s7 =	sld [smem:$0x3F9B]  }
0x1a: {  	s8 =	sadd.s32 $0xFFFFE003, lr  }
0x1b: {  	s9 =	sadd.s32 $0xFFFFFEF7, lr;
	s5 =	simm.s32 $0xFFFFFFFF;
	p2 =	slt.u32 s8, $0xFFFFF086  }
0x1c: {  	p1 =	slt.u32 s9, $0xF7A;
	s5 =	simm.s32 @!p2 $0x0  }
0x1d: {  	s5 =	simm.s32 @p1 $0x1;
	p0 =	seq.s32 s7, s2  }
0x1e: {  	s7 =	smul.u32 @!p0 $0xF7A, s2;
	p2 =	seq.s32 @!p0 s5, $0x0  }
0x1f: {  	s9 =	smul.u32 $0xF7A, s1;
	s8 =	simm.s32 @!p0 $0x1BF5;
	p2 =	por !p2, p0  }
0x20: {  	[sflag:s8] =	ssyncset.s32 @!p0 $0xFFFFF086;
	s6 =	sadd.s32 @!p0 s3, s7;
	s7 =	simm.s32 @!p0 $0x108  }
0x21: {  	s3 =	sadd.s32 s3, s9;
	s6 =	sadd.s32 @!p0 $0x88, s6;
	s7 =	simm.s32 @p2 $0x1082  }
0x22: {  	[simem:s7], [sflag:s8] =	dma.local @!p0 [hbm:s6], $0xF7A  }
0x23: {  	s9 =	sor.u32 $0xD0000000, s2;
	s6 =	simm.s32 $0x108;
	_ =	swait.ge @!p0 [sflag:s8], $0x0  }
0x24: {  	s3 =	sadd.s32 $0x88, s3;
	s6 =	simm.s32 @!p1 $0x1082;
	[sflag:s4] =	ssyncset.s32 $0xFFFFF086  }
0x25: {  	[simem:s6], [sflag:s4] =	dma.local [hbm:s3], $0xF7A  }
0x26: {  	[smem:$0x3F9B] =	sst s1;
	(tag) =	ssettag s2;
	_ =	strace s9  }
0x27: {  	s1 =	sld [smem:$0x3FAB]  }
0x28: {  	s2 =	sld [smem:$0x3FAC]  }
0x29: {  	s4 =	sld [smem:$0x3FAE]  }
0x2a: {  	p0 =	seq.s32 s5, $0x0;
	s5 =	sld [smem:$0x3FAF]  }
0x2b: {  	s6 =	sld [smem:$0x3FB0]  }
0x2c: {  	s7 =	sld [smem:$0x3FB1]  }
0x2d: {  	s3 =	simm.s32 $0x108;
	s8 =	sld [smem:$0x3FB2]  }
0x2e: {  	s3 =	simm.s32 @!p0 $0x1082;
	s9 =	sld [smem:$0x3FB3]  }
0x2f: {  	lr =	sadd.s32 s0, s3;
	s0 =	sld [smem:$0x3FAA]  }
0x30: {  	s3 =	sld [smem:$0x3FAD]  }
0x31: {  	[smem:$0x3FB6] =	sst s10  }
0x32: {  	s10 =	sld [smem:$0x3FB4];
	_ =	sdelay $0x3  }
0x33: {  	p0 =	seq.s32 s10, $0x1;
	s10 =	sld [smem:$0x3FB6];
	_ =	sdelay $0x3  }
0x34: {  	[smem:$0x3FB6] =	sst s10  }
0x35: {  	s10 =	sld [smem:$0x3FB5];
	_ =	sdelay $0x3  }
0x36: {  	p1 =	seq.s32 s10, $0x1;
	s10 =	sld [smem:$0x3FB6];
	_ =	sdelay $0x3  }
0x37: {  	[smem:$0x3FB6] =	sst s10  }
0x38: {  	s10 =	sld [smem:$0x3FB7]  }
0x39: {  	_ = 	snop;
	(pc) =	sbr.ind lr, $3  }
0x3a: {  	_ = 	snop  }
0x3b: {  	_ = 	snop  }
0x3c: {  	p2 =	seq.s32 s10, $0x1;
	s10 =	sld [smem:$0x3FB6]  }
0x3d: {  	_ =	shalt  }
0x3e: {  	_ =	shalt  }
0x3f: {  	_ =	shalt  }
0x40: {  	_ =	shalt  }
0x41: {  	_ =	shalt  }
0x42: {  	_ =	shalt  }
0x43: {  	_ =	shalt  }
0x44: {  	_ =	shalt  }
0x45: {  	_ =	shalt  }
0x46: {  	_ =	shalt  }
0x47: {  	_ =	shalt  }
0x48: {  	_ =	shalt  }
0x49: {  	_ =	shalt  }
0x4a: {  	_ =	shalt  }
0x4b: {  	_ =	shalt  }
0x4c: {  	_ =	shalt  }
0x4d: {  	_ =	shalt  }
0x4e: {  	_ =	shalt  }
0x4f: {  	_ =	shalt  }
0x50: {  	_ =	shalt  }
0x51: {  	_ =	shalt  }
0x52: {  	_ =	shalt  }
0x53: {  	_ =	shalt  }
0x54: {  	_ =	shalt  }
0x55: {  	_ =	shalt  }
0x56: {  	_ =	shalt  }
0x57: {  	_ =	shalt  }
0x58: {  	_ =	shalt  }
0x59: {  	_ =	shalt  }
0x5a: {  	_ =	shalt  }
0x5b: {  	_ =	shalt  }
0x5c: {  	_ =	shalt  }
0x5d: {  	_ =	shalt  }
0x5e: {  	_ =	shalt  }
0x5f: {  	_ =	shalt  }
0x60: {  	_ =	shalt  }
0x61: {  	_ =	shalt  }
0x62: {  	_ =	shalt  }
0x63: {  	_ =	shalt  }
0x64: {  	_ =	shalt  }
0x65: {  	_ =	shalt  }
0x66: {  	_ =	shalt  }
0x67: {  	_ =	shalt  }
0x68: {  	_ =	shalt  }
0x69: {  	_ =	shalt  }
0x6a: {  	_ =	shalt  }
0x6b: {  	_ =	shalt  }
0x6c: {  	_ =	shalt  }
0x6d: {  	_ =	shalt  }
0x6e: {  	_ =	shalt  }
0x6f: {  	_ =	shalt  }
0x70: {  	_ =	shalt  }
0x71: {  	_ =	shalt  }
0x72: {  	_ =	shalt  }
0x73: {  	_ =	shalt  }
0x74: {  	_ =	shalt  }
0x75: {  	_ =	shalt  }
0x76: {  	_ =	shalt  }
0x77: {  	_ =	shalt  }
0x78: {  	_ =	shalt  }
0x79: {  	_ =	shalt  }
0x7a: {  	_ =	shalt  }
0x7b: {  	_ =	shalt  }
0x7c: {  	_ =	shalt  }
0x7d: {  	_ =	shalt  }
0x7e: {  	_ =	shalt  }
0x7f: {  	_ =	shalt  }
0x80: {  	_ =	shalt  }
0x81: {  	_ =	shalt  }
0x82: {  	_ =	shalt  }
0x83: {  	_ =	shalt  }
0x84: {  	_ =	shalt  }
0x85: {  	_ =	shalt  }
0x86: {  	_ =	shalt  }
0x87: {  	_ =	shalt  }
.Lfunc_end0:
.L_simem_size_0:
called_computation.4_lowered:
.L_overlay_start_0:
0x88: {  	s2 =	sld [smem:$0x3FD9]  }
0x89: {  	s3 =	sld [smem:$0x3FFE];
	_ =	sdelay $0x1  }
0x8a: {  	s1 =	srdreg.scid  }
0x8b: {  	s0 =	sand.u32 $0x1, s1  }
0x8c: {  	s17 =	sshll.u32 s0, $0xA;
	s2 =	sadd.s32 s3, s2  }
0x8d: {  	s2 =	sadd.s32 s2, s17  }
0x8e: {  	[smem:$0x3FC2] =	sst s2  }
0x8f: {  	_ = 	snop  }
0x90: {  	s2 =	sld [smem:$0x3FD0];
	(tm) =	ssettm $0x1  }
0x91: {  	s18 =	sld [smem:$0x3FFB];
	_ =	sdelay $0x3  }
0x92: {  	_ =	strace s18  }
0x93: {  	s3 =	sld [smem:$0x3FFC];
	_ =	sdelay $0x3  }
0x94: {  	_ =	strace s3  }
0x95: {  	s3 =	sld [smem:$0x3FFD];
	_ =	sdelay $0x3  }
0x96: {  	_ =	strace s3  }
0x97: {  	_ =	strace $0x8FFFFFFF  }
0x98: {  	s19 =	sld [smem:$0x3FDB];
	_ =	sdelay $0x1  }
0x99: {  	s4 =	simm.s32 $_scs_section_size  }
0x9a: {  	s5 =	simm.s32 $_size__tile_overlayer_lowered;
	s6 =	simm.s32 $_tile_overlayer_lowered  }
0x9b: {  	s22 =	simm.s32 $0x1BFF;
	s21 =	sshll.u32 s6, $0x1;
	s3 =	sadd.s32 s4, s19  }
0x9c: {  	s7 =	simm.s32 $0x0;
	s20 =	sshll.u32 s5, $0x1;
	s5 =	sadd.s32 s21, s3  }
0x9d: {  	[timem:s7], [sflag:s22] =	dma.local [hbm:s5], s20  }
0x9e: {  	_ =	swait.ge [sflag:s22], s20  }
0x9f: {  	s4 =	ssub.s32 $0x0, s20;
	[sflag:s22] =	ssyncset.done $0x0  }
0xa0: {  	[sflag:s22] =	ssyncadd.s32 s4;
	_ =	sdelay $0x1  }
0xa1: {  	s23 =	simm.s32 $0x1B8B  }
0xa2: {  	_ =	swait.ge [sflag:s23], $0x1  }
0xa3: {  	[sflag:s23] =	ssyncset.done $0x0  }
0xa4: {  	s25 =	simm.s32 $0x1B8E;
	s24 =	sld [smem:$0x3FFE];
	[sflag:s23] =	ssyncadd.s32 $0xFFFFFFFF  }
0xa5: {  	s26 =	simm.s32 $execute0_lowered;
	[smem:$0x3FD2] =	sst s25  }
0xa6: {  	s5 =	sshll.u32 s26, $0x1;
	_ =	strace $0x80000052;
	[dreg:$0x1] =	wrdreg $0xFFFFFFFF  }
0xa7: {  	s28 =	simm.s32 $_size_execute0_lowered;
	s3 =	sadd.s32 s3, s5;
	[dreg:$0x0] =	wrdreg $0x0  }
0xa8: {  	s5 =	sshll.u32 s28, $0x1;
	[dreg:$0x2] =	wrdreg s3  }
0xa9: {  	[dreg:$0x3] =	wrdreg s5  }
0xaa: {  	[dreg:$0x4] =	wrdreg $0xC0  }
0xab: {  	_ =	task [dreg:s7], $0x5FFFF  }
0xac: {  	[dreg:$0x1] =	wrdreg $0xFFFFFFFF  }
0xad: {  	[dreg:$0x0] =	wrdreg $0x60  }
0xae: {  	[dreg:$0x2] =	wrdreg s24  }
0xaf: {  	[dreg:$0x3] =	wrdreg s2  }
0xb0: {  	[dreg:$0x4] =	wrdreg $0x0  }
0xb1: {  	[dreg:$0x5] =	wrdreg $0xA0000  }
0xb2: {  	[dreg:$0x6] =	wrdreg $0x9  }
0xb3: {  	_ =	task.clear_ibuf [dreg:s7], $0x7FFFF;
	_ =	strace $0x90000052  }
0xb4: {  	s29 =	simm.s32 $0x9;
	_ =	strace $0x80000054  }
0xb5: {  	_ =	swait.ge [sflag:s29], $0x1  }
0xb6: {  	[sflag:s29] =	ssyncadd.s32 $0xFFFFFFFF  }
0xb7: {  	_ =	strace $0x90000054  }
0xb8: {  	_ =	sfence  }
0xb9: {  	s30 =	sld [smem:$0x0];
	_ =	sdelay $0x2  }
0xba: {  	s31 =	sshll.u32 s1, $0xD;
	s1 =	sshrl.u32 s1, $0x2  }
0xbb: {  	s3 =	sand.u32 $0x4000, s31;
	s1 =	sadd.s32 s1, s30  }
0xbc: {  	s0 =	sor.u32 s3, s0;
	s1 =	sshll.u32 s1, $0x11  }
0xbd: {  	s0 =	sor.u32 s1, s0  }
0xbe: {  	s0 =	sadd.s32 $0x8F2B, s0  }
0xbf: {  	[sflag:s0] =	ssyncadd.remote.s32 $0x1  }
0xc0: {  	_ =	sfence.sel $0xFFFF  }
0xc1: {  	[dreg:$0x0] =	wrdreg $0xFFFFFFFF;
	(pc) =	sbr.abs _section_cstart, $3  }
0xc2: {  	[dreg:$0x1] =	wrdreg $0xFFFFFFFF  }
0xc3: {  	_ =	task.clear_ibuf [dreg:s7], $0x2FFFF;
	_ =	strace $0x9FFFFFFF  }
0xc4: {  	(tm) =	ssettm $0x7FFFFFFF  }
0xc5: {  	_ =	shalt  }
tec
execute0_lowered:
.L_overlay_start_1:
0x0: {  	(tag) =	ssettag $0x1  }
0x1: {  	s0 =	rddreg [dreg:$0x0]  }
0x2: {  	s2 =	rddreg [dreg:$0x1]  }
0x3: {  	s3 =	rddreg [dreg:$0x2]  }
0x4: {  	s4 =	rddreg [dreg:$0x3]  }
0x5: {  	s12 =	stileid.u32;
	s6 =	srdreg.scid  }
0x6: {  	s5 =	simm.s32 $0x0;
	s14 =	simm.s32 $0x9;
	s16 =	simm.s32 $0x14000  }
0x7: {  	s17 =	simm.s32 $0x14E00;
	s18 =	simm.s32 $0x80;
	s19 =	simm.s32 $0x15C00  }
0x8: {  	s20 =	simm.s32 $0x17C00;
	s21 =	simm.s32 $0x19C00;
	s22 =	simm.s32 $0x1BC00  }
0x9: {  	s28 =	simm.s32 $0x5;
	s29 =	simm.s32 $0x6;
	s30 =	simm.s32 $0x7  }
0xa: {  	s31 =	simm.s32 $0x8;
	s1 =	smul.u32 $0xA000, s12;
	s7 =	sand.u32 $0x1, s6  }
0xb: {  	[smem:$0x7FF] =	sst s5;
	s6 =	sadd.s32 $0x12C00, s0;
	s25 =	sshll.u32 s12, $0x6  }
0xc: {  	s8 =	smul.u32 $0xA0000, s7;
	_ =	strace $0x80000053;
	s10 =	ssub.s32 $0x2, s7  }
0xd: {  	s7 =	sshll.u32 s7, $0x4;
	s23 =	sshrl.u32 s1, $0x3;
	s11 =	sshrl.u32 s10, $0x1  }
0xe: {  	s7 =	sor.u32 s12, s7;
	s13 =	sadd.s32 s1, s3;
	s9 =	sadd.s32 s23, s0  }
0xf: {  	s8 =	sadd.s32 s1, s8;
	s11 =	ssub.s32 s10, s11;
	s1 =	sadd.s32 s1, s4  }
0x10: {  	s10 =	smul.u32 $0x2A00, s7;
	s13 =	sshrl.u32 s13, $0x3;
	s23 =	simm.s32 $0x1  }
0x11: {  	s8 =	sshrl.u32 s8, $0x3;
	s24 =	sadd.s32 $0x81400, s9;
	s9 =	sadd.s32 $0x6D400, s9  }
0x12: {  	s26 =	smax.u32 s11, $0x1;
	s15 =	sshrl.u32 s1, $0x3;
	[dreg:$0x5] =	wrdreg s24  }
0x13: {  	s0 =	sadd.s32 s8, s0;
	s8 =	sor.u32 $0x1C09, s25;
	[dreg:$0x6] =	wrdreg s9  }
0x14: {  	[dreg:$0x8] =	wrdreg s26;
	s24 =	simm.s32 $0x2;
	s0 =	sadd.s32 $0x95400, s0  }
0x15: {  	s25 =	simm.s32 $0x3;
	s26 =	simm.s32 $0x4;
	[dreg:$0x7] =	wrdreg s0  }
.LBB2_1:
0x16: {  	s0 =	rddreg [dreg:$0x5]  }
0x17: {  	[spmem:s13], [sflag:s8] =	dma.local [hbm:s0], $0x1400  }
0x18: {  	_ =	swait.ge [sflag:s14], $0x1400  }
0x19: {  	[sflag:s14] =	ssyncset.done $0x0  }
0x1a: {  	s12 =	rddreg [dreg:$0x6];
	[sflag:s14] =	ssyncadd.s32 $0xFFFFEC00  }
0x1b: {  	[spmem:s15], [sflag:s8] =	dma.local [hbm:s12], $0x1400  }
0x1c: {  	_ =	swait.ge [sflag:s14], $0x1400  }
0x1d: {  	[sflag:s14] =	ssyncset.done $0x0  }
0x1e: {  	[sflag:s14] =	ssyncadd.s32 $0xFFFFEC00  }
0x1f: {  	s1 =	simm.s32 $0x0;
	[bflag:$0x0] =	sbarrier.arrive $0xFFFF  }
.LBB2_2:
0x20: {  	s0 =	smul.u32 $0xE00, s1;
	_ =	sdelay $0x1  }
0x21: {  	s0 =	sadd.s32 s10, s0  }
0x22: {  	s0 =	sshrl.u32 s0, $0x3  }
0x23: {  	s9 =	simm.s32 $0x0;
	s7 =	sadd.s32 s6, s0  }
0x24: {  	[tilespmem:s16], [sflag:$0x9] =	stream.linear.gather [hbm4b:s7+s9], $0xE00, $0x38;
	[tilespmem:$0x1DC00] =	vst v63  }
0x25: {  	_ =	swait.ge [sflag:s14], $0xE00  }
0x26: {  	[sflag:s14] =	ssyncset.done $0x0  }
0x27: {  	s0 =	sadd.s32 s2, s0;
	[sflag:s14] =	ssyncadd.s32 $0xFFFFF200  }
0x28: {  	[tilespmem:s17], [sflag:$0x9] =	stream.linear.gather [hbm4b:s0+s9], $0xE00, $0x38;
	[tilespmem:$0x1DC00] =	vst v63  }
0x29: {  	_ =	swait.ge [sflag:s14], $0xE00  }
0x2a: {  	[sflag:s14] =	ssyncset.done $0x0  }
0x2b: {  	s7 =	simm.s32 $0x14000;
	[sflag:s14] =	ssyncadd.s32 $0xFFFFF200  }
0x2c: {  	[tilespmem:s19], [sflag:$0x1] =	stream.indirect.gather [spmem:s4], $0x40, s7, s18, $0xb8;
	[tilespmem:$0x1DC00] =	vst v63  }
0x2d: {  	s9 =	simm.s32 $0x14080  }
0x2e: {  	[tilespmem:s20], [sflag:$0x2] =	stream.indirect.gather [spmem:s4], $0x40, s9, s18, $0xb8;
	[tilespmem:$0x1DC00] =	vst v63  }
0x2f: {  	s11 =	simm.s32 $0x14100  }
0x30: {  	[tilespmem:s21], [sflag:$0x3] =	stream.indirect.gather [spmem:s4], $0x40, s11, s18, $0xb8;
	[tilespmem:$0x1DC00] =	vst v63  }
0x31: {  	s12 =	simm.s32 $0x14180  }
0x32: {  	[tilespmem:s22], [sflag:$0x4] =	stream.indirect.gather [spmem:s4], $0x40, s12, s18, $0xb8;
	[tilespmem:$0x1DC00] =	vst v63  }
0x33: {  	_ =	swait.ge [sflag:s23], $0x2000  }
0x34: {  	[sflag:s23] =	ssyncset.done $0x0  }
0x35: {  	s7 =	simm.s32 $0x14E00;
	[sflag:s23] =	ssyncadd.s32 $0xFFFFE000  }
0x36: {  	[spmem:s3] =	stream.indirect.scatter.add.f32 [tilespmem:s19], [sflag:$0x5], $0x40, s7, s18, $0xb8;
	[tilespmem:$0x1DC00] =	vst v63  }
0x37: {  	_ =	swait.ge [sflag:s24], $0x2000  }
0x38: {  	[sflag:s24] =	ssyncset.done $0x0  }
0x39: {  	s9 =	simm.s32 $0x14E80;
	[sflag:s24] =	ssyncadd.s32 $0xFFFFE000  }
0x3a: {  	[spmem:s3] =	stream.indirect.scatter.add.f32 [tilespmem:s20], [sflag:$0x6], $0x40, s9, s18, $0xb8;
	[tilespmem:$0x1DC00] =	vst v63  }
0x3b: {  	_ =	swait.ge [sflag:s25], $0x2000  }
0x3c: {  	[sflag:s25] =	ssyncset.done $0x0  }
0x3d: {  	s11 =	simm.s32 $0x14F00;
	[sflag:s25] =	ssyncadd.s32 $0xFFFFE000  }
0x3e: {  	[spmem:s3] =	stream.indirect.scatter.add.f32 [tilespmem:s21], [sflag:$0x7], $0x40, s11, s18, $0xb8;
	[tilespmem:$0x1DC00] =	vst v63  }
0x3f: {  	_ =	swait.ge [sflag:s26], $0x2000  }
0x40: {  	[sflag:s26] =	ssyncset.done $0x0  }
0x41: {  	s12 =	simm.s32 $0x14F80;
	[sflag:s26] =	ssyncadd.s32 $0xFFFFE000  }
0x42: {  	[spmem:s3] =	stream.indirect.scatter.add.f32 [tilespmem:s22], [sflag:$0x8], $0x40, s12, s18, $0xb8;
	[tilespmem:$0x1DC00] =	vst v63  }
0x43: {  	_ =	swait.ge [sflag:s28], $0x2000  }
0x44: {  	[sflag:s28] =	ssyncset.done $0x0  }
0x45: {  	[sflag:s28] =	ssyncadd.s32 $0xFFFFE000  }
0x46: {  	_ =	swait.ge [sflag:s29], $0x2000  }
0x47: {  	[sflag:s29] =	ssyncset.done $0x0  }
0x48: {  	[sflag:s29] =	ssyncadd.s32 $0xFFFFE000  }
0x49: {  	_ =	swait.ge [sflag:s30], $0x2000  }
0x4a: {  	[sflag:s30] =	ssyncset.done $0x0  }
0x4b: {  	[sflag:s30] =	ssyncadd.s32 $0xFFFFE000  }
0x4c: {  	_ =	swait.ge [sflag:s31], $0x2000  }
0x4d: {  	s0 =	simm.s32 $0x200;
	s7 =	simm.s32 $0x1000;
	[sflag:s31] =	ssyncset.done $0x0  }
.LBB2_3:
0x4e: {  	s12 =	sadd.s32 $0x14000, s0  }
0x4f: {  	[sflag:s31] =	ssyncadd.s32 $0xFFFFE000;
	s9 =	smov.u32 s7;
	s11 =	sadd.s32 $0x800, s7  }
0x50: {  	[tilespmem:s19], [sflag:$0x1] =	stream.indirect.gather [spmem:s4], $0x40, s12, s18, $0xb8;
	[tilespmem:$0x1DC00] =	vst v63  }
0x51: {  	p0 =	sne.s32 s7, $0x3000;
	s7 =	sadd.s32 $0x14080, s0  }
0x52: {  	[tilespmem:s20], [sflag:$0x2] =	stream.indirect.gather [spmem:s4], $0x40, s7, s18, $0xb8;
	[tilespmem:$0x1DC00] =	vst v63  }
0x53: {  	s7 =	sadd.s32 $0x14100, s0  }
0x54: {  	[tilespmem:s21], [sflag:$0x3] =	stream.indirect.gather [spmem:s4], $0x40, s7, s18, $0xb8;
	[tilespmem:$0x1DC00] =	vst v63  }
0x55: {  	s7 =	sadd.s32 $0x14180, s0  }
0x56: {  	[tilespmem:s22], [sflag:$0x4] =	stream.indirect.gather [spmem:s4], $0x40, s7, s18, $0xb8;
	[tilespmem:$0x1DC00] =	vst v63  }
0x57: {  	_ =	swait.ge [sflag:s23], $0x2000  }
0x58: {  	[sflag:s23] =	ssyncset.done $0x0  }
0x59: {  	s7 =	sadd.s32 $0x14E00, s0;
	[sflag:s23] =	ssyncadd.s32 $0xFFFFE000  }
0x5a: {  	[spmem:s3] =	stream.indirect.scatter.add.f32 [tilespmem:s19], [sflag:$0x5], $0x40, s7, s18, $0xb8;
	[tilespmem:$0x1DC00] =	vst v63  }
0x5b: {  	_ =	swait.ge [sflag:s24], $0x2000  }
0x5c: {  	[sflag:s24] =	ssyncset.done $0x0  }
0x5d: {  	s7 =	sadd.s32 $0x14E80, s0;
	[sflag:s24] =	ssyncadd.s32 $0xFFFFE000  }
0x5e: {  	[spmem:s3] =	stream.indirect.scatter.add.f32 [tilespmem:s20], [sflag:$0x6], $0x40, s7, s18, $0xb8;
	[tilespmem:$0x1DC00] =	vst v63  }
0x5f: {  	_ =	swait.ge [sflag:s25], $0x2000  }
0x60: {  	[sflag:s25] =	ssyncset.done $0x0  }
0x61: {  	s7 =	sadd.s32 $0x14F00, s0;
	[sflag:s25] =	ssyncadd.s32 $0xFFFFE000  }
0x62: {  	[spmem:s3] =	stream.indirect.scatter.add.f32 [tilespmem:s21], [sflag:$0x7], $0x40, s7, s18, $0xb8;
	[tilespmem:$0x1DC00] =	vst v63  }
0x63: {  	_ =	swait.ge [sflag:s26], $0x2000  }
0x64: {  	[sflag:s26] =	ssyncset.done $0x0  }
0x65: {  	s0 =	sadd.s32 $0x14F80, s0;
	[sflag:s26] =	ssyncadd.s32 $0xFFFFE000  }
0x66: {  	[spmem:s3] =	stream.indirect.scatter.add.f32 [tilespmem:s22], [sflag:$0x8], $0x40, s0, s18, $0xb8;
	[tilespmem:$0x1DC00] =	vst v63  }
0x67: {  	_ =	swait.ge [sflag:s28], $0x2000  }
0x68: {  	[sflag:s28] =	ssyncset.done $0x0  }
0x69: {  	[sflag:s28] =	ssyncadd.s32 $0xFFFFE000  }
0x6a: {  	_ =	swait.ge [sflag:s29], $0x2000  }
0x6b: {  	[sflag:s29] =	ssyncset.done $0x0  }
0x6c: {  	[sflag:s29] =	ssyncadd.s32 $0xFFFFE000  }
.Ltmp0:
0x6d: {  	_ =	swait.ge [sflag:s30], $0x2000;
	(pc) =	sbr.rel @p0 .LBB2_3-.Ltmp0, $4  }
0x6e: {  	[sflag:s30] =	ssyncset.done $0x0  }
0x6f: {  	[sflag:s30] =	ssyncadd.s32 $0xFFFFE000  }
0x70: {  	_ =	swait.ge [sflag:s31], $0x2000  }
0x71: {  	s7 =	smov.u32 s11;
	s0 =	sshra.s32 s9, $0x2;
	[sflag:s31] =	ssyncset.done $0x0  }
0x72: {  	s7 =	sadd.s32 $0x14000, s0;
	[sflag:s31] =	ssyncadd.s32 $0xFFFFE000  }
0x73: {  	[tilespmem:s19], [sflag:$0x1] =	stream.indirect.gather [spmem:s4], $0x40, s7, s18, $0xb8;
	[tilespmem:$0x1DC00] =	vst v63  }
0x74: {  	s12 =	sadd.s32 $0x14080, s0  }
0x75: {  	[tilespmem:s20], [sflag:$0x2] =	stream.indirect.gather [spmem:s4], $0x40, s12, s18, $0xb8;
	[tilespmem:$0x1DC00] =	vst v63  }
0x76: {  	s9 =	sadd.s32 $0x14100, s0  }
0x77: {  	[tilespmem:s21], [sflag:$0x3] =	stream.indirect.gather [spmem:s4], $0x40, s9, s18, $0xb8;
	[tilespmem:$0x1DC00] =	vst v63  }
0x78: {  	s11 =	sadd.s32 $0x14180, s0  }
0x79: {  	[tilespmem:s22], [sflag:$0x4] =	stream.indirect.gather [spmem:s4], $0x40, s11, s18, $0xb8;
	[tilespmem:$0x1DC00] =	vst v63  }
0x7a: {  	_ =	swait.ge [sflag:s23], $0x2000  }
0x7b: {  	[sflag:s23] =	ssyncset.done $0x0  }
0x7c: {  	s12 =	sadd.s32 $0x14E00, s0;
	[sflag:s23] =	ssyncadd.s32 $0xFFFFE000  }
0x7d: {  	[spmem:s3] =	stream.indirect.scatter.add.f32 [tilespmem:s19], [sflag:$0x5], $0x40, s12, s18, $0xb8;
	[tilespmem:$0x1DC00] =	vst v63  }
0x7e: {  	_ =	swait.ge [sflag:s24], $0x2000  }
0x7f: {  	[sflag:s24] =	ssyncset.done $0x0  }
0x80: {  	s9 =	sadd.s32 $0x14E80, s0;
	[sflag:s24] =	ssyncadd.s32 $0xFFFFE000  }
0x81: {  	[spmem:s3] =	stream.indirect.scatter.add.f32 [tilespmem:s20], [sflag:$0x6], $0x40, s9, s18, $0xb8;
	[tilespmem:$0x1DC00] =	vst v63  }
0x82: {  	_ =	swait.ge [sflag:s25], $0x2000  }
0x83: {  	[sflag:s25] =	ssyncset.done $0x0  }
0x84: {  	s11 =	sadd.s32 $0x14F00, s0;
	[sflag:s25] =	ssyncadd.s32 $0xFFFFE000  }
0x85: {  	[spmem:s3] =	stream.indirect.scatter.add.f32 [tilespmem:s21], [sflag:$0x7], $0x40, s11, s18, $0xb8;
	[tilespmem:$0x1DC00] =	vst v63  }
0x86: {  	_ =	swait.ge [sflag:s26], $0x2000  }
0x87: {  	[sflag:s26] =	ssyncset.done $0x0  }
0x88: {  	s12 =	sadd.s32 $0x14F80, s0;
	[sflag:s26] =	ssyncadd.s32 $0xFFFFE000  }
0x89: {  	[spmem:s3] =	stream.indirect.scatter.add.f32 [tilespmem:s22], [sflag:$0x8], $0x40, s12, s18, $0xb8;
	[tilespmem:$0x1DC00] =	vst v63  }
0x8a: {  	_ =	swait.ge [sflag:s28], $0x2000  }
0x8b: {  	[sflag:s28] =	ssyncset.done $0x0  }
0x8c: {  	[sflag:s28] =	ssyncadd.s32 $0xFFFFE000  }
0x8d: {  	_ =	swait.ge [sflag:s29], $0x2000  }
0x8e: {  	[sflag:s29] =	ssyncset.done $0x0  }
0x8f: {  	s1 =	sadd.s32 $0x1, s1;
	[sflag:s29] =	ssyncadd.s32 $0xFFFFE000  }
0x90: {  	p0 =	sne.s32 s1, $0x3;
	_ =	swait.ge [sflag:s30], $0x2000  }
.Ltmp1:
0x91: {  	[sflag:s30] =	ssyncset.done $0x0;
	(pc) =	sbr.rel @p0 .LBB2_2-.Ltmp1, $4  }
0x92: {  	[sflag:s30] =	ssyncadd.s32 $0xFFFFE000  }
0x93: {  	_ =	swait.ge [sflag:s31], $0x2000  }
0x94: {  	[sflag:s31] =	ssyncset.done $0x0  }
0x95: {  	[sflag:s31] =	ssyncadd.s32 $0xFFFFE000  }
0x96: {  	[bflag:$0x0] =	sbarrier.arrive $0xFFFF  }
0x97: {  	s0 =	rddreg [dreg:$0x7]  }
0x98: {  	[hbm:s0], [sflag:s8] =	dma.local [spmem:s13], $0x1400  }
0x99: {  	_ =	swait.ge [sflag:s14], $0x1400  }
0x9a: {  	s5 =	sadd.s32 $0x1, s5;
	s12 =	rddreg [dreg:$0x8]  }
0x9b: {  	p0 =	sne.s32 s5, s12  }
.Ltmp2:
0x9c: {  	_ = 	snop;
	(pc) =	sbr.rel @p0 .LBB2_1-.Ltmp2, $3  }
0x9d: {  	_ =	sdelay $0x1  }
0x9e: {  	[sflag:s14] =	ssyncset.done $0x0  }
0x9f: {  	[sflag:s14] =	ssyncadd.s32 $0xFFFFEC00  }
0xa0: {  	_ =	sfence.sel $0x180000  }
0xa1: {  	[bflag:$0x0] =	sbarrier.arrive $0xFFFF  }
0xa2: {  	_ =	strace $0x90000053  }
0xa3: {  	s0 =	stileid.u32;
	[bflag:$0x2] =	sbarrier.arrive $0xFFFF  }
0xa4: {  	p0 =	sne.s32 s0, $0x0;
	s0 =	rddreg [dreg:$0x4]  }
0xa5: {  	s0 =	sadd.s32 @!p0 $0x100000, s0  }
0xa6: {  	[sflag:s0] =	ssyncadd.tile.s32 @!p0 $0x1;
	_ =	shalt  }
.Lfunc_end2:
_tile_overlayer_lowered:
.L_overlay_start_2:
0xa7: {  	(tag) =	ssettag $0x2  }
0xa8: {  	s0 =	rddreg [dreg:$0x0];
	s2 =	stileid.u32  }
0xa9: {  	s1 =	rddreg [dreg:$0x1];
	p0 =	sne.s32 s2, $0x0  }
0xaa: {  	s3 =	rddreg [dreg:$0x2];
	[bflag:$0x3] =	sbarrier.arrive $0xFFFF;
	s2 =	simm.s32 @!p0 $0x1C09  }
0xab: {  	[timem:s3], [sflag:s2] =	dma.local @!p0 [hbm:s0], s1  }
0xac: {  	s0 =	simm.s32 @!p0 $0x9  }
0xad: {  	_ =	swait.ge @!p0 [sflag:s0], s1  }
0xae: {  	s1 =	ssub.s32 @!p0 $0x0, s1;
	[sflag:s0] =	ssyncset.done @!p0 $0x0  }
0xaf: {  	[sflag:s0] =	ssyncadd.s32 @!p0 s1  }
0xb0: {  	[bflag:$0x3] =	sbarrier.arrive $0xFFFF  }
0xb1: {  	_ =	shalt  }

// kernel: kernel.30.cloned.1.call-start
scs
__scs_entry_jumppad:
0x0: {  	(pc) =	sbr.rel $0x88, $3  }
0x1: {  	(tag) =	ssettag $0x0;
	lr =	simm.s32 $0x1  }
0x2: {  	[smem:$0x3F9B] =	sst lr;
	_ =	strace $0xD0000000  }
0x3: {  	_ = 	snop  }
0x4: {  	_ = 	snop  }
0x5: {  	_ = 	snop  }
0x6: {  	_ = 	snop  }
0x7: {  	_ = 	snop  }
__scs_overlays_trampoline_lowered:
0x8: {  	[smem:$0x3FAA] =	sst s0  }
0x9: {  	[smem:$0x3FAB] =	sst s1  }
0xa: {  	[smem:$0x3FAC] =	sst s2  }
0xb: {  	[smem:$0x3FAD] =	sst s3  }
0xc: {  	[smem:$0x3FAE] =	sst s4  }
0xd: {  	[smem:$0x3FAF] =	sst s5  }
0xe: {  	[smem:$0x3FB0] =	sst s6  }
0xf: {  	[smem:$0x3FB1] =	sst s7  }
0x10: {  	[smem:$0x3FB2] =	sst s8  }
0x11: {  	[smem:$0x3FB3] =	sst s9;
	s0 =	simm.s32 @!p0 $0x0  }
0x12: {  	s1 =	sld [smem:$0x3F99];
	s0 =	simm.s32 @p0 $0x1  }
0x13: {  	[smem:$0x3FB4] =	sst s0;
	s0 =	simm.s32 @!p1 $0x0  }
0x14: {  	s2 =	sld [smem:$0x3F98];
	s0 =	simm.s32 @p1 $0x1  }
0x15: {  	[smem:$0x3FB5] =	sst s0;
	s0 =	simm.s32 @!p2 $0x0  }
0x16: {  	s3 =	sld [smem:$0x3FDB];
	s0 =	simm.s32 @p2 $0x1  }
0x17: {  	s4 =	simm.s32 $0x1BF5;
	[smem:$0x3FB7] =	sst s0  }
0x18: {  	s0 =	sld [smem:$0x3F9A];
	_ =	swait.ge [sflag:s4], $0x0  }
0x19: {  	s7 =	sld [smem:$0x3F9B]  }
0x1a: {  	s8 =	sadd.s32 $0xFFFFE003, lr  }
0x1b: {  	s9 =	sadd.s32 $0xFFFFFEF7, lr;
	s5 =	simm.s32 $0xFFFFFFFF;
	p2 =	slt.u32 s8, $0xFFFFF086  }
0x1c: {  	p1 =	slt.u32 s9, $0xF7A;
	s5 =	simm.s32 @!p2 $0x0  }
0x1d: {  	s5 =	simm.s32 @p1 $0x1;
	p0 =	seq.s32 s7, s2  }
0x1e: {  	s7 =	smul.u32 @!p0 $0xF7A, s2;
	p2 =	seq.s32 @!p0 s5, $0x0  }
0x1f: {  	s9 =	smul.u32 $0xF7A, s1;
	s8 =	simm.s32 @!p0 $0x1BF5;
	p2 =	por !p2, p0  }
0x20: {  	[sflag:s8] =	ssyncset.s32 @!p0 $0xFFFFF086;
	s6 =	sadd.s32 @!p0 s3, s7;
	s7 =	simm.s32 @!p0 $0x108  }
0x21: {  	s3 =	sadd.s32 s3, s9;
	s6 =	sadd.s32 @!p0 $0x88, s6;
	s7 =	simm.s32 @p2 $0x1082  }
0x22: {  	[simem:s7], [sflag:s8] =	dma.local @!p0 [hbm:s6], $0xF7A  }
0x23: {  	s9 =	sor.u32 $0xD0000000, s2;
	s6 =	simm.s32 $0x108;
	_ =	swait.ge @!p0 [sflag:s8], $0x0  }
0x24: {  	s3 =	sadd.s32 $0x88, s3;
	s6 =	simm.s32 @!p1 $0x1082;
	[sflag:s4] =	ssyncset.s32 $0xFFFFF086  }
0x25: {  	[simem:s6], [sflag:s4] =	dma.local [hbm:s3], $0xF7A  }
0x26: {  	[smem:$0x3F9B] =	sst s1;
	(tag) =	ssettag s2;
	_ =	strace s9  }
0x27: {  	s1 =	sld [smem:$0x3FAB]  }
0x28: {  	s2 =	sld [smem:$0x3FAC]  }
0x29: {  	s4 =	sld [smem:$0x3FAE]  }
0x2a: {  	p0 =	seq.s32 s5, $0x0;
	s5 =	sld [smem:$0x3FAF]  }
0x2b: {  	s6 =	sld [smem:$0x3FB0]  }
0x2c: {  	s7 =	sld [smem:$0x3FB1]  }
0x2d: {  	s3 =	simm.s32 $0x108;
	s8 =	sld [smem:$0x3FB2]  }
0x2e: {  	s3 =	simm.s32 @!p0 $0x1082;
	s9 =	sld [smem:$0x3FB3]  }
0x2f: {  	lr =	sadd.s32 s0, s3;
	s0 =	sld [smem:$0x3FAA]  }
0x30: {  	s3 =	sld [smem:$0x3FAD]  }
0x31: {  	[smem:$0x3FB6] =	sst s10  }
0x32: {  	s10 =	sld [smem:$0x3FB4];
	_ =	sdelay $0x3  }
0x33: {  	p0 =	seq.s32 s10, $0x1;
	s10 =	sld [smem:$0x3FB6];
	_ =	sdelay $0x3  }
0x34: {  	[smem:$0x3FB6] =	sst s10  }
0x35: {  	s10 =	sld [smem:$0x3FB5];
	_ =	sdelay $0x3  }
0x36: {  	p1 =	seq.s32 s10, $0x1;
	s10 =	sld [smem:$0x3FB6];
	_ =	sdelay $0x3  }
0x37: {  	[smem:$0x3FB6] =	sst s10  }
0x38: {  	s10 =	sld [smem:$0x3FB7]  }
0x39: {  	_ = 	snop;
	(pc) =	sbr.ind lr, $3  }
0x3a: {  	_ = 	snop  }
0x3b: {  	_ = 	snop  }
0x3c: {  	p2 =	seq.s32 s10, $0x1;
	s10 =	sld [smem:$0x3FB6]  }
0x3d: {  	_ =	shalt  }
0x3e: {  	_ =	shalt  }
0x3f: {  	_ =	shalt  }
0x40: {  	_ =	shalt  }
0x41: {  	_ =	shalt  }
0x42: {  	_ =	shalt  }
0x43: {  	_ =	shalt  }
0x44: {  	_ =	shalt  }
0x45: {  	_ =	shalt  }
0x46: {  	_ =	shalt  }
0x47: {  	_ =	shalt  }
0x48: {  	_ =	shalt  }
0x49: {  	_ =	shalt  }
0x4a: {  	_ =	shalt  }
0x4b: {  	_ =	shalt  }
0x4c: {  	_ =	shalt  }
0x4d: {  	_ =	shalt  }
0x4e: {  	_ =	shalt  }
0x4f: {  	_ =	shalt  }
0x50: {  	_ =	shalt  }
0x51: {  	_ =	shalt  }
0x52: {  	_ =	shalt  }
0x53: {  	_ =	shalt  }
0x54: {  	_ =	shalt  }
0x55: {  	_ =	shalt  }
0x56: {  	_ =	shalt  }
0x57: {  	_ =	shalt  }
0x58: {  	_ =	shalt  }
0x59: {  	_ =	shalt  }
0x5a: {  	_ =	shalt  }
0x5b: {  	_ =	shalt  }
0x5c: {  	_ =	shalt  }
0x5d: {  	_ =	shalt  }
0x5e: {  	_ =	shalt  }
0x5f: {  	_ =	shalt  }
0x60: {  	_ =	shalt  }
0x61: {  	_ =	shalt  }
0x62: {  	_ =	shalt  }
0x63: {  	_ =	shalt  }
0x64: {  	_ =	shalt  }
0x65: {  	_ =	shalt  }
0x66: {  	_ =	shalt  }
0x67: {  	_ =	shalt  }
0x68: {  	_ =	shalt  }
0x69: {  	_ =	shalt  }
0x6a: {  	_ =	shalt  }
0x6b: {  	_ =	shalt  }
0x6c: {  	_ =	shalt  }
0x6d: {  	_ =	shalt  }
0x6e: {  	_ =	shalt  }
0x6f: {  	_ =	shalt  }
0x70: {  	_ =	shalt  }
0x71: {  	_ =	shalt  }
0x72: {  	_ =	shalt  }
0x73: {  	_ =	shalt  }
0x74: {  	_ =	shalt  }
0x75: {  	_ =	shalt  }
0x76: {  	_ =	shalt  }
0x77: {  	_ =	shalt  }
0x78: {  	_ =	shalt  }
0x79: {  	_ =	shalt  }
0x7a: {  	_ =	shalt  }
0x7b: {  	_ =	shalt  }
0x7c: {  	_ =	shalt  }
0x7d: {  	_ =	shalt  }
0x7e: {  	_ =	shalt  }
0x7f: {  	_ =	shalt  }
0x80: {  	_ =	shalt  }
0x81: {  	_ =	shalt  }
0x82: {  	_ =	shalt  }
0x83: {  	_ =	shalt  }
0x84: {  	_ =	shalt  }
0x85: {  	_ =	shalt  }
0x86: {  	_ =	shalt  }
0x87: {  	_ =	shalt  }
.Lfunc_end0:
.L_simem_size_0:
called_computation.5_lowered:
.L_overlay_start_0:
0x88: {  	s2 =	sld [smem:$0x3FD9]  }
0x89: {  	s3 =	sld [smem:$0x3FFE];
	_ =	sdelay $0x1  }
0x8a: {  	s1 =	srdreg.scid  }
0x8b: {  	s0 =	sand.u32 $0x1, s1  }
0x8c: {  	s17 =	sshll.u32 s0, $0xA;
	s2 =	sadd.s32 s3, s2  }
0x8d: {  	s2 =	sadd.s32 s2, s17  }
0x8e: {  	[smem:$0x3FC2] =	sst s2  }
0x8f: {  	_ = 	snop  }
0x90: {  	s2 =	sld [smem:$0x3FD0];
	(tm) =	ssettm $0x1  }
0x91: {  	s18 =	sld [smem:$0x3FFB];
	_ =	sdelay $0x3  }
0x92: {  	_ =	strace s18  }
0x93: {  	s3 =	sld [smem:$0x3FFC];
	_ =	sdelay $0x3  }
0x94: {  	_ =	strace s3  }
0x95: {  	s3 =	sld [smem:$0x3FFD];
	_ =	sdelay $0x3  }
0x96: {  	_ =	strace s3  }
0x97: {  	_ =	strace $0x8FFFFFFF  }
0x98: {  	s19 =	sld [smem:$0x3FDB];
	_ =	sdelay $0x1  }
0x99: {  	s4 =	simm.s32 $_scs_section_size  }
0x9a: {  	s5 =	simm.s32 $_size__tile_overlayer_lowered;
	s6 =	simm.s32 $_tile_overlayer_lowered  }
0x9b: {  	s22 =	simm.s32 $0x1BFF;
	s21 =	sshll.u32 s6, $0x1;
	s3 =	sadd.s32 s4, s19  }
0x9c: {  	s7 =	simm.s32 $0x0;
	s20 =	sshll.u32 s5, $0x1;
	s5 =	sadd.s32 s21, s3  }
0x9d: {  	[timem:s7], [sflag:s22] =	dma.local [hbm:s5], s20  }
0x9e: {  	_ =	swait.ge [sflag:s22], s20  }
0x9f: {  	s4 =	ssub.s32 $0x0, s20;
	[sflag:s22] =	ssyncset.done $0x0  }
0xa0: {  	[sflag:s22] =	ssyncadd.s32 s4;
	_ =	sdelay $0x1  }
0xa1: {  	s23 =	simm.s32 $0x1B8B  }
0xa2: {  	_ =	swait.ge [sflag:s23], $0x1  }
0xa3: {  	[sflag:s23] =	ssyncset.done $0x0  }
0xa4: {  	s25 =	simm.s32 $0x1B8E;
	s24 =	sld [smem:$0x3FFE];
	[sflag:s23] =	ssyncadd.s32 $0xFFFFFFFF  }
0xa5: {  	s26 =	simm.s32 $execute0_lowered;
	[smem:$0x3FD2] =	sst s25  }
0xa6: {  	s5 =	sshll.u32 s26, $0x1;
	_ =	strace $0x80000055;
	[dreg:$0x1] =	wrdreg $0xFFFFFFFF  }
0xa7: {  	s28 =	simm.s32 $_size_execute0_lowered;
	s3 =	sadd.s32 s3, s5;
	[dreg:$0x0] =	wrdreg $0x0  }
0xa8: {  	s5 =	sshll.u32 s28, $0x1;
	[dreg:$0x2] =	wrdreg s3  }
0xa9: {  	[dreg:$0x3] =	wrdreg s5  }
0xaa: {  	[dreg:$0x4] =	wrdreg $0xC0  }
0xab: {  	_ =	task [dreg:s7], $0x5FFFF  }
0xac: {  	[dreg:$0x1] =	wrdreg $0xFFFFFFFF  }
0xad: {  	[dreg:$0x0] =	wrdreg $0x60  }
0xae: {  	[dreg:$0x2] =	wrdreg s24  }
0xaf: {  	[dreg:$0x3] =	wrdreg s2  }
0xb0: {  	[dreg:$0x4] =	wrdreg $0x0  }
0xb1: {  	[dreg:$0x5] =	wrdreg $0xA0000  }
0xb2: {  	[dreg:$0x6] =	wrdreg $0x9  }
0xb3: {  	_ =	task.clear_ibuf [dreg:s7], $0x7FFFF;
	_ =	strace $0x90000055  }
0xb4: {  	s29 =	simm.s32 $0x9;
	_ =	strace $0x80000057  }
0xb5: {  	_ =	swait.ge [sflag:s29], $0x1  }
0xb6: {  	[sflag:s29] =	ssyncadd.s32 $0xFFFFFFFF  }
0xb7: {  	_ =	strace $0x90000057  }
0xb8: {  	_ =	sfence  }
0xb9: {  	s30 =	sld [smem:$0x0];
	_ =	sdelay $0x2  }
0xba: {  	s31 =	sshll.u32 s1, $0xD;
	s1 =	sshrl.u32 s1, $0x2  }
0xbb: {  	s3 =	sand.u32 $0x4000, s31;
	s1 =	sadd.s32 s1, s30  }
0xbc: {  	s0 =	sor.u32 s3, s0;
	s1 =	sshll.u32 s1, $0x11  }
0xbd: {  	s0 =	sor.u32 s1, s0  }
0xbe: {  	s0 =	sadd.s32 $0x8F2B, s0  }
0xbf: {  	[sflag:s0] =	ssyncadd.remote.s32 $0x1  }
0xc0: {  	_ =	sfence.sel $0xFFFF  }
0xc1: {  	[dreg:$0x0] =	wrdreg $0xFFFFFFFF;
	(pc) =	sbr.abs _section_cstart, $3  }
0xc2: {  	[dreg:$0x1] =	wrdreg $0xFFFFFFFF  }
0xc3: {  	_ =	task.clear_ibuf [dreg:s7], $0x2FFFF;
	_ =	strace $0x9FFFFFFF  }
0xc4: {  	(tm) =	ssettm $0x7FFFFFFF  }
0xc5: {  	_ =	shalt  }
tec
execute0_lowered:
.L_overlay_start_1:
0x0: {  	(tag) =	ssettag $0x1  }
0x1: {  	s0 =	rddreg [dreg:$0x0]  }
0x2: {  	s2 =	rddreg [dreg:$0x1]  }
0x3: {  	s3 =	rddreg [dreg:$0x2]  }
0x4: {  	s4 =	rddreg [dreg:$0x3]  }
0x5: {  	s12 =	stileid.u32;
	s6 =	srdreg.scid  }
0x6: {  	s5 =	simm.s32 $0x0;
	s14 =	simm.s32 $0x9;
	s16 =	simm.s32 $0x14000  }
0x7: {  	s17 =	simm.s32 $0x14E00;
	s18 =	simm.s32 $0x80;
	s19 =	simm.s32 $0x15C00  }
0x8: {  	s20 =	simm.s32 $0x17C00;
	s21 =	simm.s32 $0x19C00;
	s22 =	simm.s32 $0x1BC00  }
0x9: {  	s28 =	simm.s32 $0x5;
	s29 =	simm.s32 $0x6;
	s30 =	simm.s32 $0x7  }
0xa: {  	s31 =	simm.s32 $0x8;
	s1 =	smul.u32 $0xA000, s12;
	s7 =	sand.u32 $0x1, s6  }
0xb: {  	[smem:$0x7FF] =	sst s5;
	s6 =	sadd.s32 $0x12C00, s0;
	s25 =	sshll.u32 s12, $0x6  }
0xc: {  	s8 =	smul.u32 $0xA0000, s7;
	_ =	strace $0x80000056;
	s10 =	ssub.s32 $0x2, s7  }
0xd: {  	s7 =	sshll.u32 s7, $0x4;
	s23 =	sshrl.u32 s1, $0x3;
	s11 =	sshrl.u32 s10, $0x1  }
0xe: {  	s7 =	sor.u32 s12, s7;
	s13 =	sadd.s32 s1, s3;
	s9 =	sadd.s32 s23, s0  }
0xf: {  	s8 =	sadd.s32 s1, s8;
	s11 =	ssub.s32 s10, s11;
	s1 =	sadd.s32 s1, s4  }
0x10: {  	s10 =	smul.u32 $0x2A00, s7;
	s13 =	sshrl.u32 s13, $0x3;
	s23 =	simm.s32 $0x1  }
0x11: {  	s8 =	sshrl.u32 s8, $0x3;
	s24 =	sadd.s32 $0x81400, s9;
	s9 =	sadd.s32 $0x45400, s9  }
0x12: {  	s26 =	smax.u32 s11, $0x1;
	s15 =	sshrl.u32 s1, $0x3;
	[dreg:$0x5] =	wrdreg s24  }
0x13: {  	s0 =	sadd.s32 s8, s0;
	s8 =	sor.u32 $0x1C09, s25;
	[dreg:$0x6] =	wrdreg s9  }
0x14: {  	[dreg:$0x8] =	wrdreg s26;
	s24 =	simm.s32 $0x2;
	s0 =	sadd.s32 $0x59400, s0  }
0x15: {  	s25 =	simm.s32 $0x3;
	s26 =	simm.s32 $0x4;
	[dreg:$0x7] =	wrdreg s0  }
.LBB2_1:
0x16: {  	s0 =	rddreg [dreg:$0x5]  }
0x17: {  	[spmem:s13], [sflag:s8] =	dma.local [hbm:s0], $0x1400  }
0x18: {  	_ =	swait.ge [sflag:s14], $0x1400  }
0x19: {  	[sflag:s14] =	ssyncset.done $0x0  }
0x1a: {  	s12 =	rddreg [dreg:$0x6];
	[sflag:s14] =	ssyncadd.s32 $0xFFFFEC00  }
0x1b: {  	[spmem:s15], [sflag:s8] =	dma.local [hbm:s12], $0x1400  }
0x1c: {  	_ =	swait.ge [sflag:s14], $0x1400  }
0x1d: {  	[sflag:s14] =	ssyncset.done $0x0  }
0x1e: {  	[sflag:s14] =	ssyncadd.s32 $0xFFFFEC00  }
0x1f: {  	s1 =	simm.s32 $0x0;
	[bflag:$0x0] =	sbarrier.arrive $0xFFFF  }
.LBB2_2:
0x20: {  	s0 =	smul.u32 $0xE00, s1;
	_ =	sdelay $0x1  }
0x21: {  	s0 =	sadd.s32 s10, s0  }
0x22: {  	s0 =	sshrl.u32 s0, $0x3  }
0x23: {  	s9 =	simm.s32 $0x0;
	s7 =	sadd.s32 s6, s0  }
0x24: {  	[tilespmem:s16], [sflag:$0x9] =	stream.linear.gather [hbm4b:s7+s9], $0xE00, $0x38;
	[tilespmem:$0x1DC00] =	vst v63  }
0x25: {  	_ =	swait.ge [sflag:s14], $0xE00  }
0x26: {  	[sflag:s14] =	ssyncset.done $0x0  }
0x27: {  	s0 =	sadd.s32 s2, s0;
	[sflag:s14] =	ssyncadd.s32 $0xFFFFF200  }
0x28: {  	[tilespmem:s17], [sflag:$0x9] =	stream.linear.gather [hbm4b:s0+s9], $0xE00, $0x38;
	[tilespmem:$0x1DC00] =	vst v63  }
0x29: {  	_ =	swait.ge [sflag:s14], $0xE00  }
0x2a: {  	[sflag:s14] =	ssyncset.done $0x0  }
0x2b: {  	s7 =	simm.s32 $0x14000;
	[sflag:s14] =	ssyncadd.s32 $0xFFFFF200  }
0x2c: {  	[tilespmem:s19], [sflag:$0x1] =	stream.indirect.gather [spmem:s4], $0x40, s7, s18, $0xb8;
	[tilespmem:$0x1DC00] =	vst v63  }
0x2d: {  	s9 =	simm.s32 $0x14080  }
0x2e: {  	[tilespmem:s20], [sflag:$0x2] =	stream.indirect.gather [spmem:s4], $0x40, s9, s18, $0xb8;
	[tilespmem:$0x1DC00] =	vst v63  }
0x2f: {  	s11 =	simm.s32 $0x14100  }
0x30: {  	[tilespmem:s21], [sflag:$0x3] =	stream.indirect.gather [spmem:s4], $0x40, s11, s18, $0xb8;
	[tilespmem:$0x1DC00] =	vst v63  }
0x31: {  	s12 =	simm.s32 $0x14180  }
0x32: {  	[tilespmem:s22], [sflag:$0x4] =	stream.indirect.gather [spmem:s4], $0x40, s12, s18, $0xb8;
	[tilespmem:$0x1DC00] =	vst v63  }
0x33: {  	_ =	swait.ge [sflag:s23], $0x2000  }
0x34: {  	[sflag:s23] =	ssyncset.done $0x0  }
0x35: {  	s7 =	simm.s32 $0x14E00;
	[sflag:s23] =	ssyncadd.s32 $0xFFFFE000  }
0x36: {  	[spmem:s3] =	stream.indirect.scatter.add.f32 [tilespmem:s19], [sflag:$0x5], $0x40, s7, s18, $0xb8;
	[tilespmem:$0x1DC00] =	vst v63  }
0x37: {  	_ =	swait.ge [sflag:s24], $0x2000  }
0x38: {  	[sflag:s24] =	ssyncset.done $0x0  }
0x39: {  	s9 =	simm.s32 $0x14E80;
	[sflag:s24] =	ssyncadd.s32 $0xFFFFE000  }
0x3a: {  	[spmem:s3] =	stream.indirect.scatter.add.f32 [tilespmem:s20], [sflag:$0x6], $0x40, s9, s18, $0xb8;
	[tilespmem:$0x1DC00] =	vst v63  }
0x3b: {  	_ =	swait.ge [sflag:s25], $0x2000  }
0x3c: {  	[sflag:s25] =	ssyncset.done $0x0  }
0x3d: {  	s11 =	simm.s32 $0x14F00;
	[sflag:s25] =	ssyncadd.s32 $0xFFFFE000  }
0x3e: {  	[spmem:s3] =	stream.indirect.scatter.add.f32 [tilespmem:s21], [sflag:$0x7], $0x40, s11, s18, $0xb8;
	[tilespmem:$0x1DC00] =	vst v63  }
0x3f: {  	_ =	swait.ge [sflag:s26], $0x2000  }
0x40: {  	[sflag:s26] =	ssyncset.done $0x0  }
0x41: {  	s12 =	simm.s32 $0x14F80;
	[sflag:s26] =	ssyncadd.s32 $0xFFFFE000  }
0x42: {  	[spmem:s3] =	stream.indirect.scatter.add.f32 [tilespmem:s22], [sflag:$0x8], $0x40, s12, s18, $0xb8;
	[tilespmem:$0x1DC00] =	vst v63  }
0x43: {  	_ =	swait.ge [sflag:s28], $0x2000  }
0x44: {  	[sflag:s28] =	ssyncset.done $0x0  }
0x45: {  	[sflag:s28] =	ssyncadd.s32 $0xFFFFE000  }
0x46: {  	_ =	swait.ge [sflag:s29], $0x2000  }
0x47: {  	[sflag:s29] =	ssyncset.done $0x0  }
0x48: {  	[sflag:s29] =	ssyncadd.s32 $0xFFFFE000  }
0x49: {  	_ =	swait.ge [sflag:s30], $0x2000  }
0x4a: {  	[sflag:s30] =	ssyncset.done $0x0  }
0x4b: {  	[sflag:s30] =	ssyncadd.s32 $0xFFFFE000  }
0x4c: {  	_ =	swait.ge [sflag:s31], $0x2000  }
0x4d: {  	s0 =	simm.s32 $0x200;
	s7 =	simm.s32 $0x1000;
	[sflag:s31] =	ssyncset.done $0x0  }
.LBB2_3:
0x4e: {  	s12 =	sadd.s32 $0x14000, s0  }
0x4f: {  	[sflag:s31] =	ssyncadd.s32 $0xFFFFE000;
	s9 =	smov.u32 s7;
	s11 =	sadd.s32 $0x800, s7  }
0x50: {  	[tilespmem:s19], [sflag:$0x1] =	stream.indirect.gather [spmem:s4], $0x40, s12, s18, $0xb8;
	[tilespmem:$0x1DC00] =	vst v63  }
0x51: {  	p0 =	sne.s32 s7, $0x3000;
	s7 =	sadd.s32 $0x14080, s0  }
0x52: {  	[tilespmem:s20], [sflag:$0x2] =	stream.indirect.gather [spmem:s4], $0x40, s7, s18, $0xb8;
	[tilespmem:$0x1DC00] =	vst v63  }
0x53: {  	s7 =	sadd.s32 $0x14100, s0  }
0x54: {  	[tilespmem:s21], [sflag:$0x3] =	stream.indirect.gather [spmem:s4], $0x40, s7, s18, $0xb8;
	[tilespmem:$0x1DC00] =	vst v63  }
0x55: {  	s7 =	sadd.s32 $0x14180, s0  }
0x56: {  	[tilespmem:s22], [sflag:$0x4] =	stream.indirect.gather [spmem:s4], $0x40, s7, s18, $0xb8;
	[tilespmem:$0x1DC00] =	vst v63  }
0x57: {  	_ =	swait.ge [sflag:s23], $0x2000  }
0x58: {  	[sflag:s23] =	ssyncset.done $0x0  }
0x59: {  	s7 =	sadd.s32 $0x14E00, s0;
	[sflag:s23] =	ssyncadd.s32 $0xFFFFE000  }
0x5a: {  	[spmem:s3] =	stream.indirect.scatter.add.f32 [tilespmem:s19], [sflag:$0x5], $0x40, s7, s18, $0xb8;
	[tilespmem:$0x1DC00] =	vst v63  }
0x5b: {  	_ =	swait.ge [sflag:s24], $0x2000  }
0x5c: {  	[sflag:s24] =	ssyncset.done $0x0  }
0x5d: {  	s7 =	sadd.s32 $0x14E80, s0;
	[sflag:s24] =	ssyncadd.s32 $0xFFFFE000  }
0x5e: {  	[spmem:s3] =	stream.indirect.scatter.add.f32 [tilespmem:s20], [sflag:$0x6], $0x40, s7, s18, $0xb8;
	[tilespmem:$0x1DC00] =	vst v63  }
0x5f: {  	_ =	swait.ge [sflag:s25], $0x2000  }
0x60: {  	[sflag:s25] =	ssyncset.done $0x0  }
0x61: {  	s7 =	sadd.s32 $0x14F00, s0;
	[sflag:s25] =	ssyncadd.s32 $0xFFFFE000  }
0x62: {  	[spmem:s3] =	stream.indirect.scatter.add.f32 [tilespmem:s21], [sflag:$0x7], $0x40, s7, s18, $0xb8;
	[tilespmem:$0x1DC00] =	vst v63  }
0x63: {  	_ =	swait.ge [sflag:s26], $0x2000  }
0x64: {  	[sflag:s26] =	ssyncset.done $0x0  }
0x65: {  	s0 =	sadd.s32 $0x14F80, s0;
	[sflag:s26] =	ssyncadd.s32 $0xFFFFE000  }
0x66: {  	[spmem:s3] =	stream.indirect.scatter.add.f32 [tilespmem:s22], [sflag:$0x8], $0x40, s0, s18, $0xb8;
	[tilespmem:$0x1DC00] =	vst v63  }
0x67: {  	_ =	swait.ge [sflag:s28], $0x2000  }
0x68: {  	[sflag:s28] =	ssyncset.done $0x0  }
0x69: {  	[sflag:s28] =	ssyncadd.s32 $0xFFFFE000  }
0x6a: {  	_ =	swait.ge [sflag:s29], $0x2000  }
0x6b: {  	[sflag:s29] =	ssyncset.done $0x0  }
0x6c: {  	[sflag:s29] =	ssyncadd.s32 $0xFFFFE000  }
.Ltmp0:
0x6d: {  	_ =	swait.ge [sflag:s30], $0x2000;
	(pc) =	sbr.rel @p0 .LBB2_3-.Ltmp0, $4  }
0x6e: {  	[sflag:s30] =	ssyncset.done $0x0  }
0x6f: {  	[sflag:s30] =	ssyncadd.s32 $0xFFFFE000  }
0x70: {  	_ =	swait.ge [sflag:s31], $0x2000  }
0x71: {  	s7 =	smov.u32 s11;
	s0 =	sshra.s32 s9, $0x2;
	[sflag:s31] =	ssyncset.done $0x0  }
0x72: {  	s7 =	sadd.s32 $0x14000, s0;
	[sflag:s31] =	ssyncadd.s32 $0xFFFFE000  }
0x73: {  	[tilespmem:s19], [sflag:$0x1] =	stream.indirect.gather [spmem:s4], $0x40, s7, s18, $0xb8;
	[tilespmem:$0x1DC00] =	vst v63  }
0x74: {  	s12 =	sadd.s32 $0x14080, s0  }
0x75: {  	[tilespmem:s20], [sflag:$0x2] =	stream.indirect.gather [spmem:s4], $0x40, s12, s18, $0xb8;
	[tilespmem:$0x1DC00] =	vst v63  }
0x76: {  	s9 =	sadd.s32 $0x14100, s0  }
0x77: {  	[tilespmem:s21], [sflag:$0x3] =	stream.indirect.gather [spmem:s4], $0x40, s9, s18, $0xb8;
	[tilespmem:$0x1DC00] =	vst v63  }
0x78: {  	s11 =	sadd.s32 $0x14180, s0  }
0x79: {  	[tilespmem:s22], [sflag:$0x4] =	stream.indirect.gather [spmem:s4], $0x40, s11, s18, $0xb8;
	[tilespmem:$0x1DC00] =	vst v63  }
0x7a: {  	_ =	swait.ge [sflag:s23], $0x2000  }
0x7b: {  	[sflag:s23] =	ssyncset.done $0x0  }
0x7c: {  	s12 =	sadd.s32 $0x14E00, s0;
	[sflag:s23] =	ssyncadd.s32 $0xFFFFE000  }
0x7d: {  	[spmem:s3] =	stream.indirect.scatter.add.f32 [tilespmem:s19], [sflag:$0x5], $0x40, s12, s18, $0xb8;
	[tilespmem:$0x1DC00] =	vst v63  }
0x7e: {  	_ =	swait.ge [sflag:s24], $0x2000  }
0x7f: {  	[sflag:s24] =	ssyncset.done $0x0  }
0x80: {  	s9 =	sadd.s32 $0x14E80, s0;
	[sflag:s24] =	ssyncadd.s32 $0xFFFFE000  }
0x81: {  	[spmem:s3] =	stream.indirect.scatter.add.f32 [tilespmem:s20], [sflag:$0x6], $0x40, s9, s18, $0xb8;
	[tilespmem:$0x1DC00] =	vst v63  }
0x82: {  	_ =	swait.ge [sflag:s25], $0x2000  }
0x83: {  	[sflag:s25] =	ssyncset.done $0x0  }
0x84: {  	s11 =	sadd.s32 $0x14F00, s0;
	[sflag:s25] =	ssyncadd.s32 $0xFFFFE000  }
0x85: {  	[spmem:s3] =	stream.indirect.scatter.add.f32 [tilespmem:s21], [sflag:$0x7], $0x40, s11, s18, $0xb8;
	[tilespmem:$0x1DC00] =	vst v63  }
0x86: {  	_ =	swait.ge [sflag:s26], $0x2000  }
0x87: {  	[sflag:s26] =	ssyncset.done $0x0  }
0x88: {  	s12 =	sadd.s32 $0x14F80, s0;
	[sflag:s26] =	ssyncadd.s32 $0xFFFFE000  }
0x89: {  	[spmem:s3] =	stream.indirect.scatter.add.f32 [tilespmem:s22], [sflag:$0x8], $0x40, s12, s18, $0xb8;
	[tilespmem:$0x1DC00] =	vst v63  }
0x8a: {  	_ =	swait.ge [sflag:s28], $0x2000  }
0x8b: {  	[sflag:s28] =	ssyncset.done $0x0  }
0x8c: {  	[sflag:s28] =	ssyncadd.s32 $0xFFFFE000  }
0x8d: {  	_ =	swait.ge [sflag:s29], $0x2000  }
0x8e: {  	[sflag:s29] =	ssyncset.done $0x0  }
0x8f: {  	s1 =	sadd.s32 $0x1, s1;
	[sflag:s29] =	ssyncadd.s32 $0xFFFFE000  }
0x90: {  	p0 =	sne.s32 s1, $0x3;
	_ =	swait.ge [sflag:s30], $0x2000  }
.Ltmp1:
0x91: {  	[sflag:s30] =	ssyncset.done $0x0;
	(pc) =	sbr.rel @p0 .LBB2_2-.Ltmp1, $4  }
0x92: {  	[sflag:s30] =	ssyncadd.s32 $0xFFFFE000  }
0x93: {  	_ =	swait.ge [sflag:s31], $0x2000  }
0x94: {  	[sflag:s31] =	ssyncset.done $0x0  }
0x95: {  	[sflag:s31] =	ssyncadd.s32 $0xFFFFE000  }
0x96: {  	[bflag:$0x0] =	sbarrier.arrive $0xFFFF  }
0x97: {  	s0 =	rddreg [dreg:$0x7]  }
0x98: {  	[hbm:s0], [sflag:s8] =	dma.local [spmem:s13], $0x1400  }
0x99: {  	_ =	swait.ge [sflag:s14], $0x1400  }
0x9a: {  	s5 =	sadd.s32 $0x1, s5;
	s12 =	rddreg [dreg:$0x8]  }
0x9b: {  	p0 =	sne.s32 s5, s12  }
.Ltmp2:
0x9c: {  	_ = 	snop;
	(pc) =	sbr.rel @p0 .LBB2_1-.Ltmp2, $3  }
0x9d: {  	_ =	sdelay $0x1  }
0x9e: {  	[sflag:s14] =	ssyncset.done $0x0  }
0x9f: {  	[sflag:s14] =	ssyncadd.s32 $0xFFFFEC00  }
0xa0: {  	_ =	sfence.sel $0x180000  }
0xa1: {  	[bflag:$0x0] =	sbarrier.arrive $0xFFFF  }
0xa2: {  	_ =	strace $0x90000056  }
0xa3: {  	s0 =	stileid.u32;
	[bflag:$0x2] =	sbarrier.arrive $0xFFFF  }
0xa4: {  	p0 =	sne.s32 s0, $0x0;
	s0 =	rddreg [dreg:$0x4]  }
0xa5: {  	s0 =	sadd.s32 @!p0 $0x100000, s0  }
0xa6: {  	[sflag:s0] =	ssyncadd.tile.s32 @!p0 $0x1;
	_ =	shalt  }
.Lfunc_end2:
_tile_overlayer_lowered:
.L_overlay_start_2:
0xa7: {  	(tag) =	ssettag $0x2  }
0xa8: {  	s0 =	rddreg [dreg:$0x0];
	s2 =	stileid.u32  }
0xa9: {  	s1 =	rddreg [dreg:$0x1];
	p0 =	sne.s32 s2, $0x0  }
0xaa: {  	s3 =	rddreg [dreg:$0x2];
	[bflag:$0x3] =	sbarrier.arrive $0xFFFF;
	s2 =	simm.s32 @!p0 $0x1C09  }
0xab: {  	[timem:s3], [sflag:s2] =	dma.local @!p0 [hbm:s0], s1  }
0xac: {  	s0 =	simm.s32 @!p0 $0x9  }
0xad: {  	_ =	swait.ge @!p0 [sflag:s0], s1  }
0xae: {  	s1 =	ssub.s32 @!p0 $0x0, s1;
	[sflag:s0] =	ssyncset.done @!p0 $0x0  }
0xaf: {  	[sflag:s0] =	ssyncadd.s32 @!p0 s1  }
0xb0: {  	[bflag:$0x3] =	sbarrier.arrive $0xFFFF  }
0xb1: {  	_ =	shalt  }

</sc_bundles>
